<compile_context>
chip_gen: v7x
topology: tpu7x:2x2x1
jax: 0.10.2.dev20260603
libtpu: 0.0.44.dev20260713+nightly
codegen_flags: <defaults>
</compile_context>

<pallas_src>
import functools

import jax
import jax.numpy as jnp
from jax import lax
from jax.experimental import pallas as pl
from jax.experimental.pallas import tpu as pltpu
from jax.experimental.pallas import tpu_sc as plsc

N = 10000
E = 320000
D = 128
DE = 16
ALPHA = 0.3

NC = 2
NS = 16
L = 16
NW = NC * NS
EPW = E // NW
CHUNK = 128
EH = E // 2
NCHT = EH // CHUNK
NCHP = 1280
CPW = NCHP // NW
ROWS = 632
LROWS = N - (NS - 1) * ROWS

NODE_BLK = 1000
EDGE_BLK = 6400


def _mesh():
    return plsc.VectorSubcoreMesh(
        core_axis_name="c", subcore_axis_name="s", num_cores=NC, num_subcores=NS
    )


def _node_body(nf_ref, wu_ref, bu_ref, a1_ref, a2_ref, sab_ref):
    h = jnp.dot(nf_ref[...], wu_ref[...], preferred_element_type=jnp.float32)
    h = h + bu_ref[...]
    h = jnp.where(h > 0, h, ALPHA * h)
    sa = jnp.sum(h * a1_ref[...], axis=1)
    sb = jnp.sum(h * a2_ref[...], axis=1)
    sab_ref[...] = jnp.stack([sa, sb])[None]


def _node_stage(nf, Wu, bu2, a1, a2):
    return pl.pallas_call(
        _node_body,
        grid=(N // NODE_BLK,),
        in_specs=[
            pl.BlockSpec((NODE_BLK, D), lambda i: (i, 0)),
            pl.BlockSpec((D, D), lambda i: (0, 0)),
            pl.BlockSpec((1, D), lambda i: (0, 0)),
            pl.BlockSpec((1, D), lambda i: (0, 0)),
            pl.BlockSpec((1, D), lambda i: (0, 0)),
        ],
        out_specs=pl.BlockSpec((1, 2, NODE_BLK), lambda i: (i, 0, 0)),
        out_shape=jax.ShapeDtypeStruct((N // NODE_BLK, 2, NODE_BLK), jnp.float32),
    )(nf, Wu, bu2, a1, a2)


def _att_stage(sa, sb, i0, i1):
    @functools.partial(
        pl.kernel,
        out_type=jax.ShapeDtypeStruct((E,), jnp.float32),
        mesh=_mesh(),
        compiler_params=pltpu.CompilerParams(needs_layout_passes=False),
        scratch_types=[
            pltpu.VMEM((N,), jnp.float32),
            pltpu.VMEM((N,), jnp.float32),
            pltpu.VMEM((EPW,), jnp.int32),
            pltpu.VMEM((EPW,), jnp.int32),
            pltpu.VMEM((EPW,), jnp.float32),
        ],
    )
    def k(sa_hbm, sb_hbm, i0_hbm, i1_hbm, att_hbm, sa_v, sb_v, i0_v, i1_v, att_v):
        wid = lax.axis_index("s") * NC + lax.axis_index("c")
        base = wid * EPW
        pltpu.sync_copy(sa_hbm, sa_v)
        pltpu.sync_copy(sb_hbm, sb_v)
        pltpu.sync_copy(i0_hbm.at[pl.ds(base, EPW)], i0_v)
        pltpu.sync_copy(i1_hbm.at[pl.ds(base, EPW)], i1_v)

        def body(kk, carry):
            o = kk * L
            va = plsc.load_gather(sa_v, [i1_v[pl.ds(o, L)]])
            vb = plsc.load_gather(sb_v, [i0_v[pl.ds(o, L)]])
            att_v[pl.ds(o, L)] = va + vb
            return carry

        lax.fori_loop(0, EPW // L, body, 0)
        pltpu.sync_copy(att_v, att_hbm.at[pl.ds(base, EPW)])

    return k(sa, sb, i0, i1)


def _edge_body(att_ref, ef_ref, we_ref, be_ref, wm_ref, ones_ref, q_ref):
    u = jnp.dot(ef_ref[...], we_ref[...], preferred_element_type=jnp.float32)
    u = u + be_ref[...]
    x = u * att_ref[...].reshape(EDGE_BLK, 1)
    p = jnp.exp(x)
    s1 = jnp.dot(p, ones_ref[...], preferred_element_type=jnp.float32)
    y = jnp.dot(p, wm_ref[...], preferred_element_type=jnp.float32)
    q = jnp.exp(y / s1[:, :1])
    s2 = jnp.dot(q, ones_ref[...], preferred_element_type=jnp.float32)
    q_ref[...] = q / s2[:, :1]


def _edge_stage(att2d, ef, we, be2, wm, ones8):
    return pl.pallas_call(
        _edge_body,
        grid=(EH // EDGE_BLK,),
        in_specs=[
            pl.BlockSpec((1, EDGE_BLK), lambda i: (0, i)),
            pl.BlockSpec((EDGE_BLK, DE), lambda i: (i, 0)),
            pl.BlockSpec((DE, D), lambda i: (0, 0)),
            pl.BlockSpec((1, D), lambda i: (0, 0)),
            pl.BlockSpec((D, D), lambda i: (0, 0)),
            pl.BlockSpec((D, 8), lambda i: (0, 0)),
        ],
        out_specs=pl.BlockSpec((EDGE_BLK, D), lambda i: (i, 0)),
        out_shape=jax.ShapeDtypeStruct((EH, D), jnp.float32),
    )(att2d, ef, we, be2, wm, ones8)


def _scatter_stage(qt, nf, i0f, i1f, zc):
    @functools.partial(
        pl.kernel,
        out_type=jax.ShapeDtypeStruct((NC, N, D), jnp.float32),
        mesh=_mesh(),
        compiler_params=pltpu.CompilerParams(needs_layout_passes=False),
        scratch_types=[
            pltpu.VMEM((4, CHUNK), jnp.int32),
            pltpu.VMEM((2, CHUNK), jnp.int32),
            pltpu.VMEM((CHUNK, D), jnp.float32),
            pltpu.VMEM((CHUNK, D), jnp.float32),
            pltpu.VMEM((CHUNK // 2, D), jnp.float32),
            pltpu.VMEM((CHUNK // 2, D), jnp.float32),
            pltpu.VMEM_SHARED((N, D), jnp.float32),
            pltpu.SemaphoreType.DMA,
            pltpu.SemaphoreType.DMA,
            pltpu.SemaphoreType.DMA,
            pltpu.SemaphoreType.DMA,
            pltpu.SemaphoreType.DMA,
            pltpu.SemaphoreType.DMA,
        ],
    )
    def k(qt_hbm, nf_hbm, i0_hbm, i1_hbm, zc_hbm, out_hbm,
          i0r, i1r, nbr0, nbr1, qta, qtb, acc_sh,
          sg0, sg1, sqa, sqb, si0, si1):
        c = lax.axis_index("c")
        s = lax.axis_index("s")
        w = s * NC + c
        row0 = pl.multiple_of(s * ROWS, 8)

        @pl.when(s < NS - 1)
        def _():
            pltpu.sync_copy(zc_hbm.at[pl.ds(0, ROWS)],
                            acc_sh.at[pl.ds(row0, ROWS)])

        @pl.when(s == NS - 1)
        def _():
            pltpu.sync_copy(zc_hbm.at[pl.ds(0, LROWS)],
                            acc_sh.at[pl.ds(row0, LROWS)])

        plsc.subcore_barrier()

        chunk0 = w * CPW
        nvalid = jnp.minimum(NCHT - chunk0, CPW)
        nbrs = (nbr0, nbr1)
        sgs = (sg0, sg1)

        def ebase(g):
            return pl.multiple_of((chunk0 + g) * CHUNK, CHUNK)

        def start_i0(g, slot):
            pltpu.async_copy(i0_hbm.at[pl.ds(ebase(g), CHUNK)],
                             i0r.at[slot], si0)

        def start_i1(g, slot):
            pltpu.async_copy(i1_hbm.at[pl.ds(ebase(g), CHUNK)],
                             i1r.at[slot], si1)

        def start_gather(g, b, slot):
            pltpu.async_copy(nf_hbm.at[i0r.at[slot]], nbrs[b], sgs[b])

        def start_qt(g, half, dst, sem):
            r = pl.multiple_of(ebase(g) + half * (CHUNK // 2), CHUNK // 2)
            pltpu.async_copy(qt_hbm.at[pl.ds(r, CHUNK // 2)], dst, sem)

        def drain(src, dst, sem):
            pltpu.make_async_copy(src, dst, sem).wait()

        def compute_half(b, qref, e0):
            def edge_body(e, carry):
                for j in range(D // L):
                    sl = pl.ds(j * L, L)
                    qv = qref[e, sl]
                    nbrs[b][e0 + e, sl] = qv * nbrs[b][e0 + e, sl]
                return carry

            lax.fori_loop(0, CHUNK // 2, edge_body, 0)

        pltpu.sync_copy(i0_hbm.at[pl.ds(ebase(0), CHUNK)], i0r.at[0])
        pltpu.sync_copy(i0_hbm.at[pl.ds(ebase(1), CHUNK)], i0r.at[1])
        pltpu.sync_copy(i0_hbm.at[pl.ds(ebase(2), CHUNK)], i0r.at[2])
        pltpu.sync_copy(i1_hbm.at[pl.ds(ebase(0), CHUNK)], i1r.at[0])
        start_gather(0, 0, 0)
        start_gather(1, 1, 1)
        start_qt(0, 0, qta, sqa)
        start_qt(0, 1, qtb, sqb)

        def outer(tt, carry):
            for bb in range(4):
                g = 4 * tt + bb
                b = bb % 2
                s0 = (bb + 3) % 4
                s1 = (bb + 1) % 2
                sg2 = (bb + 2) % 4

                @pl.when(g < nvalid)
                def _(g=g, b=b, s0=s0, s1=s1, sg2=sg2):
                    @pl.when(g + 3 < nvalid)
                    def _():
                        start_i0(g + 3, s0)

                    @pl.when(g + 1 < nvalid)
                    def _():
                        start_i1(g + 1, s1)

                    drain(nf_hbm.at[pl.ds(0, CHUNK)], nbrs[b], sgs[b])
                    drain(qt_hbm.at[pl.ds(0, CHUNK // 2)], qta, sqa)
                    compute_half(b, qta, 0)

                    @pl.when(g + 1 < nvalid)
                    def _():
                        start_qt(g + 1, 0, qta, sqa)

                    drain(qt_hbm.at[pl.ds(0, CHUNK // 2)], qtb, sqb)
                    compute_half(b, qtb, CHUNK // 2)

                    @pl.when(g + 1 < nvalid)
                    def _():
                        start_qt(g + 1, 1, qtb, sqb)

                    @pl.when(g >= 1)
                    def _():
                        drain(i1_hbm.at[pl.ds(0, CHUNK)], i1r.at[0], si1)

                    pltpu.sync_copy(nbrs[b], acc_sh.at[i1r.at[bb % 2]],
                                    add=True)

                    @pl.when(g + 2 < nvalid)
                    def _():
                        @pl.when(g >= 1)
                        def _():
                            drain(i0_hbm.at[pl.ds(0, CHUNK)], i0r.at[0], si0)

                        start_gather(g + 2, b, sg2)

            return carry

        lax.fori_loop(0, CPW // 4, outer, 0)
        plsc.subcore_barrier()

        @pl.when(s < NS - 1)
        def _():
            pltpu.sync_copy(acc_sh.at[pl.ds(row0, ROWS)],
                            out_hbm.at[c].at[pl.ds(row0, ROWS)])

        @pl.when(s == NS - 1)
        def _():
            pltpu.sync_copy(acc_sh.at[pl.ds(row0, LROWS)],
                            out_hbm.at[c].at[pl.ds(row0, LROWS)])

    return k(qt, nf, i0f, i1f, zc)


def _combine_body(p0_ref, p1_ref, p2_ref, p3_ref, out_ref):
    sm = (p0_ref[...] + p1_ref[...]) + (p2_ref[...] + p3_ref[...])
    out_ref[...] = jnp.where(sm > 0, sm, ALPHA * sm)


def _combine_stage(p0, p1, p2, p3):
    return pl.pallas_call(
        _combine_body,
        grid=(N // NODE_BLK,),
        in_specs=[pl.BlockSpec((NODE_BLK, D), lambda i: (i, 0))] * 4,
        out_specs=pl.BlockSpec((NODE_BLK, D), lambda i: (i, 0)),
        out_shape=jax.ShapeDtypeStruct((N, D), jnp.float32),
    )(p0, p1, p2, p3)


def kernel(node_features, edge_index, edge_features, Wu, bu, a_w, We, be, Wm):
    idx = edge_index.astype(jnp.int32)
    i0 = idx[:, 0]
    i1 = idx[:, 1]
    a1 = a_w[:D, 0].reshape(1, D)
    a2 = a_w[D:, 0].reshape(1, D)

    sab = _node_stage(node_features, Wu, bu.reshape(1, D), a1, a2)
    att = _att_stage(sab[:, 0, :].reshape(N), sab[:, 1, :].reshape(N), i0, i1)

    be2 = be.reshape(1, D)
    pad = jnp.zeros((NCHP * CHUNK - EH,), jnp.int32)
    zc = jnp.zeros((ROWS, D), jnp.float32)

    parts = []
    for h in range(2):
        sl = slice(h * EH, (h + 1) * EH)
        q_h = _edge_stage(att[sl].reshape(1, EH), edge_features[sl],
                          We, be2, Wm, jnp.ones((D, 8), jnp.float32))
        i0h = jnp.concatenate([i0[sl], pad])
        i1h = jnp.concatenate([i1[sl], pad])
        parts.append(_scatter_stage(q_h, node_features, i0h, i1h, zc))
    return _combine_stage(parts[0][0], parts[0][1], parts[1][0], parts[1][1])

# --- scband reference (transcript-rebuilt; emitter-appended) ---
"""Pipeline reference for scband-early-join-with-aneesage-33466385170725 (READ-ONLY COPY).

The authoritative reference and input builder live on the scoring server;
editing this copy changes nothing except your own understanding.
"""

import jax, jax.numpy as jnp
import numpy as np

N_NODES = 10000
N_EDGES = 320000
D_FEAT = 128
D_EDGE = 16
HIDDEN = 128


def leaky_relu(x, alpha=0.3):
    # Keras layers.LeakyReLU default alpha=0.3
    return jnp.where(x > 0, x, alpha * x)


def setup_inputs(seed: int = 0) -> dict:
    key = jax.random.key(seed)
    ks = jax.random.split(key, 10)
    node_features = jax.random.normal(ks[0], (N_NODES, D_FEAT), dtype=jnp.float32)
    edge_index = jax.random.randint(ks[1], (N_EDGES, 2), 0, N_NODES, dtype=jnp.int64)
    edge_features = jax.random.normal(ks[2], (N_EDGES, D_EDGE), dtype=jnp.float32)
    # learned parameters of ANEEAttentionLayer
    Wu = jax.random.normal(ks[3], (D_FEAT, HIDDEN), dtype=jnp.float32) * 0.05
    bu = jnp.zeros((HIDDEN,), dtype=jnp.float32)
    a_w = jax.random.normal(ks[4], (2 * HIDDEN, 1), dtype=jnp.float32) * 0.05
    We = jax.random.normal(ks[5], (D_EDGE, HIDDEN), dtype=jnp.float32) * 0.05
    be = jnp.zeros((HIDDEN,), dtype=jnp.float32)
    Wm = jax.random.normal(ks[6], (HIDDEN, HIDDEN), dtype=jnp.float32) * 0.05
    return {
        "node_features": node_features,
        "edge_index": edge_index,
        "edge_features": edge_features,
        "Wu": Wu,
        "bu": bu,
        "a_w": a_w,
        "We": We,
        "be": be,
        "Wm": Wm,
    }


def reference(node_features, edge_index, edge_features, Wu, bu, a_w, We, be, Wm):
    # h_g_u = leaky_relu(Wu(node_features))
    h_g_u = leaky_relu(node_features @ Wu + bu)
    # gather per-edge node features
    edge_source_features = jnp.take(h_g_u, edge_index[:, 1], axis=0)
    edge_target_features = jnp.take(h_g_u, edge_index[:, 0], axis=0)
    edge_concat = jnp.concatenate([edge_source_features, edge_target_features], axis=1)
    # attention_coefficients = a(edge_concat), Dense(1, use_bias=False)
    attention_coefficients = edge_concat @ a_w  # [E, 1]
    # updated_edge_features = We(edge_features)
    updated_edge_features = edge_features @ We + be  # [E, H]
    edge_feature_interaction = attention_coefficients * updated_edge_features
    # Softmax over axis=1 (feature axis)
    e_g_l = jax.nn.softmax(edge_feature_interaction, axis=1)
    # attention_coefficients2 = Wm(e_g_l), no bias
    attention_coefficients2 = e_g_l @ Wm
    attention_coefficients2 = jax.nn.softmax(attention_coefficients2, axis=1)
    # neighbor node features gathered by source nodes
    neighbor_node_features = jnp.take(node_features, edge_index[:, 0], axis=0)
    messages = attention_coefficients2 * neighbor_node_features
    aggregated_messages = jax.ops.segment_sum(
        messages, edge_index[:, 1], num_segments=N_NODES
    )
    updated_node_features = leaky_relu(aggregated_messages)
    return updated_node_features

if __name__ == "__main__":
    import jax
    _d = setup_inputs()
    print(jax.jit(kernel)(*tuple(_d.values())))

</pallas_src>

<mosaic_0001>
#map = affine_map<(d0, d1) -> (0, 0)>
#map1 = affine_map<(d0, d1) -> (0)>
#map2 = affine_map<(d0, d1) -> (0, 0, 0)>
module attributes {stable_mosaic.version = 14 : i64} {
  func.func @k(%arg0: i32, %arg1: i32, %arg2: memref<160000x128xf32, #tpu.memory_space<hbm>>, %arg3: memref<10000x128xf32, #tpu.memory_space<hbm>>, %arg4: memref<163840xi32, #tpu.memory_space<hbm>>, %arg5: memref<163840xi32, #tpu.memory_space<hbm>>, %arg6: memref<632x128xf32, #tpu.memory_space<hbm>>, %arg7: memref<2x10000x128xf32, #tpu.memory_space<hbm>>, %arg8: memref<4x128xi32, #tpu.memory_space<vmem>>, %arg9: memref<2x128xi32, #tpu.memory_space<vmem>>, %arg10: memref<128x128xf32, #tpu.memory_space<vmem>>, %arg11: memref<128x128xf32, #tpu.memory_space<vmem>>, %arg12: memref<64x128xf32, #tpu.memory_space<vmem>>, %arg13: memref<64x128xf32, #tpu.memory_space<vmem>>, %arg14: memref<10000x128xf32, #tpu.memory_space<vmem_shared>>, %arg15: memref<!tpu.dma_semaphore, #tpu.memory_space<semaphore_mem>>, %arg16: memref<!tpu.dma_semaphore, #tpu.memory_space<semaphore_mem>>, %arg17: memref<!tpu.dma_semaphore, #tpu.memory_space<semaphore_mem>>, %arg18: memref<!tpu.dma_semaphore, #tpu.memory_space<semaphore_mem>>, %arg19: memref<!tpu.dma_semaphore, #tpu.memory_space<semaphore_mem>>, %arg20: memref<!tpu.dma_semaphore, #tpu.memory_space<semaphore_mem>>) attributes {dimension_semantics = [#tpu.dimension_semantics<core_parallel>, #tpu.dimension_semantics<subcore_parallel>], iteration_bounds = array<i64: 2, 16>, scalar_prefetch = 0 : i64, scratch_operands = 13 : i64, tpu.core_type = #tpu.core_type<sc_vector_subcore>, window_params = [{transform_indices = #map}, {transform_indices = #map}, {transform_indices = #map1}, {transform_indices = #map1}, {transform_indices = #map}, {transform_indices = #map2}]} {
    %mul3A = arith.constant 2 : i32
    %mul3A_0 = arith.muli %arg1, %mul3A : i32
    %add3A = arith.addi %mul3A_0, %arg0 : i32
    %mul3A_1 = arith.constant 632 : i32
    %mul3A_2 = arith.muli %arg1, %mul3A_1 : i32
    %multiple_of3A = tpu.assume_multiple %mul3A_2, 8 : i32
    %lt3A = arith.constant 15 : i32
    %lt3A_3 = arith.cmpi slt, %arg1, %lt3A : i32
    %convert_element_type3A = arith.extui %lt3A_3 : i1 to i32
    %cond3A = arith.constant 0 : i32
    %cond3A_4 = arith.cmpi ne, %convert_element_type3A, %cond3A : i32
    scf.if %cond3A_4 {
      "tpu.region"() ({
        %run_scoped3A_89 = tpu.sem_alloc : memref<!tpu.dma_semaphore, #tpu.memory_space<semaphore_mem>>
        %dma_start3A_90 = arith.constant 0 : i32
        %dma_start3A_91 = tpu.memref_slice %arg14[%multiple_of3A, %dma_start3A_90] : memref<10000x128xf32, #tpu.memory_space<vmem_shared>> -> memref<632x128xf32, #tpu.memory_space<vmem_shared>>
        %dma_start3A_92 = arith.constant 0 : i32
        %dma_start3A_93 = arith.constant 0 : i32
        %dma_start3A_94 = tpu.memref_slice %arg6[%dma_start3A_92, %dma_start3A_93] : memref<632x128xf32, #tpu.memory_space<hbm>> -> memref<632x128xf32, #tpu.memory_space<hbm>>
        tpu.enqueue_dma source(%dma_start3A_94 : memref<632x128xf32, #tpu.memory_space<hbm>>) target(%dma_start3A_91 : memref<632x128xf32, #tpu.memory_space<vmem_shared>>) target_semaphore(%run_scoped3A_89 : memref<!tpu.dma_semaphore, #tpu.memory_space<semaphore_mem>>)
        %dma_wait3A = arith.constant 0 : i32
        %dma_wait3A_95 = tpu.memref_slice %arg14[%multiple_of3A, %dma_wait3A] : memref<10000x128xf32, #tpu.memory_space<vmem_shared>> -> memref<632x128xf32, #tpu.memory_space<vmem_shared>>
        %dma_wait3A_96 = arith.constant 0 : i32
        %dma_wait3A_97 = arith.constant 0 : i32
        %dma_wait3A_98 = tpu.memref_slice %arg6[%dma_wait3A_96, %dma_wait3A_97] : memref<632x128xf32, #tpu.memory_space<hbm>> -> memref<632x128xf32, #tpu.memory_space<hbm>>
        tpu.wait_dma2 semaphore(%run_scoped3A_89 : memref<!tpu.dma_semaphore, #tpu.memory_space<semaphore_mem>>) src(%dma_wait3A_98 : memref<632x128xf32, #tpu.memory_space<hbm>>) dst(%dma_wait3A_95 : memref<632x128xf32, #tpu.memory_space<vmem_shared>>)
        tpu.yield
      }) : () -> ()
    } else {
    }
    %eq3A = arith.constant 15 : i32
    %eq3A_5 = arith.cmpi eq, %arg1, %eq3A : i32
    %convert_element_type3A_6 = arith.extui %eq3A_5 : i1 to i32
    %cond3A_7 = arith.constant 0 : i32
    %cond3A_8 = arith.cmpi ne, %convert_element_type3A_6, %cond3A_7 : i32
    scf.if %cond3A_8 {
      "tpu.region"() ({
        %run_scoped3A_89 = tpu.sem_alloc : memref<!tpu.dma_semaphore, #tpu.memory_space<semaphore_mem>>
        %dma_start3A_90 = arith.constant 0 : i32
        %dma_start3A_91 = tpu.memref_slice %arg14[%multiple_of3A, %dma_start3A_90] : memref<10000x128xf32, #tpu.memory_space<vmem_shared>> -> memref<520x128xf32, #tpu.memory_space<vmem_shared>>
        %dma_start3A_92 = arith.constant 0 : i32
        %dma_start3A_93 = arith.constant 0 : i32
        %dma_start3A_94 = tpu.memref_slice %arg6[%dma_start3A_92, %dma_start3A_93] : memref<632x128xf32, #tpu.memory_space<hbm>> -> memref<520x128xf32, #tpu.memory_space<hbm>>
        tpu.enqueue_dma source(%dma_start3A_94 : memref<520x128xf32, #tpu.memory_space<hbm>>) target(%dma_start3A_91 : memref<520x128xf32, #tpu.memory_space<vmem_shared>>) target_semaphore(%run_scoped3A_89 : memref<!tpu.dma_semaphore, #tpu.memory_space<semaphore_mem>>)
        %dma_wait3A = arith.constant 0 : i32
        %dma_wait3A_95 = tpu.memref_slice %arg14[%multiple_of3A, %dma_wait3A] : memref<10000x128xf32, #tpu.memory_space<vmem_shared>> -> memref<520x128xf32, #tpu.memory_space<vmem_shared>>
        %dma_wait3A_96 = arith.constant 0 : i32
        %dma_wait3A_97 = arith.constant 0 : i32
        %dma_wait3A_98 = tpu.memref_slice %arg6[%dma_wait3A_96, %dma_wait3A_97] : memref<632x128xf32, #tpu.memory_space<hbm>> -> memref<520x128xf32, #tpu.memory_space<hbm>>
        tpu.wait_dma2 semaphore(%run_scoped3A_89 : memref<!tpu.dma_semaphore, #tpu.memory_space<semaphore_mem>>) src(%dma_wait3A_98 : memref<520x128xf32, #tpu.memory_space<hbm>>) dst(%dma_wait3A_95 : memref<520x128xf32, #tpu.memory_space<vmem_shared>>)
        tpu.yield
      }) : () -> ()
    } else {
    }
    %barrier3A = arith.constant 0 : index
    tpu.barrier barrier_id(%barrier3A)
    %mul3A_9 = arith.constant 40 : i32
    %mul3A_10 = arith.muli %add3A, %mul3A_9 : i32
    %sub3A = arith.constant 1250 : i32
    %sub3A_11 = arith.subi %sub3A, %mul3A_10 : i32
    %min3A = arith.constant 40 : i32
    %min3A_12 = arith.minsi %sub3A_11, %min3A : i32
    %add3A_13 = arith.constant 0 : i32
    %add3A_14 = arith.addi %mul3A_10, %add3A_13 : i32
    %mul3A_15 = arith.constant 128 : i32
    %mul3A_16 = arith.muli %add3A_14, %mul3A_15 : i32
    %multiple_of3A_17 = tpu.assume_multiple %mul3A_16, 128 : i32
    %run_scoped3A = arith.constant 0 : i32
    "tpu.region"() ({
      %run_scoped3A_89 = tpu.sem_alloc : memref<!tpu.dma_semaphore, #tpu.memory_space<semaphore_mem>>
      %dma_start3A_90 = arith.constant 0 : i32
      %dma_start3A_91 = tpu.memref_slice %arg8[%run_scoped3A, %dma_start3A_90] : memref<4x128xi32, #tpu.memory_space<vmem>> -> memref<1x128xi32, #tpu.memory_space<vmem>>
      %dma_start3A_92 = tpu.memref_squeeze %dma_start3A_91 : memref<1x128xi32, #tpu.memory_space<vmem>> -> memref<128xi32, #tpu.memory_space<vmem>>
      %dma_start3A_93 = tpu.memref_slice %arg4[%multiple_of3A_17] : memref<163840xi32, #tpu.memory_space<hbm>> -> memref<128xi32, #tpu.memory_space<hbm>>
      %dma_start3A_94 = arith.constant 0 : i32
      %dma_start3A_95 = tpu.memref_slice %arg8[%run_scoped3A, %dma_start3A_94] : memref<4x128xi32, #tpu.memory_space<vmem>> -> memref<1x128xi32, #tpu.memory_space<vmem>>
      %dma_start3A_96 = tpu.memref_squeeze %dma_start3A_95 : memref<1x128xi32, #tpu.memory_space<vmem>> -> memref<128xi32, #tpu.memory_space<vmem>>
      %dma_start3A_97 = tpu.memref_slice %arg4[%multiple_of3A_17] : memref<163840xi32, #tpu.memory_space<hbm>> -> memref<128xi32, #tpu.memory_space<hbm>>
      tpu.enqueue_dma source(%dma_start3A_97 : memref<128xi32, #tpu.memory_space<hbm>>) target(%dma_start3A_96 : memref<128xi32, #tpu.memory_space<vmem>>) target_semaphore(%run_scoped3A_89 : memref<!tpu.dma_semaphore, #tpu.memory_space<semaphore_mem>>)
      %dma_wait3A = arith.constant 0 : i32
      %dma_wait3A_98 = tpu.memref_slice %arg8[%run_scoped3A, %dma_wait3A] : memref<4x128xi32, #tpu.memory_space<vmem>> -> memref<1x128xi32, #tpu.memory_space<vmem>>
      %dma_wait3A_99 = tpu.memref_squeeze %dma_wait3A_98 : memref<1x128xi32, #tpu.memory_space<vmem>> -> memref<128xi32, #tpu.memory_space<vmem>>
      %dma_wait3A_100 = tpu.memref_slice %arg4[%multiple_of3A_17] : memref<163840xi32, #tpu.memory_space<hbm>> -> memref<128xi32, #tpu.memory_space<hbm>>
      %dma_wait3A_101 = arith.constant 0 : i32
      %dma_wait3A_102 = tpu.memref_slice %arg8[%run_scoped3A, %dma_wait3A_101] : memref<4x128xi32, #tpu.memory_space<vmem>> -> memref<1x128xi32, #tpu.memory_space<vmem>>
      %dma_wait3A_103 = tpu.memref_squeeze %dma_wait3A_102 : memref<1x128xi32, #tpu.memory_space<vmem>> -> memref<128xi32, #tpu.memory_space<vmem>>
      %dma_wait3A_104 = tpu.memref_slice %arg4[%multiple_of3A_17] : memref<163840xi32, #tpu.memory_space<hbm>> -> memref<128xi32, #tpu.memory_space<hbm>>
      tpu.wait_dma2 semaphore(%run_scoped3A_89 : memref<!tpu.dma_semaphore, #tpu.memory_space<semaphore_mem>>) src(%dma_wait3A_104 : memref<128xi32, #tpu.memory_space<hbm>>) dst(%dma_wait3A_103 : memref<128xi32, #tpu.memory_space<vmem>>)
      tpu.yield
    }) : () -> ()
    %add3A_18 = arith.constant 1 : i32
    %add3A_19 = arith.addi %mul3A_10, %add3A_18 : i32
    %mul3A_20 = arith.constant 128 : i32
    %mul3A_21 = arith.muli %add3A_19, %mul3A_20 : i32
    %multiple_of3A_22 = tpu.assume_multiple %mul3A_21, 128 : i32
    %run_scoped3A_23 = arith.constant 1 : i32
    "tpu.region"() ({
      %run_scoped3A_89 = tpu.sem_alloc : memref<!tpu.dma_semaphore, #tpu.memory_space<semaphore_mem>>
      %dma_start3A_90 = arith.constant 0 : i32
      %dma_start3A_91 = tpu.memref_slice %arg8[%run_scoped3A_23, %dma_start3A_90] : memref<4x128xi32, #tpu.memory_space<vmem>> -> memref<1x128xi32, #tpu.memory_space<vmem>>
      %dma_start3A_92 = tpu.memref_squeeze %dma_start3A_91 : memref<1x128xi32, #tpu.memory_space<vmem>> -> memref<128xi32, #tpu.memory_space<vmem>>
      %dma_start3A_93 = tpu.memref_slice %arg4[%multiple_of3A_22] : memref<163840xi32, #tpu.memory_space<hbm>> -> memref<128xi32, #tpu.memory_space<hbm>>
      %dma_start3A_94 = arith.constant 0 : i32
      %dma_start3A_95 = tpu.memref_slice %arg8[%run_scoped3A_23, %dma_start3A_94] : memref<4x128xi32, #tpu.memory_space<vmem>> -> memref<1x128xi32, #tpu.memory_space<vmem>>
      %dma_start3A_96 = tpu.memref_squeeze %dma_start3A_95 : memref<1x128xi32, #tpu.memory_space<vmem>> -> memref<128xi32, #tpu.memory_space<vmem>>
      %dma_start3A_97 = tpu.memref_slice %arg4[%multiple_of3A_22] : memref<163840xi32, #tpu.memory_space<hbm>> -> memref<128xi32, #tpu.memory_space<hbm>>
      tpu.enqueue_dma source(%dma_start3A_97 : memref<128xi32, #tpu.memory_space<hbm>>) target(%dma_start3A_96 : memref<128xi32, #tpu.memory_space<vmem>>) target_semaphore(%run_scoped3A_89 : memref<!tpu.dma_semaphore, #tpu.memory_space<semaphore_mem>>)
      %dma_wait3A = arith.constant 0 : i32
      %dma_wait3A_98 = tpu.memref_slice %arg8[%run_scoped3A_23, %dma_wait3A] : memref<4x128xi32, #tpu.memory_space<vmem>> -> memref<1x128xi32, #tpu.memory_space<vmem>>
      %dma_wait3A_99 = tpu.memref_squeeze %dma_wait3A_98 : memref<1x128xi32, #tpu.memory_space<vmem>> -> memref<128xi32, #tpu.memory_space<vmem>>
      %dma_wait3A_100 = tpu.memref_slice %arg4[%multiple_of3A_22] : memref<163840xi32, #tpu.memory_space<hbm>> -> memref<128xi32, #tpu.memory_space<hbm>>
      %dma_wait3A_101 = arith.constant 0 : i32
      %dma_wait3A_102 = tpu.memref_slice %arg8[%run_scoped3A_23, %dma_wait3A_101] : memref<4x128xi32, #tpu.memory_space<vmem>> -> memref<1x128xi32, #tpu.memory_space<vmem>>
      %dma_wait3A_103 = tpu.memref_squeeze %dma_wait3A_102 : memref<1x128xi32, #tpu.memory_space<vmem>> -> memref<128xi32, #tpu.memory_space<vmem>>
      %dma_wait3A_104 = tpu.memref_slice %arg4[%multiple_of3A_22] : memref<163840xi32, #tpu.memory_space<hbm>> -> memref<128xi32, #tpu.memory_space<hbm>>
      tpu.wait_dma2 semaphore(%run_scoped3A_89 : memref<!tpu.dma_semaphore, #tpu.memory_space<semaphore_mem>>) src(%dma_wait3A_104 : memref<128xi32, #tpu.memory_space<hbm>>) dst(%dma_wait3A_103 : memref<128xi32, #tpu.memory_space<vmem>>)
      tpu.yield
    }) : () -> ()
    %add3A_24 = arith.constant 2 : i32
    %add3A_25 = arith.addi %mul3A_10, %add3A_24 : i32
    %mul3A_26 = arith.constant 128 : i32
    %mul3A_27 = arith.muli %add3A_25, %mul3A_26 : i32
    %multiple_of3A_28 = tpu.assume_multiple %mul3A_27, 128 : i32
    %run_scoped3A_29 = arith.constant 2 : i32
    "tpu.region"() ({
      %run_scoped3A_89 = tpu.sem_alloc : memref<!tpu.dma_semaphore, #tpu.memory_space<semaphore_mem>>
      %dma_start3A_90 = arith.constant 0 : i32
      %dma_start3A_91 = tpu.memref_slice %arg8[%run_scoped3A_29, %dma_start3A_90] : memref<4x128xi32, #tpu.memory_space<vmem>> -> memref<1x128xi32, #tpu.memory_space<vmem>>
      %dma_start3A_92 = tpu.memref_squeeze %dma_start3A_91 : memref<1x128xi32, #tpu.memory_space<vmem>> -> memref<128xi32, #tpu.memory_space<vmem>>
      %dma_start3A_93 = tpu.memref_slice %arg4[%multiple_of3A_28] : memref<163840xi32, #tpu.memory_space<hbm>> -> memref<128xi32, #tpu.memory_space<hbm>>
      %dma_start3A_94 = arith.constant 0 : i32
      %dma_start3A_95 = tpu.memref_slice %arg8[%run_scoped3A_29, %dma_start3A_94] : memref<4x128xi32, #tpu.memory_space<vmem>> -> memref<1x128xi32, #tpu.memory_space<vmem>>
      %dma_start3A_96 = tpu.memref_squeeze %dma_start3A_95 : memref<1x128xi32, #tpu.memory_space<vmem>> -> memref<128xi32, #tpu.memory_space<vmem>>
      %dma_start3A_97 = tpu.memref_slice %arg4[%multiple_of3A_28] : memref<163840xi32, #tpu.memory_space<hbm>> -> memref<128xi32, #tpu.memory_space<hbm>>
      tpu.enqueue_dma source(%dma_start3A_97 : memref<128xi32, #tpu.memory_space<hbm>>) target(%dma_start3A_96 : memref<128xi32, #tpu.memory_space<vmem>>) target_semaphore(%run_scoped3A_89 : memref<!tpu.dma_semaphore, #tpu.memory_space<semaphore_mem>>)
      %dma_wait3A = arith.constant 0 : i32
      %dma_wait3A_98 = tpu.memref_slice %arg8[%run_scoped3A_29, %dma_wait3A] : memref<4x128xi32, #tpu.memory_space<vmem>> -> memref<1x128xi32, #tpu.memory_space<vmem>>
      %dma_wait3A_99 = tpu.memref_squeeze %dma_wait3A_98 : memref<1x128xi32, #tpu.memory_space<vmem>> -> memref<128xi32, #tpu.memory_space<vmem>>
      %dma_wait3A_100 = tpu.memref_slice %arg4[%multiple_of3A_28] : memref<163840xi32, #tpu.memory_space<hbm>> -> memref<128xi32, #tpu.memory_space<hbm>>
      %dma_wait3A_101 = arith.constant 0 : i32
      %dma_wait3A_102 = tpu.memref_slice %arg8[%run_scoped3A_29, %dma_wait3A_101] : memref<4x128xi32, #tpu.memory_space<vmem>> -> memref<1x128xi32, #tpu.memory_space<vmem>>
      %dma_wait3A_103 = tpu.memref_squeeze %dma_wait3A_102 : memref<1x128xi32, #tpu.memory_space<vmem>> -> memref<128xi32, #tpu.memory_space<vmem>>
      %dma_wait3A_104 = tpu.memref_slice %arg4[%multiple_of3A_28] : memref<163840xi32, #tpu.memory_space<hbm>> -> memref<128xi32, #tpu.memory_space<hbm>>
      tpu.wait_dma2 semaphore(%run_scoped3A_89 : memref<!tpu.dma_semaphore, #tpu.memory_space<semaphore_mem>>) src(%dma_wait3A_104 : memref<128xi32, #tpu.memory_space<hbm>>) dst(%dma_wait3A_103 : memref<128xi32, #tpu.memory_space<vmem>>)
      tpu.yield
    }) : () -> ()
    %add3A_30 = arith.constant 0 : i32
    %add3A_31 = arith.addi %mul3A_10, %add3A_30 : i32
    %mul3A_32 = arith.constant 128 : i32
    %mul3A_33 = arith.muli %add3A_31, %mul3A_32 : i32
    %multiple_of3A_34 = tpu.assume_multiple %mul3A_33, 128 : i32
    %run_scoped3A_35 = arith.constant 0 : i32
    "tpu.region"() ({
      %run_scoped3A_89 = tpu.sem_alloc : memref<!tpu.dma_semaphore, #tpu.memory_space<semaphore_mem>>
      %dma_start3A_90 = arith.constant 0 : i32
      %dma_start3A_91 = tpu.memref_slice %arg9[%run_scoped3A_35, %dma_start3A_90] : memref<2x128xi32, #tpu.memory_space<vmem>> -> memref<1x128xi32, #tpu.memory_space<vmem>>
      %dma_start3A_92 = tpu.memref_squeeze %dma_start3A_91 : memref<1x128xi32, #tpu.memory_space<vmem>> -> memref<128xi32, #tpu.memory_space<vmem>>
      %dma_start3A_93 = tpu.memref_slice %arg5[%multiple_of3A_34] : memref<163840xi32, #tpu.memory_space<hbm>> -> memref<128xi32, #tpu.memory_space<hbm>>
      %dma_start3A_94 = arith.constant 0 : i32
      %dma_start3A_95 = tpu.memref_slice %arg9[%run_scoped3A_35, %dma_start3A_94] : memref<2x128xi32, #tpu.memory_space<vmem>> -> memref<1x128xi32, #tpu.memory_space<vmem>>
      %dma_start3A_96 = tpu.memref_squeeze %dma_start3A_95 : memref<1x128xi32, #tpu.memory_space<vmem>> -> memref<128xi32, #tpu.memory_space<vmem>>
      %dma_start3A_97 = tpu.memref_slice %arg5[%multiple_of3A_34] : memref<163840xi32, #tpu.memory_space<hbm>> -> memref<128xi32, #tpu.memory_space<hbm>>
      tpu.enqueue_dma source(%dma_start3A_97 : memref<128xi32, #tpu.memory_space<hbm>>) target(%dma_start3A_96 : memref<128xi32, #tpu.memory_space<vmem>>) target_semaphore(%run_scoped3A_89 : memref<!tpu.dma_semaphore, #tpu.memory_space<semaphore_mem>>)
      %dma_wait3A = arith.constant 0 : i32
      %dma_wait3A_98 = tpu.memref_slice %arg9[%run_scoped3A_35, %dma_wait3A] : memref<2x128xi32, #tpu.memory_space<vmem>> -> memref<1x128xi32, #tpu.memory_space<vmem>>
      %dma_wait3A_99 = tpu.memref_squeeze %dma_wait3A_98 : memref<1x128xi32, #tpu.memory_space<vmem>> -> memref<128xi32, #tpu.memory_space<vmem>>
      %dma_wait3A_100 = tpu.memref_slice %arg5[%multiple_of3A_34] : memref<163840xi32, #tpu.memory_space<hbm>> -> memref<128xi32, #tpu.memory_space<hbm>>
      %dma_wait3A_101 = arith.constant 0 : i32
      %dma_wait3A_102 = tpu.memref_slice %arg9[%run_scoped3A_35, %dma_wait3A_101] : memref<2x128xi32, #tpu.memory_space<vmem>> -> memref<1x128xi32, #tpu.memory_space<vmem>>
      %dma_wait3A_103 = tpu.memref_squeeze %dma_wait3A_102 : memref<1x128xi32, #tpu.memory_space<vmem>> -> memref<128xi32, #tpu.memory_space<vmem>>
      %dma_wait3A_104 = tpu.memref_slice %arg5[%multiple_of3A_34] : memref<163840xi32, #tpu.memory_space<hbm>> -> memref<128xi32, #tpu.memory_space<hbm>>
      tpu.wait_dma2 semaphore(%run_scoped3A_89 : memref<!tpu.dma_semaphore, #tpu.memory_space<semaphore_mem>>) src(%dma_wait3A_104 : memref<128xi32, #tpu.memory_space<hbm>>) dst(%dma_wait3A_103 : memref<128xi32, #tpu.memory_space<vmem>>)
      tpu.yield
    }) : () -> ()
    %dma_start3A = arith.constant 0 : i32
    %dma_start3A_36 = arith.constant 0 : i32
    %dma_start3A_37 = tpu.memref_slice %arg8[%dma_start3A, %dma_start3A_36] : memref<4x128xi32, #tpu.memory_space<vmem>> -> memref<1x128xi32, #tpu.memory_space<vmem>>
    %dma_start3A_38 = tpu.memref_squeeze %dma_start3A_37 : memref<1x128xi32, #tpu.memory_space<vmem>> -> memref<128xi32, #tpu.memory_space<vmem>>
    %dma_start3A_39 = arith.constant 0 : i32
    %dma_start3A_40 = arith.constant 0 : i32
    %dma_start3A_41 = tpu.memref_slice %arg3[%dma_start3A_39, %dma_start3A_40] : memref<10000x128xf32, #tpu.memory_space<hbm>> -> memref<10000x128xf32, #tpu.memory_space<hbm>>
    tpu.enqueue_indirect_dma source(%dma_start3A_41 : memref<10000x128xf32, #tpu.memory_space<hbm>>) target(%arg10 : memref<128x128xf32, #tpu.memory_space<vmem>>) offsets(%dma_start3A_38 : memref<128xi32, #tpu.memory_space<vmem>>) semaphore(%arg15 : memref<!tpu.dma_semaphore, #tpu.memory_space<semaphore_mem>>)
    %dma_start3A_42 = arith.constant 1 : i32
    %dma_start3A_43 = arith.constant 0 : i32
    %dma_start3A_44 = tpu.memref_slice %arg8[%dma_start3A_42, %dma_start3A_43] : memref<4x128xi32, #tpu.memory_space<vmem>> -> memref<1x128xi32, #tpu.memory_space<vmem>>
    %dma_start3A_45 = tpu.memref_squeeze %dma_start3A_44 : memref<1x128xi32, #tpu.memory_space<vmem>> -> memref<128xi32, #tpu.memory_space<vmem>>
    %dma_start3A_46 = arith.constant 0 : i32
    %dma_start3A_47 = arith.constant 0 : i32
    %dma_start3A_48 = tpu.memref_slice %arg3[%dma_start3A_46, %dma_start3A_47] : memref<10000x128xf32, #tpu.memory_space<hbm>> -> memref<10000x128xf32, #tpu.memory_space<hbm>>
    tpu.enqueue_indirect_dma source(%dma_start3A_48 : memref<10000x128xf32, #tpu.memory_space<hbm>>) target(%arg11 : memref<128x128xf32, #tpu.memory_space<vmem>>) offsets(%dma_start3A_45 : memref<128xi32, #tpu.memory_space<vmem>>) semaphore(%arg16 : memref<!tpu.dma_semaphore, #tpu.memory_space<semaphore_mem>>)
    %add3A_49 = arith.constant 0 : i32
    %add3A_50 = arith.addi %mul3A_10, %add3A_49 : i32
    %mul3A_51 = arith.constant 128 : i32
    %mul3A_52 = arith.muli %add3A_50, %mul3A_51 : i32
    %multiple_of3A_53 = tpu.assume_multiple %mul3A_52, 128 : i32
    %add3A_54 = arith.constant 0 : i32
    %add3A_55 = arith.addi %multiple_of3A_53, %add3A_54 : i32
    %multiple_of3A_56 = tpu.assume_multiple %add3A_55, 64 : i32
    %dma_start3A_57 = arith.constant 0 : i32
    %dma_start3A_58 = tpu.memref_slice %arg2[%multiple_of3A_56, %dma_start3A_57] : memref<160000x128xf32, #tpu.memory_space<hbm>> -> memref<64x128xf32, #tpu.memory_space<hbm>>
    %dma_start3A_59 = arith.constant 0 : i32
    %dma_start3A_60 = tpu.memref_slice %arg2[%multiple_of3A_56, %dma_start3A_59] : memref<160000x128xf32, #tpu.memory_space<hbm>> -> memref<64x128xf32, #tpu.memory_space<hbm>>
    tpu.enqueue_dma source(%dma_start3A_60 : memref<64x128xf32, #tpu.memory_space<hbm>>) target(%arg12 : memref<64x128xf32, #tpu.memory_space<vmem>>) target_semaphore(%arg17 : memref<!tpu.dma_semaphore, #tpu.memory_space<semaphore_mem>>)
    %add3A_61 = arith.constant 0 : i32
    %add3A_62 = arith.addi %mul3A_10, %add3A_61 : i32
    %mul3A_63 = arith.constant 128 : i32
    %mul3A_64 = arith.muli %add3A_62, %mul3A_63 : i32
    %multiple_of3A_65 = tpu.assume_multiple %mul3A_64, 128 : i32
    %add3A_66 = arith.constant 64 : i32
    %add3A_67 = arith.addi %multiple_of3A_65, %add3A_66 : i32
    %multiple_of3A_68 = tpu.assume_multiple %add3A_67, 64 : i32
    %dma_start3A_69 = arith.constant 0 : i32
    %dma_start3A_70 = tpu.memref_slice %arg2[%multiple_of3A_68, %dma_start3A_69] : memref<160000x128xf32, #tpu.memory_space<hbm>> -> memref<64x128xf32, #tpu.memory_space<hbm>>
    %dma_start3A_71 = arith.constant 0 : i32
    %dma_start3A_72 = tpu.memref_slice %arg2[%multiple_of3A_68, %dma_start3A_71] : memref<160000x128xf32, #tpu.memory_space<hbm>> -> memref<64x128xf32, #tpu.memory_space<hbm>>
    tpu.enqueue_dma source(%dma_start3A_72 : memref<64x128xf32, #tpu.memory_space<hbm>>) target(%arg13 : memref<64x128xf32, #tpu.memory_space<vmem>>) target_semaphore(%arg18 : memref<!tpu.dma_semaphore, #tpu.memory_space<semaphore_mem>>)
    %scan3A = arith.constant 0 : i32
    %scan3A_73 = arith.constant 0 : i32
    %scan3A_74 = arith.constant 10 : i32
    %scan3A_75 = arith.addi %scan3A_73, %scan3A_74 : i32
    %scan3A_76 = arith.constant 1 : i32
    scf.for %scan3A_89 = %scan3A_73 to %scan3A_75 step %scan3A_76  : i32 {
      %mul3A_90 = arith.constant 4 : i32
      %mul3A_91 = arith.muli %mul3A_90, %scan3A_89 : i32
      %add3A_92 = arith.constant 0 : i32
      %add3A_93 = arith.addi %mul3A_91, %add3A_92 : i32
      %lt3A_94 = arith.cmpi slt, %add3A_93, %min3A_12 : i32
      %convert_element_type3A_95 = arith.extui %lt3A_94 : i1 to i32
      %cond3A_96 = arith.constant 0 : i32
      %cond3A_97 = arith.cmpi ne, %convert_element_type3A_95, %cond3A_96 : i32
      scf.if %cond3A_97 {
        %add3A_122 = arith.constant 3 : i32
        %add3A_123 = arith.addi %add3A_93, %add3A_122 : i32
        %lt3A_124 = arith.cmpi slt, %add3A_123, %min3A_12 : i32
        %convert_element_type3A_125 = arith.extui %lt3A_124 : i1 to i32
        %cond3A_126 = arith.constant 0 : i32
        %cond3A_127 = arith.cmpi ne, %convert_element_type3A_125, %cond3A_126 : i32
        scf.if %cond3A_127 {
          %add3A_186 = arith.constant 3 : i32
          %add3A_187 = arith.addi %add3A_93, %add3A_186 : i32
          %add3A_188 = arith.addi %mul3A_10, %add3A_187 : i32
          %mul3A_189 = arith.constant 128 : i32
          %mul3A_190 = arith.muli %add3A_188, %mul3A_189 : i32
          %multiple_of3A_191 = tpu.assume_multiple %mul3A_190, 128 : i32
          %dma_start3A_192 = arith.constant 3 : i32
          %dma_start3A_193 = arith.constant 0 : i32
          %dma_start3A_194 = tpu.memref_slice %arg8[%dma_start3A_192, %dma_start3A_193] : memref<4x128xi32, #tpu.memory_space<vmem>> -> memref<1x128xi32, #tpu.memory_space<vmem>>
          %dma_start3A_195 = tpu.memref_squeeze %dma_start3A_194 : memref<1x128xi32, #tpu.memory_space<vmem>> -> memref<128xi32, #tpu.memory_space<vmem>>
          %dma_start3A_196 = tpu.memref_slice %arg4[%multiple_of3A_191] : memref<163840xi32, #tpu.memory_space<hbm>> -> memref<128xi32, #tpu.memory_space<hbm>>
          %dma_start3A_197 = arith.constant 0 : i32
          %dma_start3A_198 = tpu.memref_slice %arg8[%dma_start3A_192, %dma_start3A_197] : memref<4x128xi32, #tpu.memory_space<vmem>> -> memref<1x128xi32, #tpu.memory_space<vmem>>
          %dma_start3A_199 = tpu.memref_squeeze %dma_start3A_198 : memref<1x128xi32, #tpu.memory_space<vmem>> -> memref<128xi32, #tpu.memory_space<vmem>>
          %dma_start3A_200 = tpu.memref_slice %arg4[%multiple_of3A_191] : memref<163840xi32, #tpu.memory_space<hbm>> -> memref<128xi32, #tpu.memory_space<hbm>>
          tpu.enqueue_dma source(%dma_start3A_200 : memref<128xi32, #tpu.memory_space<hbm>>) target(%dma_start3A_199 : memref<128xi32, #tpu.memory_space<vmem>>) target_semaphore(%arg19 : memref<!tpu.dma_semaphore, #tpu.memory_space<semaphore_mem>>)
        } else {
        }
        %add3A_128 = arith.constant 1 : i32
        %add3A_129 = arith.addi %add3A_93, %add3A_128 : i32
        %lt3A_130 = arith.cmpi slt, %add3A_129, %min3A_12 : i32
        %convert_element_type3A_131 = arith.extui %lt3A_130 : i1 to i32
        %cond3A_132 = arith.constant 0 : i32
        %cond3A_133 = arith.cmpi ne, %convert_element_type3A_131, %cond3A_132 : i32
        scf.if %cond3A_133 {
          %add3A_186 = arith.constant 1 : i32
          %add3A_187 = arith.addi %add3A_93, %add3A_186 : i32
          %add3A_188 = arith.addi %mul3A_10, %add3A_187 : i32
          %mul3A_189 = arith.constant 128 : i32
          %mul3A_190 = arith.muli %add3A_188, %mul3A_189 : i32
          %multiple_of3A_191 = tpu.assume_multiple %mul3A_190, 128 : i32
          %dma_start3A_192 = arith.constant 1 : i32
          %dma_start3A_193 = arith.constant 0 : i32
          %dma_start3A_194 = tpu.memref_slice %arg9[%dma_start3A_192, %dma_start3A_193] : memref<2x128xi32, #tpu.memory_space<vmem>> -> memref<1x128xi32, #tpu.memory_space<vmem>>
          %dma_start3A_195 = tpu.memref_squeeze %dma_start3A_194 : memref<1x128xi32, #tpu.memory_space<vmem>> -> memref<128xi32, #tpu.memory_space<vmem>>
          %dma_start3A_196 = tpu.memref_slice %arg5[%multiple_of3A_191] : memref<163840xi32, #tpu.memory_space<hbm>> -> memref<128xi32, #tpu.memory_space<hbm>>
          %dma_start3A_197 = arith.constant 0 : i32
          %dma_start3A_198 = tpu.memref_slice %arg9[%dma_start3A_192, %dma_start3A_197] : memref<2x128xi32, #tpu.memory_space<vmem>> -> memref<1x128xi32, #tpu.memory_space<vmem>>
          %dma_start3A_199 = tpu.memref_squeeze %dma_start3A_198 : memref<1x128xi32, #tpu.memory_space<vmem>> -> memref<128xi32, #tpu.memory_space<vmem>>
          %dma_start3A_200 = tpu.memref_slice %arg5[%multiple_of3A_191] : memref<163840xi32, #tpu.memory_space<hbm>> -> memref<128xi32, #tpu.memory_space<hbm>>
          tpu.enqueue_dma source(%dma_start3A_200 : memref<128xi32, #tpu.memory_space<hbm>>) target(%dma_start3A_199 : memref<128xi32, #tpu.memory_space<vmem>>) target_semaphore(%arg20 : memref<!tpu.dma_semaphore, #tpu.memory_space<semaphore_mem>>)
        } else {
        }
        %dma_wait3A = arith.constant 0 : i32
        %dma_wait3A_134 = arith.constant 0 : i32
        %dma_wait3A_135 = tpu.memref_slice %arg3[%dma_wait3A, %dma_wait3A_134] : memref<10000x128xf32, #tpu.memory_space<hbm>> -> memref<128x128xf32, #tpu.memory_space<hbm>>
        %dma_wait3A_136 = arith.constant 0 : i32
        %dma_wait3A_137 = arith.constant 0 : i32
        %dma_wait3A_138 = tpu.memref_slice %arg3[%dma_wait3A_136, %dma_wait3A_137] : memref<10000x128xf32, #tpu.memory_space<hbm>> -> memref<128x128xf32, #tpu.memory_space<hbm>>
        tpu.wait_dma2 semaphore(%arg15 : memref<!tpu.dma_semaphore, #tpu.memory_space<semaphore_mem>>) src(%dma_wait3A_138 : memref<128x128xf32, #tpu.memory_space<hbm>>) dst(%arg10 : memref<128x128xf32, #tpu.memory_space<vmem>>)
        %dma_wait3A_139 = arith.constant 0 : i32
        %dma_wait3A_140 = arith.constant 0 : i32
        %dma_wait3A_141 = tpu.memref_slice %arg2[%dma_wait3A_139, %dma_wait3A_140] : memref<160000x128xf32, #tpu.memory_space<hbm>> -> memref<64x128xf32, #tpu.memory_space<hbm>>
        %dma_wait3A_142 = arith.constant 0 : i32
        %dma_wait3A_143 = arith.constant 0 : i32
        %dma_wait3A_144 = tpu.memref_slice %arg2[%dma_wait3A_142, %dma_wait3A_143] : memref<160000x128xf32, #tpu.memory_space<hbm>> -> memref<64x128xf32, #tpu.memory_space<hbm>>
        tpu.wait_dma2 semaphore(%arg17 : memref<!tpu.dma_semaphore, #tpu.memory_space<semaphore_mem>>) src(%dma_wait3A_144 : memref<64x128xf32, #tpu.memory_space<hbm>>) dst(%arg12 : memref<64x128xf32, #tpu.memory_space<vmem>>)
        %scan3A_145 = arith.constant 0 : i32
        %scan3A_146 = arith.constant 0 : i32
        %scan3A_147 = arith.constant 64 : i32
        %scan3A_148 = arith.addi %scan3A_146, %scan3A_147 : i32
        %scan3A_149 = arith.constant 1 : i32
        scf.for %scan3A_186 = %scan3A_146 to %scan3A_148 step %scan3A_149  : i32 {
          %get3A = arith.index_cast %scan3A_186 : i32 to index
          %get3A_187 = arith.constant 0 : index
          %get3A_188 = tpu.vector_load %arg12[%get3A, %get3A_187] {strides = array<i32>} : memref<64x128xf32, #tpu.memory_space<vmem>>, vector<16xf32>,
          %add3A_189 = arith.constant 0 : i32
          %add3A_190 = arith.addi %add3A_189, %scan3A_186 : i32
          %get3A_191 = arith.index_cast %add3A_190 : i32 to index
          %get3A_192 = arith.constant 0 : index
          %get3A_193 = tpu.vector_load %arg10[%get3A_191, %get3A_192] {strides = array<i32>} : memref<128x128xf32, #tpu.memory_space<vmem>>, vector<16xf32>,
          %mul3A_194 = arith.mulf %get3A_188, %get3A_193 : vector<16xf32>
          %add3A_195 = arith.constant 0 : i32
          %add3A_196 = arith.addi %add3A_195, %scan3A_186 : i32
          %swap3A = arith.index_cast %add3A_196 : i32 to index
          %swap3A_197 = arith.constant 0 : index
          %swap3A_198 = tpu.vector_load %arg10[%swap3A, %swap3A_197] {strides = array<i32>} : memref<128x128xf32, #tpu.memory_space<vmem>>, vector<16xf32>,
          tpu.vector_store %arg10[%swap3A, %swap3A_197], %mul3A_194 {strides = array<i32>} : memref<128x128xf32, #tpu.memory_space<vmem>>, vector<16xf32>,
          %get3A_199 = arith.index_cast %scan3A_186 : i32 to index
          %get3A_200 = arith.constant 16 : index
          %get3A_201 = tpu.vector_load %arg12[%get3A_199, %get3A_200] {strides = array<i32>} : memref<64x128xf32, #tpu.memory_space<vmem>>, vector<16xf32>,
          %add3A_202 = arith.constant 0 : i32
          %add3A_203 = arith.addi %add3A_202, %scan3A_186 : i32
          %get3A_204 = arith.index_cast %add3A_203 : i32 to index
          %get3A_205 = arith.constant 16 : index
          %get3A_206 = tpu.vector_load %arg10[%get3A_204, %get3A_205] {strides = array<i32>} : memref<128x128xf32, #tpu.memory_space<vmem>>, vector<16xf32>,
          %mul3A_207 = arith.mulf %get3A_201, %get3A_206 : vector<16xf32>
          %add3A_208 = arith.constant 0 : i32
          %add3A_209 = arith.addi %add3A_208, %scan3A_186 : i32
          %swap3A_210 = arith.index_cast %add3A_209 : i32 to index
          %swap3A_211 = arith.constant 16 : index
          %swap3A_212 = tpu.vector_load %arg10[%swap3A_210, %swap3A_211] {strides = array<i32>} : memref<128x128xf32, #tpu.memory_space<vmem>>, vector<16xf32>,
          tpu.vector_store %arg10[%swap3A_210, %swap3A_211], %mul3A_207 {strides = array<i32>} : memref<128x128xf32, #tpu.memory_space<vmem>>, vector<16xf32>,
          %get3A_213 = arith.index_cast %scan3A_186 : i32 to index
          %get3A_214 = arith.constant 32 : index
          %get3A_215 = tpu.vector_load %arg12[%get3A_213, %get3A_214] {strides = array<i32>} : memref<64x128xf32, #tpu.memory_space<vmem>>, vector<16xf32>,
          %add3A_216 = arith.constant 0 : i32
          %add3A_217 = arith.addi %add3A_216, %scan3A_186 : i32
          %get3A_218 = arith.index_cast %add3A_217 : i32 to index
          %get3A_219 = arith.constant 32 : index
          %get3A_220 = tpu.vector_load %arg10[%get3A_218, %get3A_219] {strides = array<i32>} : memref<128x128xf32, #tpu.memory_space<vmem>>, vector<16xf32>,
          %mul3A_221 = arith.mulf %get3A_215, %get3A_220 : vector<16xf32>
          %add3A_222 = arith.constant 0 : i32
          %add3A_223 = arith.addi %add3A_222, %scan3A_186 : i32
          %swap3A_224 = arith.index_cast %add3A_223 : i32 to index
          %swap3A_225 = arith.constant 32 : index
          %swap3A_226 = tpu.vector_load %arg10[%swap3A_224, %swap3A_225] {strides = array<i32>} : memref<128x128xf32, #tpu.memory_space<vmem>>, vector<16xf32>,
          tpu.vector_store %arg10[%swap3A_224, %swap3A_225], %mul3A_221 {strides = array<i32>} : memref<128x128xf32, #tpu.memory_space<vmem>>, vector<16xf32>,
          %get3A_227 = arith.index_cast %scan3A_186 : i32 to index
          %get3A_228 = arith.constant 48 : index
          %get3A_229 = tpu.vector_load %arg12[%get3A_227, %get3A_228] {strides = array<i32>} : memref<64x128xf32, #tpu.memory_space<vmem>>, vector<16xf32>,
          %add3A_230 = arith.constant 0 : i32
          %add3A_231 = arith.addi %add3A_230, %scan3A_186 : i32
          %get3A_232 = arith.index_cast %add3A_231 : i32 to index
          %get3A_233 = arith.constant 48 : index
          %get3A_234 = tpu.vector_load %arg10[%get3A_232, %get3A_233] {strides = array<i32>} : memref<128x128xf32, #tpu.memory_space<vmem>>, vector<16xf32>,
          %mul3A_235 = arith.mulf %get3A_229, %get3A_234 : vector<16xf32>
          %add3A_236 = arith.constant 0 : i32
          %add3A_237 = arith.addi %add3A_236, %scan3A_186 : i32
          %swap3A_238 = arith.index_cast %add3A_237 : i32 to index
          %swap3A_239 = arith.constant 48 : index
          %swap3A_240 = tpu.vector_load %arg10[%swap3A_238, %swap3A_239] {strides = array<i32>} : memref<128x128xf32, #tpu.memory_space<vmem>>, vector<16xf32>,
          tpu.vector_store %arg10[%swap3A_238, %swap3A_239], %mul3A_235 {strides = array<i32>} : memref<128x128xf32, #tpu.memory_space<vmem>>, vector<16xf32>,
          %get3A_241 = arith.index_cast %scan3A_186 : i32 to index
          %get3A_242 = arith.constant 64 : index
          %get3A_243 = tpu.vector_load %arg12[%get3A_241, %get3A_242] {strides = array<i32>} : memref<64x128xf32, #tpu.memory_space<vmem>>, vector<16xf32>,
          %add3A_244 = arith.constant 0 : i32
          %add3A_245 = arith.addi %add3A_244, %scan3A_186 : i32
          %get3A_246 = arith.index_cast %add3A_245 : i32 to index
          %get3A_247 = arith.constant 64 : index
          %get3A_248 = tpu.vector_load %arg10[%get3A_246, %get3A_247] {strides = array<i32>} : memref<128x128xf32, #tpu.memory_space<vmem>>, vector<16xf32>,
          %mul3A_249 = arith.mulf %get3A_243, %get3A_248 : vector<16xf32>
          %add3A_250 = arith.constant 0 : i32
          %add3A_251 = arith.addi %add3A_250, %scan3A_186 : i32
          %swap3A_252 = arith.index_cast %add3A_251 : i32 to index
          %swap3A_253 = arith.constant 64 : index
          %swap3A_254 = tpu.vector_load %arg10[%swap3A_252, %swap3A_253] {strides = array<i32>} : memref<128x128xf32, #tpu.memory_space<vmem>>, vector<16xf32>,
          tpu.vector_store %arg10[%swap3A_252, %swap3A_253], %mul3A_249 {strides = array<i32>} : memref<128x128xf32, #tpu.memory_space<vmem>>, vector<16xf32>,
          %get3A_255 = arith.index_cast %scan3A_186 : i32 to index
          %get3A_256 = arith.constant 80 : index
          %get3A_257 = tpu.vector_load %arg12[%get3A_255, %get3A_256] {strides = array<i32>} : memref<64x128xf32, #tpu.memory_space<vmem>>, vector<16xf32>,
          %add3A_258 = arith.constant 0 : i32
          %add3A_259 = arith.addi %add3A_258, %scan3A_186 : i32
          %get3A_260 = arith.index_cast %add3A_259 : i32 to index
          %get3A_261 = arith.constant 80 : index
          %get3A_262 = tpu.vector_load %arg10[%get3A_260, %get3A_261] {strides = array<i32>} : memref<128x128xf32, #tpu.memory_space<vmem>>, vector<16xf32>,
          %mul3A_263 = arith.mulf %get3A_257, %get3A_262 : vector<16xf32>
          %add3A_264 = arith.constant 0 : i32
          %add3A_265 = arith.addi %add3A_264, %scan3A_186 : i32
          %swap3A_266 = arith.index_cast %add3A_265 : i32 to index
          %swap3A_267 = arith.constant 80 : index
          %swap3A_268 = tpu.vector_load %arg10[%swap3A_266, %swap3A_267] {strides = array<i32>} : memref<128x128xf32, #tpu.memory_space<vmem>>, vector<16xf32>,
          tpu.vector_store %arg10[%swap3A_266, %swap3A_267], %mul3A_263 {strides = array<i32>} : memref<128x128xf32, #tpu.memory_space<vmem>>, vector<16xf32>,
          %get3A_269 = arith.index_cast %scan3A_186 : i32 to index
          %get3A_270 = arith.constant 96 : index
          %get3A_271 = tpu.vector_load %arg12[%get3A_269, %get3A_270] {strides = array<i32>} : memref<64x128xf32, #tpu.memory_space<vmem>>, vector<16xf32>,
          %add3A_272 = arith.constant 0 : i32
          %add3A_273 = arith.addi %add3A_272, %scan3A_186 : i32
          %get3A_274 = arith.index_cast %add3A_273 : i32 to index
          %get3A_275 = arith.constant 96 : index
          %get3A_276 = tpu.vector_load %arg10[%get3A_274, %get3A_275] {strides = array<i32>} : memref<128x128xf32, #tpu.memory_space<vmem>>, vector<16xf32>,
          %mul3A_277 = arith.mulf %get3A_271, %get3A_276 : vector<16xf32>
          %add3A_278 = arith.constant 0 : i32
          %add3A_279 = arith.addi %add3A_278, %scan3A_186 : i32
          %swap3A_280 = arith.index_cast %add3A_279 : i32 to index
          %swap3A_281 = arith.constant 96 : index
          %swap3A_282 = tpu.vector_load %arg10[%swap3A_280, %swap3A_281] {strides = array<i32>} : memref<128x128xf32, #tpu.memory_space<vmem>>, vector<16xf32>,
          tpu.vector_store %arg10[%swap3A_280, %swap3A_281], %mul3A_277 {strides = array<i32>} : memref<128x128xf32, #tpu.memory_space<vmem>>, vector<16xf32>,
          %get3A_283 = arith.index_cast %scan3A_186 : i32 to index
          %get3A_284 = arith.constant 112 : index
          %get3A_285 = tpu.vector_load %arg12[%get3A_283, %get3A_284] {strides = array<i32>} : memref<64x128xf32, #tpu.memory_space<vmem>>, vector<16xf32>,
          %add3A_286 = arith.constant 0 : i32
          %add3A_287 = arith.addi %add3A_286, %scan3A_186 : i32
          %get3A_288 = arith.index_cast %add3A_287 : i32 to index
          %get3A_289 = arith.constant 112 : index
          %get3A_290 = tpu.vector_load %arg10[%get3A_288, %get3A_289] {strides = array<i32>} : memref<128x128xf32, #tpu.memory_space<vmem>>, vector<16xf32>,
          %mul3A_291 = arith.mulf %get3A_285, %get3A_290 : vector<16xf32>
          %add3A_292 = arith.constant 0 : i32
          %add3A_293 = arith.addi %add3A_292, %scan3A_186 : i32
          %swap3A_294 = arith.index_cast %add3A_293 : i32 to index
          %swap3A_295 = arith.constant 112 : index
          %swap3A_296 = tpu.vector_load %arg10[%swap3A_294, %swap3A_295] {strides = array<i32>} : memref<128x128xf32, #tpu.memory_space<vmem>>, vector<16xf32>,
          tpu.vector_store %arg10[%swap3A_294, %swap3A_295], %mul3A_291 {strides = array<i32>} : memref<128x128xf32, #tpu.memory_space<vmem>>, vector<16xf32>,
        }
        %scan3A_150 = arith.constant 64 : i32
        %add3A_151 = arith.constant 1 : i32
        %add3A_152 = arith.addi %add3A_93, %add3A_151 : i32
        %lt3A_153 = arith.cmpi slt, %add3A_152, %min3A_12 : i32
        %convert_element_type3A_154 = arith.extui %lt3A_153 : i1 to i32
        %cond3A_155 = arith.constant 0 : i32
        %cond3A_156 = arith.cmpi ne, %convert_element_type3A_154, %cond3A_155 : i32
        scf.if %cond3A_156 {
          %add3A_186 = arith.constant 1 : i32
          %add3A_187 = arith.addi %add3A_93, %add3A_186 : i32
          %add3A_188 = arith.addi %mul3A_10, %add3A_187 : i32
          %mul3A_189 = arith.constant 128 : i32
          %mul3A_190 = arith.muli %add3A_188, %mul3A_189 : i32
          %multiple_of3A_191 = tpu.assume_multiple %mul3A_190, 128 : i32
          %add3A_192 = arith.constant 0 : i32
          %add3A_193 = arith.addi %multiple_of3A_191, %add3A_192 : i32
          %multiple_of3A_194 = tpu.assume_multiple %add3A_193, 64 : i32
          %dma_start3A_195 = arith.constant 0 : i32
          %dma_start3A_196 = tpu.memref_slice %arg2[%multiple_of3A_194, %dma_start3A_195] : memref<160000x128xf32, #tpu.memory_space<hbm>> -> memref<64x128xf32, #tpu.memory_space<hbm>>
          %dma_start3A_197 = arith.constant 0 : i32
          %dma_start3A_198 = tpu.memref_slice %arg2[%multiple_of3A_194, %dma_start3A_197] : memref<160000x128xf32, #tpu.memory_space<hbm>> -> memref<64x128xf32, #tpu.memory_space<hbm>>
          tpu.enqueue_dma source(%dma_start3A_198 : memref<64x128xf32, #tpu.memory_space<hbm>>) target(%arg12 : memref<64x128xf32, #tpu.memory_space<vmem>>) target_semaphore(%arg17 : memref<!tpu.dma_semaphore, #tpu.memory_space<semaphore_mem>>)
        } else {
        }
        %dma_wait3A_157 = arith.constant 0 : i32
        %dma_wait3A_158 = arith.constant 0 : i32
        %dma_wait3A_159 = tpu.memref_slice %arg2[%dma_wait3A_157, %dma_wait3A_158] : memref<160000x128xf32, #tpu.memory_space<hbm>> -> memref<64x128xf32, #tpu.memory_space<hbm>>
        %dma_wait3A_160 = arith.constant 0 : i32
        %dma_wait3A_161 = arith.constant 0 : i32
        %dma_wait3A_162 = tpu.memref_slice %arg2[%dma_wait3A_160, %dma_wait3A_161] : memref<160000x128xf32, #tpu.memory_space<hbm>> -> memref<64x128xf32, #tpu.memory_space<hbm>>
        tpu.wait_dma2 semaphore(%arg18 : memref<!tpu.dma_semaphore, #tpu.memory_space<semaphore_mem>>) src(%dma_wait3A_162 : memref<64x128xf32, #tpu.memory_space<hbm>>) dst(%arg13 : memref<64x128xf32, #tpu.memory_space<vmem>>)
        %scan3A_163 = arith.constant 0 : i32
        %scan3A_164 = arith.constant 0 : i32
        %scan3A_165 = arith.constant 64 : i32
        %scan3A_166 = arith.addi %scan3A_164, %scan3A_165 : i32
        %scan3A_167 = arith.constant 1 : i32
        scf.for %scan3A_186 = %scan3A_164 to %scan3A_166 step %scan3A_167  : i32 {
          %get3A = arith.index_cast %scan3A_186 : i32 to index
          %get3A_187 = arith.constant 0 : index
          %get3A_188 = tpu.vector_load %arg13[%get3A, %get3A_187] {strides = array<i32>} : memref<64x128xf32, #tpu.memory_space<vmem>>, vector<16xf32>,
          %add3A_189 = arith.constant 64 : i32
          %add3A_190 = arith.addi %add3A_189, %scan3A_186 : i32
          %get3A_191 = arith.index_cast %add3A_190 : i32 to index
          %get3A_192 = arith.constant 0 : index
          %get3A_193 = tpu.vector_load %arg10[%get3A_191, %get3A_192] {strides = array<i32>} : memref<128x128xf32, #tpu.memory_space<vmem>>, vector<16xf32>,
          %mul3A_194 = arith.mulf %get3A_188, %get3A_193 : vector<16xf32>
          %add3A_195 = arith.constant 64 : i32
          %add3A_196 = arith.addi %add3A_195, %scan3A_186 : i32
          %swap3A = arith.index_cast %add3A_196 : i32 to index
          %swap3A_197 = arith.constant 0 : index
          %swap3A_198 = tpu.vector_load %arg10[%swap3A, %swap3A_197] {strides = array<i32>} : memref<128x128xf32, #tpu.memory_space<vmem>>, vector<16xf32>,
          tpu.vector_store %arg10[%swap3A, %swap3A_197], %mul3A_194 {strides = array<i32>} : memref<128x128xf32, #tpu.memory_space<vmem>>, vector<16xf32>,
          %get3A_199 = arith.index_cast %scan3A_186 : i32 to index
          %get3A_200 = arith.constant 16 : index
          %get3A_201 = tpu.vector_load %arg13[%get3A_199, %get3A_200] {strides = array<i32>} : memref<64x128xf32, #tpu.memory_space<vmem>>, vector<16xf32>,
          %add3A_202 = arith.constant 64 : i32
          %add3A_203 = arith.addi %add3A_202, %scan3A_186 : i32
          %get3A_204 = arith.index_cast %add3A_203 : i32 to index
          %get3A_205 = arith.constant 16 : index
          %get3A_206 = tpu.vector_load %arg10[%get3A_204, %get3A_205] {strides = array<i32>} : memref<128x128xf32, #tpu.memory_space<vmem>>, vector<16xf32>,
          %mul3A_207 = arith.mulf %get3A_201, %get3A_206 : vector<16xf32>
          %add3A_208 = arith.constant 64 : i32
          %add3A_209 = arith.addi %add3A_208, %scan3A_186 : i32
          %swap3A_210 = arith.index_cast %add3A_209 : i32 to index
          %swap3A_211 = arith.constant 16 : index
          %swap3A_212 = tpu.vector_load %arg10[%swap3A_210, %swap3A_211] {strides = array<i32>} : memref<128x128xf32, #tpu.memory_space<vmem>>, vector<16xf32>,
          tpu.vector_store %arg10[%swap3A_210, %swap3A_211], %mul3A_207 {strides = array<i32>} : memref<128x128xf32, #tpu.memory_space<vmem>>, vector<16xf32>,
          %get3A_213 = arith.index_cast %scan3A_186 : i32 to index
          %get3A_214 = arith.constant 32 : index
          %get3A_215 = tpu.vector_load %arg13[%get3A_213, %get3A_214] {strides = array<i32>} : memref<64x128xf32, #tpu.memory_space<vmem>>, vector<16xf32>,
          %add3A_216 = arith.constant 64 : i32
          %add3A_217 = arith.addi %add3A_216, %scan3A_186 : i32
          %get3A_218 = arith.index_cast %add3A_217 : i32 to index
          %get3A_219 = arith.constant 32 : index
          %get3A_220 = tpu.vector_load %arg10[%get3A_218, %get3A_219] {strides = array<i32>} : memref<128x128xf32, #tpu.memory_space<vmem>>, vector<16xf32>,
          %mul3A_221 = arith.mulf %get3A_215, %get3A_220 : vector<16xf32>
          %add3A_222 = arith.constant 64 : i32
          %add3A_223 = arith.addi %add3A_222, %scan3A_186 : i32
          %swap3A_224 = arith.index_cast %add3A_223 : i32 to index
          %swap3A_225 = arith.constant 32 : index
          %swap3A_226 = tpu.vector_load %arg10[%swap3A_224, %swap3A_225] {strides = array<i32>} : memref<128x128xf32, #tpu.memory_space<vmem>>, vector<16xf32>,
          tpu.vector_store %arg10[%swap3A_224, %swap3A_225], %mul3A_221 {strides = array<i32>} : memref<128x128xf32, #tpu.memory_space<vmem>>, vector<16xf32>,
          %get3A_227 = arith.index_cast %scan3A_186 : i32 to index
          %get3A_228 = arith.constant 48 : index
          %get3A_229 = tpu.vector_load %arg13[%get3A_227, %get3A_228] {strides = array<i32>} : memref<64x128xf32, #tpu.memory_space<vmem>>, vector<16xf32>,
          %add3A_230 = arith.constant 64 : i32
          %add3A_231 = arith.addi %add3A_230, %scan3A_186 : i32
          %get3A_232 = arith.index_cast %add3A_231 : i32 to index
          %get3A_233 = arith.constant 48 : index
          %get3A_234 = tpu.vector_load %arg10[%get3A_232, %get3A_233] {strides = array<i32>} : memref<128x128xf32, #tpu.memory_space<vmem>>, vector<16xf32>,
          %mul3A_235 = arith.mulf %get3A_229, %get3A_234 : vector<16xf32>
          %add3A_236 = arith.constant 64 : i32
          %add3A_237 = arith.addi %add3A_236, %scan3A_186 : i32
          %swap3A_238 = arith.index_cast %add3A_237 : i32 to index
          %swap3A_239 = arith.constant 48 : index
          %swap3A_240 = tpu.vector_load %arg10[%swap3A_238, %swap3A_239] {strides = array<i32>} : memref<128x128xf32, #tpu.memory_space<vmem>>, vector<16xf32>,
          tpu.vector_store %arg10[%swap3A_238, %swap3A_239], %mul3A_235 {strides = array<i32>} : memref<128x128xf32, #tpu.memory_space<vmem>>, vector<16xf32>,
          %get3A_241 = arith.index_cast %scan3A_186 : i32 to index
          %get3A_242 = arith.constant 64 : index
          %get3A_243 = tpu.vector_load %arg13[%get3A_241, %get3A_242] {strides = array<i32>} : memref<64x128xf32, #tpu.memory_space<vmem>>, vector<16xf32>,
          %add3A_244 = arith.constant 64 : i32
          %add3A_245 = arith.addi %add3A_244, %scan3A_186 : i32
          %get3A_246 = arith.index_cast %add3A_245 : i32 to index
          %get3A_247 = arith.constant 64 : index
          %get3A_248 = tpu.vector_load %arg10[%get3A_246, %get3A_247] {strides = array<i32>} : memref<128x128xf32, #tpu.memory_space<vmem>>, vector<16xf32>,
          %mul3A_249 = arith.mulf %get3A_243, %get3A_248 : vector<16xf32>
          %add3A_250 = arith.constant 64 : i32
          %add3A_251 = arith.addi %add3A_250, %scan3A_186 : i32
          %swap3A_252 = arith.index_cast %add3A_251 : i32 to index
          %swap3A_253 = arith.constant 64 : index
          %swap3A_254 = tpu.vector_load %arg10[%swap3A_252, %swap3A_253] {strides = array<i32>} : memref<128x128xf32, #tpu.memory_space<vmem>>, vector<16xf32>,
          tpu.vector_store %arg10[%swap3A_252, %swap3A_253], %mul3A_249 {strides = array<i32>} : memref<128x128xf32, #tpu.memory_space<vmem>>, vector<16xf32>,
          %get3A_255 = arith.index_cast %scan3A_186 : i32 to index
          %get3A_256 = arith.constant 80 : index
          %get3A_257 = tpu.vector_load %arg13[%get3A_255, %get3A_256] {strides = array<i32>} : memref<64x128xf32, #tpu.memory_space<vmem>>, vector<16xf32>,
          %add3A_258 = arith.constant 64 : i32
          %add3A_259 = arith.addi %add3A_258, %scan3A_186 : i32
          %get3A_260 = arith.index_cast %add3A_259 : i32 to index
          %get3A_261 = arith.constant 80 : index
          %get3A_262 = tpu.vector_load %arg10[%get3A_260, %get3A_261] {strides = array<i32>} : memref<128x128xf32, #tpu.memory_space<vmem>>, vector<16xf32>,
          %mul3A_263 = arith.mulf %get3A_257, %get3A_262 : vector<16xf32>
          %add3A_264 = arith.constant 64 : i32
          %add3A_265 = arith.addi %add3A_264, %scan3A_186 : i32
          %swap3A_266 = arith.index_cast %add3A_265 : i32 to index
          %swap3A_267 = arith.constant 80 : index
          %swap3A_268 = tpu.vector_load %arg10[%swap3A_266, %swap3A_267] {strides = array<i32>} : memref<128x128xf32, #tpu.memory_space<vmem>>, vector<16xf32>,
          tpu.vector_store %arg10[%swap3A_266, %swap3A_267], %mul3A_263 {strides = array<i32>} : memref<128x128xf32, #tpu.memory_space<vmem>>, vector<16xf32>,
          %get3A_269 = arith.index_cast %scan3A_186 : i32 to index
          %get3A_270 = arith.constant 96 : index
          %get3A_271 = tpu.vector_load %arg13[%get3A_269, %get3A_270] {strides = array<i32>} : memref<64x128xf32, #tpu.memory_space<vmem>>, vector<16xf32>,
          %add3A_272 = arith.constant 64 : i32
          %add3A_273 = arith.addi %add3A_272, %scan3A_186 : i32
          %get3A_274 = arith.index_cast %add3A_273 : i32 to index
          %get3A_275 = arith.constant 96 : index
          %get3A_276 = tpu.vector_load %arg10[%get3A_274, %get3A_275] {strides = array<i32>} : memref<128x128xf32, #tpu.memory_space<vmem>>, vector<16xf32>,
          %mul3A_277 = arith.mulf %get3A_271, %get3A_276 : vector<16xf32>
          %add3A_278 = arith.constant 64 : i32
          %add3A_279 = arith.addi %add3A_278, %scan3A_186 : i32
          %swap3A_280 = arith.index_cast %add3A_279 : i32 to index
          %swap3A_281 = arith.constant 96 : index
          %swap3A_282 = tpu.vector_load %arg10[%swap3A_280, %swap3A_281] {strides = array<i32>} : memref<128x128xf32, #tpu.memory_space<vmem>>, vector<16xf32>,
          tpu.vector_store %arg10[%swap3A_280, %swap3A_281], %mul3A_277 {strides = array<i32>} : memref<128x128xf32, #tpu.memory_space<vmem>>, vector<16xf32>,
          %get3A_283 = arith.index_cast %scan3A_186 : i32 to index
          %get3A_284 = arith.constant 112 : index
          %get3A_285 = tpu.vector_load %arg13[%get3A_283, %get3A_284] {strides = array<i32>} : memref<64x128xf32, #tpu.memory_space<vmem>>, vector<16xf32>,
          %add3A_286 = arith.constant 64 : i32
          %add3A_287 = arith.addi %add3A_286, %scan3A_186 : i32
          %get3A_288 = arith.index_cast %add3A_287 : i32 to index
          %get3A_289 = arith.constant 112 : index
          %get3A_290 = tpu.vector_load %arg10[%get3A_288, %get3A_289] {strides = array<i32>} : memref<128x128xf32, #tpu.memory_space<vmem>>, vector<16xf32>,
          %mul3A_291 = arith.mulf %get3A_285, %get3A_290 : vector<16xf32>
          %add3A_292 = arith.constant 64 : i32
          %add3A_293 = arith.addi %add3A_292, %scan3A_186 : i32
          %swap3A_294 = arith.index_cast %add3A_293 : i32 to index
          %swap3A_295 = arith.constant 112 : index
          %swap3A_296 = tpu.vector_load %arg10[%swap3A_294, %swap3A_295] {strides = array<i32>} : memref<128x128xf32, #tpu.memory_space<vmem>>, vector<16xf32>,
          tpu.vector_store %arg10[%swap3A_294, %swap3A_295], %mul3A_291 {strides = array<i32>} : memref<128x128xf32, #tpu.memory_space<vmem>>, vector<16xf32>,
        }
        %scan3A_168 = arith.constant 64 : i32
        %add3A_169 = arith.constant 1 : i32
        %add3A_170 = arith.addi %add3A_93, %add3A_169 : i32
        %lt3A_171 = arith.cmpi slt, %add3A_170, %min3A_12 : i32
        %convert_element_type3A_172 = arith.extui %lt3A_171 : i1 to i32
        %cond3A_173 = arith.constant 0 : i32
        %cond3A_174 = arith.cmpi ne, %convert_element_type3A_172, %cond3A_173 : i32
        scf.if %cond3A_174 {
          %add3A_186 = arith.constant 1 : i32
          %add3A_187 = arith.addi %add3A_93, %add3A_186 : i32
          %add3A_188 = arith.addi %mul3A_10, %add3A_187 : i32
          %mul3A_189 = arith.constant 128 : i32
          %mul3A_190 = arith.muli %add3A_188, %mul3A_189 : i32
          %multiple_of3A_191 = tpu.assume_multiple %mul3A_190, 128 : i32
          %add3A_192 = arith.constant 64 : i32
          %add3A_193 = arith.addi %multiple_of3A_191, %add3A_192 : i32
          %multiple_of3A_194 = tpu.assume_multiple %add3A_193, 64 : i32
          %dma_start3A_195 = arith.constant 0 : i32
          %dma_start3A_196 = tpu.memref_slice %arg2[%multiple_of3A_194, %dma_start3A_195] : memref<160000x128xf32, #tpu.memory_space<hbm>> -> memref<64x128xf32, #tpu.memory_space<hbm>>
          %dma_start3A_197 = arith.constant 0 : i32
          %dma_start3A_198 = tpu.memref_slice %arg2[%multiple_of3A_194, %dma_start3A_197] : memref<160000x128xf32, #tpu.memory_space<hbm>> -> memref<64x128xf32, #tpu.memory_space<hbm>>
          tpu.enqueue_dma source(%dma_start3A_198 : memref<64x128xf32, #tpu.memory_space<hbm>>) target(%arg13 : memref<64x128xf32, #tpu.memory_space<vmem>>) target_semaphore(%arg18 : memref<!tpu.dma_semaphore, #tpu.memory_space<semaphore_mem>>)
        } else {
        }
        %ge3A = arith.constant 1 : i32
        %ge3A_175 = arith.cmpi sge, %add3A_93, %ge3A : i32
        %convert_element_type3A_176 = arith.extui %ge3A_175 : i1 to i32
        %cond3A_177 = arith.constant 0 : i32
        %cond3A_178 = arith.cmpi ne, %convert_element_type3A_176, %cond3A_177 : i32
        scf.if %cond3A_178 {
          %dma_wait3A_186 = arith.constant 0 : i32
          %dma_wait3A_187 = arith.constant 0 : i32
          %dma_wait3A_188 = tpu.memref_slice %arg9[%dma_wait3A_186, %dma_wait3A_187] : memref<2x128xi32, #tpu.memory_space<vmem>> -> memref<1x128xi32, #tpu.memory_space<vmem>>
          %dma_wait3A_189 = tpu.memref_squeeze %dma_wait3A_188 : memref<1x128xi32, #tpu.memory_space<vmem>> -> memref<128xi32, #tpu.memory_space<vmem>>
          %dma_wait3A_190 = arith.constant 0 : i32
          %dma_wait3A_191 = tpu.memref_slice %arg5[%dma_wait3A_190] : memref<163840xi32, #tpu.memory_space<hbm>> -> memref<128xi32, #tpu.memory_space<hbm>>
          %dma_wait3A_192 = arith.constant 0 : i32
          %dma_wait3A_193 = tpu.memref_slice %arg9[%dma_wait3A_186, %dma_wait3A_192] : memref<2x128xi32, #tpu.memory_space<vmem>> -> memref<1x128xi32, #tpu.memory_space<vmem>>
          %dma_wait3A_194 = tpu.memref_squeeze %dma_wait3A_193 : memref<1x128xi32, #tpu.memory_space<vmem>> -> memref<128xi32, #tpu.memory_space<vmem>>
          %dma_wait3A_195 = arith.constant 0 : i32
          %dma_wait3A_196 = tpu.memref_slice %arg5[%dma_wait3A_195] : memref<163840xi32, #tpu.memory_space<hbm>> -> memref<128xi32, #tpu.memory_space<hbm>>
          tpu.wait_dma2 semaphore(%arg20 : memref<!tpu.dma_semaphore, #tpu.memory_space<semaphore_mem>>) src(%dma_wait3A_196 : memref<128xi32, #tpu.memory_space<hbm>>) dst(%dma_wait3A_194 : memref<128xi32, #tpu.memory_space<vmem>>)
        } else {
        }
        %run_scoped3A_179 = arith.constant 0 : i32
        "tpu.region"() ({
          %run_scoped3A_186 = tpu.sem_alloc : memref<!tpu.dma_semaphore, #tpu.memory_space<semaphore_mem>>
          %dma_start3A_187 = arith.constant 0 : i32
          %dma_start3A_188 = tpu.memref_slice %arg9[%run_scoped3A_179, %dma_start3A_187] : memref<2x128xi32, #tpu.memory_space<vmem>> -> memref<1x128xi32, #tpu.memory_space<vmem>>
          %dma_start3A_189 = tpu.memref_squeeze %dma_start3A_188 : memref<1x128xi32, #tpu.memory_space<vmem>> -> memref<128xi32, #tpu.memory_space<vmem>>
          %dma_start3A_190 = arith.constant 0 : i32
          %dma_start3A_191 = arith.constant 0 : i32
          %dma_start3A_192 = tpu.memref_slice %arg14[%dma_start3A_190, %dma_start3A_191] : memref<10000x128xf32, #tpu.memory_space<vmem_shared>> -> memref<10000x128xf32, #tpu.memory_space<vmem_shared>>
          tpu.enqueue_indirect_dma source(%arg10 : memref<128x128xf32, #tpu.memory_space<vmem>>) target(%dma_start3A_192 : memref<10000x128xf32, #tpu.memory_space<vmem_shared>>) offsets(%dma_start3A_189 : memref<128xi32, #tpu.memory_space<vmem>>) semaphore(%run_scoped3A_186 : memref<!tpu.dma_semaphore, #tpu.memory_space<semaphore_mem>>) {add = true}
          %dma_wait3A_193 = arith.constant 0 : i32
          %dma_wait3A_194 = tpu.memref_slice %arg9[%run_scoped3A_179, %dma_wait3A_193] : memref<2x128xi32, #tpu.memory_space<vmem>> -> memref<1x128xi32, #tpu.memory_space<vmem>>
          %dma_wait3A_195 = tpu.memref_squeeze %dma_wait3A_194 : memref<1x128xi32, #tpu.memory_space<vmem>> -> memref<128xi32, #tpu.memory_space<vmem>>
          %dma_wait3A_196 = arith.constant 0 : i32
          %dma_wait3A_197 = arith.constant 0 : i32
          %dma_wait3A_198 = tpu.memref_slice %arg14[%dma_wait3A_196, %dma_wait3A_197] : memref<10000x128xf32, #tpu.memory_space<vmem_shared>> -> memref<10000x128xf32, #tpu.memory_space<vmem_shared>>
          tpu.wait_indirect_dma semaphore(%run_scoped3A_186 : memref<!tpu.dma_semaphore, #tpu.memory_space<semaphore_mem>>) src(%arg10 : memref<128x128xf32, #tpu.memory_space<vmem>>) dst(%dma_wait3A_198 : memref<10000x128xf32, #tpu.memory_space<vmem_shared>>)
          tpu.yield
        }) : () -> ()
        %add3A_180 = arith.constant 2 : i32
        %add3A_181 = arith.addi %add3A_93, %add3A_180 : i32
        %lt3A_182 = arith.cmpi slt, %add3A_181, %min3A_12 : i32
        %convert_element_type3A_183 = arith.extui %lt3A_182 : i1 to i32
        %cond3A_184 = arith.constant 0 : i32
        %cond3A_185 = arith.cmpi ne, %convert_element_type3A_183, %cond3A_184 : i32
        scf.if %cond3A_185 {
          %ge3A_186 = arith.constant 1 : i32
          %ge3A_187 = arith.cmpi sge, %add3A_93, %ge3A_186 : i32
          %convert_element_type3A_188 = arith.extui %ge3A_187 : i1 to i32
          %cond3A_189 = arith.constant 0 : i32
          %cond3A_190 = arith.cmpi ne, %convert_element_type3A_188, %cond3A_189 : i32
          scf.if %cond3A_190 {
            %dma_wait3A_200 = arith.constant 0 : i32
            %dma_wait3A_201 = arith.constant 0 : i32
            %dma_wait3A_202 = tpu.memref_slice %arg8[%dma_wait3A_200, %dma_wait3A_201] : memref<4x128xi32, #tpu.memory_space<vmem>> -> memref<1x128xi32, #tpu.memory_space<vmem>>
            %dma_wait3A_203 = tpu.memref_squeeze %dma_wait3A_202 : memref<1x128xi32, #tpu.memory_space<vmem>> -> memref<128xi32, #tpu.memory_space<vmem>>
            %dma_wait3A_204 = arith.constant 0 : i32
            %dma_wait3A_205 = tpu.memref_slice %arg4[%dma_wait3A_204] : memref<163840xi32, #tpu.memory_space<hbm>> -> memref<128xi32, #tpu.memory_space<hbm>>
            %dma_wait3A_206 = arith.constant 0 : i32
            %dma_wait3A_207 = tpu.memref_slice %arg8[%dma_wait3A_200, %dma_wait3A_206] : memref<4x128xi32, #tpu.memory_space<vmem>> -> memref<1x128xi32, #tpu.memory_space<vmem>>
            %dma_wait3A_208 = tpu.memref_squeeze %dma_wait3A_207 : memref<1x128xi32, #tpu.memory_space<vmem>> -> memref<128xi32, #tpu.memory_space<vmem>>
            %dma_wait3A_209 = arith.constant 0 : i32
            %dma_wait3A_210 = tpu.memref_slice %arg4[%dma_wait3A_209] : memref<163840xi32, #tpu.memory_space<hbm>> -> memref<128xi32, #tpu.memory_space<hbm>>
            tpu.wait_dma2 semaphore(%arg19 : memref<!tpu.dma_semaphore, #tpu.memory_space<semaphore_mem>>) src(%dma_wait3A_210 : memref<128xi32, #tpu.memory_space<hbm>>) dst(%dma_wait3A_208 : memref<128xi32, #tpu.memory_space<vmem>>)
          } else {
          }
          %add3A_191 = arith.constant 2 : i32
          %add3A_192 = arith.addi %add3A_93, %add3A_191 : i32
          %dma_start3A_193 = arith.constant 2 : i32
          %dma_start3A_194 = arith.constant 0 : i32
          %dma_start3A_195 = tpu.memref_slice %arg8[%dma_start3A_193, %dma_start3A_194] : memref<4x128xi32, #tpu.memory_space<vmem>> -> memref<1x128xi32, #tpu.memory_space<vmem>>
          %dma_start3A_196 = tpu.memref_squeeze %dma_start3A_195 : memref<1x128xi32, #tpu.memory_space<vmem>> -> memref<128xi32, #tpu.memory_space<vmem>>
          %dma_start3A_197 = arith.constant 0 : i32
          %dma_start3A_198 = arith.constant 0 : i32
          %dma_start3A_199 = tpu.memref_slice %arg3[%dma_start3A_197, %dma_start3A_198] : memref<10000x128xf32, #tpu.memory_space<hbm>> -> memref<10000x128xf32, #tpu.memory_space<hbm>>
          tpu.enqueue_indirect_dma source(%dma_start3A_199 : memref<10000x128xf32, #tpu.memory_space<hbm>>) target(%arg10 : memref<128x128xf32, #tpu.memory_space<vmem>>) offsets(%dma_start3A_196 : memref<128xi32, #tpu.memory_space<vmem>>) semaphore(%arg15 : memref<!tpu.dma_semaphore, #tpu.memory_space<semaphore_mem>>)
        } else {
        }
      } else {
      }
      %mul3A_98 = arith.constant 4 : i32
      %mul3A_99 = arith.muli %mul3A_98, %scan3A_89 : i32
      %add3A_100 = arith.constant 1 : i32
      %add3A_101 = arith.addi %mul3A_99, %add3A_100 : i32
      %lt3A_102 = arith.cmpi slt, %add3A_101, %min3A_12 : i32
      %convert_element_type3A_103 = arith.extui %lt3A_102 : i1 to i32
      %cond3A_104 = arith.constant 0 : i32
      %cond3A_105 = arith.cmpi ne, %convert_element_type3A_103, %cond3A_104 : i32
      scf.if %cond3A_105 {
        %add3A_122 = arith.constant 3 : i32
        %add3A_123 = arith.addi %add3A_101, %add3A_122 : i32
        %lt3A_124 = arith.cmpi slt, %add3A_123, %min3A_12 : i32
        %convert_element_type3A_125 = arith.extui %lt3A_124 : i1 to i32
        %cond3A_126 = arith.constant 0 : i32
        %cond3A_127 = arith.cmpi ne, %convert_element_type3A_125, %cond3A_126 : i32
        scf.if %cond3A_127 {
          %add3A_186 = arith.constant 3 : i32
          %add3A_187 = arith.addi %add3A_101, %add3A_186 : i32
          %add3A_188 = arith.addi %mul3A_10, %add3A_187 : i32
          %mul3A_189 = arith.constant 128 : i32
          %mul3A_190 = arith.muli %add3A_188, %mul3A_189 : i32
          %multiple_of3A_191 = tpu.assume_multiple %mul3A_190, 128 : i32
          %dma_start3A_192 = arith.constant 0 : i32
          %dma_start3A_193 = arith.constant 0 : i32
          %dma_start3A_194 = tpu.memref_slice %arg8[%dma_start3A_192, %dma_start3A_193] : memref<4x128xi32, #tpu.memory_space<vmem>> -> memref<1x128xi32, #tpu.memory_space<vmem>>
          %dma_start3A_195 = tpu.memref_squeeze %dma_start3A_194 : memref<1x128xi32, #tpu.memory_space<vmem>> -> memref<128xi32, #tpu.memory_space<vmem>>
          %dma_start3A_196 = tpu.memref_slice %arg4[%multiple_of3A_191] : memref<163840xi32, #tpu.memory_space<hbm>> -> memref<128xi32, #tpu.memory_space<hbm>>
          %dma_start3A_197 = arith.constant 0 : i32
          %dma_start3A_198 = tpu.memref_slice %arg8[%dma_start3A_192, %dma_start3A_197] : memref<4x128xi32, #tpu.memory_space<vmem>> -> memref<1x128xi32, #tpu.memory_space<vmem>>
          %dma_start3A_199 = tpu.memref_squeeze %dma_start3A_198 : memref<1x128xi32, #tpu.memory_space<vmem>> -> memref<128xi32, #tpu.memory_space<vmem>>
          %dma_start3A_200 = tpu.memref_slice %arg4[%multiple_of3A_191] : memref<163840xi32, #tpu.memory_space<hbm>> -> memref<128xi32, #tpu.memory_space<hbm>>
          tpu.enqueue_dma source(%dma_start3A_200 : memref<128xi32, #tpu.memory_space<hbm>>) target(%dma_start3A_199 : memref<128xi32, #tpu.memory_space<vmem>>) target_semaphore(%arg19 : memref<!tpu.dma_semaphore, #tpu.memory_space<semaphore_mem>>)
        } else {
        }
        %add3A_128 = arith.constant 1 : i32
        %add3A_129 = arith.addi %add3A_101, %add3A_128 : i32
        %lt3A_130 = arith.cmpi slt, %add3A_129, %min3A_12 : i32
        %convert_element_type3A_131 = arith.extui %lt3A_130 : i1 to i32
        %cond3A_132 = arith.constant 0 : i32
        %cond3A_133 = arith.cmpi ne, %convert_element_type3A_131, %cond3A_132 : i32
        scf.if %cond3A_133 {
          %add3A_186 = arith.constant 1 : i32
          %add3A_187 = arith.addi %add3A_101, %add3A_186 : i32
          %add3A_188 = arith.addi %mul3A_10, %add3A_187 : i32
          %mul3A_189 = arith.constant 128 : i32
          %mul3A_190 = arith.muli %add3A_188, %mul3A_189 : i32
          %multiple_of3A_191 = tpu.assume_multiple %mul3A_190, 128 : i32
          %dma_start3A_192 = arith.constant 0 : i32
          %dma_start3A_193 = arith.constant 0 : i32
          %dma_start3A_194 = tpu.memref_slice %arg9[%dma_start3A_192, %dma_start3A_193] : memref<2x128xi32, #tpu.memory_space<vmem>> -> memref<1x128xi32, #tpu.memory_space<vmem>>
          %dma_start3A_195 = tpu.memref_squeeze %dma_start3A_194 : memref<1x128xi32, #tpu.memory_space<vmem>> -> memref<128xi32, #tpu.memory_space<vmem>>
          %dma_start3A_196 = tpu.memref_slice %arg5[%multiple_of3A_191] : memref<163840xi32, #tpu.memory_space<hbm>> -> memref<128xi32, #tpu.memory_space<hbm>>
          %dma_start3A_197 = arith.constant 0 : i32
          %dma_start3A_198 = tpu.memref_slice %arg9[%dma_start3A_192, %dma_start3A_197] : memref<2x128xi32, #tpu.memory_space<vmem>> -> memref<1x128xi32, #tpu.memory_space<vmem>>
          %dma_start3A_199 = tpu.memref_squeeze %dma_start3A_198 : memref<1x128xi32, #tpu.memory_space<vmem>> -> memref<128xi32, #tpu.memory_space<vmem>>
          %dma_start3A_200 = tpu.memref_slice %arg5[%multiple_of3A_191] : memref<163840xi32, #tpu.memory_space<hbm>> -> memref<128xi32, #tpu.memory_space<hbm>>
          tpu.enqueue_dma source(%dma_start3A_200 : memref<128xi32, #tpu.memory_space<hbm>>) target(%dma_start3A_199 : memref<128xi32, #tpu.memory_space<vmem>>) target_semaphore(%arg20 : memref<!tpu.dma_semaphore, #tpu.memory_space<semaphore_mem>>)
        } else {
        }
        %dma_wait3A = arith.constant 0 : i32
        %dma_wait3A_134 = arith.constant 0 : i32
        %dma_wait3A_135 = tpu.memref_slice %arg3[%dma_wait3A, %dma_wait3A_134] : memref<10000x128xf32, #tpu.memory_space<hbm>> -> memref<128x128xf32, #tpu.memory_space<hbm>>
        %dma_wait3A_136 = arith.constant 0 : i32
        %dma_wait3A_137 = arith.constant 0 : i32
        %dma_wait3A_138 = tpu.memref_slice %arg3[%dma_wait3A_136, %dma_wait3A_137] : memref<10000x128xf32, #tpu.memory_space<hbm>> -> memref<128x128xf32, #tpu.memory_space<hbm>>
        tpu.wait_dma2 semaphore(%arg16 : memref<!tpu.dma_semaphore, #tpu.memory_space<semaphore_mem>>) src(%dma_wait3A_138 : memref<128x128xf32, #tpu.memory_space<hbm>>) dst(%arg11 : memref<128x128xf32, #tpu.memory_space<vmem>>)
        %dma_wait3A_139 = arith.constant 0 : i32
        %dma_wait3A_140 = arith.constant 0 : i32
        %dma_wait3A_141 = tpu.memref_slice %arg2[%dma_wait3A_139, %dma_wait3A_140] : memref<160000x128xf32, #tpu.memory_space<hbm>> -> memref<64x128xf32, #tpu.memory_space<hbm>>
        %dma_wait3A_142 = arith.constant 0 : i32
        %dma_wait3A_143 = arith.constant 0 : i32
        %dma_wait3A_144 = tpu.memref_slice %arg2[%dma_wait3A_142, %dma_wait3A_143] : memref<160000x128xf32, #tpu.memory_space<hbm>> -> memref<64x128xf32, #tpu.memory_space<hbm>>
        tpu.wait_dma2 semaphore(%arg17 : memref<!tpu.dma_semaphore, #tpu.memory_space<semaphore_mem>>) src(%dma_wait3A_144 : memref<64x128xf32, #tpu.memory_space<hbm>>) dst(%arg12 : memref<64x128xf32, #tpu.memory_space<vmem>>)
        %scan3A_145 = arith.constant 0 : i32
        %scan3A_146 = arith.constant 0 : i32
        %scan3A_147 = arith.constant 64 : i32
        %scan3A_148 = arith.addi %scan3A_146, %scan3A_147 : i32
        %scan3A_149 = arith.constant 1 : i32
        scf.for %scan3A_186 = %scan3A_146 to %scan3A_148 step %scan3A_149  : i32 {
          %get3A = arith.index_cast %scan3A_186 : i32 to index
          %get3A_187 = arith.constant 0 : index
          %get3A_188 = tpu.vector_load %arg12[%get3A, %get3A_187] {strides = array<i32>} : memref<64x128xf32, #tpu.memory_space<vmem>>, vector<16xf32>,
          %add3A_189 = arith.constant 0 : i32
          %add3A_190 = arith.addi %add3A_189, %scan3A_186 : i32
          %get3A_191 = arith.index_cast %add3A_190 : i32 to index
          %get3A_192 = arith.constant 0 : index
          %get3A_193 = tpu.vector_load %arg11[%get3A_191, %get3A_192] {strides = array<i32>} : memref<128x128xf32, #tpu.memory_space<vmem>>, vector<16xf32>,
          %mul3A_194 = arith.mulf %get3A_188, %get3A_193 : vector<16xf32>
          %add3A_195 = arith.constant 0 : i32
          %add3A_196 = arith.addi %add3A_195, %scan3A_186 : i32
          %swap3A = arith.index_cast %add3A_196 : i32 to index
          %swap3A_197 = arith.constant 0 : index
          %swap3A_198 = tpu.vector_load %arg11[%swap3A, %swap3A_197] {strides = array<i32>} : memref<128x128xf32, #tpu.memory_space<vmem>>, vector<16xf32>,
          tpu.vector_store %arg11[%swap3A, %swap3A_197], %mul3A_194 {strides = array<i32>} : memref<128x128xf32, #tpu.memory_space<vmem>>, vector<16xf32>,
          %get3A_199 = arith.index_cast %scan3A_186 : i32 to index
          %get3A_200 = arith.constant 16 : index
          %get3A_201 = tpu.vector_load %arg12[%get3A_199, %get3A_200] {strides = array<i32>} : memref<64x128xf32, #tpu.memory_space<vmem>>, vector<16xf32>,
          %add3A_202 = arith.constant 0 : i32
          %add3A_203 = arith.addi %add3A_202, %scan3A_186 : i32
          %get3A_204 = arith.index_cast %add3A_203 : i32 to index
          %get3A_205 = arith.constant 16 : index
          %get3A_206 = tpu.vector_load %arg11[%get3A_204, %get3A_205] {strides = array<i32>} : memref<128x128xf32, #tpu.memory_space<vmem>>, vector<16xf32>,
          %mul3A_207 = arith.mulf %get3A_201, %get3A_206 : vector<16xf32>
          %add3A_208 = arith.constant 0 : i32
          %add3A_209 = arith.addi %add3A_208, %scan3A_186 : i32
          %swap3A_210 = arith.index_cast %add3A_209 : i32 to index
          %swap3A_211 = arith.constant 16 : index
          %swap3A_212 = tpu.vector_load %arg11[%swap3A_210, %swap3A_211] {strides = array<i32>} : memref<128x128xf32, #tpu.memory_space<vmem>>, vector<16xf32>,
          tpu.vector_store %arg11[%swap3A_210, %swap3A_211], %mul3A_207 {strides = array<i32>} : memref<128x128xf32, #tpu.memory_space<vmem>>, vector<16xf32>,
          %get3A_213 = arith.index_cast %scan3A_186 : i32 to index
          %get3A_214 = arith.constant 32 : index
          %get3A_215 = tpu.vector_load %arg12[%get3A_213, %get3A_214] {strides = array<i32>} : memref<64x128xf32, #tpu.memory_space<vmem>>, vector<16xf32>,
          %add3A_216 = arith.constant 0 : i32
          %add3A_217 = arith.addi %add3A_216, %scan3A_186 : i32
          %get3A_218 = arith.index_cast %add3A_217 : i32 to index
          %get3A_219 = arith.constant 32 : index
          %get3A_220 = tpu.vector_load %arg11[%get3A_218, %get3A_219] {strides = array<i32>} : memref<128x128xf32, #tpu.memory_space<vmem>>, vector<16xf32>,
          %mul3A_221 = arith.mulf %get3A_215, %get3A_220 : vector<16xf32>
          %add3A_222 = arith.constant 0 : i32
          %add3A_223 = arith.addi %add3A_222, %scan3A_186 : i32
          %swap3A_224 = arith.index_cast %add3A_223 : i32 to index
          %swap3A_225 = arith.constant 32 : index
          %swap3A_226 = tpu.vector_load %arg11[%swap3A_224, %swap3A_225] {strides = array<i32>} : memref<128x128xf32, #tpu.memory_space<vmem>>, vector<16xf32>,
          tpu.vector_store %arg11[%swap3A_224, %swap3A_225], %mul3A_221 {strides = array<i32>} : memref<128x128xf32, #tpu.memory_space<vmem>>, vector<16xf32>,
          %get3A_227 = arith.index_cast %scan3A_186 : i32 to index
          %get3A_228 = arith.constant 48 : index
          %get3A_229 = tpu.vector_load %arg12[%get3A_227, %get3A_228] {strides = array<i32>} : memref<64x128xf32, #tpu.memory_space<vmem>>, vector<16xf32>,
          %add3A_230 = arith.constant 0 : i32
          %add3A_231 = arith.addi %add3A_230, %scan3A_186 : i32
          %get3A_232 = arith.index_cast %add3A_231 : i32 to index
          %get3A_233 = arith.constant 48 : index
          %get3A_234 = tpu.vector_load %arg11[%get3A_232, %get3A_233] {strides = array<i32>} : memref<128x128xf32, #tpu.memory_space<vmem>>, vector<16xf32>,
          %mul3A_235 = arith.mulf %get3A_229, %get3A_234 : vector<16xf32>
          %add3A_236 = arith.constant 0 : i32
          %add3A_237 = arith.addi %add3A_236, %scan3A_186 : i32
          %swap3A_238 = arith.index_cast %add3A_237 : i32 to index
          %swap3A_239 = arith.constant 48 : index
          %swap3A_240 = tpu.vector_load %arg11[%swap3A_238, %swap3A_239] {strides = array<i32>} : memref<128x128xf32, #tpu.memory_space<vmem>>, vector<16xf32>,
          tpu.vector_store %arg11[%swap3A_238, %swap3A_239], %mul3A_235 {strides = array<i32>} : memref<128x128xf32, #tpu.memory_space<vmem>>, vector<16xf32>,
          %get3A_241 = arith.index_cast %scan3A_186 : i32 to index
          %get3A_242 = arith.constant 64 : index
          %get3A_243 = tpu.vector_load %arg12[%get3A_241, %get3A_242] {strides = array<i32>} : memref<64x128xf32, #tpu.memory_space<vmem>>, vector<16xf32>,
          %add3A_244 = arith.constant 0 : i32
          %add3A_245 = arith.addi %add3A_244, %scan3A_186 : i32
          %get3A_246 = arith.index_cast %add3A_245 : i32 to index
          %get3A_247 = arith.constant 64 : index
          %get3A_248 = tpu.vector_load %arg11[%get3A_246, %get3A_247] {strides = array<i32>} : memref<128x128xf32, #tpu.memory_space<vmem>>, vector<16xf32>,
          %mul3A_249 = arith.mulf %get3A_243, %get3A_248 : vector<16xf32>
          %add3A_250 = arith.constant 0 : i32
          %add3A_251 = arith.addi %add3A_250, %scan3A_186 : i32
          %swap3A_252 = arith.index_cast %add3A_251 : i32 to index
          %swap3A_253 = arith.constant 64 : index
          %swap3A_254 = tpu.vector_load %arg11[%swap3A_252, %swap3A_253] {strides = array<i32>} : memref<128x128xf32, #tpu.memory_space<vmem>>, vector<16xf32>,
          tpu.vector_store %arg11[%swap3A_252, %swap3A_253], %mul3A_249 {strides = array<i32>} : memref<128x128xf32, #tpu.memory_space<vmem>>, vector<16xf32>,
          %get3A_255 = arith.index_cast %scan3A_186 : i32 to index
          %get3A_256 = arith.constant 80 : index
          %get3A_257 = tpu.vector_load %arg12[%get3A_255, %get3A_256] {strides = array<i32>} : memref<64x128xf32, #tpu.memory_space<vmem>>, vector<16xf32>,
          %add3A_258 = arith.constant 0 : i32
          %add3A_259 = arith.addi %add3A_258, %scan3A_186 : i32
          %get3A_260 = arith.index_cast %add3A_259 : i32 to index
          %get3A_261 = arith.constant 80 : index
          %get3A_262 = tpu.vector_load %arg11[%get3A_260, %get3A_261] {strides = array<i32>} : memref<128x128xf32, #tpu.memory_space<vmem>>, vector<16xf32>,
          %mul3A_263 = arith.mulf %get3A_257, %get3A_262 : vector<16xf32>
          %add3A_264 = arith.constant 0 : i32
          %add3A_265 = arith.addi %add3A_264, %scan3A_186 : i32
          %swap3A_266 = arith.index_cast %add3A_265 : i32 to index
          %swap3A_267 = arith.constant 80 : index
          %swap3A_268 = tpu.vector_load %arg11[%swap3A_266, %swap3A_267] {strides = array<i32>} : memref<128x128xf32, #tpu.memory_space<vmem>>, vector<16xf32>,
          tpu.vector_store %arg11[%swap3A_266, %swap3A_267], %mul3A_263 {strides = array<i32>} : memref<128x128xf32, #tpu.memory_space<vmem>>, vector<16xf32>,
          %get3A_269 = arith.index_cast %scan3A_186 : i32 to index
          %get3A_270 = arith.constant 96 : index
          %get3A_271 = tpu.vector_load %arg12[%get3A_269, %get3A_270] {strides = array<i32>} : memref<64x128xf32, #tpu.memory_space<vmem>>, vector<16xf32>,
          %add3A_272 = arith.constant 0 : i32
          %add3A_273 = arith.addi %add3A_272, %scan3A_186 : i32
          %get3A_274 = arith.index_cast %add3A_273 : i32 to index
          %get3A_275 = arith.constant 96 : index
          %get3A_276 = tpu.vector_load %arg11[%get3A_274, %get3A_275] {strides = array<i32>} : memref<128x128xf32, #tpu.memory_space<vmem>>, vector<16xf32>,
          %mul3A_277 = arith.mulf %get3A_271, %get3A_276 : vector<16xf32>
          %add3A_278 = arith.constant 0 : i32
          %add3A_279 = arith.addi %add3A_278, %scan3A_186 : i32
          %swap3A_280 = arith.index_cast %add3A_279 : i32 to index
          %swap3A_281 = arith.constant 96 : index
          %swap3A_282 = tpu.vector_load %arg11[%swap3A_280, %swap3A_281] {strides = array<i32>} : memref<128x128xf32, #tpu.memory_space<vmem>>, vector<16xf32>,
          tpu.vector_store %arg11[%swap3A_280, %swap3A_281], %mul3A_277 {strides = array<i32>} : memref<128x128xf32, #tpu.memory_space<vmem>>, vector<16xf32>,
          %get3A_283 = arith.index_cast %scan3A_186 : i32 to index
          %get3A_284 = arith.constant 112 : index
          %get3A_285 = tpu.vector_load %arg12[%get3A_283, %get3A_284] {strides = array<i32>} : memref<64x128xf32, #tpu.memory_space<vmem>>, vector<16xf32>,
          %add3A_286 = arith.constant 0 : i32
          %add3A_287 = arith.addi %add3A_286, %scan3A_186 : i32
          %get3A_288 = arith.index_cast %add3A_287 : i32 to index
          %get3A_289 = arith.constant 112 : index
          %get3A_290 = tpu.vector_load %arg11[%get3A_288, %get3A_289] {strides = array<i32>} : memref<128x128xf32, #tpu.memory_space<vmem>>, vector<16xf32>,
          %mul3A_291 = arith.mulf %get3A_285, %get3A_290 : vector<16xf32>
          %add3A_292 = arith.constant 0 : i32
          %add3A_293 = arith.addi %add3A_292, %scan3A_186 : i32
          %swap3A_294 = arith.index_cast %add3A_293 : i32 to index
          %swap3A_295 = arith.constant 112 : index
          %swap3A_296 = tpu.vector_load %arg11[%swap3A_294, %swap3A_295] {strides = array<i32>} : memref<128x128xf32, #tpu.memory_space<vmem>>, vector<16xf32>,
          tpu.vector_store %arg11[%swap3A_294, %swap3A_295], %mul3A_291 {strides = array<i32>} : memref<128x128xf32, #tpu.memory_space<vmem>>, vector<16xf32>,
        }
        %scan3A_150 = arith.constant 64 : i32
        %add3A_151 = arith.constant 1 : i32
        %add3A_152 = arith.addi %add3A_101, %add3A_151 : i32
        %lt3A_153 = arith.cmpi slt, %add3A_152, %min3A_12 : i32
        %convert_element_type3A_154 = arith.extui %lt3A_153 : i1 to i32
        %cond3A_155 = arith.constant 0 : i32
        %cond3A_156 = arith.cmpi ne, %convert_element_type3A_154, %cond3A_155 : i32
        scf.if %cond3A_156 {
          %add3A_186 = arith.constant 1 : i32
          %add3A_187 = arith.addi %add3A_101, %add3A_186 : i32
          %add3A_188 = arith.addi %mul3A_10, %add3A_187 : i32
          %mul3A_189 = arith.constant 128 : i32
          %mul3A_190 = arith.muli %add3A_188, %mul3A_189 : i32
          %multiple_of3A_191 = tpu.assume_multiple %mul3A_190, 128 : i32
          %add3A_192 = arith.constant 0 : i32
          %add3A_193 = arith.addi %multiple_of3A_191, %add3A_192 : i32
          %multiple_of3A_194 = tpu.assume_multiple %add3A_193, 64 : i32
          %dma_start3A_195 = arith.constant 0 : i32
          %dma_start3A_196 = tpu.memref_slice %arg2[%multiple_of3A_194, %dma_start3A_195] : memref<160000x128xf32, #tpu.memory_space<hbm>> -> memref<64x128xf32, #tpu.memory_space<hbm>>
          %dma_start3A_197 = arith.constant 0 : i32
          %dma_start3A_198 = tpu.memref_slice %arg2[%multiple_of3A_194, %dma_start3A_197] : memref<160000x128xf32, #tpu.memory_space<hbm>> -> memref<64x128xf32, #tpu.memory_space<hbm>>
          tpu.enqueue_dma source(%dma_start3A_198 : memref<64x128xf32, #tpu.memory_space<hbm>>) target(%arg12 : memref<64x128xf32, #tpu.memory_space<vmem>>) target_semaphore(%arg17 : memref<!tpu.dma_semaphore, #tpu.memory_space<semaphore_mem>>)
        } else {
        }
        %dma_wait3A_157 = arith.constant 0 : i32
        %dma_wait3A_158 = arith.constant 0 : i32
        %dma_wait3A_159 = tpu.memref_slice %arg2[%dma_wait3A_157, %dma_wait3A_158] : memref<160000x128xf32, #tpu.memory_space<hbm>> -> memref<64x128xf32, #tpu.memory_space<hbm>>
        %dma_wait3A_160 = arith.constant 0 : i32
        %dma_wait3A_161 = arith.constant 0 : i32
        %dma_wait3A_162 = tpu.memref_slice %arg2[%dma_wait3A_160, %dma_wait3A_161] : memref<160000x128xf32, #tpu.memory_space<hbm>> -> memref<64x128xf32, #tpu.memory_space<hbm>>
        tpu.wait_dma2 semaphore(%arg18 : memref<!tpu.dma_semaphore, #tpu.memory_space<semaphore_mem>>) src(%dma_wait3A_162 : memref<64x128xf32, #tpu.memory_space<hbm>>) dst(%arg13 : memref<64x128xf32, #tpu.memory_space<vmem>>)
        %scan3A_163 = arith.constant 0 : i32
        %scan3A_164 = arith.constant 0 : i32
        %scan3A_165 = arith.constant 64 : i32
        %scan3A_166 = arith.addi %scan3A_164, %scan3A_165 : i32
        %scan3A_167 = arith.constant 1 : i32
        scf.for %scan3A_186 = %scan3A_164 to %scan3A_166 step %scan3A_167  : i32 {
          %get3A = arith.index_cast %scan3A_186 : i32 to index
          %get3A_187 = arith.constant 0 : index
          %get3A_188 = tpu.vector_load %arg13[%get3A, %get3A_187] {strides = array<i32>} : memref<64x128xf32, #tpu.memory_space<vmem>>, vector<16xf32>,
          %add3A_189 = arith.constant 64 : i32
          %add3A_190 = arith.addi %add3A_189, %scan3A_186 : i32
          %get3A_191 = arith.index_cast %add3A_190 : i32 to index
          %get3A_192 = arith.constant 0 : index
          %get3A_193 = tpu.vector_load %arg11[%get3A_191, %get3A_192] {strides = array<i32>} : memref<128x128xf32, #tpu.memory_space<vmem>>, vector<16xf32>,
          %mul3A_194 = arith.mulf %get3A_188, %get3A_193 : vector<16xf32>
          %add3A_195 = arith.constant 64 : i32
          %add3A_196 = arith.addi %add3A_195, %scan3A_186 : i32
          %swap3A = arith.index_cast %add3A_196 : i32 to index
          %swap3A_197 = arith.constant 0 : index
          %swap3A_198 = tpu.vector_load %arg11[%swap3A, %swap3A_197] {strides = array<i32>} : memref<128x128xf32, #tpu.memory_space<vmem>>, vector<16xf32>,
          tpu.vector_store %arg11[%swap3A, %swap3A_197], %mul3A_194 {strides = array<i32>} : memref<128x128xf32, #tpu.memory_space<vmem>>, vector<16xf32>,
          %get3A_199 = arith.index_cast %scan3A_186 : i32 to index
          %get3A_200 = arith.constant 16 : index
          %get3A_201 = tpu.vector_load %arg13[%get3A_199, %get3A_200] {strides = array<i32>} : memref<64x128xf32, #tpu.memory_space<vmem>>, vector<16xf32>,
          %add3A_202 = arith.constant 64 : i32
          %add3A_203 = arith.addi %add3A_202, %scan3A_186 : i32
          %get3A_204 = arith.index_cast %add3A_203 : i32 to index
          %get3A_205 = arith.constant 16 : index
          %get3A_206 = tpu.vector_load %arg11[%get3A_204, %get3A_205] {strides = array<i32>} : memref<128x128xf32, #tpu.memory_space<vmem>>, vector<16xf32>,
          %mul3A_207 = arith.mulf %get3A_201, %get3A_206 : vector<16xf32>
          %add3A_208 = arith.constant 64 : i32
          %add3A_209 = arith.addi %add3A_208, %scan3A_186 : i32
          %swap3A_210 = arith.index_cast %add3A_209 : i32 to index
          %swap3A_211 = arith.constant 16 : index
          %swap3A_212 = tpu.vector_load %arg11[%swap3A_210, %swap3A_211] {strides = array<i32>} : memref<128x128xf32, #tpu.memory_space<vmem>>, vector<16xf32>,
          tpu.vector_store %arg11[%swap3A_210, %swap3A_211], %mul3A_207 {strides = array<i32>} : memref<128x128xf32, #tpu.memory_space<vmem>>, vector<16xf32>,
          %get3A_213 = arith.index_cast %scan3A_186 : i32 to index
          %get3A_214 = arith.constant 32 : index
          %get3A_215 = tpu.vector_load %arg13[%get3A_213, %get3A_214] {strides = array<i32>} : memref<64x128xf32, #tpu.memory_space<vmem>>, vector<16xf32>,
          %add3A_216 = arith.constant 64 : i32
          %add3A_217 = arith.addi %add3A_216, %scan3A_186 : i32
          %get3A_218 = arith.index_cast %add3A_217 : i32 to index
          %get3A_219 = arith.constant 32 : index
          %get3A_220 = tpu.vector_load %arg11[%get3A_218, %get3A_219] {strides = array<i32>} : memref<128x128xf32, #tpu.memory_space<vmem>>, vector<16xf32>,
          %mul3A_221 = arith.mulf %get3A_215, %get3A_220 : vector<16xf32>
          %add3A_222 = arith.constant 64 : i32
          %add3A_223 = arith.addi %add3A_222, %scan3A_186 : i32
          %swap3A_224 = arith.index_cast %add3A_223 : i32 to index
          %swap3A_225 = arith.constant 32 : index
          %swap3A_226 = tpu.vector_load %arg11[%swap3A_224, %swap3A_225] {strides = array<i32>} : memref<128x128xf32, #tpu.memory_space<vmem>>, vector<16xf32>,
          tpu.vector_store %arg11[%swap3A_224, %swap3A_225], %mul3A_221 {strides = array<i32>} : memref<128x128xf32, #tpu.memory_space<vmem>>, vector<16xf32>,
          %get3A_227 = arith.index_cast %scan3A_186 : i32 to index
          %get3A_228 = arith.constant 48 : index
          %get3A_229 = tpu.vector_load %arg13[%get3A_227, %get3A_228] {strides = array<i32>} : memref<64x128xf32, #tpu.memory_space<vmem>>, vector<16xf32>,
          %add3A_230 = arith.constant 64 : i32
          %add3A_231 = arith.addi %add3A_230, %scan3A_186 : i32
          %get3A_232 = arith.index_cast %add3A_231 : i32 to index
          %get3A_233 = arith.constant 48 : index
          %get3A_234 = tpu.vector_load %arg11[%get3A_232, %get3A_233] {strides = array<i32>} : memref<128x128xf32, #tpu.memory_space<vmem>>, vector<16xf32>,
          %mul3A_235 = arith.mulf %get3A_229, %get3A_234 : vector<16xf32>
          %add3A_236 = arith.constant 64 : i32
          %add3A_237 = arith.addi %add3A_236, %scan3A_186 : i32
          %swap3A_238 = arith.index_cast %add3A_237 : i32 to index
          %swap3A_239 = arith.constant 48 : index
          %swap3A_240 = tpu.vector_load %arg11[%swap3A_238, %swap3A_239] {strides = array<i32>} : memref<128x128xf32, #tpu.memory_space<vmem>>, vector<16xf32>,
          tpu.vector_store %arg11[%swap3A_238, %swap3A_239], %mul3A_235 {strides = array<i32>} : memref<128x128xf32, #tpu.memory_space<vmem>>, vector<16xf32>,
          %get3A_241 = arith.index_cast %scan3A_186 : i32 to index
          %get3A_242 = arith.constant 64 : index
          %get3A_243 = tpu.vector_load %arg13[%get3A_241, %get3A_242] {strides = array<i32>} : memref<64x128xf32, #tpu.memory_space<vmem>>, vector<16xf32>,
          %add3A_244 = arith.constant 64 : i32
          %add3A_245 = arith.addi %add3A_244, %scan3A_186 : i32
          %get3A_246 = arith.index_cast %add3A_245 : i32 to index
          %get3A_247 = arith.constant 64 : index
          %get3A_248 = tpu.vector_load %arg11[%get3A_246, %get3A_247] {strides = array<i32>} : memref<128x128xf32, #tpu.memory_space<vmem>>, vector<16xf32>,
          %mul3A_249 = arith.mulf %get3A_243, %get3A_248 : vector<16xf32>
          %add3A_250 = arith.constant 64 : i32
          %add3A_251 = arith.addi %add3A_250, %scan3A_186 : i32
          %swap3A_252 = arith.index_cast %add3A_251 : i32 to index
          %swap3A_253 = arith.constant 64 : index
          %swap3A_254 = tpu.vector_load %arg11[%swap3A_252, %swap3A_253] {strides = array<i32>} : memref<128x128xf32, #tpu.memory_space<vmem>>, vector<16xf32>,
          tpu.vector_store %arg11[%swap3A_252, %swap3A_253], %mul3A_249 {strides = array<i32>} : memref<128x128xf32, #tpu.memory_space<vmem>>, vector<16xf32>,
          %get3A_255 = arith.index_cast %scan3A_186 : i32 to index
          %get3A_256 = arith.constant 80 : index
          %get3A_257 = tpu.vector_load %arg13[%get3A_255, %get3A_256] {strides = array<i32>} : memref<64x128xf32, #tpu.memory_space<vmem>>, vector<16xf32>,
          %add3A_258 = arith.constant 64 : i32
          %add3A_259 = arith.addi %add3A_258, %scan3A_186 : i32
          %get3A_260 = arith.index_cast %add3A_259 : i32 to index
          %get3A_261 = arith.constant 80 : index
          %get3A_262 = tpu.vector_load %arg11[%get3A_260, %get3A_261] {strides = array<i32>} : memref<128x128xf32, #tpu.memory_space<vmem>>, vector<16xf32>,
          %mul3A_263 = arith.mulf %get3A_257, %get3A_262 : vector<16xf32>
          %add3A_264 = arith.constant 64 : i32
          %add3A_265 = arith.addi %add3A_264, %scan3A_186 : i32
          %swap3A_266 = arith.index_cast %add3A_265 : i32 to index
          %swap3A_267 = arith.constant 80 : index
          %swap3A_268 = tpu.vector_load %arg11[%swap3A_266, %swap3A_267] {strides = array<i32>} : memref<128x128xf32, #tpu.memory_space<vmem>>, vector<16xf32>,
          tpu.vector_store %arg11[%swap3A_266, %swap3A_267], %mul3A_263 {strides = array<i32>} : memref<128x128xf32, #tpu.memory_space<vmem>>, vector<16xf32>,
          %get3A_269 = arith.index_cast %scan3A_186 : i32 to index
          %get3A_270 = arith.constant 96 : index
          %get3A_271 = tpu.vector_load %arg13[%get3A_269, %get3A_270] {strides = array<i32>} : memref<64x128xf32, #tpu.memory_space<vmem>>, vector<16xf32>,
          %add3A_272 = arith.constant 64 : i32
          %add3A_273 = arith.addi %add3A_272, %scan3A_186 : i32
          %get3A_274 = arith.index_cast %add3A_273 : i32 to index
          %get3A_275 = arith.constant 96 : index
          %get3A_276 = tpu.vector_load %arg11[%get3A_274, %get3A_275] {strides = array<i32>} : memref<128x128xf32, #tpu.memory_space<vmem>>, vector<16xf32>,
          %mul3A_277 = arith.mulf %get3A_271, %get3A_276 : vector<16xf32>
          %add3A_278 = arith.constant 64 : i32
          %add3A_279 = arith.addi %add3A_278, %scan3A_186 : i32
          %swap3A_280 = arith.index_cast %add3A_279 : i32 to index
          %swap3A_281 = arith.constant 96 : index
          %swap3A_282 = tpu.vector_load %arg11[%swap3A_280, %swap3A_281] {strides = array<i32>} : memref<128x128xf32, #tpu.memory_space<vmem>>, vector<16xf32>,
          tpu.vector_store %arg11[%swap3A_280, %swap3A_281], %mul3A_277 {strides = array<i32>} : memref<128x128xf32, #tpu.memory_space<vmem>>, vector<16xf32>,
          %get3A_283 = arith.index_cast %scan3A_186 : i32 to index
          %get3A_284 = arith.constant 112 : index
          %get3A_285 = tpu.vector_load %arg13[%get3A_283, %get3A_284] {strides = array<i32>} : memref<64x128xf32, #tpu.memory_space<vmem>>, vector<16xf32>,
          %add3A_286 = arith.constant 64 : i32
          %add3A_287 = arith.addi %add3A_286, %scan3A_186 : i32
          %get3A_288 = arith.index_cast %add3A_287 : i32 to index
          %get3A_289 = arith.constant 112 : index
          %get3A_290 = tpu.vector_load %arg11[%get3A_288, %get3A_289] {strides = array<i32>} : memref<128x128xf32, #tpu.memory_space<vmem>>, vector<16xf32>,
          %mul3A_291 = arith.mulf %get3A_285, %get3A_290 : vector<16xf32>
          %add3A_292 = arith.constant 64 : i32
          %add3A_293 = arith.addi %add3A_292, %scan3A_186 : i32
          %swap3A_294 = arith.index_cast %add3A_293 : i32 to index
          %swap3A_295 = arith.constant 112 : index
          %swap3A_296 = tpu.vector_load %arg11[%swap3A_294, %swap3A_295] {strides = array<i32>} : memref<128x128xf32, #tpu.memory_space<vmem>>, vector<16xf32>,
          tpu.vector_store %arg11[%swap3A_294, %swap3A_295], %mul3A_291 {strides = array<i32>} : memref<128x128xf32, #tpu.memory_space<vmem>>, vector<16xf32>,
        }
        %scan3A_168 = arith.constant 64 : i32
        %add3A_169 = arith.constant 1 : i32
        %add3A_170 = arith.addi %add3A_101, %add3A_169 : i32
        %lt3A_171 = arith.cmpi slt, %add3A_170, %min3A_12 : i32
        %convert_element_type3A_172 = arith.extui %lt3A_171 : i1 to i32
        %cond3A_173 = arith.constant 0 : i32
        %cond3A_174 = arith.cmpi ne, %convert_element_type3A_172, %cond3A_173 : i32
        scf.if %cond3A_174 {
          %add3A_186 = arith.constant 1 : i32
          %add3A_187 = arith.addi %add3A_101, %add3A_186 : i32
          %add3A_188 = arith.addi %mul3A_10, %add3A_187 : i32
          %mul3A_189 = arith.constant 128 : i32
          %mul3A_190 = arith.muli %add3A_188, %mul3A_189 : i32
          %multiple_of3A_191 = tpu.assume_multiple %mul3A_190, 128 : i32
          %add3A_192 = arith.constant 64 : i32
          %add3A_193 = arith.addi %multiple_of3A_191, %add3A_192 : i32
          %multiple_of3A_194 = tpu.assume_multiple %add3A_193, 64 : i32
          %dma_start3A_195 = arith.constant 0 : i32
          %dma_start3A_196 = tpu.memref_slice %arg2[%multiple_of3A_194, %dma_start3A_195] : memref<160000x128xf32, #tpu.memory_space<hbm>> -> memref<64x128xf32, #tpu.memory_space<hbm>>
          %dma_start3A_197 = arith.constant 0 : i32
          %dma_start3A_198 = tpu.memref_slice %arg2[%multiple_of3A_194, %dma_start3A_197] : memref<160000x128xf32, #tpu.memory_space<hbm>> -> memref<64x128xf32, #tpu.memory_space<hbm>>
          tpu.enqueue_dma source(%dma_start3A_198 : memref<64x128xf32, #tpu.memory_space<hbm>>) target(%arg13 : memref<64x128xf32, #tpu.memory_space<vmem>>) target_semaphore(%arg18 : memref<!tpu.dma_semaphore, #tpu.memory_space<semaphore_mem>>)
        } else {
        }
        %ge3A = arith.constant 1 : i32
        %ge3A_175 = arith.cmpi sge, %add3A_101, %ge3A : i32
        %convert_element_type3A_176 = arith.extui %ge3A_175 : i1 to i32
        %cond3A_177 = arith.constant 0 : i32
        %cond3A_178 = arith.cmpi ne, %convert_element_type3A_176, %cond3A_177 : i32
        scf.if %cond3A_178 {
          %dma_wait3A_186 = arith.constant 0 : i32
          %dma_wait3A_187 = arith.constant 0 : i32
          %dma_wait3A_188 = tpu.memref_slice %arg9[%dma_wait3A_186, %dma_wait3A_187] : memref<2x128xi32, #tpu.memory_space<vmem>> -> memref<1x128xi32, #tpu.memory_space<vmem>>
          %dma_wait3A_189 = tpu.memref_squeeze %dma_wait3A_188 : memref<1x128xi32, #tpu.memory_space<vmem>> -> memref<128xi32, #tpu.memory_space<vmem>>
          %dma_wait3A_190 = arith.constant 0 : i32
          %dma_wait3A_191 = tpu.memref_slice %arg5[%dma_wait3A_190] : memref<163840xi32, #tpu.memory_space<hbm>> -> memref<128xi32, #tpu.memory_space<hbm>>
          %dma_wait3A_192 = arith.constant 0 : i32
          %dma_wait3A_193 = tpu.memref_slice %arg9[%dma_wait3A_186, %dma_wait3A_192] : memref<2x128xi32, #tpu.memory_space<vmem>> -> memref<1x128xi32, #tpu.memory_space<vmem>>
          %dma_wait3A_194 = tpu.memref_squeeze %dma_wait3A_193 : memref<1x128xi32, #tpu.memory_space<vmem>> -> memref<128xi32, #tpu.memory_space<vmem>>
          %dma_wait3A_195 = arith.constant 0 : i32
          %dma_wait3A_196 = tpu.memref_slice %arg5[%dma_wait3A_195] : memref<163840xi32, #tpu.memory_space<hbm>> -> memref<128xi32, #tpu.memory_space<hbm>>
          tpu.wait_dma2 semaphore(%arg20 : memref<!tpu.dma_semaphore, #tpu.memory_space<semaphore_mem>>) src(%dma_wait3A_196 : memref<128xi32, #tpu.memory_space<hbm>>) dst(%dma_wait3A_194 : memref<128xi32, #tpu.memory_space<vmem>>)
        } else {
        }
        %run_scoped3A_179 = arith.constant 1 : i32
        "tpu.region"() ({
          %run_scoped3A_186 = tpu.sem_alloc : memref<!tpu.dma_semaphore, #tpu.memory_space<semaphore_mem>>
          %dma_start3A_187 = arith.constant 0 : i32
          %dma_start3A_188 = tpu.memref_slice %arg9[%run_scoped3A_179, %dma_start3A_187] : memref<2x128xi32, #tpu.memory_space<vmem>> -> memref<1x128xi32, #tpu.memory_space<vmem>>
          %dma_start3A_189 = tpu.memref_squeeze %dma_start3A_188 : memref<1x128xi32, #tpu.memory_space<vmem>> -> memref<128xi32, #tpu.memory_space<vmem>>
          %dma_start3A_190 = arith.constant 0 : i32
          %dma_start3A_191 = arith.constant 0 : i32
          %dma_start3A_192 = tpu.memref_slice %arg14[%dma_start3A_190, %dma_start3A_191] : memref<10000x128xf32, #tpu.memory_space<vmem_shared>> -> memref<10000x128xf32, #tpu.memory_space<vmem_shared>>
          tpu.enqueue_indirect_dma source(%arg11 : memref<128x128xf32, #tpu.memory_space<vmem>>) target(%dma_start3A_192 : memref<10000x128xf32, #tpu.memory_space<vmem_shared>>) offsets(%dma_start3A_189 : memref<128xi32, #tpu.memory_space<vmem>>) semaphore(%run_scoped3A_186 : memref<!tpu.dma_semaphore, #tpu.memory_space<semaphore_mem>>) {add = true}
          %dma_wait3A_193 = arith.constant 0 : i32
          %dma_wait3A_194 = tpu.memref_slice %arg9[%run_scoped3A_179, %dma_wait3A_193] : memref<2x128xi32, #tpu.memory_space<vmem>> -> memref<1x128xi32, #tpu.memory_space<vmem>>
          %dma_wait3A_195 = tpu.memref_squeeze %dma_wait3A_194 : memref<1x128xi32, #tpu.memory_space<vmem>> -> memref<128xi32, #tpu.memory_space<vmem>>
          %dma_wait3A_196 = arith.constant 0 : i32
          %dma_wait3A_197 = arith.constant 0 : i32
          %dma_wait3A_198 = tpu.memref_slice %arg14[%dma_wait3A_196, %dma_wait3A_197] : memref<10000x128xf32, #tpu.memory_space<vmem_shared>> -> memref<10000x128xf32, #tpu.memory_space<vmem_shared>>
          tpu.wait_indirect_dma semaphore(%run_scoped3A_186 : memref<!tpu.dma_semaphore, #tpu.memory_space<semaphore_mem>>) src(%arg11 : memref<128x128xf32, #tpu.memory_space<vmem>>) dst(%dma_wait3A_198 : memref<10000x128xf32, #tpu.memory_space<vmem_shared>>)
          tpu.yield
        }) : () -> ()
        %add3A_180 = arith.constant 2 : i32
        %add3A_181 = arith.addi %add3A_101, %add3A_180 : i32
        %lt3A_182 = arith.cmpi slt, %add3A_181, %min3A_12 : i32
        %convert_element_type3A_183 = arith.extui %lt3A_182 : i1 to i32
        %cond3A_184 = arith.constant 0 : i32
        %cond3A_185 = arith.cmpi ne, %convert_element_type3A_183, %cond3A_184 : i32
        scf.if %cond3A_185 {
          %ge3A_186 = arith.constant 1 : i32
          %ge3A_187 = arith.cmpi sge, %add3A_101, %ge3A_186 : i32
          %convert_element_type3A_188 = arith.extui %ge3A_187 : i1 to i32
          %cond3A_189 = arith.constant 0 : i32
          %cond3A_190 = arith.cmpi ne, %convert_element_type3A_188, %cond3A_189 : i32
          scf.if %cond3A_190 {
            %dma_wait3A_200 = arith.constant 0 : i32
            %dma_wait3A_201 = arith.constant 0 : i32
            %dma_wait3A_202 = tpu.memref_slice %arg8[%dma_wait3A_200, %dma_wait3A_201] : memref<4x128xi32, #tpu.memory_space<vmem>> -> memref<1x128xi32, #tpu.memory_space<vmem>>
            %dma_wait3A_203 = tpu.memref_squeeze %dma_wait3A_202 : memref<1x128xi32, #tpu.memory_space<vmem>> -> memref<128xi32, #tpu.memory_space<vmem>>
            %dma_wait3A_204 = arith.constant 0 : i32
            %dma_wait3A_205 = tpu.memref_slice %arg4[%dma_wait3A_204] : memref<163840xi32, #tpu.memory_space<hbm>> -> memref<128xi32, #tpu.memory_space<hbm>>
            %dma_wait3A_206 = arith.constant 0 : i32
            %dma_wait3A_207 = tpu.memref_slice %arg8[%dma_wait3A_200, %dma_wait3A_206] : memref<4x128xi32, #tpu.memory_space<vmem>> -> memref<1x128xi32, #tpu.memory_space<vmem>>
            %dma_wait3A_208 = tpu.memref_squeeze %dma_wait3A_207 : memref<1x128xi32, #tpu.memory_space<vmem>> -> memref<128xi32, #tpu.memory_space<vmem>>
            %dma_wait3A_209 = arith.constant 0 : i32
            %dma_wait3A_210 = tpu.memref_slice %arg4[%dma_wait3A_209] : memref<163840xi32, #tpu.memory_space<hbm>> -> memref<128xi32, #tpu.memory_space<hbm>>
            tpu.wait_dma2 semaphore(%arg19 : memref<!tpu.dma_semaphore, #tpu.memory_space<semaphore_mem>>) src(%dma_wait3A_210 : memref<128xi32, #tpu.memory_space<hbm>>) dst(%dma_wait3A_208 : memref<128xi32, #tpu.memory_space<vmem>>)
          } else {
          }
          %add3A_191 = arith.constant 2 : i32
          %add3A_192 = arith.addi %add3A_101, %add3A_191 : i32
          %dma_start3A_193 = arith.constant 3 : i32
          %dma_start3A_194 = arith.constant 0 : i32
          %dma_start3A_195 = tpu.memref_slice %arg8[%dma_start3A_193, %dma_start3A_194] : memref<4x128xi32, #tpu.memory_space<vmem>> -> memref<1x128xi32, #tpu.memory_space<vmem>>
          %dma_start3A_196 = tpu.memref_squeeze %dma_start3A_195 : memref<1x128xi32, #tpu.memory_space<vmem>> -> memref<128xi32, #tpu.memory_space<vmem>>
          %dma_start3A_197 = arith.constant 0 : i32
          %dma_start3A_198 = arith.constant 0 : i32
          %dma_start3A_199 = tpu.memref_slice %arg3[%dma_start3A_197, %dma_start3A_198] : memref<10000x128xf32, #tpu.memory_space<hbm>> -> memref<10000x128xf32, #tpu.memory_space<hbm>>
          tpu.enqueue_indirect_dma source(%dma_start3A_199 : memref<10000x128xf32, #tpu.memory_space<hbm>>) target(%arg11 : memref<128x128xf32, #tpu.memory_space<vmem>>) offsets(%dma_start3A_196 : memref<128xi32, #tpu.memory_space<vmem>>) semaphore(%arg16 : memref<!tpu.dma_semaphore, #tpu.memory_space<semaphore_mem>>)
        } else {
        }
      } else {
      }
      %mul3A_106 = arith.constant 4 : i32
      %mul3A_107 = arith.muli %mul3A_106, %scan3A_89 : i32
      %add3A_108 = arith.constant 2 : i32
      %add3A_109 = arith.addi %mul3A_107, %add3A_108 : i32
      %lt3A_110 = arith.cmpi slt, %add3A_109, %min3A_12 : i32
      %convert_element_type3A_111 = arith.extui %lt3A_110 : i1 to i32
      %cond3A_112 = arith.constant 0 : i32
      %cond3A_113 = arith.cmpi ne, %convert_element_type3A_111, %cond3A_112 : i32
      scf.if %cond3A_113 {
        %add3A_122 = arith.constant 3 : i32
        %add3A_123 = arith.addi %add3A_109, %add3A_122 : i32
        %lt3A_124 = arith.cmpi slt, %add3A_123, %min3A_12 : i32
        %convert_element_type3A_125 = arith.extui %lt3A_124 : i1 to i32
        %cond3A_126 = arith.constant 0 : i32
        %cond3A_127 = arith.cmpi ne, %convert_element_type3A_125, %cond3A_126 : i32
        scf.if %cond3A_127 {
          %add3A_186 = arith.constant 3 : i32
          %add3A_187 = arith.addi %add3A_109, %add3A_186 : i32
          %add3A_188 = arith.addi %mul3A_10, %add3A_187 : i32
          %mul3A_189 = arith.constant 128 : i32
          %mul3A_190 = arith.muli %add3A_188, %mul3A_189 : i32
          %multiple_of3A_191 = tpu.assume_multiple %mul3A_190, 128 : i32
          %dma_start3A_192 = arith.constant 1 : i32
          %dma_start3A_193 = arith.constant 0 : i32
          %dma_start3A_194 = tpu.memref_slice %arg8[%dma_start3A_192, %dma_start3A_193] : memref<4x128xi32, #tpu.memory_space<vmem>> -> memref<1x128xi32, #tpu.memory_space<vmem>>
          %dma_start3A_195 = tpu.memref_squeeze %dma_start3A_194 : memref<1x128xi32, #tpu.memory_space<vmem>> -> memref<128xi32, #tpu.memory_space<vmem>>
          %dma_start3A_196 = tpu.memref_slice %arg4[%multiple_of3A_191] : memref<163840xi32, #tpu.memory_space<hbm>> -> memref<128xi32, #tpu.memory_space<hbm>>
          %dma_start3A_197 = arith.constant 0 : i32
          %dma_start3A_198 = tpu.memref_slice %arg8[%dma_start3A_192, %dma_start3A_197] : memref<4x128xi32, #tpu.memory_space<vmem>> -> memref<1x128xi32, #tpu.memory_space<vmem>>
          %dma_start3A_199 = tpu.memref_squeeze %dma_start3A_198 : memref<1x128xi32, #tpu.memory_space<vmem>> -> memref<128xi32, #tpu.memory_space<vmem>>
          %dma_start3A_200 = tpu.memref_slice %arg4[%multiple_of3A_191] : memref<163840xi32, #tpu.memory_space<hbm>> -> memref<128xi32, #tpu.memory_space<hbm>>
          tpu.enqueue_dma source(%dma_start3A_200 : memref<128xi32, #tpu.memory_space<hbm>>) target(%dma_start3A_199 : memref<128xi32, #tpu.memory_space<vmem>>) target_semaphore(%arg19 : memref<!tpu.dma_semaphore, #tpu.memory_space<semaphore_mem>>)
        } else {
        }
        %add3A_128 = arith.constant 1 : i32
        %add3A_129 = arith.addi %add3A_109, %add3A_128 : i32
        %lt3A_130 = arith.cmpi slt, %add3A_129, %min3A_12 : i32
        %convert_element_type3A_131 = arith.extui %lt3A_130 : i1 to i32
        %cond3A_132 = arith.constant 0 : i32
        %cond3A_133 = arith.cmpi ne, %convert_element_type3A_131, %cond3A_132 : i32
        scf.if %cond3A_133 {
          %add3A_186 = arith.constant 1 : i32
          %add3A_187 = arith.addi %add3A_109, %add3A_186 : i32
          %add3A_188 = arith.addi %mul3A_10, %add3A_187 : i32
          %mul3A_189 = arith.constant 128 : i32
          %mul3A_190 = arith.muli %add3A_188, %mul3A_189 : i32
          %multiple_of3A_191 = tpu.assume_multiple %mul3A_190, 128 : i32
          %dma_start3A_192 = arith.constant 1 : i32
          %dma_start3A_193 = arith.constant 0 : i32
          %dma_start3A_194 = tpu.memref_slice %arg9[%dma_start3A_192, %dma_start3A_193] : memref<2x128xi32, #tpu.memory_space<vmem>> -> memref<1x128xi32, #tpu.memory_space<vmem>>
          %dma_start3A_195 = tpu.memref_squeeze %dma_start3A_194 : memref<1x128xi32, #tpu.memory_space<vmem>> -> memref<128xi32, #tpu.memory_space<vmem>>
          %dma_start3A_196 = tpu.memref_slice %arg5[%multiple_of3A_191] : memref<163840xi32, #tpu.memory_space<hbm>> -> memref<128xi32, #tpu.memory_space<hbm>>
          %dma_start3A_197 = arith.constant 0 : i32
          %dma_start3A_198 = tpu.memref_slice %arg9[%dma_start3A_192, %dma_start3A_197] : memref<2x128xi32, #tpu.memory_space<vmem>> -> memref<1x128xi32, #tpu.memory_space<vmem>>
          %dma_start3A_199 = tpu.memref_squeeze %dma_start3A_198 : memref<1x128xi32, #tpu.memory_space<vmem>> -> memref<128xi32, #tpu.memory_space<vmem>>
          %dma_start3A_200 = tpu.memref_slice %arg5[%multiple_of3A_191] : memref<163840xi32, #tpu.memory_space<hbm>> -> memref<128xi32, #tpu.memory_space<hbm>>
          tpu.enqueue_dma source(%dma_start3A_200 : memref<128xi32, #tpu.memory_space<hbm>>) target(%dma_start3A_199 : memref<128xi32, #tpu.memory_space<vmem>>) target_semaphore(%arg20 : memref<!tpu.dma_semaphore, #tpu.memory_space<semaphore_mem>>)
        } else {
        }
        %dma_wait3A = arith.constant 0 : i32
        %dma_wait3A_134 = arith.constant 0 : i32
        %dma_wait3A_135 = tpu.memref_slice %arg3[%dma_wait3A, %dma_wait3A_134] : memref<10000x128xf32, #tpu.memory_space<hbm>> -> memref<128x128xf32, #tpu.memory_space<hbm>>
        %dma_wait3A_136 = arith.constant 0 : i32
        %dma_wait3A_137 = arith.constant 0 : i32
        %dma_wait3A_138 = tpu.memref_slice %arg3[%dma_wait3A_136, %dma_wait3A_137] : memref<10000x128xf32, #tpu.memory_space<hbm>> -> memref<128x128xf32, #tpu.memory_space<hbm>>
        tpu.wait_dma2 semaphore(%arg15 : memref<!tpu.dma_semaphore, #tpu.memory_space<semaphore_mem>>) src(%dma_wait3A_138 : memref<128x128xf32, #tpu.memory_space<hbm>>) dst(%arg10 : memref<128x128xf32, #tpu.memory_space<vmem>>)
        %dma_wait3A_139 = arith.constant 0 : i32
        %dma_wait3A_140 = arith.constant 0 : i32
        %dma_wait3A_141 = tpu.memref_slice %arg2[%dma_wait3A_139, %dma_wait3A_140] : memref<160000x128xf32, #tpu.memory_space<hbm>> -> memref<64x128xf32, #tpu.memory_space<hbm>>
        %dma_wait3A_142 = arith.constant 0 : i32
        %dma_wait3A_143 = arith.constant 0 : i32
        %dma_wait3A_144 = tpu.memref_slice %arg2[%dma_wait3A_142, %dma_wait3A_143] : memref<160000x128xf32, #tpu.memory_space<hbm>> -> memref<64x128xf32, #tpu.memory_space<hbm>>
        tpu.wait_dma2 semaphore(%arg17 : memref<!tpu.dma_semaphore, #tpu.memory_space<semaphore_mem>>) src(%dma_wait3A_144 : memref<64x128xf32, #tpu.memory_space<hbm>>) dst(%arg12 : memref<64x128xf32, #tpu.memory_space<vmem>>)
        %scan3A_145 = arith.constant 0 : i32
        %scan3A_146 = arith.constant 0 : i32
        %scan3A_147 = arith.constant 64 : i32
        %scan3A_148 = arith.addi %scan3A_146, %scan3A_147 : i32
        %scan3A_149 = arith.constant 1 : i32
        scf.for %scan3A_186 = %scan3A_146 to %scan3A_148 step %scan3A_149  : i32 {
          %get3A = arith.index_cast %scan3A_186 : i32 to index
          %get3A_187 = arith.constant 0 : index
          %get3A_188 = tpu.vector_load %arg12[%get3A, %get3A_187] {strides = array<i32>} : memref<64x128xf32, #tpu.memory_space<vmem>>, vector<16xf32>,
          %add3A_189 = arith.constant 0 : i32
          %add3A_190 = arith.addi %add3A_189, %scan3A_186 : i32
          %get3A_191 = arith.index_cast %add3A_190 : i32 to index
          %get3A_192 = arith.constant 0 : index
          %get3A_193 = tpu.vector_load %arg10[%get3A_191, %get3A_192] {strides = array<i32>} : memref<128x128xf32, #tpu.memory_space<vmem>>, vector<16xf32>,
          %mul3A_194 = arith.mulf %get3A_188, %get3A_193 : vector<16xf32>
          %add3A_195 = arith.constant 0 : i32
          %add3A_196 = arith.addi %add3A_195, %scan3A_186 : i32
          %swap3A = arith.index_cast %add3A_196 : i32 to index
          %swap3A_197 = arith.constant 0 : index
          %swap3A_198 = tpu.vector_load %arg10[%swap3A, %swap3A_197] {strides = array<i32>} : memref<128x128xf32, #tpu.memory_space<vmem>>, vector<16xf32>,
          tpu.vector_store %arg10[%swap3A, %swap3A_197], %mul3A_194 {strides = array<i32>} : memref<128x128xf32, #tpu.memory_space<vmem>>, vector<16xf32>,
          %get3A_199 = arith.index_cast %scan3A_186 : i32 to index
          %get3A_200 = arith.constant 16 : index
          %get3A_201 = tpu.vector_load %arg12[%get3A_199, %get3A_200] {strides = array<i32>} : memref<64x128xf32, #tpu.memory_space<vmem>>, vector<16xf32>,
          %add3A_202 = arith.constant 0 : i32
          %add3A_203 = arith.addi %add3A_202, %scan3A_186 : i32
          %get3A_204 = arith.index_cast %add3A_203 : i32 to index
          %get3A_205 = arith.constant 16 : index
          %get3A_206 = tpu.vector_load %arg10[%get3A_204, %get3A_205] {strides = array<i32>} : memref<128x128xf32, #tpu.memory_space<vmem>>, vector<16xf32>,
          %mul3A_207 = arith.mulf %get3A_201, %get3A_206 : vector<16xf32>
          %add3A_208 = arith.constant 0 : i32
          %add3A_209 = arith.addi %add3A_208, %scan3A_186 : i32
          %swap3A_210 = arith.index_cast %add3A_209 : i32 to index
          %swap3A_211 = arith.constant 16 : index
          %swap3A_212 = tpu.vector_load %arg10[%swap3A_210, %swap3A_211] {strides = array<i32>} : memref<128x128xf32, #tpu.memory_space<vmem>>, vector<16xf32>,
          tpu.vector_store %arg10[%swap3A_210, %swap3A_211], %mul3A_207 {strides = array<i32>} : memref<128x128xf32, #tpu.memory_space<vmem>>, vector<16xf32>,
          %get3A_213 = arith.index_cast %scan3A_186 : i32 to index
          %get3A_214 = arith.constant 32 : index
          %get3A_215 = tpu.vector_load %arg12[%get3A_213, %get3A_214] {strides = array<i32>} : memref<64x128xf32, #tpu.memory_space<vmem>>, vector<16xf32>,
          %add3A_216 = arith.constant 0 : i32
          %add3A_217 = arith.addi %add3A_216, %scan3A_186 : i32
          %get3A_218 = arith.index_cast %add3A_217 : i32 to index
          %get3A_219 = arith.constant 32 : index
          %get3A_220 = tpu.vector_load %arg10[%get3A_218, %get3A_219] {strides = array<i32>} : memref<128x128xf32, #tpu.memory_space<vmem>>, vector<16xf32>,
          %mul3A_221 = arith.mulf %get3A_215, %get3A_220 : vector<16xf32>
          %add3A_222 = arith.constant 0 : i32
          %add3A_223 = arith.addi %add3A_222, %scan3A_186 : i32
          %swap3A_224 = arith.index_cast %add3A_223 : i32 to index
          %swap3A_225 = arith.constant 32 : index
          %swap3A_226 = tpu.vector_load %arg10[%swap3A_224, %swap3A_225] {strides = array<i32>} : memref<128x128xf32, #tpu.memory_space<vmem>>, vector<16xf32>,
          tpu.vector_store %arg10[%swap3A_224, %swap3A_225], %mul3A_221 {strides = array<i32>} : memref<128x128xf32, #tpu.memory_space<vmem>>, vector<16xf32>,
          %get3A_227 = arith.index_cast %scan3A_186 : i32 to index
          %get3A_228 = arith.constant 48 : index
          %get3A_229 = tpu.vector_load %arg12[%get3A_227, %get3A_228] {strides = array<i32>} : memref<64x128xf32, #tpu.memory_space<vmem>>, vector<16xf32>,
          %add3A_230 = arith.constant 0 : i32
          %add3A_231 = arith.addi %add3A_230, %scan3A_186 : i32
          %get3A_232 = arith.index_cast %add3A_231 : i32 to index
          %get3A_233 = arith.constant 48 : index
          %get3A_234 = tpu.vector_load %arg10[%get3A_232, %get3A_233] {strides = array<i32>} : memref<128x128xf32, #tpu.memory_space<vmem>>, vector<16xf32>,
          %mul3A_235 = arith.mulf %get3A_229, %get3A_234 : vector<16xf32>
          %add3A_236 = arith.constant 0 : i32
          %add3A_237 = arith.addi %add3A_236, %scan3A_186 : i32
          %swap3A_238 = arith.index_cast %add3A_237 : i32 to index
          %swap3A_239 = arith.constant 48 : index
          %swap3A_240 = tpu.vector_load %arg10[%swap3A_238, %swap3A_239] {strides = array<i32>} : memref<128x128xf32, #tpu.memory_space<vmem>>, vector<16xf32>,
          tpu.vector_store %arg10[%swap3A_238, %swap3A_239], %mul3A_235 {strides = array<i32>} : memref<128x128xf32, #tpu.memory_space<vmem>>, vector<16xf32>,
          %get3A_241 = arith.index_cast %scan3A_186 : i32 to index
          %get3A_242 = arith.constant 64 : index
          %get3A_243 = tpu.vector_load %arg12[%get3A_241, %get3A_242] {strides = array<i32>} : memref<64x128xf32, #tpu.memory_space<vmem>>, vector<16xf32>,
          %add3A_244 = arith.constant 0 : i32
          %add3A_245 = arith.addi %add3A_244, %scan3A_186 : i32
          %get3A_246 = arith.index_cast %add3A_245 : i32 to index
          %get3A_247 = arith.constant 64 : index
          %get3A_248 = tpu.vector_load %arg10[%get3A_246, %get3A_247] {strides = array<i32>} : memref<128x128xf32, #tpu.memory_space<vmem>>, vector<16xf32>,
          %mul3A_249 = arith.mulf %get3A_243, %get3A_248 : vector<16xf32>
          %add3A_250 = arith.constant 0 : i32
          %add3A_251 = arith.addi %add3A_250, %scan3A_186 : i32
          %swap3A_252 = arith.index_cast %add3A_251 : i32 to index
          %swap3A_253 = arith.constant 64 : index
          %swap3A_254 = tpu.vector_load %arg10[%swap3A_252, %swap3A_253] {strides = array<i32>} : memref<128x128xf32, #tpu.memory_space<vmem>>, vector<16xf32>,
          tpu.vector_store %arg10[%swap3A_252, %swap3A_253], %mul3A_249 {strides = array<i32>} : memref<128x128xf32, #tpu.memory_space<vmem>>, vector<16xf32>,
          %get3A_255 = arith.index_cast %scan3A_186 : i32 to index
          %get3A_256 = arith.constant 80 : index
          %get3A_257 = tpu.vector_load %arg12[%get3A_255, %get3A_256] {strides = array<i32>} : memref<64x128xf32, #tpu.memory_space<vmem>>, vector<16xf32>,
          %add3A_258 = arith.constant 0 : i32
          %add3A_259 = arith.addi %add3A_258, %scan3A_186 : i32
          %get3A_260 = arith.index_cast %add3A_259 : i32 to index
          %get3A_261 = arith.constant 80 : index
          %get3A_262 = tpu.vector_load %arg10[%get3A_260, %get3A_261] {strides = array<i32>} : memref<128x128xf32, #tpu.memory_space<vmem>>, vector<16xf32>,
          %mul3A_263 = arith.mulf %get3A_257, %get3A_262 : vector<16xf32>
          %add3A_264 = arith.constant 0 : i32
          %add3A_265 = arith.addi %add3A_264, %scan3A_186 : i32
          %swap3A_266 = arith.index_cast %add3A_265 : i32 to index
          %swap3A_267 = arith.constant 80 : index
          %swap3A_268 = tpu.vector_load %arg10[%swap3A_266, %swap3A_267] {strides = array<i32>} : memref<128x128xf32, #tpu.memory_space<vmem>>, vector<16xf32>,
          tpu.vector_store %arg10[%swap3A_266, %swap3A_267], %mul3A_263 {strides = array<i32>} : memref<128x128xf32, #tpu.memory_space<vmem>>, vector<16xf32>,
          %get3A_269 = arith.index_cast %scan3A_186 : i32 to index
          %get3A_270 = arith.constant 96 : index
          %get3A_271 = tpu.vector_load %arg12[%get3A_269, %get3A_270] {strides = array<i32>} : memref<64x128xf32, #tpu.memory_space<vmem>>, vector<16xf32>,
          %add3A_272 = arith.constant 0 : i32
          %add3A_273 = arith.addi %add3A_272, %scan3A_186 : i32
          %get3A_274 = arith.index_cast %add3A_273 : i32 to index
          %get3A_275 = arith.constant 96 : index
          %get3A_276 = tpu.vector_load %arg10[%get3A_274, %get3A_275] {strides = array<i32>} : memref<128x128xf32, #tpu.memory_space<vmem>>, vector<16xf32>,
          %mul3A_277 = arith.mulf %get3A_271, %get3A_276 : vector<16xf32>
          %add3A_278 = arith.constant 0 : i32
          %add3A_279 = arith.addi %add3A_278, %scan3A_186 : i32
          %swap3A_280 = arith.index_cast %add3A_279 : i32 to index
          %swap3A_281 = arith.constant 96 : index
          %swap3A_282 = tpu.vector_load %arg10[%swap3A_280, %swap3A_281] {strides = array<i32>} : memref<128x128xf32, #tpu.memory_space<vmem>>, vector<16xf32>,
          tpu.vector_store %arg10[%swap3A_280, %swap3A_281], %mul3A_277 {strides = array<i32>} : memref<128x128xf32, #tpu.memory_space<vmem>>, vector<16xf32>,
          %get3A_283 = arith.index_cast %scan3A_186 : i32 to index
          %get3A_284 = arith.constant 112 : index
          %get3A_285 = tpu.vector_load %arg12[%get3A_283, %get3A_284] {strides = array<i32>} : memref<64x128xf32, #tpu.memory_space<vmem>>, vector<16xf32>,
          %add3A_286 = arith.constant 0 : i32
          %add3A_287 = arith.addi %add3A_286, %scan3A_186 : i32
          %get3A_288 = arith.index_cast %add3A_287 : i32 to index
          %get3A_289 = arith.constant 112 : index
          %get3A_290 = tpu.vector_load %arg10[%get3A_288, %get3A_289] {strides = array<i32>} : memref<128x128xf32, #tpu.memory_space<vmem>>, vector<16xf32>,
          %mul3A_291 = arith.mulf %get3A_285, %get3A_290 : vector<16xf32>
          %add3A_292 = arith.constant 0 : i32
          %add3A_293 = arith.addi %add3A_292, %scan3A_186 : i32
          %swap3A_294 = arith.index_cast %add3A_293 : i32 to index
          %swap3A_295 = arith.constant 112 : index
          %swap3A_296 = tpu.vector_load %arg10[%swap3A_294, %swap3A_295] {strides = array<i32>} : memref<128x128xf32, #tpu.memory_space<vmem>>, vector<16xf32>,
          tpu.vector_store %arg10[%swap3A_294, %swap3A_295], %mul3A_291 {strides = array<i32>} : memref<128x128xf32, #tpu.memory_space<vmem>>, vector<16xf32>,
        }
        %scan3A_150 = arith.constant 64 : i32
        %add3A_151 = arith.constant 1 : i32
        %add3A_152 = arith.addi %add3A_109, %add3A_151 : i32
        %lt3A_153 = arith.cmpi slt, %add3A_152, %min3A_12 : i32
        %convert_element_type3A_154 = arith.extui %lt3A_153 : i1 to i32
        %cond3A_155 = arith.constant 0 : i32
        %cond3A_156 = arith.cmpi ne, %convert_element_type3A_154, %cond3A_155 : i32
        scf.if %cond3A_156 {
          %add3A_186 = arith.constant 1 : i32
          %add3A_187 = arith.addi %add3A_109, %add3A_186 : i32
          %add3A_188 = arith.addi %mul3A_10, %add3A_187 : i32
          %mul3A_189 = arith.constant 128 : i32
          %mul3A_190 = arith.muli %add3A_188, %mul3A_189 : i32
          %multiple_of3A_191 = tpu.assume_multiple %mul3A_190, 128 : i32
          %add3A_192 = arith.constant 0 : i32
          %add3A_193 = arith.addi %multiple_of3A_191, %add3A_192 : i32
          %multiple_of3A_194 = tpu.assume_multiple %add3A_193, 64 : i32
          %dma_start3A_195 = arith.constant 0 : i32
          %dma_start3A_196 = tpu.memref_slice %arg2[%multiple_of3A_194, %dma_start3A_195] : memref<160000x128xf32, #tpu.memory_space<hbm>> -> memref<64x128xf32, #tpu.memory_space<hbm>>
          %dma_start3A_197 = arith.constant 0 : i32
          %dma_start3A_198 = tpu.memref_slice %arg2[%multiple_of3A_194, %dma_start3A_197] : memref<160000x128xf32, #tpu.memory_space<hbm>> -> memref<64x128xf32, #tpu.memory_space<hbm>>
          tpu.enqueue_dma source(%dma_start3A_198 : memref<64x128xf32, #tpu.memory_space<hbm>>) target(%arg12 : memref<64x128xf32, #tpu.memory_space<vmem>>) target_semaphore(%arg17 : memref<!tpu.dma_semaphore, #tpu.memory_space<semaphore_mem>>)
        } else {
        }
        %dma_wait3A_157 = arith.constant 0 : i32
        %dma_wait3A_158 = arith.constant 0 : i32
        %dma_wait3A_159 = tpu.memref_slice %arg2[%dma_wait3A_157, %dma_wait3A_158] : memref<160000x128xf32, #tpu.memory_space<hbm>> -> memref<64x128xf32, #tpu.memory_space<hbm>>
        %dma_wait3A_160 = arith.constant 0 : i32
        %dma_wait3A_161 = arith.constant 0 : i32
        %dma_wait3A_162 = tpu.memref_slice %arg2[%dma_wait3A_160, %dma_wait3A_161] : memref<160000x128xf32, #tpu.memory_space<hbm>> -> memref<64x128xf32, #tpu.memory_space<hbm>>
        tpu.wait_dma2 semaphore(%arg18 : memref<!tpu.dma_semaphore, #tpu.memory_space<semaphore_mem>>) src(%dma_wait3A_162 : memref<64x128xf32, #tpu.memory_space<hbm>>) dst(%arg13 : memref<64x128xf32, #tpu.memory_space<vmem>>)
        %scan3A_163 = arith.constant 0 : i32
        %scan3A_164 = arith.constant 0 : i32
        %scan3A_165 = arith.constant 64 : i32
        %scan3A_166 = arith.addi %scan3A_164, %scan3A_165 : i32
        %scan3A_167 = arith.constant 1 : i32
        scf.for %scan3A_186 = %scan3A_164 to %scan3A_166 step %scan3A_167  : i32 {
          %get3A = arith.index_cast %scan3A_186 : i32 to index
          %get3A_187 = arith.constant 0 : index
          %get3A_188 = tpu.vector_load %arg13[%get3A, %get3A_187] {strides = array<i32>} : memref<64x128xf32, #tpu.memory_space<vmem>>, vector<16xf32>,
          %add3A_189 = arith.constant 64 : i32
          %add3A_190 = arith.addi %add3A_189, %scan3A_186 : i32
          %get3A_191 = arith.index_cast %add3A_190 : i32 to index
          %get3A_192 = arith.constant 0 : index
          %get3A_193 = tpu.vector_load %arg10[%get3A_191, %get3A_192] {strides = array<i32>} : memref<128x128xf32, #tpu.memory_space<vmem>>, vector<16xf32>,
          %mul3A_194 = arith.mulf %get3A_188, %get3A_193 : vector<16xf32>
          %add3A_195 = arith.constant 64 : i32
          %add3A_196 = arith.addi %add3A_195, %scan3A_186 : i32
          %swap3A = arith.index_cast %add3A_196 : i32 to index
          %swap3A_197 = arith.constant 0 : index
          %swap3A_198 = tpu.vector_load %arg10[%swap3A, %swap3A_197] {strides = array<i32>} : memref<128x128xf32, #tpu.memory_space<vmem>>, vector<16xf32>,
          tpu.vector_store %arg10[%swap3A, %swap3A_197], %mul3A_194 {strides = array<i32>} : memref<128x128xf32, #tpu.memory_space<vmem>>, vector<16xf32>,
          %get3A_199 = arith.index_cast %scan3A_186 : i32 to index
          %get3A_200 = arith.constant 16 : index
          %get3A_201 = tpu.vector_load %arg13[%get3A_199, %get3A_200] {strides = array<i32>} : memref<64x128xf32, #tpu.memory_space<vmem>>, vector<16xf32>,
          %add3A_202 = arith.constant 64 : i32
          %add3A_203 = arith.addi %add3A_202, %scan3A_186 : i32
          %get3A_204 = arith.index_cast %add3A_203 : i32 to index
          %get3A_205 = arith.constant 16 : index
          %get3A_206 = tpu.vector_load %arg10[%get3A_204, %get3A_205] {strides = array<i32>} : memref<128x128xf32, #tpu.memory_space<vmem>>, vector<16xf32>,
          %mul3A_207 = arith.mulf %get3A_201, %get3A_206 : vector<16xf32>
          %add3A_208 = arith.constant 64 : i32
          %add3A_209 = arith.addi %add3A_208, %scan3A_186 : i32
          %swap3A_210 = arith.index_cast %add3A_209 : i32 to index
          %swap3A_211 = arith.constant 16 : index
          %swap3A_212 = tpu.vector_load %arg10[%swap3A_210, %swap3A_211] {strides = array<i32>} : memref<128x128xf32, #tpu.memory_space<vmem>>, vector<16xf32>,
          tpu.vector_store %arg10[%swap3A_210, %swap3A_211], %mul3A_207 {strides = array<i32>} : memref<128x128xf32, #tpu.memory_space<vmem>>, vector<16xf32>,
          %get3A_213 = arith.index_cast %scan3A_186 : i32 to index
          %get3A_214 = arith.constant 32 : index
          %get3A_215 = tpu.vector_load %arg13[%get3A_213, %get3A_214] {strides = array<i32>} : memref<64x128xf32, #tpu.memory_space<vmem>>, vector<16xf32>,
          %add3A_216 = arith.constant 64 : i32
          %add3A_217 = arith.addi %add3A_216, %scan3A_186 : i32
          %get3A_218 = arith.index_cast %add3A_217 : i32 to index
          %get3A_219 = arith.constant 32 : index
          %get3A_220 = tpu.vector_load %arg10[%get3A_218, %get3A_219] {strides = array<i32>} : memref<128x128xf32, #tpu.memory_space<vmem>>, vector<16xf32>,
          %mul3A_221 = arith.mulf %get3A_215, %get3A_220 : vector<16xf32>
          %add3A_222 = arith.constant 64 : i32
          %add3A_223 = arith.addi %add3A_222, %scan3A_186 : i32
          %swap3A_224 = arith.index_cast %add3A_223 : i32 to index
          %swap3A_225 = arith.constant 32 : index
          %swap3A_226 = tpu.vector_load %arg10[%swap3A_224, %swap3A_225] {strides = array<i32>} : memref<128x128xf32, #tpu.memory_space<vmem>>, vector<16xf32>,
          tpu.vector_store %arg10[%swap3A_224, %swap3A_225], %mul3A_221 {strides = array<i32>} : memref<128x128xf32, #tpu.memory_space<vmem>>, vector<16xf32>,
          %get3A_227 = arith.index_cast %scan3A_186 : i32 to index
          %get3A_228 = arith.constant 48 : index
          %get3A_229 = tpu.vector_load %arg13[%get3A_227, %get3A_228] {strides = array<i32>} : memref<64x128xf32, #tpu.memory_space<vmem>>, vector<16xf32>,
          %add3A_230 = arith.constant 64 : i32
          %add3A_231 = arith.addi %add3A_230, %scan3A_186 : i32
          %get3A_232 = arith.index_cast %add3A_231 : i32 to index
          %get3A_233 = arith.constant 48 : index
          %get3A_234 = tpu.vector_load %arg10[%get3A_232, %get3A_233] {strides = array<i32>} : memref<128x128xf32, #tpu.memory_space<vmem>>, vector<16xf32>,
          %mul3A_235 = arith.mulf %get3A_229, %get3A_234 : vector<16xf32>
          %add3A_236 = arith.constant 64 : i32
          %add3A_237 = arith.addi %add3A_236, %scan3A_186 : i32
          %swap3A_238 = arith.index_cast %add3A_237 : i32 to index
          %swap3A_239 = arith.constant 48 : index
          %swap3A_240 = tpu.vector_load %arg10[%swap3A_238, %swap3A_239] {strides = array<i32>} : memref<128x128xf32, #tpu.memory_space<vmem>>, vector<16xf32>,
          tpu.vector_store %arg10[%swap3A_238, %swap3A_239], %mul3A_235 {strides = array<i32>} : memref<128x128xf32, #tpu.memory_space<vmem>>, vector<16xf32>,
          %get3A_241 = arith.index_cast %scan3A_186 : i32 to index
          %get3A_242 = arith.constant 64 : index
          %get3A_243 = tpu.vector_load %arg13[%get3A_241, %get3A_242] {strides = array<i32>} : memref<64x128xf32, #tpu.memory_space<vmem>>, vector<16xf32>,
          %add3A_244 = arith.constant 64 : i32
          %add3A_245 = arith.addi %add3A_244, %scan3A_186 : i32
          %get3A_246 = arith.index_cast %add3A_245 : i32 to index
          %get3A_247 = arith.constant 64 : index
          %get3A_248 = tpu.vector_load %arg10[%get3A_246, %get3A_247] {strides = array<i32>} : memref<128x128xf32, #tpu.memory_space<vmem>>, vector<16xf32>,
          %mul3A_249 = arith.mulf %get3A_243, %get3A_248 : vector<16xf32>
          %add3A_250 = arith.constant 64 : i32
          %add3A_251 = arith.addi %add3A_250, %scan3A_186 : i32
          %swap3A_252 = arith.index_cast %add3A_251 : i32 to index
          %swap3A_253 = arith.constant 64 : index
          %swap3A_254 = tpu.vector_load %arg10[%swap3A_252, %swap3A_253] {strides = array<i32>} : memref<128x128xf32, #tpu.memory_space<vmem>>, vector<16xf32>,
          tpu.vector_store %arg10[%swap3A_252, %swap3A_253], %mul3A_249 {strides = array<i32>} : memref<128x128xf32, #tpu.memory_space<vmem>>, vector<16xf32>,
          %get3A_255 = arith.index_cast %scan3A_186 : i32 to index
          %get3A_256 = arith.constant 80 : index
          %get3A_257 = tpu.vector_load %arg13[%get3A_255, %get3A_256] {strides = array<i32>} : memref<64x128xf32, #tpu.memory_space<vmem>>, vector<16xf32>,
          %add3A_258 = arith.constant 64 : i32
          %add3A_259 = arith.addi %add3A_258, %scan3A_186 : i32
          %get3A_260 = arith.index_cast %add3A_259 : i32 to index
          %get3A_261 = arith.constant 80 : index
          %get3A_262 = tpu.vector_load %arg10[%get3A_260, %get3A_261] {strides = array<i32>} : memref<128x128xf32, #tpu.memory_space<vmem>>, vector<16xf32>,
          %mul3A_263 = arith.mulf %get3A_257, %get3A_262 : vector<16xf32>
          %add3A_264 = arith.constant 64 : i32
          %add3A_265 = arith.addi %add3A_264, %scan3A_186 : i32
          %swap3A_266 = arith.index_cast %add3A_265 : i32 to index
          %swap3A_267 = arith.constant 80 : index
          %swap3A_268 = tpu.vector_load %arg10[%swap3A_266, %swap3A_267] {strides = array<i32>} : memref<128x128xf32, #tpu.memory_space<vmem>>, vector<16xf32>,
          tpu.vector_store %arg10[%swap3A_266, %swap3A_267], %mul3A_263 {strides = array<i32>} : memref<128x128xf32, #tpu.memory_space<vmem>>, vector<16xf32>,
          %get3A_269 = arith.index_cast %scan3A_186 : i32 to index
          %get3A_270 = arith.constant 96 : index
          %get3A_271 = tpu.vector_load %arg13[%get3A_269, %get3A_270] {strides = array<i32>} : memref<64x128xf32, #tpu.memory_space<vmem>>, vector<16xf32>,
          %add3A_272 = arith.constant 64 : i32
          %add3A_273 = arith.addi %add3A_272, %scan3A_186 : i32
          %get3A_274 = arith.index_cast %add3A_273 : i32 to index
          %get3A_275 = arith.constant 96 : index
          %get3A_276 = tpu.vector_load %arg10[%get3A_274, %get3A_275] {strides = array<i32>} : memref<128x128xf32, #tpu.memory_space<vmem>>, vector<16xf32>,
          %mul3A_277 = arith.mulf %get3A_271, %get3A_276 : vector<16xf32>
          %add3A_278 = arith.constant 64 : i32
          %add3A_279 = arith.addi %add3A_278, %scan3A_186 : i32
          %swap3A_280 = arith.index_cast %add3A_279 : i32 to index
          %swap3A_281 = arith.constant 96 : index
          %swap3A_282 = tpu.vector_load %arg10[%swap3A_280, %swap3A_281] {strides = array<i32>} : memref<128x128xf32, #tpu.memory_space<vmem>>, vector<16xf32>,
          tpu.vector_store %arg10[%swap3A_280, %swap3A_281], %mul3A_277 {strides = array<i32>} : memref<128x128xf32, #tpu.memory_space<vmem>>, vector<16xf32>,
          %get3A_283 = arith.index_cast %scan3A_186 : i32 to index
          %get3A_284 = arith.constant 112 : index
          %get3A_285 = tpu.vector_load %arg13[%get3A_283, %get3A_284] {strides = array<i32>} : memref<64x128xf32, #tpu.memory_space<vmem>>, vector<16xf32>,
          %add3A_286 = arith.constant 64 : i32
          %add3A_287 = arith.addi %add3A_286, %scan3A_186 : i32
          %get3A_288 = arith.index_cast %add3A_287 : i32 to index
          %get3A_289 = arith.constant 112 : index
          %get3A_290 = tpu.vector_load %arg10[%get3A_288, %get3A_289] {strides = array<i32>} : memref<128x128xf32, #tpu.memory_space<vmem>>, vector<16xf32>,
          %mul3A_291 = arith.mulf %get3A_285, %get3A_290 : vector<16xf32>
          %add3A_292 = arith.constant 64 : i32
          %add3A_293 = arith.addi %add3A_292, %scan3A_186 : i32
          %swap3A_294 = arith.index_cast %add3A_293 : i32 to index
          %swap3A_295 = arith.constant 112 : index
          %swap3A_296 = tpu.vector_load %arg10[%swap3A_294, %swap3A_295] {strides = array<i32>} : memref<128x128xf32, #tpu.memory_space<vmem>>, vector<16xf32>,
          tpu.vector_store %arg10[%swap3A_294, %swap3A_295], %mul3A_291 {strides = array<i32>} : memref<128x128xf32, #tpu.memory_space<vmem>>, vector<16xf32>,
        }
        %scan3A_168 = arith.constant 64 : i32
        %add3A_169 = arith.constant 1 : i32
        %add3A_170 = arith.addi %add3A_109, %add3A_169 : i32
        %lt3A_171 = arith.cmpi slt, %add3A_170, %min3A_12 : i32
        %convert_element_type3A_172 = arith.extui %lt3A_171 : i1 to i32
        %cond3A_173 = arith.constant 0 : i32
        %cond3A_174 = arith.cmpi ne, %convert_element_type3A_172, %cond3A_173 : i32
        scf.if %cond3A_174 {
          %add3A_186 = arith.constant 1 : i32
          %add3A_187 = arith.addi %add3A_109, %add3A_186 : i32
          %add3A_188 = arith.addi %mul3A_10, %add3A_187 : i32
          %mul3A_189 = arith.constant 128 : i32
          %mul3A_190 = arith.muli %add3A_188, %mul3A_189 : i32
          %multiple_of3A_191 = tpu.assume_multiple %mul3A_190, 128 : i32
          %add3A_192 = arith.constant 64 : i32
          %add3A_193 = arith.addi %multiple_of3A_191, %add3A_192 : i32
          %multiple_of3A_194 = tpu.assume_multiple %add3A_193, 64 : i32
          %dma_start3A_195 = arith.constant 0 : i32
          %dma_start3A_196 = tpu.memref_slice %arg2[%multiple_of3A_194, %dma_start3A_195] : memref<160000x128xf32, #tpu.memory_space<hbm>> -> memref<64x128xf32, #tpu.memory_space<hbm>>
          %dma_start3A_197 = arith.constant 0 : i32
          %dma_start3A_198 = tpu.memref_slice %arg2[%multiple_of3A_194, %dma_start3A_197] : memref<160000x128xf32, #tpu.memory_space<hbm>> -> memref<64x128xf32, #tpu.memory_space<hbm>>
          tpu.enqueue_dma source(%dma_start3A_198 : memref<64x128xf32, #tpu.memory_space<hbm>>) target(%arg13 : memref<64x128xf32, #tpu.memory_space<vmem>>) target_semaphore(%arg18 : memref<!tpu.dma_semaphore, #tpu.memory_space<semaphore_mem>>)
        } else {
        }
        %ge3A = arith.constant 1 : i32
        %ge3A_175 = arith.cmpi sge, %add3A_109, %ge3A : i32
        %convert_element_type3A_176 = arith.extui %ge3A_175 : i1 to i32
        %cond3A_177 = arith.constant 0 : i32
        %cond3A_178 = arith.cmpi ne, %convert_element_type3A_176, %cond3A_177 : i32
        scf.if %cond3A_178 {
          %dma_wait3A_186 = arith.constant 0 : i32
          %dma_wait3A_187 = arith.constant 0 : i32
          %dma_wait3A_188 = tpu.memref_slice %arg9[%dma_wait3A_186, %dma_wait3A_187] : memref<2x128xi32, #tpu.memory_space<vmem>> -> memref<1x128xi32, #tpu.memory_space<vmem>>
          %dma_wait3A_189 = tpu.memref_squeeze %dma_wait3A_188 : memref<1x128xi32, #tpu.memory_space<vmem>> -> memref<128xi32, #tpu.memory_space<vmem>>
          %dma_wait3A_190 = arith.constant 0 : i32
          %dma_wait3A_191 = tpu.memref_slice %arg5[%dma_wait3A_190] : memref<163840xi32, #tpu.memory_space<hbm>> -> memref<128xi32, #tpu.memory_space<hbm>>
          %dma_wait3A_192 = arith.constant 0 : i32
          %dma_wait3A_193 = tpu.memref_slice %arg9[%dma_wait3A_186, %dma_wait3A_192] : memref<2x128xi32, #tpu.memory_space<vmem>> -> memref<1x128xi32, #tpu.memory_space<vmem>>
          %dma_wait3A_194 = tpu.memref_squeeze %dma_wait3A_193 : memref<1x128xi32, #tpu.memory_space<vmem>> -> memref<128xi32, #tpu.memory_space<vmem>>
          %dma_wait3A_195 = arith.constant 0 : i32
          %dma_wait3A_196 = tpu.memref_slice %arg5[%dma_wait3A_195] : memref<163840xi32, #tpu.memory_space<hbm>> -> memref<128xi32, #tpu.memory_space<hbm>>
          tpu.wait_dma2 semaphore(%arg20 : memref<!tpu.dma_semaphore, #tpu.memory_space<semaphore_mem>>) src(%dma_wait3A_196 : memref<128xi32, #tpu.memory_space<hbm>>) dst(%dma_wait3A_194 : memref<128xi32, #tpu.memory_space<vmem>>)
        } else {
        }
        %run_scoped3A_179 = arith.constant 0 : i32
        "tpu.region"() ({
          %run_scoped3A_186 = tpu.sem_alloc : memref<!tpu.dma_semaphore, #tpu.memory_space<semaphore_mem>>
          %dma_start3A_187 = arith.constant 0 : i32
          %dma_start3A_188 = tpu.memref_slice %arg9[%run_scoped3A_179, %dma_start3A_187] : memref<2x128xi32, #tpu.memory_space<vmem>> -> memref<1x128xi32, #tpu.memory_space<vmem>>
          %dma_start3A_189 = tpu.memref_squeeze %dma_start3A_188 : memref<1x128xi32, #tpu.memory_space<vmem>> -> memref<128xi32, #tpu.memory_space<vmem>>
          %dma_start3A_190 = arith.constant 0 : i32
          %dma_start3A_191 = arith.constant 0 : i32
          %dma_start3A_192 = tpu.memref_slice %arg14[%dma_start3A_190, %dma_start3A_191] : memref<10000x128xf32, #tpu.memory_space<vmem_shared>> -> memref<10000x128xf32, #tpu.memory_space<vmem_shared>>
          tpu.enqueue_indirect_dma source(%arg10 : memref<128x128xf32, #tpu.memory_space<vmem>>) target(%dma_start3A_192 : memref<10000x128xf32, #tpu.memory_space<vmem_shared>>) offsets(%dma_start3A_189 : memref<128xi32, #tpu.memory_space<vmem>>) semaphore(%run_scoped3A_186 : memref<!tpu.dma_semaphore, #tpu.memory_space<semaphore_mem>>) {add = true}
          %dma_wait3A_193 = arith.constant 0 : i32
          %dma_wait3A_194 = tpu.memref_slice %arg9[%run_scoped3A_179, %dma_wait3A_193] : memref<2x128xi32, #tpu.memory_space<vmem>> -> memref<1x128xi32, #tpu.memory_space<vmem>>
          %dma_wait3A_195 = tpu.memref_squeeze %dma_wait3A_194 : memref<1x128xi32, #tpu.memory_space<vmem>> -> memref<128xi32, #tpu.memory_space<vmem>>
          %dma_wait3A_196 = arith.constant 0 : i32
          %dma_wait3A_197 = arith.constant 0 : i32
          %dma_wait3A_198 = tpu.memref_slice %arg14[%dma_wait3A_196, %dma_wait3A_197] : memref<10000x128xf32, #tpu.memory_space<vmem_shared>> -> memref<10000x128xf32, #tpu.memory_space<vmem_shared>>
          tpu.wait_indirect_dma semaphore(%run_scoped3A_186 : memref<!tpu.dma_semaphore, #tpu.memory_space<semaphore_mem>>) src(%arg10 : memref<128x128xf32, #tpu.memory_space<vmem>>) dst(%dma_wait3A_198 : memref<10000x128xf32, #tpu.memory_space<vmem_shared>>)
          tpu.yield
        }) : () -> ()
        %add3A_180 = arith.constant 2 : i32
        %add3A_181 = arith.addi %add3A_109, %add3A_180 : i32
        %lt3A_182 = arith.cmpi slt, %add3A_181, %min3A_12 : i32
        %convert_element_type3A_183 = arith.extui %lt3A_182 : i1 to i32
        %cond3A_184 = arith.constant 0 : i32
        %cond3A_185 = arith.cmpi ne, %convert_element_type3A_183, %cond3A_184 : i32
        scf.if %cond3A_185 {
          %ge3A_186 = arith.constant 1 : i32
          %ge3A_187 = arith.cmpi sge, %add3A_109, %ge3A_186 : i32
          %convert_element_type3A_188 = arith.extui %ge3A_187 : i1 to i32
          %cond3A_189 = arith.constant 0 : i32
          %cond3A_190 = arith.cmpi ne, %convert_element_type3A_188, %cond3A_189 : i32
          scf.if %cond3A_190 {
            %dma_wait3A_200 = arith.constant 0 : i32
            %dma_wait3A_201 = arith.constant 0 : i32
            %dma_wait3A_202 = tpu.memref_slice %arg8[%dma_wait3A_200, %dma_wait3A_201] : memref<4x128xi32, #tpu.memory_space<vmem>> -> memref<1x128xi32, #tpu.memory_space<vmem>>
            %dma_wait3A_203 = tpu.memref_squeeze %dma_wait3A_202 : memref<1x128xi32, #tpu.memory_space<vmem>> -> memref<128xi32, #tpu.memory_space<vmem>>
            %dma_wait3A_204 = arith.constant 0 : i32
            %dma_wait3A_205 = tpu.memref_slice %arg4[%dma_wait3A_204] : memref<163840xi32, #tpu.memory_space<hbm>> -> memref<128xi32, #tpu.memory_space<hbm>>
            %dma_wait3A_206 = arith.constant 0 : i32
            %dma_wait3A_207 = tpu.memref_slice %arg8[%dma_wait3A_200, %dma_wait3A_206] : memref<4x128xi32, #tpu.memory_space<vmem>> -> memref<1x128xi32, #tpu.memory_space<vmem>>
            %dma_wait3A_208 = tpu.memref_squeeze %dma_wait3A_207 : memref<1x128xi32, #tpu.memory_space<vmem>> -> memref<128xi32, #tpu.memory_space<vmem>>
            %dma_wait3A_209 = arith.constant 0 : i32
            %dma_wait3A_210 = tpu.memref_slice %arg4[%dma_wait3A_209] : memref<163840xi32, #tpu.memory_space<hbm>> -> memref<128xi32, #tpu.memory_space<hbm>>
            tpu.wait_dma2 semaphore(%arg19 : memref<!tpu.dma_semaphore, #tpu.memory_space<semaphore_mem>>) src(%dma_wait3A_210 : memref<128xi32, #tpu.memory_space<hbm>>) dst(%dma_wait3A_208 : memref<128xi32, #tpu.memory_space<vmem>>)
          } else {
          }
          %add3A_191 = arith.constant 2 : i32
          %add3A_192 = arith.addi %add3A_109, %add3A_191 : i32
          %dma_start3A_193 = arith.constant 0 : i32
          %dma_start3A_194 = arith.constant 0 : i32
          %dma_start3A_195 = tpu.memref_slice %arg8[%dma_start3A_193, %dma_start3A_194] : memref<4x128xi32, #tpu.memory_space<vmem>> -> memref<1x128xi32, #tpu.memory_space<vmem>>
          %dma_start3A_196 = tpu.memref_squeeze %dma_start3A_195 : memref<1x128xi32, #tpu.memory_space<vmem>> -> memref<128xi32, #tpu.memory_space<vmem>>
          %dma_start3A_197 = arith.constant 0 : i32
          %dma_start3A_198 = arith.constant 0 : i32
          %dma_start3A_199 = tpu.memref_slice %arg3[%dma_start3A_197, %dma_start3A_198] : memref<10000x128xf32, #tpu.memory_space<hbm>> -> memref<10000x128xf32, #tpu.memory_space<hbm>>
          tpu.enqueue_indirect_dma source(%dma_start3A_199 : memref<10000x128xf32, #tpu.memory_space<hbm>>) target(%arg10 : memref<128x128xf32, #tpu.memory_space<vmem>>) offsets(%dma_start3A_196 : memref<128xi32, #tpu.memory_space<vmem>>) semaphore(%arg15 : memref<!tpu.dma_semaphore, #tpu.memory_space<semaphore_mem>>)
        } else {
        }
      } else {
      }
      %mul3A_114 = arith.constant 4 : i32
      %mul3A_115 = arith.muli %mul3A_114, %scan3A_89 : i32
      %add3A_116 = arith.constant 3 : i32
      %add3A_117 = arith.addi %mul3A_115, %add3A_116 : i32
      %lt3A_118 = arith.cmpi slt, %add3A_117, %min3A_12 : i32
      %convert_element_type3A_119 = arith.extui %lt3A_118 : i1 to i32
      %cond3A_120 = arith.constant 0 : i32
      %cond3A_121 = arith.cmpi ne, %convert_element_type3A_119, %cond3A_120 : i32
      scf.if %cond3A_121 {
        %add3A_122 = arith.constant 3 : i32
        %add3A_123 = arith.addi %add3A_117, %add3A_122 : i32
        %lt3A_124 = arith.cmpi slt, %add3A_123, %min3A_12 : i32
        %convert_element_type3A_125 = arith.extui %lt3A_124 : i1 to i32
        %cond3A_126 = arith.constant 0 : i32
        %cond3A_127 = arith.cmpi ne, %convert_element_type3A_125, %cond3A_126 : i32
        scf.if %cond3A_127 {
          %add3A_186 = arith.constant 3 : i32
          %add3A_187 = arith.addi %add3A_117, %add3A_186 : i32
          %add3A_188 = arith.addi %mul3A_10, %add3A_187 : i32
          %mul3A_189 = arith.constant 128 : i32
          %mul3A_190 = arith.muli %add3A_188, %mul3A_189 : i32
          %multiple_of3A_191 = tpu.assume_multiple %mul3A_190, 128 : i32
          %dma_start3A_192 = arith.constant 2 : i32
          %dma_start3A_193 = arith.constant 0 : i32
          %dma_start3A_194 = tpu.memref_slice %arg8[%dma_start3A_192, %dma_start3A_193] : memref<4x128xi32, #tpu.memory_space<vmem>> -> memref<1x128xi32, #tpu.memory_space<vmem>>
          %dma_start3A_195 = tpu.memref_squeeze %dma_start3A_194 : memref<1x128xi32, #tpu.memory_space<vmem>> -> memref<128xi32, #tpu.memory_space<vmem>>
          %dma_start3A_196 = tpu.memref_slice %arg4[%multiple_of3A_191] : memref<163840xi32, #tpu.memory_space<hbm>> -> memref<128xi32, #tpu.memory_space<hbm>>
          %dma_start3A_197 = arith.constant 0 : i32
          %dma_start3A_198 = tpu.memref_slice %arg8[%dma_start3A_192, %dma_start3A_197] : memref<4x128xi32, #tpu.memory_space<vmem>> -> memref<1x128xi32, #tpu.memory_space<vmem>>
          %dma_start3A_199 = tpu.memref_squeeze %dma_start3A_198 : memref<1x128xi32, #tpu.memory_space<vmem>> -> memref<128xi32, #tpu.memory_space<vmem>>
          %dma_start3A_200 = tpu.memref_slice %arg4[%multiple_of3A_191] : memref<163840xi32, #tpu.memory_space<hbm>> -> memref<128xi32, #tpu.memory_space<hbm>>
          tpu.enqueue_dma source(%dma_start3A_200 : memref<128xi32, #tpu.memory_space<hbm>>) target(%dma_start3A_199 : memref<128xi32, #tpu.memory_space<vmem>>) target_semaphore(%arg19 : memref<!tpu.dma_semaphore, #tpu.memory_space<semaphore_mem>>)
        } else {
        }
        %add3A_128 = arith.constant 1 : i32
        %add3A_129 = arith.addi %add3A_117, %add3A_128 : i32
        %lt3A_130 = arith.cmpi slt, %add3A_129, %min3A_12 : i32
        %convert_element_type3A_131 = arith.extui %lt3A_130 : i1 to i32
        %cond3A_132 = arith.constant 0 : i32
        %cond3A_133 = arith.cmpi ne, %convert_element_type3A_131, %cond3A_132 : i32
        scf.if %cond3A_133 {
          %add3A_186 = arith.constant 1 : i32
          %add3A_187 = arith.addi %add3A_117, %add3A_186 : i32
          %add3A_188 = arith.addi %mul3A_10, %add3A_187 : i32
          %mul3A_189 = arith.constant 128 : i32
          %mul3A_190 = arith.muli %add3A_188, %mul3A_189 : i32
          %multiple_of3A_191 = tpu.assume_multiple %mul3A_190, 128 : i32
          %dma_start3A_192 = arith.constant 0 : i32
          %dma_start3A_193 = arith.constant 0 : i32
          %dma_start3A_194 = tpu.memref_slice %arg9[%dma_start3A_192, %dma_start3A_193] : memref<2x128xi32, #tpu.memory_space<vmem>> -> memref<1x128xi32, #tpu.memory_space<vmem>>
          %dma_start3A_195 = tpu.memref_squeeze %dma_start3A_194 : memref<1x128xi32, #tpu.memory_space<vmem>> -> memref<128xi32, #tpu.memory_space<vmem>>
          %dma_start3A_196 = tpu.memref_slice %arg5[%multiple_of3A_191] : memref<163840xi32, #tpu.memory_space<hbm>> -> memref<128xi32, #tpu.memory_space<hbm>>
          %dma_start3A_197 = arith.constant 0 : i32
          %dma_start3A_198 = tpu.memref_slice %arg9[%dma_start3A_192, %dma_start3A_197] : memref<2x128xi32, #tpu.memory_space<vmem>> -> memref<1x128xi32, #tpu.memory_space<vmem>>
          %dma_start3A_199 = tpu.memref_squeeze %dma_start3A_198 : memref<1x128xi32, #tpu.memory_space<vmem>> -> memref<128xi32, #tpu.memory_space<vmem>>
          %dma_start3A_200 = tpu.memref_slice %arg5[%multiple_of3A_191] : memref<163840xi32, #tpu.memory_space<hbm>> -> memref<128xi32, #tpu.memory_space<hbm>>
          tpu.enqueue_dma source(%dma_start3A_200 : memref<128xi32, #tpu.memory_space<hbm>>) target(%dma_start3A_199 : memref<128xi32, #tpu.memory_space<vmem>>) target_semaphore(%arg20 : memref<!tpu.dma_semaphore, #tpu.memory_space<semaphore_mem>>)
        } else {
        }
        %dma_wait3A = arith.constant 0 : i32
        %dma_wait3A_134 = arith.constant 0 : i32
        %dma_wait3A_135 = tpu.memref_slice %arg3[%dma_wait3A, %dma_wait3A_134] : memref<10000x128xf32, #tpu.memory_space<hbm>> -> memref<128x128xf32, #tpu.memory_space<hbm>>
        %dma_wait3A_136 = arith.constant 0 : i32
        %dma_wait3A_137 = arith.constant 0 : i32
        %dma_wait3A_138 = tpu.memref_slice %arg3[%dma_wait3A_136, %dma_wait3A_137] : memref<10000x128xf32, #tpu.memory_space<hbm>> -> memref<128x128xf32, #tpu.memory_space<hbm>>
        tpu.wait_dma2 semaphore(%arg16 : memref<!tpu.dma_semaphore, #tpu.memory_space<semaphore_mem>>) src(%dma_wait3A_138 : memref<128x128xf32, #tpu.memory_space<hbm>>) dst(%arg11 : memref<128x128xf32, #tpu.memory_space<vmem>>)
        %dma_wait3A_139 = arith.constant 0 : i32
        %dma_wait3A_140 = arith.constant 0 : i32
        %dma_wait3A_141 = tpu.memref_slice %arg2[%dma_wait3A_139, %dma_wait3A_140] : memref<160000x128xf32, #tpu.memory_space<hbm>> -> memref<64x128xf32, #tpu.memory_space<hbm>>
        %dma_wait3A_142 = arith.constant 0 : i32
        %dma_wait3A_143 = arith.constant 0 : i32
        %dma_wait3A_144 = tpu.memref_slice %arg2[%dma_wait3A_142, %dma_wait3A_143] : memref<160000x128xf32, #tpu.memory_space<hbm>> -> memref<64x128xf32, #tpu.memory_space<hbm>>
        tpu.wait_dma2 semaphore(%arg17 : memref<!tpu.dma_semaphore, #tpu.memory_space<semaphore_mem>>) src(%dma_wait3A_144 : memref<64x128xf32, #tpu.memory_space<hbm>>) dst(%arg12 : memref<64x128xf32, #tpu.memory_space<vmem>>)
        %scan3A_145 = arith.constant 0 : i32
        %scan3A_146 = arith.constant 0 : i32
        %scan3A_147 = arith.constant 64 : i32
        %scan3A_148 = arith.addi %scan3A_146, %scan3A_147 : i32
        %scan3A_149 = arith.constant 1 : i32
        scf.for %scan3A_186 = %scan3A_146 to %scan3A_148 step %scan3A_149  : i32 {
          %get3A = arith.index_cast %scan3A_186 : i32 to index
          %get3A_187 = arith.constant 0 : index
          %get3A_188 = tpu.vector_load %arg12[%get3A, %get3A_187] {strides = array<i32>} : memref<64x128xf32, #tpu.memory_space<vmem>>, vector<16xf32>,
          %add3A_189 = arith.constant 0 : i32
          %add3A_190 = arith.addi %add3A_189, %scan3A_186 : i32
          %get3A_191 = arith.index_cast %add3A_190 : i32 to index
          %get3A_192 = arith.constant 0 : index
          %get3A_193 = tpu.vector_load %arg11[%get3A_191, %get3A_192] {strides = array<i32>} : memref<128x128xf32, #tpu.memory_space<vmem>>, vector<16xf32>,
          %mul3A_194 = arith.mulf %get3A_188, %get3A_193 : vector<16xf32>
          %add3A_195 = arith.constant 0 : i32
          %add3A_196 = arith.addi %add3A_195, %scan3A_186 : i32
          %swap3A = arith.index_cast %add3A_196 : i32 to index
          %swap3A_197 = arith.constant 0 : index
          %swap3A_198 = tpu.vector_load %arg11[%swap3A, %swap3A_197] {strides = array<i32>} : memref<128x128xf32, #tpu.memory_space<vmem>>, vector<16xf32>,
          tpu.vector_store %arg11[%swap3A, %swap3A_197], %mul3A_194 {strides = array<i32>} : memref<128x128xf32, #tpu.memory_space<vmem>>, vector<16xf32>,
          %get3A_199 = arith.index_cast %scan3A_186 : i32 to index
          %get3A_200 = arith.constant 16 : index
          %get3A_201 = tpu.vector_load %arg12[%get3A_199, %get3A_200] {strides = array<i32>} : memref<64x128xf32, #tpu.memory_space<vmem>>, vector<16xf32>,
          %add3A_202 = arith.constant 0 : i32
          %add3A_203 = arith.addi %add3A_202, %scan3A_186 : i32
          %get3A_204 = arith.index_cast %add3A_203 : i32 to index
          %get3A_205 = arith.constant 16 : index
          %get3A_206 = tpu.vector_load %arg11[%get3A_204, %get3A_205] {strides = array<i32>} : memref<128x128xf32, #tpu.memory_space<vmem>>, vector<16xf32>,
          %mul3A_207 = arith.mulf %get3A_201, %get3A_206 : vector<16xf32>
          %add3A_208 = arith.constant 0 : i32
          %add3A_209 = arith.addi %add3A_208, %scan3A_186 : i32
          %swap3A_210 = arith.index_cast %add3A_209 : i32 to index
          %swap3A_211 = arith.constant 16 : index
          %swap3A_212 = tpu.vector_load %arg11[%swap3A_210, %swap3A_211] {strides = array<i32>} : memref<128x128xf32, #tpu.memory_space<vmem>>, vector<16xf32>,
          tpu.vector_store %arg11[%swap3A_210, %swap3A_211], %mul3A_207 {strides = array<i32>} : memref<128x128xf32, #tpu.memory_space<vmem>>, vector<16xf32>,
          %get3A_213 = arith.index_cast %scan3A_186 : i32 to index
          %get3A_214 = arith.constant 32 : index
          %get3A_215 = tpu.vector_load %arg12[%get3A_213, %get3A_214] {strides = array<i32>} : memref<64x128xf32, #tpu.memory_space<vmem>>, vector<16xf32>,
          %add3A_216 = arith.constant 0 : i32
          %add3A_217 = arith.addi %add3A_216, %scan3A_186 : i32
          %get3A_218 = arith.index_cast %add3A_217 : i32 to index
          %get3A_219 = arith.constant 32 : index
          %get3A_220 = tpu.vector_load %arg11[%get3A_218, %get3A_219] {strides = array<i32>} : memref<128x128xf32, #tpu.memory_space<vmem>>, vector<16xf32>,
          %mul3A_221 = arith.mulf %get3A_215, %get3A_220 : vector<16xf32>
          %add3A_222 = arith.constant 0 : i32
          %add3A_223 = arith.addi %add3A_222, %scan3A_186 : i32
          %swap3A_224 = arith.index_cast %add3A_223 : i32 to index
          %swap3A_225 = arith.constant 32 : index
          %swap3A_226 = tpu.vector_load %arg11[%swap3A_224, %swap3A_225] {strides = array<i32>} : memref<128x128xf32, #tpu.memory_space<vmem>>, vector<16xf32>,
          tpu.vector_store %arg11[%swap3A_224, %swap3A_225], %mul3A_221 {strides = array<i32>} : memref<128x128xf32, #tpu.memory_space<vmem>>, vector<16xf32>,
          %get3A_227 = arith.index_cast %scan3A_186 : i32 to index
          %get3A_228 = arith.constant 48 : index
          %get3A_229 = tpu.vector_load %arg12[%get3A_227, %get3A_228] {strides = array<i32>} : memref<64x128xf32, #tpu.memory_space<vmem>>, vector<16xf32>,
          %add3A_230 = arith.constant 0 : i32
          %add3A_231 = arith.addi %add3A_230, %scan3A_186 : i32
          %get3A_232 = arith.index_cast %add3A_231 : i32 to index
          %get3A_233 = arith.constant 48 : index
          %get3A_234 = tpu.vector_load %arg11[%get3A_232, %get3A_233] {strides = array<i32>} : memref<128x128xf32, #tpu.memory_space<vmem>>, vector<16xf32>,
          %mul3A_235 = arith.mulf %get3A_229, %get3A_234 : vector<16xf32>
          %add3A_236 = arith.constant 0 : i32
          %add3A_237 = arith.addi %add3A_236, %scan3A_186 : i32
          %swap3A_238 = arith.index_cast %add3A_237 : i32 to index
          %swap3A_239 = arith.constant 48 : index
          %swap3A_240 = tpu.vector_load %arg11[%swap3A_238, %swap3A_239] {strides = array<i32>} : memref<128x128xf32, #tpu.memory_space<vmem>>, vector<16xf32>,
          tpu.vector_store %arg11[%swap3A_238, %swap3A_239], %mul3A_235 {strides = array<i32>} : memref<128x128xf32, #tpu.memory_space<vmem>>, vector<16xf32>,
          %get3A_241 = arith.index_cast %scan3A_186 : i32 to index
          %get3A_242 = arith.constant 64 : index
          %get3A_243 = tpu.vector_load %arg12[%get3A_241, %get3A_242] {strides = array<i32>} : memref<64x128xf32, #tpu.memory_space<vmem>>, vector<16xf32>,
          %add3A_244 = arith.constant 0 : i32
          %add3A_245 = arith.addi %add3A_244, %scan3A_186 : i32
          %get3A_246 = arith.index_cast %add3A_245 : i32 to index
          %get3A_247 = arith.constant 64 : index
          %get3A_248 = tpu.vector_load %arg11[%get3A_246, %get3A_247] {strides = array<i32>} : memref<128x128xf32, #tpu.memory_space<vmem>>, vector<16xf32>,
          %mul3A_249 = arith.mulf %get3A_243, %get3A_248 : vector<16xf32>
          %add3A_250 = arith.constant 0 : i32
          %add3A_251 = arith.addi %add3A_250, %scan3A_186 : i32
          %swap3A_252 = arith.index_cast %add3A_251 : i32 to index
          %swap3A_253 = arith.constant 64 : index
          %swap3A_254 = tpu.vector_load %arg11[%swap3A_252, %swap3A_253] {strides = array<i32>} : memref<128x128xf32, #tpu.memory_space<vmem>>, vector<16xf32>,
          tpu.vector_store %arg11[%swap3A_252, %swap3A_253], %mul3A_249 {strides = array<i32>} : memref<128x128xf32, #tpu.memory_space<vmem>>, vector<16xf32>,
          %get3A_255 = arith.index_cast %scan3A_186 : i32 to index
          %get3A_256 = arith.constant 80 : index
          %get3A_257 = tpu.vector_load %arg12[%get3A_255, %get3A_256] {strides = array<i32>} : memref<64x128xf32, #tpu.memory_space<vmem>>, vector<16xf32>,
          %add3A_258 = arith.constant 0 : i32
          %add3A_259 = arith.addi %add3A_258, %scan3A_186 : i32
          %get3A_260 = arith.index_cast %add3A_259 : i32 to index
          %get3A_261 = arith.constant 80 : index
          %get3A_262 = tpu.vector_load %arg11[%get3A_260, %get3A_261] {strides = array<i32>} : memref<128x128xf32, #tpu.memory_space<vmem>>, vector<16xf32>,
          %mul3A_263 = arith.mulf %get3A_257, %get3A_262 : vector<16xf32>
          %add3A_264 = arith.constant 0 : i32
          %add3A_265 = arith.addi %add3A_264, %scan3A_186 : i32
          %swap3A_266 = arith.index_cast %add3A_265 : i32 to index
          %swap3A_267 = arith.constant 80 : index
          %swap3A_268 = tpu.vector_load %arg11[%swap3A_266, %swap3A_267] {strides = array<i32>} : memref<128x128xf32, #tpu.memory_space<vmem>>, vector<16xf32>,
          tpu.vector_store %arg11[%swap3A_266, %swap3A_267], %mul3A_263 {strides = array<i32>} : memref<128x128xf32, #tpu.memory_space<vmem>>, vector<16xf32>,
          %get3A_269 = arith.index_cast %scan3A_186 : i32 to index
          %get3A_270 = arith.constant 96 : index
          %get3A_271 = tpu.vector_load %arg12[%get3A_269, %get3A_270] {strides = array<i32>} : memref<64x128xf32, #tpu.memory_space<vmem>>, vector<16xf32>,
          %add3A_272 = arith.constant 0 : i32
          %add3A_273 = arith.addi %add3A_272, %scan3A_186 : i32
          %get3A_274 = arith.index_cast %add3A_273 : i32 to index
          %get3A_275 = arith.constant 96 : index
          %get3A_276 = tpu.vector_load %arg11[%get3A_274, %get3A_275] {strides = array<i32>} : memref<128x128xf32, #tpu.memory_space<vmem>>, vector<16xf32>,
          %mul3A_277 = arith.mulf %get3A_271, %get3A_276 : vector<16xf32>
          %add3A_278 = arith.constant 0 : i32
          %add3A_279 = arith.addi %add3A_278, %scan3A_186 : i32
          %swap3A_280 = arith.index_cast %add3A_279 : i32 to index
          %swap3A_281 = arith.constant 96 : index
          %swap3A_282 = tpu.vector_load %arg11[%swap3A_280, %swap3A_281] {strides = array<i32>} : memref<128x128xf32, #tpu.memory_space<vmem>>, vector<16xf32>,
          tpu.vector_store %arg11[%swap3A_280, %swap3A_281], %mul3A_277 {strides = array<i32>} : memref<128x128xf32, #tpu.memory_space<vmem>>, vector<16xf32>,
          %get3A_283 = arith.index_cast %scan3A_186 : i32 to index
          %get3A_284 = arith.constant 112 : index
          %get3A_285 = tpu.vector_load %arg12[%get3A_283, %get3A_284] {strides = array<i32>} : memref<64x128xf32, #tpu.memory_space<vmem>>, vector<16xf32>,
          %add3A_286 = arith.constant 0 : i32
          %add3A_287 = arith.addi %add3A_286, %scan3A_186 : i32
          %get3A_288 = arith.index_cast %add3A_287 : i32 to index
          %get3A_289 = arith.constant 112 : index
          %get3A_290 = tpu.vector_load %arg11[%get3A_288, %get3A_289] {strides = array<i32>} : memref<128x128xf32, #tpu.memory_space<vmem>>, vector<16xf32>,
          %mul3A_291 = arith.mulf %get3A_285, %get3A_290 : vector<16xf32>
          %add3A_292 = arith.constant 0 : i32
          %add3A_293 = arith.addi %add3A_292, %scan3A_186 : i32
          %swap3A_294 = arith.index_cast %add3A_293 : i32 to index
          %swap3A_295 = arith.constant 112 : index
          %swap3A_296 = tpu.vector_load %arg11[%swap3A_294, %swap3A_295] {strides = array<i32>} : memref<128x128xf32, #tpu.memory_space<vmem>>, vector<16xf32>,
          tpu.vector_store %arg11[%swap3A_294, %swap3A_295], %mul3A_291 {strides = array<i32>} : memref<128x128xf32, #tpu.memory_space<vmem>>, vector<16xf32>,
        }
        %scan3A_150 = arith.constant 64 : i32
        %add3A_151 = arith.constant 1 : i32
        %add3A_152 = arith.addi %add3A_117, %add3A_151 : i32
        %lt3A_153 = arith.cmpi slt, %add3A_152, %min3A_12 : i32
        %convert_element_type3A_154 = arith.extui %lt3A_153 : i1 to i32
        %cond3A_155 = arith.constant 0 : i32
        %cond3A_156 = arith.cmpi ne, %convert_element_type3A_154, %cond3A_155 : i32
        scf.if %cond3A_156 {
          %add3A_186 = arith.constant 1 : i32
          %add3A_187 = arith.addi %add3A_117, %add3A_186 : i32
          %add3A_188 = arith.addi %mul3A_10, %add3A_187 : i32
          %mul3A_189 = arith.constant 128 : i32
          %mul3A_190 = arith.muli %add3A_188, %mul3A_189 : i32
          %multiple_of3A_191 = tpu.assume_multiple %mul3A_190, 128 : i32
          %add3A_192 = arith.constant 0 : i32
          %add3A_193 = arith.addi %multiple_of3A_191, %add3A_192 : i32
          %multiple_of3A_194 = tpu.assume_multiple %add3A_193, 64 : i32
          %dma_start3A_195 = arith.constant 0 : i32
          %dma_start3A_196 = tpu.memref_slice %arg2[%multiple_of3A_194, %dma_start3A_195] : memref<160000x128xf32, #tpu.memory_space<hbm>> -> memref<64x128xf32, #tpu.memory_space<hbm>>
          %dma_start3A_197 = arith.constant 0 : i32
          %dma_start3A_198 = tpu.memref_slice %arg2[%multiple_of3A_194, %dma_start3A_197] : memref<160000x128xf32, #tpu.memory_space<hbm>> -> memref<64x128xf32, #tpu.memory_space<hbm>>
          tpu.enqueue_dma source(%dma_start3A_198 : memref<64x128xf32, #tpu.memory_space<hbm>>) target(%arg12 : memref<64x128xf32, #tpu.memory_space<vmem>>) target_semaphore(%arg17 : memref<!tpu.dma_semaphore, #tpu.memory_space<semaphore_mem>>)
        } else {
        }
        %dma_wait3A_157 = arith.constant 0 : i32
        %dma_wait3A_158 = arith.constant 0 : i32
        %dma_wait3A_159 = tpu.memref_slice %arg2[%dma_wait3A_157, %dma_wait3A_158] : memref<160000x128xf32, #tpu.memory_space<hbm>> -> memref<64x128xf32, #tpu.memory_space<hbm>>
        %dma_wait3A_160 = arith.constant 0 : i32
        %dma_wait3A_161 = arith.constant 0 : i32
        %dma_wait3A_162 = tpu.memref_slice %arg2[%dma_wait3A_160, %dma_wait3A_161] : memref<160000x128xf32, #tpu.memory_space<hbm>> -> memref<64x128xf32, #tpu.memory_space<hbm>>
        tpu.wait_dma2 semaphore(%arg18 : memref<!tpu.dma_semaphore, #tpu.memory_space<semaphore_mem>>) src(%dma_wait3A_162 : memref<64x128xf32, #tpu.memory_space<hbm>>) dst(%arg13 : memref<64x128xf32, #tpu.memory_space<vmem>>)
        %scan3A_163 = arith.constant 0 : i32
        %scan3A_164 = arith.constant 0 : i32
        %scan3A_165 = arith.constant 64 : i32
        %scan3A_166 = arith.addi %scan3A_164, %scan3A_165 : i32
        %scan3A_167 = arith.constant 1 : i32
        scf.for %scan3A_186 = %scan3A_164 to %scan3A_166 step %scan3A_167  : i32 {
          %get3A = arith.index_cast %scan3A_186 : i32 to index
          %get3A_187 = arith.constant 0 : index
          %get3A_188 = tpu.vector_load %arg13[%get3A, %get3A_187] {strides = array<i32>} : memref<64x128xf32, #tpu.memory_space<vmem>>, vector<16xf32>,
          %add3A_189 = arith.constant 64 : i32
          %add3A_190 = arith.addi %add3A_189, %scan3A_186 : i32
          %get3A_191 = arith.index_cast %add3A_190 : i32 to index
          %get3A_192 = arith.constant 0 : index
          %get3A_193 = tpu.vector_load %arg11[%get3A_191, %get3A_192] {strides = array<i32>} : memref<128x128xf32, #tpu.memory_space<vmem>>, vector<16xf32>,
          %mul3A_194 = arith.mulf %get3A_188, %get3A_193 : vector<16xf32>
          %add3A_195 = arith.constant 64 : i32
          %add3A_196 = arith.addi %add3A_195, %scan3A_186 : i32
          %swap3A = arith.index_cast %add3A_196 : i32 to index
          %swap3A_197 = arith.constant 0 : index
          %swap3A_198 = tpu.vector_load %arg11[%swap3A, %swap3A_197] {strides = array<i32>} : memref<128x128xf32, #tpu.memory_space<vmem>>, vector<16xf32>,
          tpu.vector_store %arg11[%swap3A, %swap3A_197], %mul3A_194 {strides = array<i32>} : memref<128x128xf32, #tpu.memory_space<vmem>>, vector<16xf32>,
          %get3A_199 = arith.index_cast %scan3A_186 : i32 to index
          %get3A_200 = arith.constant 16 : index
          %get3A_201 = tpu.vector_load %arg13[%get3A_199, %get3A_200] {strides = array<i32>} : memref<64x128xf32, #tpu.memory_space<vmem>>, vector<16xf32>,
          %add3A_202 = arith.constant 64 : i32
          %add3A_203 = arith.addi %add3A_202, %scan3A_186 : i32
          %get3A_204 = arith.index_cast %add3A_203 : i32 to index
          %get3A_205 = arith.constant 16 : index
          %get3A_206 = tpu.vector_load %arg11[%get3A_204, %get3A_205] {strides = array<i32>} : memref<128x128xf32, #tpu.memory_space<vmem>>, vector<16xf32>,
          %mul3A_207 = arith.mulf %get3A_201, %get3A_206 : vector<16xf32>
          %add3A_208 = arith.constant 64 : i32
          %add3A_209 = arith.addi %add3A_208, %scan3A_186 : i32
          %swap3A_210 = arith.index_cast %add3A_209 : i32 to index
          %swap3A_211 = arith.constant 16 : index
          %swap3A_212 = tpu.vector_load %arg11[%swap3A_210, %swap3A_211] {strides = array<i32>} : memref<128x128xf32, #tpu.memory_space<vmem>>, vector<16xf32>,
          tpu.vector_store %arg11[%swap3A_210, %swap3A_211], %mul3A_207 {strides = array<i32>} : memref<128x128xf32, #tpu.memory_space<vmem>>, vector<16xf32>,
          %get3A_213 = arith.index_cast %scan3A_186 : i32 to index
          %get3A_214 = arith.constant 32 : index
          %get3A_215 = tpu.vector_load %arg13[%get3A_213, %get3A_214] {strides = array<i32>} : memref<64x128xf32, #tpu.memory_space<vmem>>, vector<16xf32>,
          %add3A_216 = arith.constant 64 : i32
          %add3A_217 = arith.addi %add3A_216, %scan3A_186 : i32
          %get3A_218 = arith.index_cast %add3A_217 : i32 to index
          %get3A_219 = arith.constant 32 : index
          %get3A_220 = tpu.vector_load %arg11[%get3A_218, %get3A_219] {strides = array<i32>} : memref<128x128xf32, #tpu.memory_space<vmem>>, vector<16xf32>,
          %mul3A_221 = arith.mulf %get3A_215, %get3A_220 : vector<16xf32>
          %add3A_222 = arith.constant 64 : i32
          %add3A_223 = arith.addi %add3A_222, %scan3A_186 : i32
          %swap3A_224 = arith.index_cast %add3A_223 : i32 to index
          %swap3A_225 = arith.constant 32 : index
          %swap3A_226 = tpu.vector_load %arg11[%swap3A_224, %swap3A_225] {strides = array<i32>} : memref<128x128xf32, #tpu.memory_space<vmem>>, vector<16xf32>,
          tpu.vector_store %arg11[%swap3A_224, %swap3A_225], %mul3A_221 {strides = array<i32>} : memref<128x128xf32, #tpu.memory_space<vmem>>, vector<16xf32>,
          %get3A_227 = arith.index_cast %scan3A_186 : i32 to index
          %get3A_228 = arith.constant 48 : index
          %get3A_229 = tpu.vector_load %arg13[%get3A_227, %get3A_228] {strides = array<i32>} : memref<64x128xf32, #tpu.memory_space<vmem>>, vector<16xf32>,
          %add3A_230 = arith.constant 64 : i32
          %add3A_231 = arith.addi %add3A_230, %scan3A_186 : i32
          %get3A_232 = arith.index_cast %add3A_231 : i32 to index
          %get3A_233 = arith.constant 48 : index
          %get3A_234 = tpu.vector_load %arg11[%get3A_232, %get3A_233] {strides = array<i32>} : memref<128x128xf32, #tpu.memory_space<vmem>>, vector<16xf32>,
          %mul3A_235 = arith.mulf %get3A_229, %get3A_234 : vector<16xf32>
          %add3A_236 = arith.constant 64 : i32
          %add3A_237 = arith.addi %add3A_236, %scan3A_186 : i32
          %swap3A_238 = arith.index_cast %add3A_237 : i32 to index
          %swap3A_239 = arith.constant 48 : index
          %swap3A_240 = tpu.vector_load %arg11[%swap3A_238, %swap3A_239] {strides = array<i32>} : memref<128x128xf32, #tpu.memory_space<vmem>>, vector<16xf32>,
          tpu.vector_store %arg11[%swap3A_238, %swap3A_239], %mul3A_235 {strides = array<i32>} : memref<128x128xf32, #tpu.memory_space<vmem>>, vector<16xf32>,
          %get3A_241 = arith.index_cast %scan3A_186 : i32 to index
          %get3A_242 = arith.constant 64 : index
          %get3A_243 = tpu.vector_load %arg13[%get3A_241, %get3A_242] {strides = array<i32>} : memref<64x128xf32, #tpu.memory_space<vmem>>, vector<16xf32>,
          %add3A_244 = arith.constant 64 : i32
          %add3A_245 = arith.addi %add3A_244, %scan3A_186 : i32
          %get3A_246 = arith.index_cast %add3A_245 : i32 to index
          %get3A_247 = arith.constant 64 : index
          %get3A_248 = tpu.vector_load %arg11[%get3A_246, %get3A_247] {strides = array<i32>} : memref<128x128xf32, #tpu.memory_space<vmem>>, vector<16xf32>,
          %mul3A_249 = arith.mulf %get3A_243, %get3A_248 : vector<16xf32>
          %add3A_250 = arith.constant 64 : i32
          %add3A_251 = arith.addi %add3A_250, %scan3A_186 : i32
          %swap3A_252 = arith.index_cast %add3A_251 : i32 to index
          %swap3A_253 = arith.constant 64 : index
          %swap3A_254 = tpu.vector_load %arg11[%swap3A_252, %swap3A_253] {strides = array<i32>} : memref<128x128xf32, #tpu.memory_space<vmem>>, vector<16xf32>,
          tpu.vector_store %arg11[%swap3A_252, %swap3A_253], %mul3A_249 {strides = array<i32>} : memref<128x128xf32, #tpu.memory_space<vmem>>, vector<16xf32>,
          %get3A_255 = arith.index_cast %scan3A_186 : i32 to index
          %get3A_256 = arith.constant 80 : index
          %get3A_257 = tpu.vector_load %arg13[%get3A_255, %get3A_256] {strides = array<i32>} : memref<64x128xf32, #tpu.memory_space<vmem>>, vector<16xf32>,
          %add3A_258 = arith.constant 64 : i32
          %add3A_259 = arith.addi %add3A_258, %scan3A_186 : i32
          %get3A_260 = arith.index_cast %add3A_259 : i32 to index
          %get3A_261 = arith.constant 80 : index
          %get3A_262 = tpu.vector_load %arg11[%get3A_260, %get3A_261] {strides = array<i32>} : memref<128x128xf32, #tpu.memory_space<vmem>>, vector<16xf32>,
          %mul3A_263 = arith.mulf %get3A_257, %get3A_262 : vector<16xf32>
          %add3A_264 = arith.constant 64 : i32
          %add3A_265 = arith.addi %add3A_264, %scan3A_186 : i32
          %swap3A_266 = arith.index_cast %add3A_265 : i32 to index
          %swap3A_267 = arith.constant 80 : index
          %swap3A_268 = tpu.vector_load %arg11[%swap3A_266, %swap3A_267] {strides = array<i32>} : memref<128x128xf32, #tpu.memory_space<vmem>>, vector<16xf32>,
          tpu.vector_store %arg11[%swap3A_266, %swap3A_267], %mul3A_263 {strides = array<i32>} : memref<128x128xf32, #tpu.memory_space<vmem>>, vector<16xf32>,
          %get3A_269 = arith.index_cast %scan3A_186 : i32 to index
          %get3A_270 = arith.constant 96 : index
          %get3A_271 = tpu.vector_load %arg13[%get3A_269, %get3A_270] {strides = array<i32>} : memref<64x128xf32, #tpu.memory_space<vmem>>, vector<16xf32>,
          %add3A_272 = arith.constant 64 : i32
          %add3A_273 = arith.addi %add3A_272, %scan3A_186 : i32
          %get3A_274 = arith.index_cast %add3A_273 : i32 to index
          %get3A_275 = arith.constant 96 : index
          %get3A_276 = tpu.vector_load %arg11[%get3A_274, %get3A_275] {strides = array<i32>} : memref<128x128xf32, #tpu.memory_space<vmem>>, vector<16xf32>,
          %mul3A_277 = arith.mulf %get3A_271, %get3A_276 : vector<16xf32>
          %add3A_278 = arith.constant 64 : i32
          %add3A_279 = arith.addi %add3A_278, %scan3A_186 : i32
          %swap3A_280 = arith.index_cast %add3A_279 : i32 to index
          %swap3A_281 = arith.constant 96 : index
          %swap3A_282 = tpu.vector_load %arg11[%swap3A_280, %swap3A_281] {strides = array<i32>} : memref<128x128xf32, #tpu.memory_space<vmem>>, vector<16xf32>,
          tpu.vector_store %arg11[%swap3A_280, %swap3A_281], %mul3A_277 {strides = array<i32>} : memref<128x128xf32, #tpu.memory_space<vmem>>, vector<16xf32>,
          %get3A_283 = arith.index_cast %scan3A_186 : i32 to index
          %get3A_284 = arith.constant 112 : index
          %get3A_285 = tpu.vector_load %arg13[%get3A_283, %get3A_284] {strides = array<i32>} : memref<64x128xf32, #tpu.memory_space<vmem>>, vector<16xf32>,
          %add3A_286 = arith.constant 64 : i32
          %add3A_287 = arith.addi %add3A_286, %scan3A_186 : i32
          %get3A_288 = arith.index_cast %add3A_287 : i32 to index
          %get3A_289 = arith.constant 112 : index
          %get3A_290 = tpu.vector_load %arg11[%get3A_288, %get3A_289] {strides = array<i32>} : memref<128x128xf32, #tpu.memory_space<vmem>>, vector<16xf32>,
          %mul3A_291 = arith.mulf %get3A_285, %get3A_290 : vector<16xf32>
          %add3A_292 = arith.constant 64 : i32
          %add3A_293 = arith.addi %add3A_292, %scan3A_186 : i32
          %swap3A_294 = arith.index_cast %add3A_293 : i32 to index
          %swap3A_295 = arith.constant 112 : index
          %swap3A_296 = tpu.vector_load %arg11[%swap3A_294, %swap3A_295] {strides = array<i32>} : memref<128x128xf32, #tpu.memory_space<vmem>>, vector<16xf32>,
          tpu.vector_store %arg11[%swap3A_294, %swap3A_295], %mul3A_291 {strides = array<i32>} : memref<128x128xf32, #tpu.memory_space<vmem>>, vector<16xf32>,
        }
        %scan3A_168 = arith.constant 64 : i32
        %add3A_169 = arith.constant 1 : i32
        %add3A_170 = arith.addi %add3A_117, %add3A_169 : i32
        %lt3A_171 = arith.cmpi slt, %add3A_170, %min3A_12 : i32
        %convert_element_type3A_172 = arith.extui %lt3A_171 : i1 to i32
        %cond3A_173 = arith.constant 0 : i32
        %cond3A_174 = arith.cmpi ne, %convert_element_type3A_172, %cond3A_173 : i32
        scf.if %cond3A_174 {
          %add3A_186 = arith.constant 1 : i32
          %add3A_187 = arith.addi %add3A_117, %add3A_186 : i32
          %add3A_188 = arith.addi %mul3A_10, %add3A_187 : i32
          %mul3A_189 = arith.constant 128 : i32
          %mul3A_190 = arith.muli %add3A_188, %mul3A_189 : i32
          %multiple_of3A_191 = tpu.assume_multiple %mul3A_190, 128 : i32
          %add3A_192 = arith.constant 64 : i32
          %add3A_193 = arith.addi %multiple_of3A_191, %add3A_192 : i32
          %multiple_of3A_194 = tpu.assume_multiple %add3A_193, 64 : i32
          %dma_start3A_195 = arith.constant 0 : i32
          %dma_start3A_196 = tpu.memref_slice %arg2[%multiple_of3A_194, %dma_start3A_195] : memref<160000x128xf32, #tpu.memory_space<hbm>> -> memref<64x128xf32, #tpu.memory_space<hbm>>
          %dma_start3A_197 = arith.constant 0 : i32
          %dma_start3A_198 = tpu.memref_slice %arg2[%multiple_of3A_194, %dma_start3A_197] : memref<160000x128xf32, #tpu.memory_space<hbm>> -> memref<64x128xf32, #tpu.memory_space<hbm>>
          tpu.enqueue_dma source(%dma_start3A_198 : memref<64x128xf32, #tpu.memory_space<hbm>>) target(%arg13 : memref<64x128xf32, #tpu.memory_space<vmem>>) target_semaphore(%arg18 : memref<!tpu.dma_semaphore, #tpu.memory_space<semaphore_mem>>)
        } else {
        }
        %ge3A = arith.constant 1 : i32
        %ge3A_175 = arith.cmpi sge, %add3A_117, %ge3A : i32
        %convert_element_type3A_176 = arith.extui %ge3A_175 : i1 to i32
        %cond3A_177 = arith.constant 0 : i32
        %cond3A_178 = arith.cmpi ne, %convert_element_type3A_176, %cond3A_177 : i32
        scf.if %cond3A_178 {
          %dma_wait3A_186 = arith.constant 0 : i32
          %dma_wait3A_187 = arith.constant 0 : i32
          %dma_wait3A_188 = tpu.memref_slice %arg9[%dma_wait3A_186, %dma_wait3A_187] : memref<2x128xi32, #tpu.memory_space<vmem>> -> memref<1x128xi32, #tpu.memory_space<vmem>>
          %dma_wait3A_189 = tpu.memref_squeeze %dma_wait3A_188 : memref<1x128xi32, #tpu.memory_space<vmem>> -> memref<128xi32, #tpu.memory_space<vmem>>
          %dma_wait3A_190 = arith.constant 0 : i32
          %dma_wait3A_191 = tpu.memref_slice %arg5[%dma_wait3A_190] : memref<163840xi32, #tpu.memory_space<hbm>> -> memref<128xi32, #tpu.memory_space<hbm>>
          %dma_wait3A_192 = arith.constant 0 : i32
          %dma_wait3A_193 = tpu.memref_slice %arg9[%dma_wait3A_186, %dma_wait3A_192] : memref<2x128xi32, #tpu.memory_space<vmem>> -> memref<1x128xi32, #tpu.memory_space<vmem>>
          %dma_wait3A_194 = tpu.memref_squeeze %dma_wait3A_193 : memref<1x128xi32, #tpu.memory_space<vmem>> -> memref<128xi32, #tpu.memory_space<vmem>>
          %dma_wait3A_195 = arith.constant 0 : i32
          %dma_wait3A_196 = tpu.memref_slice %arg5[%dma_wait3A_195] : memref<163840xi32, #tpu.memory_space<hbm>> -> memref<128xi32, #tpu.memory_space<hbm>>
          tpu.wait_dma2 semaphore(%arg20 : memref<!tpu.dma_semaphore, #tpu.memory_space<semaphore_mem>>) src(%dma_wait3A_196 : memref<128xi32, #tpu.memory_space<hbm>>) dst(%dma_wait3A_194 : memref<128xi32, #tpu.memory_space<vmem>>)
        } else {
        }
        %run_scoped3A_179 = arith.constant 1 : i32
        "tpu.region"() ({
          %run_scoped3A_186 = tpu.sem_alloc : memref<!tpu.dma_semaphore, #tpu.memory_space<semaphore_mem>>
          %dma_start3A_187 = arith.constant 0 : i32
          %dma_start3A_188 = tpu.memref_slice %arg9[%run_scoped3A_179, %dma_start3A_187] : memref<2x128xi32, #tpu.memory_space<vmem>> -> memref<1x128xi32, #tpu.memory_space<vmem>>
          %dma_start3A_189 = tpu.memref_squeeze %dma_start3A_188 : memref<1x128xi32, #tpu.memory_space<vmem>> -> memref<128xi32, #tpu.memory_space<vmem>>
          %dma_start3A_190 = arith.constant 0 : i32
          %dma_start3A_191 = arith.constant 0 : i32
          %dma_start3A_192 = tpu.memref_slice %arg14[%dma_start3A_190, %dma_start3A_191] : memref<10000x128xf32, #tpu.memory_space<vmem_shared>> -> memref<10000x128xf32, #tpu.memory_space<vmem_shared>>
          tpu.enqueue_indirect_dma source(%arg11 : memref<128x128xf32, #tpu.memory_space<vmem>>) target(%dma_start3A_192 : memref<10000x128xf32, #tpu.memory_space<vmem_shared>>) offsets(%dma_start3A_189 : memref<128xi32, #tpu.memory_space<vmem>>) semaphore(%run_scoped3A_186 : memref<!tpu.dma_semaphore, #tpu.memory_space<semaphore_mem>>) {add = true}
          %dma_wait3A_193 = arith.constant 0 : i32
          %dma_wait3A_194 = tpu.memref_slice %arg9[%run_scoped3A_179, %dma_wait3A_193] : memref<2x128xi32, #tpu.memory_space<vmem>> -> memref<1x128xi32, #tpu.memory_space<vmem>>
          %dma_wait3A_195 = tpu.memref_squeeze %dma_wait3A_194 : memref<1x128xi32, #tpu.memory_space<vmem>> -> memref<128xi32, #tpu.memory_space<vmem>>
          %dma_wait3A_196 = arith.constant 0 : i32
          %dma_wait3A_197 = arith.constant 0 : i32
          %dma_wait3A_198 = tpu.memref_slice %arg14[%dma_wait3A_196, %dma_wait3A_197] : memref<10000x128xf32, #tpu.memory_space<vmem_shared>> -> memref<10000x128xf32, #tpu.memory_space<vmem_shared>>
          tpu.wait_indirect_dma semaphore(%run_scoped3A_186 : memref<!tpu.dma_semaphore, #tpu.memory_space<semaphore_mem>>) src(%arg11 : memref<128x128xf32, #tpu.memory_space<vmem>>) dst(%dma_wait3A_198 : memref<10000x128xf32, #tpu.memory_space<vmem_shared>>)
          tpu.yield
        }) : () -> ()
        %add3A_180 = arith.constant 2 : i32
        %add3A_181 = arith.addi %add3A_117, %add3A_180 : i32
        %lt3A_182 = arith.cmpi slt, %add3A_181, %min3A_12 : i32
        %convert_element_type3A_183 = arith.extui %lt3A_182 : i1 to i32
        %cond3A_184 = arith.constant 0 : i32
        %cond3A_185 = arith.cmpi ne, %convert_element_type3A_183, %cond3A_184 : i32
        scf.if %cond3A_185 {
          %ge3A_186 = arith.constant 1 : i32
          %ge3A_187 = arith.cmpi sge, %add3A_117, %ge3A_186 : i32
          %convert_element_type3A_188 = arith.extui %ge3A_187 : i1 to i32
          %cond3A_189 = arith.constant 0 : i32
          %cond3A_190 = arith.cmpi ne, %convert_element_type3A_188, %cond3A_189 : i32
          scf.if %cond3A_190 {
            %dma_wait3A_200 = arith.constant 0 : i32
            %dma_wait3A_201 = arith.constant 0 : i32
            %dma_wait3A_202 = tpu.memref_slice %arg8[%dma_wait3A_200, %dma_wait3A_201] : memref<4x128xi32, #tpu.memory_space<vmem>> -> memref<1x128xi32, #tpu.memory_space<vmem>>
            %dma_wait3A_203 = tpu.memref_squeeze %dma_wait3A_202 : memref<1x128xi32, #tpu.memory_space<vmem>> -> memref<128xi32, #tpu.memory_space<vmem>>
            %dma_wait3A_204 = arith.constant 0 : i32
            %dma_wait3A_205 = tpu.memref_slice %arg4[%dma_wait3A_204] : memref<163840xi32, #tpu.memory_space<hbm>> -> memref<128xi32, #tpu.memory_space<hbm>>
            %dma_wait3A_206 = arith.constant 0 : i32
            %dma_wait3A_207 = tpu.memref_slice %arg8[%dma_wait3A_200, %dma_wait3A_206] : memref<4x128xi32, #tpu.memory_space<vmem>> -> memref<1x128xi32, #tpu.memory_space<vmem>>
            %dma_wait3A_208 = tpu.memref_squeeze %dma_wait3A_207 : memref<1x128xi32, #tpu.memory_space<vmem>> -> memref<128xi32, #tpu.memory_space<vmem>>
            %dma_wait3A_209 = arith.constant 0 : i32
            %dma_wait3A_210 = tpu.memref_slice %arg4[%dma_wait3A_209] : memref<163840xi32, #tpu.memory_space<hbm>> -> memref<128xi32, #tpu.memory_space<hbm>>
            tpu.wait_dma2 semaphore(%arg19 : memref<!tpu.dma_semaphore, #tpu.memory_space<semaphore_mem>>) src(%dma_wait3A_210 : memref<128xi32, #tpu.memory_space<hbm>>) dst(%dma_wait3A_208 : memref<128xi32, #tpu.memory_space<vmem>>)
          } else {
          }
          %add3A_191 = arith.constant 2 : i32
          %add3A_192 = arith.addi %add3A_117, %add3A_191 : i32
          %dma_start3A_193 = arith.constant 1 : i32
          %dma_start3A_194 = arith.constant 0 : i32
          %dma_start3A_195 = tpu.memref_slice %arg8[%dma_start3A_193, %dma_start3A_194] : memref<4x128xi32, #tpu.memory_space<vmem>> -> memref<1x128xi32, #tpu.memory_space<vmem>>
          %dma_start3A_196 = tpu.memref_squeeze %dma_start3A_195 : memref<1x128xi32, #tpu.memory_space<vmem>> -> memref<128xi32, #tpu.memory_space<vmem>>
          %dma_start3A_197 = arith.constant 0 : i32
          %dma_start3A_198 = arith.constant 0 : i32
          %dma_start3A_199 = tpu.memref_slice %arg3[%dma_start3A_197, %dma_start3A_198] : memref<10000x128xf32, #tpu.memory_space<hbm>> -> memref<10000x128xf32, #tpu.memory_space<hbm>>
          tpu.enqueue_indirect_dma source(%dma_start3A_199 : memref<10000x128xf32, #tpu.memory_space<hbm>>) target(%arg11 : memref<128x128xf32, #tpu.memory_space<vmem>>) offsets(%dma_start3A_196 : memref<128xi32, #tpu.memory_space<vmem>>) semaphore(%arg16 : memref<!tpu.dma_semaphore, #tpu.memory_space<semaphore_mem>>)
        } else {
        }
      } else {
      }
    }
    %scan3A_77 = arith.constant 10 : i32
    %barrier3A_78 = arith.constant 0 : index
    tpu.barrier barrier_id(%barrier3A_78)
    %lt3A_79 = arith.constant 15 : i32
    %lt3A_80 = arith.cmpi slt, %arg1, %lt3A_79 : i32
    %convert_element_type3A_81 = arith.extui %lt3A_80 : i1 to i32
    %cond3A_82 = arith.constant 0 : i32
    %cond3A_83 = arith.cmpi ne, %convert_element_type3A_81, %cond3A_82 : i32
    scf.if %cond3A_83 {
      "tpu.region"() ({
        %run_scoped3A_89 = tpu.sem_alloc : memref<!tpu.dma_semaphore, #tpu.memory_space<semaphore_mem>>
        %dma_start3A_90 = arith.constant 0 : i32
        %dma_start3A_91 = arith.constant 0 : i32
        %dma_start3A_92 = tpu.memref_slice %arg7[%arg0, %dma_start3A_90, %dma_start3A_91] : memref<2x10000x128xf32, #tpu.memory_space<hbm>> -> memref<1x10000x128xf32, #tpu.memory_space<hbm>>
        %dma_start3A_93 = tpu.memref_squeeze %dma_start3A_92 : memref<1x10000x128xf32, #tpu.memory_space<hbm>> -> memref<10000x128xf32, #tpu.memory_space<hbm>>
        %dma_start3A_94 = arith.constant 0 : i32
        %dma_start3A_95 = tpu.memref_slice %dma_start3A_93[%multiple_of3A, %dma_start3A_94] : memref<10000x128xf32, #tpu.memory_space<hbm>> -> memref<632x128xf32, #tpu.memory_space<hbm>>
        %dma_start3A_96 = arith.constant 0 : i32
        %dma_start3A_97 = tpu.memref_slice %arg14[%multiple_of3A, %dma_start3A_96] : memref<10000x128xf32, #tpu.memory_space<vmem_shared>> -> memref<632x128xf32, #tpu.memory_space<vmem_shared>>
        tpu.enqueue_dma source(%dma_start3A_97 : memref<632x128xf32, #tpu.memory_space<vmem_shared>>) target(%dma_start3A_95 : memref<632x128xf32, #tpu.memory_space<hbm>>) target_semaphore(%run_scoped3A_89 : memref<!tpu.dma_semaphore, #tpu.memory_space<semaphore_mem>>)
        %dma_wait3A = arith.constant 0 : i32
        %dma_wait3A_98 = arith.constant 0 : i32
        %dma_wait3A_99 = tpu.memref_slice %arg7[%arg0, %dma_wait3A, %dma_wait3A_98] : memref<2x10000x128xf32, #tpu.memory_space<hbm>> -> memref<1x10000x128xf32, #tpu.memory_space<hbm>>
        %dma_wait3A_100 = tpu.memref_squeeze %dma_wait3A_99 : memref<1x10000x128xf32, #tpu.memory_space<hbm>> -> memref<10000x128xf32, #tpu.memory_space<hbm>>
        %dma_wait3A_101 = arith.constant 0 : i32
        %dma_wait3A_102 = tpu.memref_slice %dma_wait3A_100[%multiple_of3A, %dma_wait3A_101] : memref<10000x128xf32, #tpu.memory_space<hbm>> -> memref<632x128xf32, #tpu.memory_space<hbm>>
        %dma_wait3A_103 = arith.constant 0 : i32
        %dma_wait3A_104 = tpu.memref_slice %arg14[%multiple_of3A, %dma_wait3A_103] : memref<10000x128xf32, #tpu.memory_space<vmem_shared>> -> memref<632x128xf32, #tpu.memory_space<vmem_shared>>
        tpu.wait_dma2 semaphore(%run_scoped3A_89 : memref<!tpu.dma_semaphore, #tpu.memory_space<semaphore_mem>>) src(%dma_wait3A_104 : memref<632x128xf32, #tpu.memory_space<vmem_shared>>) dst(%dma_wait3A_102 : memref<632x128xf32, #tpu.memory_space<hbm>>)
        tpu.yield
      }) : () -> ()
    } else {
    }
    %eq3A_84 = arith.constant 15 : i32
    %eq3A_85 = arith.cmpi eq, %arg1, %eq3A_84 : i32
    %convert_element_type3A_86 = arith.extui %eq3A_85 : i1 to i32
    %cond3A_87 = arith.constant 0 : i32
    %cond3A_88 = arith.cmpi ne, %convert_element_type3A_86, %cond3A_87 : i32
    scf.if %cond3A_88 {
      "tpu.region"() ({
        %run_scoped3A_89 = tpu.sem_alloc : memref<!tpu.dma_semaphore, #tpu.memory_space<semaphore_mem>>
        %dma_start3A_90 = arith.constant 0 : i32
        %dma_start3A_91 = arith.constant 0 : i32
        %dma_start3A_92 = tpu.memref_slice %arg7[%arg0, %dma_start3A_90, %dma_start3A_91] : memref<2x10000x128xf32, #tpu.memory_space<hbm>> -> memref<1x10000x128xf32, #tpu.memory_space<hbm>>
        %dma_start3A_93 = tpu.memref_squeeze %dma_start3A_92 : memref<1x10000x128xf32, #tpu.memory_space<hbm>> -> memref<10000x128xf32, #tpu.memory_space<hbm>>
        %dma_start3A_94 = arith.constant 0 : i32
        %dma_start3A_95 = tpu.memref_slice %dma_start3A_93[%multiple_of3A, %dma_start3A_94] : memref<10000x128xf32, #tpu.memory_space<hbm>> -> memref<520x128xf32, #tpu.memory_space<hbm>>
        %dma_start3A_96 = arith.constant 0 : i32
        %dma_start3A_97 = tpu.memref_slice %arg14[%multiple_of3A, %dma_start3A_96] : memref<10000x128xf32, #tpu.memory_space<vmem_shared>> -> memref<520x128xf32, #tpu.memory_space<vmem_shared>>
        tpu.enqueue_dma source(%dma_start3A_97 : memref<520x128xf32, #tpu.memory_space<vmem_shared>>) target(%dma_start3A_95 : memref<520x128xf32, #tpu.memory_space<hbm>>) target_semaphore(%run_scoped3A_89 : memref<!tpu.dma_semaphore, #tpu.memory_space<semaphore_mem>>)
        %dma_wait3A = arith.constant 0 : i32
        %dma_wait3A_98 = arith.constant 0 : i32
        %dma_wait3A_99 = tpu.memref_slice %arg7[%arg0, %dma_wait3A, %dma_wait3A_98] : memref<2x10000x128xf32, #tpu.memory_space<hbm>> -> memref<1x10000x128xf32, #tpu.memory_space<hbm>>
        %dma_wait3A_100 = tpu.memref_squeeze %dma_wait3A_99 : memref<1x10000x128xf32, #tpu.memory_space<hbm>> -> memref<10000x128xf32, #tpu.memory_space<hbm>>
        %dma_wait3A_101 = arith.constant 0 : i32
        %dma_wait3A_102 = tpu.memref_slice %dma_wait3A_100[%multiple_of3A, %dma_wait3A_101] : memref<10000x128xf32, #tpu.memory_space<hbm>> -> memref<520x128xf32, #tpu.memory_space<hbm>>
        %dma_wait3A_103 = arith.constant 0 : i32
        %dma_wait3A_104 = tpu.memref_slice %arg14[%multiple_of3A, %dma_wait3A_103] : memref<10000x128xf32, #tpu.memory_space<vmem_shared>> -> memref<520x128xf32, #tpu.memory_space<vmem_shared>>
        tpu.wait_dma2 semaphore(%run_scoped3A_89 : memref<!tpu.dma_semaphore, #tpu.memory_space<semaphore_mem>>) src(%dma_wait3A_104 : memref<520x128xf32, #tpu.memory_space<vmem_shared>>) dst(%dma_wait3A_102 : memref<520x128xf32, #tpu.memory_space<hbm>>)
        tpu.yield
      }) : () -> ()
    } else {
    }
    return
  }
}

#map = affine_map<(d0, d1) -> (0, 0)>
#map1 = affine_map<(d0, d1) -> (0)>
#map2 = affine_map<(d0, d1) -> (0, 0, 0)>
module attributes {stable_mosaic.version = 14 : i64} {
  func.func @k(%arg0: i32, %arg1: i32, %arg2: memref<160000x128xf32, #tpu.memory_space<hbm>>, %arg3: memref<10000x128xf32, #tpu.memory_space<hbm>>, %arg4: memref<163840xi32, #tpu.memory_space<hbm>>, %arg5: memref<163840xi32, #tpu.memory_space<hbm>>, %arg6: memref<632x128xf32, #tpu.memory_space<hbm>>, %arg7: memref<2x10000x128xf32, #tpu.memory_space<hbm>>, %arg8: memref<4x128xi32, #tpu.memory_space<vmem>>, %arg9: memref<2x128xi32, #tpu.memory_space<vmem>>, %arg10: memref<128x128xf32, #tpu.memory_space<vmem>>, %arg11: memref<128x128xf32, #tpu.memory_space<vmem>>, %arg12: memref<64x128xf32, #tpu.memory_space<vmem>>, %arg13: memref<64x128xf32, #tpu.memory_space<vmem>>, %arg14: memref<10000x128xf32, #tpu.memory_space<vmem_shared>>, %arg15: memref<!tpu.dma_semaphore, #tpu.memory_space<semaphore_mem>>, %arg16: memref<!tpu.dma_semaphore, #tpu.memory_space<semaphore_mem>>, %arg17: memref<!tpu.dma_semaphore, #tpu.memory_space<semaphore_mem>>, %arg18: memref<!tpu.dma_semaphore, #tpu.memory_space<semaphore_mem>>, %arg19: memref<!tpu.dma_semaphore, #tpu.memory_space<semaphore_mem>>, %arg20: memref<!tpu.dma_semaphore, #tpu.memory_space<semaphore_mem>>) attributes {dimension_semantics = [#tpu.dimension_semantics<core_parallel>, #tpu.dimension_semantics<subcore_parallel>], iteration_bounds = array<i64: 2, 16>, scalar_prefetch = 0 : i64, scratch_operands = 13 : i64, tpu.core_type = #tpu.core_type<sc_vector_subcore>, window_params = [{transform_indices = #map}, {transform_indices = #map}, {transform_indices = #map1}, {transform_indices = #map1}, {transform_indices = #map}, {transform_indices = #map2}]} {
    %mul3A = arith.constant 2 : i32
    %mul3A_0 = arith.muli %arg1, %mul3A : i32
    %add3A = arith.addi %mul3A_0, %arg0 : i32
    %mul3A_1 = arith.constant 632 : i32
    %mul3A_2 = arith.muli %arg1, %mul3A_1 : i32
    %multiple_of3A = tpu.assume_multiple %mul3A_2, 8 : i32
    %lt3A = arith.constant 15 : i32
    %lt3A_3 = arith.cmpi slt, %arg1, %lt3A : i32
    %convert_element_type3A = arith.extui %lt3A_3 : i1 to i32
    %cond3A = arith.constant 0 : i32
    %cond3A_4 = arith.cmpi ne, %convert_element_type3A, %cond3A : i32
    scf.if %cond3A_4 {
      "tpu.region"() ({
        %run_scoped3A_89 = tpu.sem_alloc : memref<!tpu.dma_semaphore, #tpu.memory_space<semaphore_mem>>
        %dma_start3A_90 = arith.constant 0 : i32
        %dma_start3A_91 = tpu.memref_slice %arg14[%multiple_of3A, %dma_start3A_90] : memref<10000x128xf32, #tpu.memory_space<vmem_shared>> -> memref<632x128xf32, #tpu.memory_space<vmem_shared>>
        %dma_start3A_92 = arith.constant 0 : i32
        %dma_start3A_93 = arith.constant 0 : i32
        %dma_start3A_94 = tpu.memref_slice %arg6[%dma_start3A_92, %dma_start3A_93] : memref<632x128xf32, #tpu.memory_space<hbm>> -> memref<632x128xf32, #tpu.memory_space<hbm>>
        tpu.enqueue_dma source(%dma_start3A_94 : memref<632x128xf32, #tpu.memory_space<hbm>>) target(%dma_start3A_91 : memref<632x128xf32, #tpu.memory_space<vmem_shared>>) target_semaphore(%run_scoped3A_89 : memref<!tpu.dma_semaphore, #tpu.memory_space<semaphore_mem>>)
        %dma_wait3A = arith.constant 0 : i32
        %dma_wait3A_95 = tpu.memref_slice %arg14[%multiple_of3A, %dma_wait3A] : memref<10000x128xf32, #tpu.memory_space<vmem_shared>> -> memref<632x128xf32, #tpu.memory_space<vmem_shared>>
        %dma_wait3A_96 = arith.constant 0 : i32
        %dma_wait3A_97 = arith.constant 0 : i32
        %dma_wait3A_98 = tpu.memref_slice %arg6[%dma_wait3A_96, %dma_wait3A_97] : memref<632x128xf32, #tpu.memory_space<hbm>> -> memref<632x128xf32, #tpu.memory_space<hbm>>
        tpu.wait_dma2 semaphore(%run_scoped3A_89 : memref<!tpu.dma_semaphore, #tpu.memory_space<semaphore_mem>>) src(%dma_wait3A_98 : memref<632x128xf32, #tpu.memory_space<hbm>>) dst(%dma_wait3A_95 : memref<632x128xf32, #tpu.memory_space<vmem_shared>>)
        tpu.yield
      }) : () -> ()
    } else {
    }
    %eq3A = arith.constant 15 : i32
    %eq3A_5 = arith.cmpi eq, %arg1, %eq3A : i32
    %convert_element_type3A_6 = arith.extui %eq3A_5 : i1 to i32
    %cond3A_7 = arith.constant 0 : i32
    %cond3A_8 = arith.cmpi ne, %convert_element_type3A_6, %cond3A_7 : i32
    scf.if %cond3A_8 {
      "tpu.region"() ({
        %run_scoped3A_89 = tpu.sem_alloc : memref<!tpu.dma_semaphore, #tpu.memory_space<semaphore_mem>>
        %dma_start3A_90 = arith.constant 0 : i32
        %dma_start3A_91 = tpu.memref_slice %arg14[%multiple_of3A, %dma_start3A_90] : memref<10000x128xf32, #tpu.memory_space<vmem_shared>> -> memref<520x128xf32, #tpu.memory_space<vmem_shared>>
        %dma_start3A_92 = arith.constant 0 : i32
        %dma_start3A_93 = arith.constant 0 : i32
        %dma_start3A_94 = tpu.memref_slice %arg6[%dma_start3A_92, %dma_start3A_93] : memref<632x128xf32, #tpu.memory_space<hbm>> -> memref<520x128xf32, #tpu.memory_space<hbm>>
        tpu.enqueue_dma source(%dma_start3A_94 : memref<520x128xf32, #tpu.memory_space<hbm>>) target(%dma_start3A_91 : memref<520x128xf32, #tpu.memory_space<vmem_shared>>) target_semaphore(%run_scoped3A_89 : memref<!tpu.dma_semaphore, #tpu.memory_space<semaphore_mem>>)
        %dma_wait3A = arith.constant 0 : i32
        %dma_wait3A_95 = tpu.memref_slice %arg14[%multiple_of3A, %dma_wait3A] : memref<10000x128xf32, #tpu.memory_space<vmem_shared>> -> memref<520x128xf32, #tpu.memory_space<vmem_shared>>
        %dma_wait3A_96 = arith.constant 0 : i32
        %dma_wait3A_97 = arith.constant 0 : i32
        %dma_wait3A_98 = tpu.memref_slice %arg6[%dma_wait3A_96, %dma_wait3A_97] : memref<632x128xf32, #tpu.memory_space<hbm>> -> memref<520x128xf32, #tpu.memory_space<hbm>>
        tpu.wait_dma2 semaphore(%run_scoped3A_89 : memref<!tpu.dma_semaphore, #tpu.memory_space<semaphore_mem>>) src(%dma_wait3A_98 : memref<520x128xf32, #tpu.memory_space<hbm>>) dst(%dma_wait3A_95 : memref<520x128xf32, #tpu.memory_space<vmem_shared>>)
        tpu.yield
      }) : () -> ()
    } else {
    }
    %barrier3A = arith.constant 0 : index
    tpu.barrier barrier_id(%barrier3A)
    %mul3A_9 = arith.constant 40 : i32
    %mul3A_10 = arith.muli %add3A, %mul3A_9 : i32
    %sub3A = arith.constant 1250 : i32
    %sub3A_11 = arith.subi %sub3A, %mul3A_10 : i32
    %min3A = arith.constant 40 : i32
    %min3A_12 = arith.minsi %sub3A_11, %min3A : i32
    %add3A_13 = arith.constant 0 : i32
    %add3A_14 = arith.addi %mul3A_10, %add3A_13 : i32
    %mul3A_15 = arith.constant 128 : i32
    %mul3A_16 = arith.muli %add3A_14, %mul3A_15 : i32
    %multiple_of3A_17 = tpu.assume_multiple %mul3A_16, 128 : i32
    %run_scoped3A = arith.constant 0 : i32
    "tpu.region"() ({
      %run_scoped3A_89 = tpu.sem_alloc : memref<!tpu.dma_semaphore, #tpu.memory_space<semaphore_mem>>
      %dma_start3A_90 = arith.constant 0 : i32
      %dma_start3A_91 = tpu.memref_slice %arg8[%run_scoped3A, %dma_start3A_90] : memref<4x128xi32, #tpu.memory_space<vmem>> -> memref<1x128xi32, #tpu.memory_space<vmem>>
      %dma_start3A_92 = tpu.memref_squeeze %dma_start3A_91 : memref<1x128xi32, #tpu.memory_space<vmem>> -> memref<128xi32, #tpu.memory_space<vmem>>
      %dma_start3A_93 = tpu.memref_slice %arg4[%multiple_of3A_17] : memref<163840xi32, #tpu.memory_space<hbm>> -> memref<128xi32, #tpu.memory_space<hbm>>
      %dma_start3A_94 = arith.constant 0 : i32
      %dma_start3A_95 = tpu.memref_slice %arg8[%run_scoped3A, %dma_start3A_94] : memref<4x128xi32, #tpu.memory_space<vmem>> -> memref<1x128xi32, #tpu.memory_space<vmem>>
      %dma_start3A_96 = tpu.memref_squeeze %dma_start3A_95 : memref<1x128xi32, #tpu.memory_space<vmem>> -> memref<128xi32, #tpu.memory_space<vmem>>
      %dma_start3A_97 = tpu.memref_slice %arg4[%multiple_of3A_17] : memref<163840xi32, #tpu.memory_space<hbm>> -> memref<128xi32, #tpu.memory_space<hbm>>
      tpu.enqueue_dma source(%dma_start3A_97 : memref<128xi32, #tpu.memory_space<hbm>>) target(%dma_start3A_96 : memref<128xi32, #tpu.memory_space<vmem>>) target_semaphore(%run_scoped3A_89 : memref<!tpu.dma_semaphore, #tpu.memory_space<semaphore_mem>>)
      %dma_wait3A = arith.constant 0 : i32
      %dma_wait3A_98 = tpu.memref_slice %arg8[%run_scoped3A, %dma_wait3A] : memref<4x128xi32, #tpu.memory_space<vmem>> -> memref<1x128xi32, #tpu.memory_space<vmem>>
      %dma_wait3A_99 = tpu.memref_squeeze %dma_wait3A_98 : memref<1x128xi32, #tpu.memory_space<vmem>> -> memref<128xi32, #tpu.memory_space<vmem>>
      %dma_wait3A_100 = tpu.memref_slice %arg4[%multiple_of3A_17] : memref<163840xi32, #tpu.memory_space<hbm>> -> memref<128xi32, #tpu.memory_space<hbm>>
      %dma_wait3A_101 = arith.constant 0 : i32
      %dma_wait3A_102 = tpu.memref_slice %arg8[%run_scoped3A, %dma_wait3A_101] : memref<4x128xi32, #tpu.memory_space<vmem>> -> memref<1x128xi32, #tpu.memory_space<vmem>>
      %dma_wait3A_103 = tpu.memref_squeeze %dma_wait3A_102 : memref<1x128xi32, #tpu.memory_space<vmem>> -> memref<128xi32, #tpu.memory_space<vmem>>
      %dma_wait3A_104 = tpu.memref_slice %arg4[%multiple_of3A_17] : memref<163840xi32, #tpu.memory_space<hbm>> -> memref<128xi32, #tpu.memory_space<hbm>>
      tpu.wait_dma2 semaphore(%run_scoped3A_89 : memref<!tpu.dma_semaphore, #tpu.memory_space<semaphore_mem>>) src(%dma_wait3A_104 : memref<128xi32, #tpu.memory_space<hbm>>) dst(%dma_wait3A_103 : memref<128xi32, #tpu.memory_space<vmem>>)
      tpu.yield
    }) : () -> ()
    %add3A_18 = arith.constant 1 : i32
    %add3A_19 = arith.addi %mul3A_10, %add3A_18 : i32
    %mul3A_20 = arith.constant 128 : i32
    %mul3A_21 = arith.muli %add3A_19, %mul3A_20 : i32
    %multiple_of3A_22 = tpu.assume_multiple %mul3A_21, 128 : i32
    %run_scoped3A_23 = arith.constant 1 : i32
    "tpu.region"() ({
      %run_scoped3A_89 = tpu.sem_alloc : memref<!tpu.dma_semaphore, #tpu.memory_space<semaphore_mem>>
      %dma_start3A_90 = arith.constant 0 : i32
      %dma_start3A_91 = tpu.memref_slice %arg8[%run_scoped3A_23, %dma_start3A_90] : memref<4x128xi32, #tpu.memory_space<vmem>> -> memref<1x128xi32, #tpu.memory_space<vmem>>
      %dma_start3A_92 = tpu.memref_squeeze %dma_start3A_91 : memref<1x128xi32, #tpu.memory_space<vmem>> -> memref<128xi32, #tpu.memory_space<vmem>>
      %dma_start3A_93 = tpu.memref_slice %arg4[%multiple_of3A_22] : memref<163840xi32, #tpu.memory_space<hbm>> -> memref<128xi32, #tpu.memory_space<hbm>>
      %dma_start3A_94 = arith.constant 0 : i32
      %dma_start3A_95 = tpu.memref_slice %arg8[%run_scoped3A_23, %dma_start3A_94] : memref<4x128xi32, #tpu.memory_space<vmem>> -> memref<1x128xi32, #tpu.memory_space<vmem>>
      %dma_start3A_96 = tpu.memref_squeeze %dma_start3A_95 : memref<1x128xi32, #tpu.memory_space<vmem>> -> memref<128xi32, #tpu.memory_space<vmem>>
      %dma_start3A_97 = tpu.memref_slice %arg4[%multiple_of3A_22] : memref<163840xi32, #tpu.memory_space<hbm>> -> memref<128xi32, #tpu.memory_space<hbm>>
      tpu.enqueue_dma source(%dma_start3A_97 : memref<128xi32, #tpu.memory_space<hbm>>) target(%dma_start3A_96 : memref<128xi32, #tpu.memory_space<vmem>>) target_semaphore(%run_scoped3A_89 : memref<!tpu.dma_semaphore, #tpu.memory_space<semaphore_mem>>)
      %dma_wait3A = arith.constant 0 : i32
      %dma_wait3A_98 = tpu.memref_slice %arg8[%run_scoped3A_23, %dma_wait3A] : memref<4x128xi32, #tpu.memory_space<vmem>> -> memref<1x128xi32, #tpu.memory_space<vmem>>
      %dma_wait3A_99 = tpu.memref_squeeze %dma_wait3A_98 : memref<1x128xi32, #tpu.memory_space<vmem>> -> memref<128xi32, #tpu.memory_space<vmem>>
      %dma_wait3A_100 = tpu.memref_slice %arg4[%multiple_of3A_22] : memref<163840xi32, #tpu.memory_space<hbm>> -> memref<128xi32, #tpu.memory_space<hbm>>
      %dma_wait3A_101 = arith.constant 0 : i32
      %dma_wait3A_102 = tpu.memref_slice %arg8[%run_scoped3A_23, %dma_wait3A_101] : memref<4x128xi32, #tpu.memory_space<vmem>> -> memref<1x128xi32, #tpu.memory_space<vmem>>
      %dma_wait3A_103 = tpu.memref_squeeze %dma_wait3A_102 : memref<1x128xi32, #tpu.memory_space<vmem>> -> memref<128xi32, #tpu.memory_space<vmem>>
      %dma_wait3A_104 = tpu.memref_slice %arg4[%multiple_of3A_22] : memref<163840xi32, #tpu.memory_space<hbm>> -> memref<128xi32, #tpu.memory_space<hbm>>
      tpu.wait_dma2 semaphore(%run_scoped3A_89 : memref<!tpu.dma_semaphore, #tpu.memory_space<semaphore_mem>>) src(%dma_wait3A_104 : memref<128xi32, #tpu.memory_space<hbm>>) dst(%dma_wait3A_103 : memref<128xi32, #tpu.memory_space<vmem>>)
      tpu.yield
    }) : () -> ()
    %add3A_24 = arith.constant 2 : i32
    %add3A_25 = arith.addi %mul3A_10, %add3A_24 : i32
    %mul3A_26 = arith.constant 128 : i32
    %mul3A_27 = arith.muli %add3A_25, %mul3A_26 : i32
    %multiple_of3A_28 = tpu.assume_multiple %mul3A_27, 128 : i32
    %run_scoped3A_29 = arith.constant 2 : i32
    "tpu.region"() ({
      %run_scoped3A_89 = tpu.sem_alloc : memref<!tpu.dma_semaphore, #tpu.memory_space<semaphore_mem>>
      %dma_start3A_90 = arith.constant 0 : i32
      %dma_start3A_91 = tpu.memref_slice %arg8[%run_scoped3A_29, %dma_start3A_90] : memref<4x128xi32, #tpu.memory_space<vmem>> -> memref<1x128xi32, #tpu.memory_space<vmem>>
      %dma_start3A_92 = tpu.memref_squeeze %dma_start3A_91 : memref<1x128xi32, #tpu.memory_space<vmem>> -> memref<128xi32, #tpu.memory_space<vmem>>
      %dma_start3A_93 = tpu.memref_slice %arg4[%multiple_of3A_28] : memref<163840xi32, #tpu.memory_space<hbm>> -> memref<128xi32, #tpu.memory_space<hbm>>
      %dma_start3A_94 = arith.constant 0 : i32
      %dma_start3A_95 = tpu.memref_slice %arg8[%run_scoped3A_29, %dma_start3A_94] : memref<4x128xi32, #tpu.memory_space<vmem>> -> memref<1x128xi32, #tpu.memory_space<vmem>>
      %dma_start3A_96 = tpu.memref_squeeze %dma_start3A_95 : memref<1x128xi32, #tpu.memory_space<vmem>> -> memref<128xi32, #tpu.memory_space<vmem>>
      %dma_start3A_97 = tpu.memref_slice %arg4[%multiple_of3A_28] : memref<163840xi32, #tpu.memory_space<hbm>> -> memref<128xi32, #tpu.memory_space<hbm>>
      tpu.enqueue_dma source(%dma_start3A_97 : memref<128xi32, #tpu.memory_space<hbm>>) target(%dma_start3A_96 : memref<128xi32, #tpu.memory_space<vmem>>) target_semaphore(%run_scoped3A_89 : memref<!tpu.dma_semaphore, #tpu.memory_space<semaphore_mem>>)
      %dma_wait3A = arith.constant 0 : i32
      %dma_wait3A_98 = tpu.memref_slice %arg8[%run_scoped3A_29, %dma_wait3A] : memref<4x128xi32, #tpu.memory_space<vmem>> -> memref<1x128xi32, #tpu.memory_space<vmem>>
      %dma_wait3A_99 = tpu.memref_squeeze %dma_wait3A_98 : memref<1x128xi32, #tpu.memory_space<vmem>> -> memref<128xi32, #tpu.memory_space<vmem>>
      %dma_wait3A_100 = tpu.memref_slice %arg4[%multiple_of3A_28] : memref<163840xi32, #tpu.memory_space<hbm>> -> memref<128xi32, #tpu.memory_space<hbm>>
      %dma_wait3A_101 = arith.constant 0 : i32
      %dma_wait3A_102 = tpu.memref_slice %arg8[%run_scoped3A_29, %dma_wait3A_101] : memref<4x128xi32, #tpu.memory_space<vmem>> -> memref<1x128xi32, #tpu.memory_space<vmem>>
      %dma_wait3A_103 = tpu.memref_squeeze %dma_wait3A_102 : memref<1x128xi32, #tpu.memory_space<vmem>> -> memref<128xi32, #tpu.memory_space<vmem>>
      %dma_wait3A_104 = tpu.memref_slice %arg4[%multiple_of3A_28] : memref<163840xi32, #tpu.memory_space<hbm>> -> memref<128xi32, #tpu.memory_space<hbm>>
      tpu.wait_dma2 semaphore(%run_scoped3A_89 : memref<!tpu.dma_semaphore, #tpu.memory_space<semaphore_mem>>) src(%dma_wait3A_104 : memref<128xi32, #tpu.memory_space<hbm>>) dst(%dma_wait3A_103 : memref<128xi32, #tpu.memory_space<vmem>>)
      tpu.yield
    }) : () -> ()
    %add3A_30 = arith.constant 0 : i32
    %add3A_31 = arith.addi %mul3A_10, %add3A_30 : i32
    %mul3A_32 = arith.constant 128 : i32
    %mul3A_33 = arith.muli %add3A_31, %mul3A_32 : i32
    %multiple_of3A_34 = tpu.assume_multiple %mul3A_33, 128 : i32
    %run_scoped3A_35 = arith.constant 0 : i32
    "tpu.region"() ({
      %run_scoped3A_89 = tpu.sem_alloc : memref<!tpu.dma_semaphore, #tpu.memory_space<semaphore_mem>>
      %dma_start3A_90 = arith.constant 0 : i32
      %dma_start3A_91 = tpu.memref_slice %arg9[%run_scoped3A_35, %dma_start3A_90] : memref<2x128xi32, #tpu.memory_space<vmem>> -> memref<1x128xi32, #tpu.memory_space<vmem>>
      %dma_start3A_92 = tpu.memref_squeeze %dma_start3A_91 : memref<1x128xi32, #tpu.memory_space<vmem>> -> memref<128xi32, #tpu.memory_space<vmem>>
      %dma_start3A_93 = tpu.memref_slice %arg5[%multiple_of3A_34] : memref<163840xi32, #tpu.memory_space<hbm>> -> memref<128xi32, #tpu.memory_space<hbm>>
      %dma_start3A_94 = arith.constant 0 : i32
      %dma_start3A_95 = tpu.memref_slice %arg9[%run_scoped3A_35, %dma_start3A_94] : memref<2x128xi32, #tpu.memory_space<vmem>> -> memref<1x128xi32, #tpu.memory_space<vmem>>
      %dma_start3A_96 = tpu.memref_squeeze %dma_start3A_95 : memref<1x128xi32, #tpu.memory_space<vmem>> -> memref<128xi32, #tpu.memory_space<vmem>>
      %dma_start3A_97 = tpu.memref_slice %arg5[%multiple_of3A_34] : memref<163840xi32, #tpu.memory_space<hbm>> -> memref<128xi32, #tpu.memory_space<hbm>>
      tpu.enqueue_dma source(%dma_start3A_97 : memref<128xi32, #tpu.memory_space<hbm>>) target(%dma_start3A_96 : memref<128xi32, #tpu.memory_space<vmem>>) target_semaphore(%run_scoped3A_89 : memref<!tpu.dma_semaphore, #tpu.memory_space<semaphore_mem>>)
      %dma_wait3A = arith.constant 0 : i32
      %dma_wait3A_98 = tpu.memref_slice %arg9[%run_scoped3A_35, %dma_wait3A] : memref<2x128xi32, #tpu.memory_space<vmem>> -> memref<1x128xi32, #tpu.memory_space<vmem>>
      %dma_wait3A_99 = tpu.memref_squeeze %dma_wait3A_98 : memref<1x128xi32, #tpu.memory_space<vmem>> -> memref<128xi32, #tpu.memory_space<vmem>>
      %dma_wait3A_100 = tpu.memref_slice %arg5[%multiple_of3A_34] : memref<163840xi32, #tpu.memory_space<hbm>> -> memref<128xi32, #tpu.memory_space<hbm>>
      %dma_wait3A_101 = arith.constant 0 : i32
      %dma_wait3A_102 = tpu.memref_slice %arg9[%run_scoped3A_35, %dma_wait3A_101] : memref<2x128xi32, #tpu.memory_space<vmem>> -> memref<1x128xi32, #tpu.memory_space<vmem>>
      %dma_wait3A_103 = tpu.memref_squeeze %dma_wait3A_102 : memref<1x128xi32, #tpu.memory_space<vmem>> -> memref<128xi32, #tpu.memory_space<vmem>>
      %dma_wait3A_104 = tpu.memref_slice %arg5[%multiple_of3A_34] : memref<163840xi32, #tpu.memory_space<hbm>> -> memref<128xi32, #tpu.memory_space<hbm>>
      tpu.wait_dma2 semaphore(%run_scoped3A_89 : memref<!tpu.dma_semaphore, #tpu.memory_space<semaphore_mem>>) src(%dma_wait3A_104 : memref<128xi32, #tpu.memory_space<hbm>>) dst(%dma_wait3A_103 : memref<128xi32, #tpu.memory_space<vmem>>)
      tpu.yield
    }) : () -> ()
    %dma_start3A = arith.constant 0 : i32
    %dma_start3A_36 = arith.constant 0 : i32
    %dma_start3A_37 = tpu.memref_slice %arg8[%dma_start3A, %dma_start3A_36] : memref<4x128xi32, #tpu.memory_space<vmem>> -> memref<1x128xi32, #tpu.memory_space<vmem>>
    %dma_start3A_38 = tpu.memref_squeeze %dma_start3A_37 : memref<1x128xi32, #tpu.memory_space<vmem>> -> memref<128xi32, #tpu.memory_space<vmem>>
    %dma_start3A_39 = arith.constant 0 : i32
    %dma_start3A_40 = arith.constant 0 : i32
    %dma_start3A_41 = tpu.memref_slice %arg3[%dma_start3A_39, %dma_start3A_40] : memref<10000x128xf32, #tpu.memory_space<hbm>> -> memref<10000x128xf32, #tpu.memory_space<hbm>>
    tpu.enqueue_indirect_dma source(%dma_start3A_41 : memref<10000x128xf32, #tpu.memory_space<hbm>>) target(%arg10 : memref<128x128xf32, #tpu.memory_space<vmem>>) offsets(%dma_start3A_38 : memref<128xi32, #tpu.memory_space<vmem>>) semaphore(%arg15 : memref<!tpu.dma_semaphore, #tpu.memory_space<semaphore_mem>>)
    %dma_start3A_42 = arith.constant 1 : i32
    %dma_start3A_43 = arith.constant 0 : i32
    %dma_start3A_44 = tpu.memref_slice %arg8[%dma_start3A_42, %dma_start3A_43] : memref<4x128xi32, #tpu.memory_space<vmem>> -> memref<1x128xi32, #tpu.memory_space<vmem>>
    %dma_start3A_45 = tpu.memref_squeeze %dma_start3A_44 : memref<1x128xi32, #tpu.memory_space<vmem>> -> memref<128xi32, #tpu.memory_space<vmem>>
    %dma_start3A_46 = arith.constant 0 : i32
    %dma_start3A_47 = arith.constant 0 : i32
    %dma_start3A_48 = tpu.memref_slice %arg3[%dma_start3A_46, %dma_start3A_47] : memref<10000x128xf32, #tpu.memory_space<hbm>> -> memref<10000x128xf32, #tpu.memory_space<hbm>>
    tpu.enqueue_indirect_dma source(%dma_start3A_48 : memref<10000x128xf32, #tpu.memory_space<hbm>>) target(%arg11 : memref<128x128xf32, #tpu.memory_space<vmem>>) offsets(%dma_start3A_45 : memref<128xi32, #tpu.memory_space<vmem>>) semaphore(%arg16 : memref<!tpu.dma_semaphore, #tpu.memory_space<semaphore_mem>>)
    %add3A_49 = arith.constant 0 : i32
    %add3A_50 = arith.addi %mul3A_10, %add3A_49 : i32
    %mul3A_51 = arith.constant 128 : i32
    %mul3A_52 = arith.muli %add3A_50, %mul3A_51 : i32
    %multiple_of3A_53 = tpu.assume_multiple %mul3A_52, 128 : i32
    %add3A_54 = arith.constant 0 : i32
    %add3A_55 = arith.addi %multiple_of3A_53, %add3A_54 : i32
    %multiple_of3A_56 = tpu.assume_multiple %add3A_55, 64 : i32
    %dma_start3A_57 = arith.constant 0 : i32
    %dma_start3A_58 = tpu.memref_slice %arg2[%multiple_of3A_56, %dma_start3A_57] : memref<160000x128xf32, #tpu.memory_space<hbm>> -> memref<64x128xf32, #tpu.memory_space<hbm>>
    %dma_start3A_59 = arith.constant 0 : i32
    %dma_start3A_60 = tpu.memref_slice %arg2[%multiple_of3A_56, %dma_start3A_59] : memref<160000x128xf32, #tpu.memory_space<hbm>> -> memref<64x128xf32, #tpu.memory_space<hbm>>
    tpu.enqueue_dma source(%dma_start3A_60 : memref<64x128xf32, #tpu.memory_space<hbm>>) target(%arg12 : memref<64x128xf32, #tpu.memory_space<vmem>>) target_semaphore(%arg17 : memref<!tpu.dma_semaphore, #tpu.memory_space<semaphore_mem>>)
    %add3A_61 = arith.constant 0 : i32
    %add3A_62 = arith.addi %mul3A_10, %add3A_61 : i32
    %mul3A_63 = arith.constant 128 : i32
    %mul3A_64 = arith.muli %add3A_62, %mul3A_63 : i32
    %multiple_of3A_65 = tpu.assume_multiple %mul3A_64, 128 : i32
    %add3A_66 = arith.constant 64 : i32
    %add3A_67 = arith.addi %multiple_of3A_65, %add3A_66 : i32
    %multiple_of3A_68 = tpu.assume_multiple %add3A_67, 64 : i32
    %dma_start3A_69 = arith.constant 0 : i32
    %dma_start3A_70 = tpu.memref_slice %arg2[%multiple_of3A_68, %dma_start3A_69] : memref<160000x128xf32, #tpu.memory_space<hbm>> -> memref<64x128xf32, #tpu.memory_space<hbm>>
    %dma_start3A_71 = arith.constant 0 : i32
    %dma_start3A_72 = tpu.memref_slice %arg2[%multiple_of3A_68, %dma_start3A_71] : memref<160000x128xf32, #tpu.memory_space<hbm>> -> memref<64x128xf32, #tpu.memory_space<hbm>>
    tpu.enqueue_dma source(%dma_start3A_72 : memref<64x128xf32, #tpu.memory_space<hbm>>) target(%arg13 : memref<64x128xf32, #tpu.memory_space<vmem>>) target_semaphore(%arg18 : memref<!tpu.dma_semaphore, #tpu.memory_space<semaphore_mem>>)
    %scan3A = arith.constant 0 : i32
    %scan3A_73 = arith.constant 0 : i32
    %scan3A_74 = arith.constant 10 : i32
    %scan3A_75 = arith.addi %scan3A_73, %scan3A_74 : i32
    %scan3A_76 = arith.constant 1 : i32
    scf.for %scan3A_89 = %scan3A_73 to %scan3A_75 step %scan3A_76  : i32 {
      %mul3A_90 = arith.constant 4 : i32
      %mul3A_91 = arith.muli %mul3A_90, %scan3A_89 : i32
      %add3A_92 = arith.constant 0 : i32
      %add3A_93 = arith.addi %mul3A_91, %add3A_92 : i32
      %lt3A_94 = arith.cmpi slt, %add3A_93, %min3A_12 : i32
      %convert_element_type3A_95 = arith.extui %lt3A_94 : i1 to i32
      %cond3A_96 = arith.constant 0 : i32
      %cond3A_97 = arith.cmpi ne, %convert_element_type3A_95, %cond3A_96 : i32
      scf.if %cond3A_97 {
        %add3A_122 = arith.constant 3 : i32
        %add3A_123 = arith.addi %add3A_93, %add3A_122 : i32
        %lt3A_124 = arith.cmpi slt, %add3A_123, %min3A_12 : i32
        %convert_element_type3A_125 = arith.extui %lt3A_124 : i1 to i32
        %cond3A_126 = arith.constant 0 : i32
        %cond3A_127 = arith.cmpi ne, %convert_element_type3A_125, %cond3A_126 : i32
        scf.if %cond3A_127 {
          %add3A_186 = arith.constant 3 : i32
          %add3A_187 = arith.addi %add3A_93, %add3A_186 : i32
          %add3A_188 = arith.addi %mul3A_10, %add3A_187 : i32
          %mul3A_189 = arith.constant 128 : i32
          %mul3A_190 = arith.muli %add3A_188, %mul3A_189 : i32
          %multiple_of3A_191 = tpu.assume_multiple %mul3A_190, 128 : i32
          %dma_start3A_192 = arith.constant 3 : i32
          %dma_start3A_193 = arith.constant 0 : i32
          %dma_start3A_194 = tpu.memref_slice %arg8[%dma_start3A_192, %dma_start3A_193] : memref<4x128xi32, #tpu.memory_space<vmem>> -> memref<1x128xi32, #tpu.memory_space<vmem>>
          %dma_start3A_195 = tpu.memref_squeeze %dma_start3A_194 : memref<1x128xi32, #tpu.memory_space<vmem>> -> memref<128xi32, #tpu.memory_space<vmem>>
          %dma_start3A_196 = tpu.memref_slice %arg4[%multiple_of3A_191] : memref<163840xi32, #tpu.memory_space<hbm>> -> memref<128xi32, #tpu.memory_space<hbm>>
          %dma_start3A_197 = arith.constant 0 : i32
          %dma_start3A_198 = tpu.memref_slice %arg8[%dma_start3A_192, %dma_start3A_197] : memref<4x128xi32, #tpu.memory_space<vmem>> -> memref<1x128xi32, #tpu.memory_space<vmem>>
          %dma_start3A_199 = tpu.memref_squeeze %dma_start3A_198 : memref<1x128xi32, #tpu.memory_space<vmem>> -> memref<128xi32, #tpu.memory_space<vmem>>
          %dma_start3A_200 = tpu.memref_slice %arg4[%multiple_of3A_191] : memref<163840xi32, #tpu.memory_space<hbm>> -> memref<128xi32, #tpu.memory_space<hbm>>
          tpu.enqueue_dma source(%dma_start3A_200 : memref<128xi32, #tpu.memory_space<hbm>>) target(%dma_start3A_199 : memref<128xi32, #tpu.memory_space<vmem>>) target_semaphore(%arg19 : memref<!tpu.dma_semaphore, #tpu.memory_space<semaphore_mem>>)
        } else {
        }
        %add3A_128 = arith.constant 1 : i32
        %add3A_129 = arith.addi %add3A_93, %add3A_128 : i32
        %lt3A_130 = arith.cmpi slt, %add3A_129, %min3A_12 : i32
        %convert_element_type3A_131 = arith.extui %lt3A_130 : i1 to i32
        %cond3A_132 = arith.constant 0 : i32
        %cond3A_133 = arith.cmpi ne, %convert_element_type3A_131, %cond3A_132 : i32
        scf.if %cond3A_133 {
          %add3A_186 = arith.constant 1 : i32
          %add3A_187 = arith.addi %add3A_93, %add3A_186 : i32
          %add3A_188 = arith.addi %mul3A_10, %add3A_187 : i32
          %mul3A_189 = arith.constant 128 : i32
          %mul3A_190 = arith.muli %add3A_188, %mul3A_189 : i32
          %multiple_of3A_191 = tpu.assume_multiple %mul3A_190, 128 : i32
          %dma_start3A_192 = arith.constant 1 : i32
          %dma_start3A_193 = arith.constant 0 : i32
          %dma_start3A_194 = tpu.memref_slice %arg9[%dma_start3A_192, %dma_start3A_193] : memref<2x128xi32, #tpu.memory_space<vmem>> -> memref<1x128xi32, #tpu.memory_space<vmem>>
          %dma_start3A_195 = tpu.memref_squeeze %dma_start3A_194 : memref<1x128xi32, #tpu.memory_space<vmem>> -> memref<128xi32, #tpu.memory_space<vmem>>
          %dma_start3A_196 = tpu.memref_slice %arg5[%multiple_of3A_191] : memref<163840xi32, #tpu.memory_space<hbm>> -> memref<128xi32, #tpu.memory_space<hbm>>
          %dma_start3A_197 = arith.constant 0 : i32
          %dma_start3A_198 = tpu.memref_slice %arg9[%dma_start3A_192, %dma_start3A_197] : memref<2x128xi32, #tpu.memory_space<vmem>> -> memref<1x128xi32, #tpu.memory_space<vmem>>
          %dma_start3A_199 = tpu.memref_squeeze %dma_start3A_198 : memref<1x128xi32, #tpu.memory_space<vmem>> -> memref<128xi32, #tpu.memory_space<vmem>>
          %dma_start3A_200 = tpu.memref_slice %arg5[%multiple_of3A_191] : memref<163840xi32, #tpu.memory_space<hbm>> -> memref<128xi32, #tpu.memory_space<hbm>>
          tpu.enqueue_dma source(%dma_start3A_200 : memref<128xi32, #tpu.memory_space<hbm>>) target(%dma_start3A_199 : memref<128xi32, #tpu.memory_space<vmem>>) target_semaphore(%arg20 : memref<!tpu.dma_semaphore, #tpu.memory_space<semaphore_mem>>)
        } else {
        }
        %dma_wait3A = arith.constant 0 : i32
        %dma_wait3A_134 = arith.constant 0 : i32
        %dma_wait3A_135 = tpu.memref_slice %arg3[%dma_wait3A, %dma_wait3A_134] : memref<10000x128xf32, #tpu.memory_space<hbm>> -> memref<128x128xf32, #tpu.memory_space<hbm>>
        %dma_wait3A_136 = arith.constant 0 : i32
        %dma_wait3A_137 = arith.constant 0 : i32
        %dma_wait3A_138 = tpu.memref_slice %arg3[%dma_wait3A_136, %dma_wait3A_137] : memref<10000x128xf32, #tpu.memory_space<hbm>> -> memref<128x128xf32, #tpu.memory_space<hbm>>
        tpu.wait_dma2 semaphore(%arg15 : memref<!tpu.dma_semaphore, #tpu.memory_space<semaphore_mem>>) src(%dma_wait3A_138 : memref<128x128xf32, #tpu.memory_space<hbm>>) dst(%arg10 : memref<128x128xf32, #tpu.memory_space<vmem>>)
        %dma_wait3A_139 = arith.constant 0 : i32
        %dma_wait3A_140 = arith.constant 0 : i32
        %dma_wait3A_141 = tpu.memref_slice %arg2[%dma_wait3A_139, %dma_wait3A_140] : memref<160000x128xf32, #tpu.memory_space<hbm>> -> memref<64x128xf32, #tpu.memory_space<hbm>>
        %dma_wait3A_142 = arith.constant 0 : i32
        %dma_wait3A_143 = arith.constant 0 : i32
        %dma_wait3A_144 = tpu.memref_slice %arg2[%dma_wait3A_142, %dma_wait3A_143] : memref<160000x128xf32, #tpu.memory_space<hbm>> -> memref<64x128xf32, #tpu.memory_space<hbm>>
        tpu.wait_dma2 semaphore(%arg17 : memref<!tpu.dma_semaphore, #tpu.memory_space<semaphore_mem>>) src(%dma_wait3A_144 : memref<64x128xf32, #tpu.memory_space<hbm>>) dst(%arg12 : memref<64x128xf32, #tpu.memory_space<vmem>>)
        %scan3A_145 = arith.constant 0 : i32
        %scan3A_146 = arith.constant 0 : i32
        %scan3A_147 = arith.constant 64 : i32
        %scan3A_148 = arith.addi %scan3A_146, %scan3A_147 : i32
        %scan3A_149 = arith.constant 1 : i32
        scf.for %scan3A_186 = %scan3A_146 to %scan3A_148 step %scan3A_149  : i32 {
          %get3A = arith.index_cast %scan3A_186 : i32 to index
          %get3A_187 = arith.constant 0 : index
          %get3A_188 = tpu.vector_load %arg12[%get3A, %get3A_187] {strides = array<i32>} : memref<64x128xf32, #tpu.memory_space<vmem>>, vector<16xf32>,
          %add3A_189 = arith.constant 0 : i32
          %add3A_190 = arith.addi %add3A_189, %scan3A_186 : i32
          %get3A_191 = arith.index_cast %add3A_190 : i32 to index
          %get3A_192 = arith.constant 0 : index
          %get3A_193 = tpu.vector_load %arg10[%get3A_191, %get3A_192] {strides = array<i32>} : memref<128x128xf32, #tpu.memory_space<vmem>>, vector<16xf32>,
          %mul3A_194 = arith.mulf %get3A_188, %get3A_193 : vector<16xf32>
          %add3A_195 = arith.constant 0 : i32
          %add3A_196 = arith.addi %add3A_195, %scan3A_186 : i32
          %swap3A = arith.index_cast %add3A_196 : i32 to index
          %swap3A_197 = arith.constant 0 : index
          %swap3A_198 = tpu.vector_load %arg10[%swap3A, %swap3A_197] {strides = array<i32>} : memref<128x128xf32, #tpu.memory_space<vmem>>, vector<16xf32>,
          tpu.vector_store %arg10[%swap3A, %swap3A_197], %mul3A_194 {strides = array<i32>} : memref<128x128xf32, #tpu.memory_space<vmem>>, vector<16xf32>,
          %get3A_199 = arith.index_cast %scan3A_186 : i32 to index
          %get3A_200 = arith.constant 16 : index
          %get3A_201 = tpu.vector_load %arg12[%get3A_199, %get3A_200] {strides = array<i32>} : memref<64x128xf32, #tpu.memory_space<vmem>>, vector<16xf32>,
          %add3A_202 = arith.constant 0 : i32
          %add3A_203 = arith.addi %add3A_202, %scan3A_186 : i32
          %get3A_204 = arith.index_cast %add3A_203 : i32 to index
          %get3A_205 = arith.constant 16 : index
          %get3A_206 = tpu.vector_load %arg10[%get3A_204, %get3A_205] {strides = array<i32>} : memref<128x128xf32, #tpu.memory_space<vmem>>, vector<16xf32>,
          %mul3A_207 = arith.mulf %get3A_201, %get3A_206 : vector<16xf32>
          %add3A_208 = arith.constant 0 : i32
          %add3A_209 = arith.addi %add3A_208, %scan3A_186 : i32
          %swap3A_210 = arith.index_cast %add3A_209 : i32 to index
          %swap3A_211 = arith.constant 16 : index
          %swap3A_212 = tpu.vector_load %arg10[%swap3A_210, %swap3A_211] {strides = array<i32>} : memref<128x128xf32, #tpu.memory_space<vmem>>, vector<16xf32>,
          tpu.vector_store %arg10[%swap3A_210, %swap3A_211], %mul3A_207 {strides = array<i32>} : memref<128x128xf32, #tpu.memory_space<vmem>>, vector<16xf32>,
          %get3A_213 = arith.index_cast %scan3A_186 : i32 to index
          %get3A_214 = arith.constant 32 : index
          %get3A_215 = tpu.vector_load %arg12[%get3A_213, %get3A_214] {strides = array<i32>} : memref<64x128xf32, #tpu.memory_space<vmem>>, vector<16xf32>,
          %add3A_216 = arith.constant 0 : i32
          %add3A_217 = arith.addi %add3A_216, %scan3A_186 : i32
          %get3A_218 = arith.index_cast %add3A_217 : i32 to index
          %get3A_219 = arith.constant 32 : index
          %get3A_220 = tpu.vector_load %arg10[%get3A_218, %get3A_219] {strides = array<i32>} : memref<128x128xf32, #tpu.memory_space<vmem>>, vector<16xf32>,
          %mul3A_221 = arith.mulf %get3A_215, %get3A_220 : vector<16xf32>
          %add3A_222 = arith.constant 0 : i32
          %add3A_223 = arith.addi %add3A_222, %scan3A_186 : i32
          %swap3A_224 = arith.index_cast %add3A_223 : i32 to index
          %swap3A_225 = arith.constant 32 : index
          %swap3A_226 = tpu.vector_load %arg10[%swap3A_224, %swap3A_225] {strides = array<i32>} : memref<128x128xf32, #tpu.memory_space<vmem>>, vector<16xf32>,
          tpu.vector_store %arg10[%swap3A_224, %swap3A_225], %mul3A_221 {strides = array<i32>} : memref<128x128xf32, #tpu.memory_space<vmem>>, vector<16xf32>,
          %get3A_227 = arith.index_cast %scan3A_186 : i32 to index
          %get3A_228 = arith.constant 48 : index
          %get3A_229 = tpu.vector_load %arg12[%get3A_227, %get3A_228] {strides = array<i32>} : memref<64x128xf32, #tpu.memory_space<vmem>>, vector<16xf32>,
          %add3A_230 = arith.constant 0 : i32
          %add3A_231 = arith.addi %add3A_230, %scan3A_186 : i32
          %get3A_232 = arith.index_cast %add3A_231 : i32 to index
          %get3A_233 = arith.constant 48 : index
          %get3A_234 = tpu.vector_load %arg10[%get3A_232, %get3A_233] {strides = array<i32>} : memref<128x128xf32, #tpu.memory_space<vmem>>, vector<16xf32>,
          %mul3A_235 = arith.mulf %get3A_229, %get3A_234 : vector<16xf32>
          %add3A_236 = arith.constant 0 : i32
          %add3A_237 = arith.addi %add3A_236, %scan3A_186 : i32
          %swap3A_238 = arith.index_cast %add3A_237 : i32 to index
          %swap3A_239 = arith.constant 48 : index
          %swap3A_240 = tpu.vector_load %arg10[%swap3A_238, %swap3A_239] {strides = array<i32>} : memref<128x128xf32, #tpu.memory_space<vmem>>, vector<16xf32>,
          tpu.vector_store %arg10[%swap3A_238, %swap3A_239], %mul3A_235 {strides = array<i32>} : memref<128x128xf32, #tpu.memory_space<vmem>>, vector<16xf32>,
          %get3A_241 = arith.index_cast %scan3A_186 : i32 to index
          %get3A_242 = arith.constant 64 : index
          %get3A_243 = tpu.vector_load %arg12[%get3A_241, %get3A_242] {strides = array<i32>} : memref<64x128xf32, #tpu.memory_space<vmem>>, vector<16xf32>,
          %add3A_244 = arith.constant 0 : i32
          %add3A_245 = arith.addi %add3A_244, %scan3A_186 : i32
          %get3A_246 = arith.index_cast %add3A_245 : i32 to index
          %get3A_247 = arith.constant 64 : index
          %get3A_248 = tpu.vector_load %arg10[%get3A_246, %get3A_247] {strides = array<i32>} : memref<128x128xf32, #tpu.memory_space<vmem>>, vector<16xf32>,
          %mul3A_249 = arith.mulf %get3A_243, %get3A_248 : vector<16xf32>
          %add3A_250 = arith.constant 0 : i32
          %add3A_251 = arith.addi %add3A_250, %scan3A_186 : i32
          %swap3A_252 = arith.index_cast %add3A_251 : i32 to index
          %swap3A_253 = arith.constant 64 : index
          %swap3A_254 = tpu.vector_load %arg10[%swap3A_252, %swap3A_253] {strides = array<i32>} : memref<128x128xf32, #tpu.memory_space<vmem>>, vector<16xf32>,
          tpu.vector_store %arg10[%swap3A_252, %swap3A_253], %mul3A_249 {strides = array<i32>} : memref<128x128xf32, #tpu.memory_space<vmem>>, vector<16xf32>,
          %get3A_255 = arith.index_cast %scan3A_186 : i32 to index
          %get3A_256 = arith.constant 80 : index
          %get3A_257 = tpu.vector_load %arg12[%get3A_255, %get3A_256] {strides = array<i32>} : memref<64x128xf32, #tpu.memory_space<vmem>>, vector<16xf32>,
          %add3A_258 = arith.constant 0 : i32
          %add3A_259 = arith.addi %add3A_258, %scan3A_186 : i32
          %get3A_260 = arith.index_cast %add3A_259 : i32 to index
          %get3A_261 = arith.constant 80 : index
          %get3A_262 = tpu.vector_load %arg10[%get3A_260, %get3A_261] {strides = array<i32>} : memref<128x128xf32, #tpu.memory_space<vmem>>, vector<16xf32>,
          %mul3A_263 = arith.mulf %get3A_257, %get3A_262 : vector<16xf32>
          %add3A_264 = arith.constant 0 : i32
          %add3A_265 = arith.addi %add3A_264, %scan3A_186 : i32
          %swap3A_266 = arith.index_cast %add3A_265 : i32 to index
          %swap3A_267 = arith.constant 80 : index
          %swap3A_268 = tpu.vector_load %arg10[%swap3A_266, %swap3A_267] {strides = array<i32>} : memref<128x128xf32, #tpu.memory_space<vmem>>, vector<16xf32>,
          tpu.vector_store %arg10[%swap3A_266, %swap3A_267], %mul3A_263 {strides = array<i32>} : memref<128x128xf32, #tpu.memory_space<vmem>>, vector<16xf32>,
          %get3A_269 = arith.index_cast %scan3A_186 : i32 to index
          %get3A_270 = arith.constant 96 : index
          %get3A_271 = tpu.vector_load %arg12[%get3A_269, %get3A_270] {strides = array<i32>} : memref<64x128xf32, #tpu.memory_space<vmem>>, vector<16xf32>,
          %add3A_272 = arith.constant 0 : i32
          %add3A_273 = arith.addi %add3A_272, %scan3A_186 : i32
          %get3A_274 = arith.index_cast %add3A_273 : i32 to index
          %get3A_275 = arith.constant 96 : index
          %get3A_276 = tpu.vector_load %arg10[%get3A_274, %get3A_275] {strides = array<i32>} : memref<128x128xf32, #tpu.memory_space<vmem>>, vector<16xf32>,
          %mul3A_277 = arith.mulf %get3A_271, %get3A_276 : vector<16xf32>
          %add3A_278 = arith.constant 0 : i32
          %add3A_279 = arith.addi %add3A_278, %scan3A_186 : i32
          %swap3A_280 = arith.index_cast %add3A_279 : i32 to index
          %swap3A_281 = arith.constant 96 : index
          %swap3A_282 = tpu.vector_load %arg10[%swap3A_280, %swap3A_281] {strides = array<i32>} : memref<128x128xf32, #tpu.memory_space<vmem>>, vector<16xf32>,
          tpu.vector_store %arg10[%swap3A_280, %swap3A_281], %mul3A_277 {strides = array<i32>} : memref<128x128xf32, #tpu.memory_space<vmem>>, vector<16xf32>,
          %get3A_283 = arith.index_cast %scan3A_186 : i32 to index
          %get3A_284 = arith.constant 112 : index
          %get3A_285 = tpu.vector_load %arg12[%get3A_283, %get3A_284] {strides = array<i32>} : memref<64x128xf32, #tpu.memory_space<vmem>>, vector<16xf32>,
          %add3A_286 = arith.constant 0 : i32
          %add3A_287 = arith.addi %add3A_286, %scan3A_186 : i32
          %get3A_288 = arith.index_cast %add3A_287 : i32 to index
          %get3A_289 = arith.constant 112 : index
          %get3A_290 = tpu.vector_load %arg10[%get3A_288, %get3A_289] {strides = array<i32>} : memref<128x128xf32, #tpu.memory_space<vmem>>, vector<16xf32>,
          %mul3A_291 = arith.mulf %get3A_285, %get3A_290 : vector<16xf32>
          %add3A_292 = arith.constant 0 : i32
          %add3A_293 = arith.addi %add3A_292, %scan3A_186 : i32
          %swap3A_294 = arith.index_cast %add3A_293 : i32 to index
          %swap3A_295 = arith.constant 112 : index
          %swap3A_296 = tpu.vector_load %arg10[%swap3A_294, %swap3A_295] {strides = array<i32>} : memref<128x128xf32, #tpu.memory_space<vmem>>, vector<16xf32>,
          tpu.vector_store %arg10[%swap3A_294, %swap3A_295], %mul3A_291 {strides = array<i32>} : memref<128x128xf32, #tpu.memory_space<vmem>>, vector<16xf32>,
        }
        %scan3A_150 = arith.constant 64 : i32
        %add3A_151 = arith.constant 1 : i32
        %add3A_152 = arith.addi %add3A_93, %add3A_151 : i32
        %lt3A_153 = arith.cmpi slt, %add3A_152, %min3A_12 : i32
        %convert_element_type3A_154 = arith.extui %lt3A_153 : i1 to i32
        %cond3A_155 = arith.constant 0 : i32
        %cond3A_156 = arith.cmpi ne, %convert_element_type3A_154, %cond3A_155 : i32
        scf.if %cond3A_156 {
          %add3A_186 = arith.constant 1 : i32
          %add3A_187 = arith.addi %add3A_93, %add3A_186 : i32
          %add3A_188 = arith.addi %mul3A_10, %add3A_187 : i32
          %mul3A_189 = arith.constant 128 : i32
          %mul3A_190 = arith.muli %add3A_188, %mul3A_189 : i32
          %multiple_of3A_191 = tpu.assume_multiple %mul3A_190, 128 : i32
          %add3A_192 = arith.constant 0 : i32
          %add3A_193 = arith.addi %multiple_of3A_191, %add3A_192 : i32
          %multiple_of3A_194 = tpu.assume_multiple %add3A_193, 64 : i32
          %dma_start3A_195 = arith.constant 0 : i32
          %dma_start3A_196 = tpu.memref_slice %arg2[%multiple_of3A_194, %dma_start3A_195] : memref<160000x128xf32, #tpu.memory_space<hbm>> -> memref<64x128xf32, #tpu.memory_space<hbm>>
          %dma_start3A_197 = arith.constant 0 : i32
          %dma_start3A_198 = tpu.memref_slice %arg2[%multiple_of3A_194, %dma_start3A_197] : memref<160000x128xf32, #tpu.memory_space<hbm>> -> memref<64x128xf32, #tpu.memory_space<hbm>>
          tpu.enqueue_dma source(%dma_start3A_198 : memref<64x128xf32, #tpu.memory_space<hbm>>) target(%arg12 : memref<64x128xf32, #tpu.memory_space<vmem>>) target_semaphore(%arg17 : memref<!tpu.dma_semaphore, #tpu.memory_space<semaphore_mem>>)
        } else {
        }
        %dma_wait3A_157 = arith.constant 0 : i32
        %dma_wait3A_158 = arith.constant 0 : i32
        %dma_wait3A_159 = tpu.memref_slice %arg2[%dma_wait3A_157, %dma_wait3A_158] : memref<160000x128xf32, #tpu.memory_space<hbm>> -> memref<64x128xf32, #tpu.memory_space<hbm>>
        %dma_wait3A_160 = arith.constant 0 : i32
        %dma_wait3A_161 = arith.constant 0 : i32
        %dma_wait3A_162 = tpu.memref_slice %arg2[%dma_wait3A_160, %dma_wait3A_161] : memref<160000x128xf32, #tpu.memory_space<hbm>> -> memref<64x128xf32, #tpu.memory_space<hbm>>
        tpu.wait_dma2 semaphore(%arg18 : memref<!tpu.dma_semaphore, #tpu.memory_space<semaphore_mem>>) src(%dma_wait3A_162 : memref<64x128xf32, #tpu.memory_space<hbm>>) dst(%arg13 : memref<64x128xf32, #tpu.memory_space<vmem>>)
        %scan3A_163 = arith.constant 0 : i32
        %scan3A_164 = arith.constant 0 : i32
        %scan3A_165 = arith.constant 64 : i32
        %scan3A_166 = arith.addi %scan3A_164, %scan3A_165 : i32
        %scan3A_167 = arith.constant 1 : i32
        scf.for %scan3A_186 = %scan3A_164 to %scan3A_166 step %scan3A_167  : i32 {
          %get3A = arith.index_cast %scan3A_186 : i32 to index
          %get3A_187 = arith.constant 0 : index
          %get3A_188 = tpu.vector_load %arg13[%get3A, %get3A_187] {strides = array<i32>} : memref<64x128xf32, #tpu.memory_space<vmem>>, vector<16xf32>,
          %add3A_189 = arith.constant 64 : i32
          %add3A_190 = arith.addi %add3A_189, %scan3A_186 : i32
          %get3A_191 = arith.index_cast %add3A_190 : i32 to index
          %get3A_192 = arith.constant 0 : index
          %get3A_193 = tpu.vector_load %arg10[%get3A_191, %get3A_192] {strides = array<i32>} : memref<128x128xf32, #tpu.memory_space<vmem>>, vector<16xf32>,
          %mul3A_194 = arith.mulf %get3A_188, %get3A_193 : vector<16xf32>
          %add3A_195 = arith.constant 64 : i32
          %add3A_196 = arith.addi %add3A_195, %scan3A_186 : i32
          %swap3A = arith.index_cast %add3A_196 : i32 to index
          %swap3A_197 = arith.constant 0 : index
          %swap3A_198 = tpu.vector_load %arg10[%swap3A, %swap3A_197] {strides = array<i32>} : memref<128x128xf32, #tpu.memory_space<vmem>>, vector<16xf32>,
          tpu.vector_store %arg10[%swap3A, %swap3A_197], %mul3A_194 {strides = array<i32>} : memref<128x128xf32, #tpu.memory_space<vmem>>, vector<16xf32>,
          %get3A_199 = arith.index_cast %scan3A_186 : i32 to index
          %get3A_200 = arith.constant 16 : index
          %get3A_201 = tpu.vector_load %arg13[%get3A_199, %get3A_200] {strides = array<i32>} : memref<64x128xf32, #tpu.memory_space<vmem>>, vector<16xf32>,
          %add3A_202 = arith.constant 64 : i32
          %add3A_203 = arith.addi %add3A_202, %scan3A_186 : i32
          %get3A_204 = arith.index_cast %add3A_203 : i32 to index
          %get3A_205 = arith.constant 16 : index
          %get3A_206 = tpu.vector_load %arg10[%get3A_204, %get3A_205] {strides = array<i32>} : memref<128x128xf32, #tpu.memory_space<vmem>>, vector<16xf32>,
          %mul3A_207 = arith.mulf %get3A_201, %get3A_206 : vector<16xf32>
          %add3A_208 = arith.constant 64 : i32
          %add3A_209 = arith.addi %add3A_208, %scan3A_186 : i32
          %swap3A_210 = arith.index_cast %add3A_209 : i32 to index
          %swap3A_211 = arith.constant 16 : index
          %swap3A_212 = tpu.vector_load %arg10[%swap3A_210, %swap3A_211] {strides = array<i32>} : memref<128x128xf32, #tpu.memory_space<vmem>>, vector<16xf32>,
          tpu.vector_store %arg10[%swap3A_210, %swap3A_211], %mul3A_207 {strides = array<i32>} : memref<128x128xf32, #tpu.memory_space<vmem>>, vector<16xf32>,
          %get3A_213 = arith.index_cast %scan3A_186 : i32 to index
          %get3A_214 = arith.constant 32 : index
          %get3A_215 = tpu.vector_load %arg13[%get3A_213, %get3A_214] {strides = array<i32>} : memref<64x128xf32, #tpu.memory_space<vmem>>, vector<16xf32>,
          %add3A_216 = arith.constant 64 : i32
          %add3A_217 = arith.addi %add3A_216, %scan3A_186 : i32
          %get3A_218 = arith.index_cast %add3A_217 : i32 to index
          %get3A_219 = arith.constant 32 : index
          %get3A_220 = tpu.vector_load %arg10[%get3A_218, %get3A_219] {strides = array<i32>} : memref<128x128xf32, #tpu.memory_space<vmem>>, vector<16xf32>,
          %mul3A_221 = arith.mulf %get3A_215, %get3A_220 : vector<16xf32>
          %add3A_222 = arith.constant 64 : i32
          %add3A_223 = arith.addi %add3A_222, %scan3A_186 : i32
          %swap3A_224 = arith.index_cast %add3A_223 : i32 to index
          %swap3A_225 = arith.constant 32 : index
          %swap3A_226 = tpu.vector_load %arg10[%swap3A_224, %swap3A_225] {strides = array<i32>} : memref<128x128xf32, #tpu.memory_space<vmem>>, vector<16xf32>,
          tpu.vector_store %arg10[%swap3A_224, %swap3A_225], %mul3A_221 {strides = array<i32>} : memref<128x128xf32, #tpu.memory_space<vmem>>, vector<16xf32>,
          %get3A_227 = arith.index_cast %scan3A_186 : i32 to index
          %get3A_228 = arith.constant 48 : index
          %get3A_229 = tpu.vector_load %arg13[%get3A_227, %get3A_228] {strides = array<i32>} : memref<64x128xf32, #tpu.memory_space<vmem>>, vector<16xf32>,
          %add3A_230 = arith.constant 64 : i32
          %add3A_231 = arith.addi %add3A_230, %scan3A_186 : i32
          %get3A_232 = arith.index_cast %add3A_231 : i32 to index
          %get3A_233 = arith.constant 48 : index
          %get3A_234 = tpu.vector_load %arg10[%get3A_232, %get3A_233] {strides = array<i32>} : memref<128x128xf32, #tpu.memory_space<vmem>>, vector<16xf32>,
          %mul3A_235 = arith.mulf %get3A_229, %get3A_234 : vector<16xf32>
          %add3A_236 = arith.constant 64 : i32
          %add3A_237 = arith.addi %add3A_236, %scan3A_186 : i32
          %swap3A_238 = arith.index_cast %add3A_237 : i32 to index
          %swap3A_239 = arith.constant 48 : index
          %swap3A_240 = tpu.vector_load %arg10[%swap3A_238, %swap3A_239] {strides = array<i32>} : memref<128x128xf32, #tpu.memory_space<vmem>>, vector<16xf32>,
          tpu.vector_store %arg10[%swap3A_238, %swap3A_239], %mul3A_235 {strides = array<i32>} : memref<128x128xf32, #tpu.memory_space<vmem>>, vector<16xf32>,
          %get3A_241 = arith.index_cast %scan3A_186 : i32 to index
          %get3A_242 = arith.constant 64 : index
          %get3A_243 = tpu.vector_load %arg13[%get3A_241, %get3A_242] {strides = array<i32>} : memref<64x128xf32, #tpu.memory_space<vmem>>, vector<16xf32>,
          %add3A_244 = arith.constant 64 : i32
          %add3A_245 = arith.addi %add3A_244, %scan3A_186 : i32
          %get3A_246 = arith.index_cast %add3A_245 : i32 to index
          %get3A_247 = arith.constant 64 : index
          %get3A_248 = tpu.vector_load %arg10[%get3A_246, %get3A_247] {strides = array<i32>} : memref<128x128xf32, #tpu.memory_space<vmem>>, vector<16xf32>,
          %mul3A_249 = arith.mulf %get3A_243, %get3A_248 : vector<16xf32>
          %add3A_250 = arith.constant 64 : i32
          %add3A_251 = arith.addi %add3A_250, %scan3A_186 : i32
          %swap3A_252 = arith.index_cast %add3A_251 : i32 to index
          %swap3A_253 = arith.constant 64 : index
          %swap3A_254 = tpu.vector_load %arg10[%swap3A_252, %swap3A_253] {strides = array<i32>} : memref<128x128xf32, #tpu.memory_space<vmem>>, vector<16xf32>,
          tpu.vector_store %arg10[%swap3A_252, %swap3A_253], %mul3A_249 {strides = array<i32>} : memref<128x128xf32, #tpu.memory_space<vmem>>, vector<16xf32>,
          %get3A_255 = arith.index_cast %scan3A_186 : i32 to index
          %get3A_256 = arith.constant 80 : index
          %get3A_257 = tpu.vector_load %arg13[%get3A_255, %get3A_256] {strides = array<i32>} : memref<64x128xf32, #tpu.memory_space<vmem>>, vector<16xf32>,
          %add3A_258 = arith.constant 64 : i32
          %add3A_259 = arith.addi %add3A_258, %scan3A_186 : i32
          %get3A_260 = arith.index_cast %add3A_259 : i32 to index
          %get3A_261 = arith.constant 80 : index
          %get3A_262 = tpu.vector_load %arg10[%get3A_260, %get3A_261] {strides = array<i32>} : memref<128x128xf32, #tpu.memory_space<vmem>>, vector<16xf32>,
          %mul3A_263 = arith.mulf %get3A_257, %get3A_262 : vector<16xf32>
          %add3A_264 = arith.constant 64 : i32
          %add3A_265 = arith.addi %add3A_264, %scan3A_186 : i32
          %swap3A_266 = arith.index_cast %add3A_265 : i32 to index
          %swap3A_267 = arith.constant 80 : index
          %swap3A_268 = tpu.vector_load %arg10[%swap3A_266, %swap3A_267] {strides = array<i32>} : memref<128x128xf32, #tpu.memory_space<vmem>>, vector<16xf32>,
          tpu.vector_store %arg10[%swap3A_266, %swap3A_267], %mul3A_263 {strides = array<i32>} : memref<128x128xf32, #tpu.memory_space<vmem>>, vector<16xf32>,
          %get3A_269 = arith.index_cast %scan3A_186 : i32 to index
          %get3A_270 = arith.constant 96 : index
          %get3A_271 = tpu.vector_load %arg13[%get3A_269, %get3A_270] {strides = array<i32>} : memref<64x128xf32, #tpu.memory_space<vmem>>, vector<16xf32>,
          %add3A_272 = arith.constant 64 : i32
          %add3A_273 = arith.addi %add3A_272, %scan3A_186 : i32
          %get3A_274 = arith.index_cast %add3A_273 : i32 to index
          %get3A_275 = arith.constant 96 : index
          %get3A_276 = tpu.vector_load %arg10[%get3A_274, %get3A_275] {strides = array<i32>} : memref<128x128xf32, #tpu.memory_space<vmem>>, vector<16xf32>,
          %mul3A_277 = arith.mulf %get3A_271, %get3A_276 : vector<16xf32>
          %add3A_278 = arith.constant 64 : i32
          %add3A_279 = arith.addi %add3A_278, %scan3A_186 : i32
          %swap3A_280 = arith.index_cast %add3A_279 : i32 to index
          %swap3A_281 = arith.constant 96 : index
          %swap3A_282 = tpu.vector_load %arg10[%swap3A_280, %swap3A_281] {strides = array<i32>} : memref<128x128xf32, #tpu.memory_space<vmem>>, vector<16xf32>,
          tpu.vector_store %arg10[%swap3A_280, %swap3A_281], %mul3A_277 {strides = array<i32>} : memref<128x128xf32, #tpu.memory_space<vmem>>, vector<16xf32>,
          %get3A_283 = arith.index_cast %scan3A_186 : i32 to index
          %get3A_284 = arith.constant 112 : index
          %get3A_285 = tpu.vector_load %arg13[%get3A_283, %get3A_284] {strides = array<i32>} : memref<64x128xf32, #tpu.memory_space<vmem>>, vector<16xf32>,
          %add3A_286 = arith.constant 64 : i32
          %add3A_287 = arith.addi %add3A_286, %scan3A_186 : i32
          %get3A_288 = arith.index_cast %add3A_287 : i32 to index
          %get3A_289 = arith.constant 112 : index
          %get3A_290 = tpu.vector_load %arg10[%get3A_288, %get3A_289] {strides = array<i32>} : memref<128x128xf32, #tpu.memory_space<vmem>>, vector<16xf32>,
          %mul3A_291 = arith.mulf %get3A_285, %get3A_290 : vector<16xf32>
          %add3A_292 = arith.constant 64 : i32
          %add3A_293 = arith.addi %add3A_292, %scan3A_186 : i32
          %swap3A_294 = arith.index_cast %add3A_293 : i32 to index
          %swap3A_295 = arith.constant 112 : index
          %swap3A_296 = tpu.vector_load %arg10[%swap3A_294, %swap3A_295] {strides = array<i32>} : memref<128x128xf32, #tpu.memory_space<vmem>>, vector<16xf32>,
          tpu.vector_store %arg10[%swap3A_294, %swap3A_295], %mul3A_291 {strides = array<i32>} : memref<128x128xf32, #tpu.memory_space<vmem>>, vector<16xf32>,
        }
        %scan3A_168 = arith.constant 64 : i32
        %add3A_169 = arith.constant 1 : i32
        %add3A_170 = arith.addi %add3A_93, %add3A_169 : i32
        %lt3A_171 = arith.cmpi slt, %add3A_170, %min3A_12 : i32
        %convert_element_type3A_172 = arith.extui %lt3A_171 : i1 to i32
        %cond3A_173 = arith.constant 0 : i32
        %cond3A_174 = arith.cmpi ne, %convert_element_type3A_172, %cond3A_173 : i32
        scf.if %cond3A_174 {
          %add3A_186 = arith.constant 1 : i32
          %add3A_187 = arith.addi %add3A_93, %add3A_186 : i32
          %add3A_188 = arith.addi %mul3A_10, %add3A_187 : i32
          %mul3A_189 = arith.constant 128 : i32
          %mul3A_190 = arith.muli %add3A_188, %mul3A_189 : i32
          %multiple_of3A_191 = tpu.assume_multiple %mul3A_190, 128 : i32
          %add3A_192 = arith.constant 64 : i32
          %add3A_193 = arith.addi %multiple_of3A_191, %add3A_192 : i32
          %multiple_of3A_194 = tpu.assume_multiple %add3A_193, 64 : i32
          %dma_start3A_195 = arith.constant 0 : i32
          %dma_start3A_196 = tpu.memref_slice %arg2[%multiple_of3A_194, %dma_start3A_195] : memref<160000x128xf32, #tpu.memory_space<hbm>> -> memref<64x128xf32, #tpu.memory_space<hbm>>
          %dma_start3A_197 = arith.constant 0 : i32
          %dma_start3A_198 = tpu.memref_slice %arg2[%multiple_of3A_194, %dma_start3A_197] : memref<160000x128xf32, #tpu.memory_space<hbm>> -> memref<64x128xf32, #tpu.memory_space<hbm>>
          tpu.enqueue_dma source(%dma_start3A_198 : memref<64x128xf32, #tpu.memory_space<hbm>>) target(%arg13 : memref<64x128xf32, #tpu.memory_space<vmem>>) target_semaphore(%arg18 : memref<!tpu.dma_semaphore, #tpu.memory_space<semaphore_mem>>)
        } else {
        }
        %ge3A = arith.constant 1 : i32
        %ge3A_175 = arith.cmpi sge, %add3A_93, %ge3A : i32
        %convert_element_type3A_176 = arith.extui %ge3A_175 : i1 to i32
        %cond3A_177 = arith.constant 0 : i32
        %cond3A_178 = arith.cmpi ne, %convert_element_type3A_176, %cond3A_177 : i32
        scf.if %cond3A_178 {
          %dma_wait3A_186 = arith.constant 0 : i32
          %dma_wait3A_187 = arith.constant 0 : i32
          %dma_wait3A_188 = tpu.memref_slice %arg9[%dma_wait3A_186, %dma_wait3A_187] : memref<2x128xi32, #tpu.memory_space<vmem>> -> memref<1x128xi32, #tpu.memory_space<vmem>>
          %dma_wait3A_189 = tpu.memref_squeeze %dma_wait3A_188 : memref<1x128xi32, #tpu.memory_space<vmem>> -> memref<128xi32, #tpu.memory_space<vmem>>
          %dma_wait3A_190 = arith.constant 0 : i32
          %dma_wait3A_191 = tpu.memref_slice %arg5[%dma_wait3A_190] : memref<163840xi32, #tpu.memory_space<hbm>> -> memref<128xi32, #tpu.memory_space<hbm>>
          %dma_wait3A_192 = arith.constant 0 : i32
          %dma_wait3A_193 = tpu.memref_slice %arg9[%dma_wait3A_186, %dma_wait3A_192] : memref<2x128xi32, #tpu.memory_space<vmem>> -> memref<1x128xi32, #tpu.memory_space<vmem>>
          %dma_wait3A_194 = tpu.memref_squeeze %dma_wait3A_193 : memref<1x128xi32, #tpu.memory_space<vmem>> -> memref<128xi32, #tpu.memory_space<vmem>>
          %dma_wait3A_195 = arith.constant 0 : i32
          %dma_wait3A_196 = tpu.memref_slice %arg5[%dma_wait3A_195] : memref<163840xi32, #tpu.memory_space<hbm>> -> memref<128xi32, #tpu.memory_space<hbm>>
          tpu.wait_dma2 semaphore(%arg20 : memref<!tpu.dma_semaphore, #tpu.memory_space<semaphore_mem>>) src(%dma_wait3A_196 : memref<128xi32, #tpu.memory_space<hbm>>) dst(%dma_wait3A_194 : memref<128xi32, #tpu.memory_space<vmem>>)
        } else {
        }
        %run_scoped3A_179 = arith.constant 0 : i32
        "tpu.region"() ({
          %run_scoped3A_186 = tpu.sem_alloc : memref<!tpu.dma_semaphore, #tpu.memory_space<semaphore_mem>>
          %dma_start3A_187 = arith.constant 0 : i32
          %dma_start3A_188 = tpu.memref_slice %arg9[%run_scoped3A_179, %dma_start3A_187] : memref<2x128xi32, #tpu.memory_space<vmem>> -> memref<1x128xi32, #tpu.memory_space<vmem>>
          %dma_start3A_189 = tpu.memref_squeeze %dma_start3A_188 : memref<1x128xi32, #tpu.memory_space<vmem>> -> memref<128xi32, #tpu.memory_space<vmem>>
          %dma_start3A_190 = arith.constant 0 : i32
          %dma_start3A_191 = arith.constant 0 : i32
          %dma_start3A_192 = tpu.memref_slice %arg14[%dma_start3A_190, %dma_start3A_191] : memref<10000x128xf32, #tpu.memory_space<vmem_shared>> -> memref<10000x128xf32, #tpu.memory_space<vmem_shared>>
          tpu.enqueue_indirect_dma source(%arg10 : memref<128x128xf32, #tpu.memory_space<vmem>>) target(%dma_start3A_192 : memref<10000x128xf32, #tpu.memory_space<vmem_shared>>) offsets(%dma_start3A_189 : memref<128xi32, #tpu.memory_space<vmem>>) semaphore(%run_scoped3A_186 : memref<!tpu.dma_semaphore, #tpu.memory_space<semaphore_mem>>) {add = true}
          %dma_wait3A_193 = arith.constant 0 : i32
          %dma_wait3A_194 = tpu.memref_slice %arg9[%run_scoped3A_179, %dma_wait3A_193] : memref<2x128xi32, #tpu.memory_space<vmem>> -> memref<1x128xi32, #tpu.memory_space<vmem>>
          %dma_wait3A_195 = tpu.memref_squeeze %dma_wait3A_194 : memref<1x128xi32, #tpu.memory_space<vmem>> -> memref<128xi32, #tpu.memory_space<vmem>>
          %dma_wait3A_196 = arith.constant 0 : i32
          %dma_wait3A_197 = arith.constant 0 : i32
          %dma_wait3A_198 = tpu.memref_slice %arg14[%dma_wait3A_196, %dma_wait3A_197] : memref<10000x128xf32, #tpu.memory_space<vmem_shared>> -> memref<10000x128xf32, #tpu.memory_space<vmem_shared>>
          tpu.wait_indirect_dma semaphore(%run_scoped3A_186 : memref<!tpu.dma_semaphore, #tpu.memory_space<semaphore_mem>>) src(%arg10 : memref<128x128xf32, #tpu.memory_space<vmem>>) dst(%dma_wait3A_198 : memref<10000x128xf32, #tpu.memory_space<vmem_shared>>)
          tpu.yield
        }) : () -> ()
        %add3A_180 = arith.constant 2 : i32
        %add3A_181 = arith.addi %add3A_93, %add3A_180 : i32
        %lt3A_182 = arith.cmpi slt, %add3A_181, %min3A_12 : i32
        %convert_element_type3A_183 = arith.extui %lt3A_182 : i1 to i32
        %cond3A_184 = arith.constant 0 : i32
        %cond3A_185 = arith.cmpi ne, %convert_element_type3A_183, %cond3A_184 : i32
        scf.if %cond3A_185 {
          %ge3A_186 = arith.constant 1 : i32
          %ge3A_187 = arith.cmpi sge, %add3A_93, %ge3A_186 : i32
          %convert_element_type3A_188 = arith.extui %ge3A_187 : i1 to i32
          %cond3A_189 = arith.constant 0 : i32
          %cond3A_190 = arith.cmpi ne, %convert_element_type3A_188, %cond3A_189 : i32
          scf.if %cond3A_190 {
            %dma_wait3A_200 = arith.constant 0 : i32
            %dma_wait3A_201 = arith.constant 0 : i32
            %dma_wait3A_202 = tpu.memref_slice %arg8[%dma_wait3A_200, %dma_wait3A_201] : memref<4x128xi32, #tpu.memory_space<vmem>> -> memref<1x128xi32, #tpu.memory_space<vmem>>
            %dma_wait3A_203 = tpu.memref_squeeze %dma_wait3A_202 : memref<1x128xi32, #tpu.memory_space<vmem>> -> memref<128xi32, #tpu.memory_space<vmem>>
            %dma_wait3A_204 = arith.constant 0 : i32
            %dma_wait3A_205 = tpu.memref_slice %arg4[%dma_wait3A_204] : memref<163840xi32, #tpu.memory_space<hbm>> -> memref<128xi32, #tpu.memory_space<hbm>>
            %dma_wait3A_206 = arith.constant 0 : i32
            %dma_wait3A_207 = tpu.memref_slice %arg8[%dma_wait3A_200, %dma_wait3A_206] : memref<4x128xi32, #tpu.memory_space<vmem>> -> memref<1x128xi32, #tpu.memory_space<vmem>>
            %dma_wait3A_208 = tpu.memref_squeeze %dma_wait3A_207 : memref<1x128xi32, #tpu.memory_space<vmem>> -> memref<128xi32, #tpu.memory_space<vmem>>
            %dma_wait3A_209 = arith.constant 0 : i32
            %dma_wait3A_210 = tpu.memref_slice %arg4[%dma_wait3A_209] : memref<163840xi32, #tpu.memory_space<hbm>> -> memref<128xi32, #tpu.memory_space<hbm>>
            tpu.wait_dma2 semaphore(%arg19 : memref<!tpu.dma_semaphore, #tpu.memory_space<semaphore_mem>>) src(%dma_wait3A_210 : memref<128xi32, #tpu.memory_space<hbm>>) dst(%dma_wait3A_208 : memref<128xi32, #tpu.memory_space<vmem>>)
          } else {
          }
          %add3A_191 = arith.constant 2 : i32
          %add3A_192 = arith.addi %add3A_93, %add3A_191 : i32
          %dma_start3A_193 = arith.constant 2 : i32
          %dma_start3A_194 = arith.constant 0 : i32
          %dma_start3A_195 = tpu.memref_slice %arg8[%dma_start3A_193, %dma_start3A_194] : memref<4x128xi32, #tpu.memory_space<vmem>> -> memref<1x128xi32, #tpu.memory_space<vmem>>
          %dma_start3A_196 = tpu.memref_squeeze %dma_start3A_195 : memref<1x128xi32, #tpu.memory_space<vmem>> -> memref<128xi32, #tpu.memory_space<vmem>>
          %dma_start3A_197 = arith.constant 0 : i32
          %dma_start3A_198 = arith.constant 0 : i32
          %dma_start3A_199 = tpu.memref_slice %arg3[%dma_start3A_197, %dma_start3A_198] : memref<10000x128xf32, #tpu.memory_space<hbm>> -> memref<10000x128xf32, #tpu.memory_space<hbm>>
          tpu.enqueue_indirect_dma source(%dma_start3A_199 : memref<10000x128xf32, #tpu.memory_space<hbm>>) target(%arg10 : memref<128x128xf32, #tpu.memory_space<vmem>>) offsets(%dma_start3A_196 : memref<128xi32, #tpu.memory_space<vmem>>) semaphore(%arg15 : memref<!tpu.dma_semaphore, #tpu.memory_space<semaphore_mem>>)
        } else {
        }
      } else {
      }
      %mul3A_98 = arith.constant 4 : i32
      %mul3A_99 = arith.muli %mul3A_98, %scan3A_89 : i32
      %add3A_100 = arith.constant 1 : i32
      %add3A_101 = arith.addi %mul3A_99, %add3A_100 : i32
      %lt3A_102 = arith.cmpi slt, %add3A_101, %min3A_12 : i32
      %convert_element_type3A_103 = arith.extui %lt3A_102 : i1 to i32
      %cond3A_104 = arith.constant 0 : i32
      %cond3A_105 = arith.cmpi ne, %convert_element_type3A_103, %cond3A_104 : i32
      scf.if %cond3A_105 {
        %add3A_122 = arith.constant 3 : i32
        %add3A_123 = arith.addi %add3A_101, %add3A_122 : i32
        %lt3A_124 = arith.cmpi slt, %add3A_123, %min3A_12 : i32
        %convert_element_type3A_125 = arith.extui %lt3A_124 : i1 to i32
        %cond3A_126 = arith.constant 0 : i32
        %cond3A_127 = arith.cmpi ne, %convert_element_type3A_125, %cond3A_126 : i32
        scf.if %cond3A_127 {
          %add3A_186 = arith.constant 3 : i32
          %add3A_187 = arith.addi %add3A_101, %add3A_186 : i32
          %add3A_188 = arith.addi %mul3A_10, %add3A_187 : i32
          %mul3A_189 = arith.constant 128 : i32
          %mul3A_190 = arith.muli %add3A_188, %mul3A_189 : i32
          %multiple_of3A_191 = tpu.assume_multiple %mul3A_190, 128 : i32
          %dma_start3A_192 = arith.constant 0 : i32
          %dma_start3A_193 = arith.constant 0 : i32
          %dma_start3A_194 = tpu.memref_slice %arg8[%dma_start3A_192, %dma_start3A_193] : memref<4x128xi32, #tpu.memory_space<vmem>> -> memref<1x128xi32, #tpu.memory_space<vmem>>
          %dma_start3A_195 = tpu.memref_squeeze %dma_start3A_194 : memref<1x128xi32, #tpu.memory_space<vmem>> -> memref<128xi32, #tpu.memory_space<vmem>>
          %dma_start3A_196 = tpu.memref_slice %arg4[%multiple_of3A_191] : memref<163840xi32, #tpu.memory_space<hbm>> -> memref<128xi32, #tpu.memory_space<hbm>>
          %dma_start3A_197 = arith.constant 0 : i32
          %dma_start3A_198 = tpu.memref_slice %arg8[%dma_start3A_192, %dma_start3A_197] : memref<4x128xi32, #tpu.memory_space<vmem>> -> memref<1x128xi32, #tpu.memory_space<vmem>>
          %dma_start3A_199 = tpu.memref_squeeze %dma_start3A_198 : memref<1x128xi32, #tpu.memory_space<vmem>> -> memref<128xi32, #tpu.memory_space<vmem>>
          %dma_start3A_200 = tpu.memref_slice %arg4[%multiple_of3A_191] : memref<163840xi32, #tpu.memory_space<hbm>> -> memref<128xi32, #tpu.memory_space<hbm>>
          tpu.enqueue_dma source(%dma_start3A_200 : memref<128xi32, #tpu.memory_space<hbm>>) target(%dma_start3A_199 : memref<128xi32, #tpu.memory_space<vmem>>) target_semaphore(%arg19 : memref<!tpu.dma_semaphore, #tpu.memory_space<semaphore_mem>>)
        } else {
        }
        %add3A_128 = arith.constant 1 : i32
        %add3A_129 = arith.addi %add3A_101, %add3A_128 : i32
        %lt3A_130 = arith.cmpi slt, %add3A_129, %min3A_12 : i32
        %convert_element_type3A_131 = arith.extui %lt3A_130 : i1 to i32
        %cond3A_132 = arith.constant 0 : i32
        %cond3A_133 = arith.cmpi ne, %convert_element_type3A_131, %cond3A_132 : i32
        scf.if %cond3A_133 {
          %add3A_186 = arith.constant 1 : i32
          %add3A_187 = arith.addi %add3A_101, %add3A_186 : i32
          %add3A_188 = arith.addi %mul3A_10, %add3A_187 : i32
          %mul3A_189 = arith.constant 128 : i32
          %mul3A_190 = arith.muli %add3A_188, %mul3A_189 : i32
          %multiple_of3A_191 = tpu.assume_multiple %mul3A_190, 128 : i32
          %dma_start3A_192 = arith.constant 0 : i32
          %dma_start3A_193 = arith.constant 0 : i32
          %dma_start3A_194 = tpu.memref_slice %arg9[%dma_start3A_192, %dma_start3A_193] : memref<2x128xi32, #tpu.memory_space<vmem>> -> memref<1x128xi32, #tpu.memory_space<vmem>>
          %dma_start3A_195 = tpu.memref_squeeze %dma_start3A_194 : memref<1x128xi32, #tpu.memory_space<vmem>> -> memref<128xi32, #tpu.memory_space<vmem>>
          %dma_start3A_196 = tpu.memref_slice %arg5[%multiple_of3A_191] : memref<163840xi32, #tpu.memory_space<hbm>> -> memref<128xi32, #tpu.memory_space<hbm>>
          %dma_start3A_197 = arith.constant 0 : i32
          %dma_start3A_198 = tpu.memref_slice %arg9[%dma_start3A_192, %dma_start3A_197] : memref<2x128xi32, #tpu.memory_space<vmem>> -> memref<1x128xi32, #tpu.memory_space<vmem>>
          %dma_start3A_199 = tpu.memref_squeeze %dma_start3A_198 : memref<1x128xi32, #tpu.memory_space<vmem>> -> memref<128xi32, #tpu.memory_space<vmem>>
          %dma_start3A_200 = tpu.memref_slice %arg5[%multiple_of3A_191] : memref<163840xi32, #tpu.memory_space<hbm>> -> memref<128xi32, #tpu.memory_space<hbm>>
          tpu.enqueue_dma source(%dma_start3A_200 : memref<128xi32, #tpu.memory_space<hbm>>) target(%dma_start3A_199 : memref<128xi32, #tpu.memory_space<vmem>>) target_semaphore(%arg20 : memref<!tpu.dma_semaphore, #tpu.memory_space<semaphore_mem>>)
        } else {
        }
        %dma_wait3A = arith.constant 0 : i32
        %dma_wait3A_134 = arith.constant 0 : i32
        %dma_wait3A_135 = tpu.memref_slice %arg3[%dma_wait3A, %dma_wait3A_134] : memref<10000x128xf32, #tpu.memory_space<hbm>> -> memref<128x128xf32, #tpu.memory_space<hbm>>
        %dma_wait3A_136 = arith.constant 0 : i32
        %dma_wait3A_137 = arith.constant 0 : i32
        %dma_wait3A_138 = tpu.memref_slice %arg3[%dma_wait3A_136, %dma_wait3A_137] : memref<10000x128xf32, #tpu.memory_space<hbm>> -> memref<128x128xf32, #tpu.memory_space<hbm>>
        tpu.wait_dma2 semaphore(%arg16 : memref<!tpu.dma_semaphore, #tpu.memory_space<semaphore_mem>>) src(%dma_wait3A_138 : memref<128x128xf32, #tpu.memory_space<hbm>>) dst(%arg11 : memref<128x128xf32, #tpu.memory_space<vmem>>)
        %dma_wait3A_139 = arith.constant 0 : i32
        %dma_wait3A_140 = arith.constant 0 : i32
        %dma_wait3A_141 = tpu.memref_slice %arg2[%dma_wait3A_139, %dma_wait3A_140] : memref<160000x128xf32, #tpu.memory_space<hbm>> -> memref<64x128xf32, #tpu.memory_space<hbm>>
        %dma_wait3A_142 = arith.constant 0 : i32
        %dma_wait3A_143 = arith.constant 0 : i32
        %dma_wait3A_144 = tpu.memref_slice %arg2[%dma_wait3A_142, %dma_wait3A_143] : memref<160000x128xf32, #tpu.memory_space<hbm>> -> memref<64x128xf32, #tpu.memory_space<hbm>>
        tpu.wait_dma2 semaphore(%arg17 : memref<!tpu.dma_semaphore, #tpu.memory_space<semaphore_mem>>) src(%dma_wait3A_144 : memref<64x128xf32, #tpu.memory_space<hbm>>) dst(%arg12 : memref<64x128xf32, #tpu.memory_space<vmem>>)
        %scan3A_145 = arith.constant 0 : i32
        %scan3A_146 = arith.constant 0 : i32
        %scan3A_147 = arith.constant 64 : i32
        %scan3A_148 = arith.addi %scan3A_146, %scan3A_147 : i32
        %scan3A_149 = arith.constant 1 : i32
        scf.for %scan3A_186 = %scan3A_146 to %scan3A_148 step %scan3A_149  : i32 {
          %get3A = arith.index_cast %scan3A_186 : i32 to index
          %get3A_187 = arith.constant 0 : index
          %get3A_188 = tpu.vector_load %arg12[%get3A, %get3A_187] {strides = array<i32>} : memref<64x128xf32, #tpu.memory_space<vmem>>, vector<16xf32>,
          %add3A_189 = arith.constant 0 : i32
          %add3A_190 = arith.addi %add3A_189, %scan3A_186 : i32
          %get3A_191 = arith.index_cast %add3A_190 : i32 to index
          %get3A_192 = arith.constant 0 : index
          %get3A_193 = tpu.vector_load %arg11[%get3A_191, %get3A_192] {strides = array<i32>} : memref<128x128xf32, #tpu.memory_space<vmem>>, vector<16xf32>,
          %mul3A_194 = arith.mulf %get3A_188, %get3A_193 : vector<16xf32>
          %add3A_195 = arith.constant 0 : i32
          %add3A_196 = arith.addi %add3A_195, %scan3A_186 : i32
          %swap3A = arith.index_cast %add3A_196 : i32 to index
          %swap3A_197 = arith.constant 0 : index
          %swap3A_198 = tpu.vector_load %arg11[%swap3A, %swap3A_197] {strides = array<i32>} : memref<128x128xf32, #tpu.memory_space<vmem>>, vector<16xf32>,
          tpu.vector_store %arg11[%swap3A, %swap3A_197], %mul3A_194 {strides = array<i32>} : memref<128x128xf32, #tpu.memory_space<vmem>>, vector<16xf32>,
          %get3A_199 = arith.index_cast %scan3A_186 : i32 to index
          %get3A_200 = arith.constant 16 : index
          %get3A_201 = tpu.vector_load %arg12[%get3A_199, %get3A_200] {strides = array<i32>} : memref<64x128xf32, #tpu.memory_space<vmem>>, vector<16xf32>,
          %add3A_202 = arith.constant 0 : i32
          %add3A_203 = arith.addi %add3A_202, %scan3A_186 : i32
          %get3A_204 = arith.index_cast %add3A_203 : i32 to index
          %get3A_205 = arith.constant 16 : index
          %get3A_206 = tpu.vector_load %arg11[%get3A_204, %get3A_205] {strides = array<i32>} : memref<128x128xf32, #tpu.memory_space<vmem>>, vector<16xf32>,
          %mul3A_207 = arith.mulf %get3A_201, %get3A_206 : vector<16xf32>
          %add3A_208 = arith.constant 0 : i32
          %add3A_209 = arith.addi %add3A_208, %scan3A_186 : i32
          %swap3A_210 = arith.index_cast %add3A_209 : i32 to index
          %swap3A_211 = arith.constant 16 : index
          %swap3A_212 = tpu.vector_load %arg11[%swap3A_210, %swap3A_211] {strides = array<i32>} : memref<128x128xf32, #tpu.memory_space<vmem>>, vector<16xf32>,
          tpu.vector_store %arg11[%swap3A_210, %swap3A_211], %mul3A_207 {strides = array<i32>} : memref<128x128xf32, #tpu.memory_space<vmem>>, vector<16xf32>,
          %get3A_213 = arith.index_cast %scan3A_186 : i32 to index
          %get3A_214 = arith.constant 32 : index
          %get3A_215 = tpu.vector_load %arg12[%get3A_213, %get3A_214] {strides = array<i32>} : memref<64x128xf32, #tpu.memory_space<vmem>>, vector<16xf32>,
          %add3A_216 = arith.constant 0 : i32
          %add3A_217 = arith.addi %add3A_216, %scan3A_186 : i32
          %get3A_218 = arith.index_cast %add3A_217 : i32 to index
          %get3A_219 = arith.constant 32 : index
          %get3A_220 = tpu.vector_load %arg11[%get3A_218, %get3A_219] {strides = array<i32>} : memref<128x128xf32, #tpu.memory_space<vmem>>, vector<16xf32>,
          %mul3A_221 = arith.mulf %get3A_215, %get3A_220 : vector<16xf32>
          %add3A_222 = arith.constant 0 : i32
          %add3A_223 = arith.addi %add3A_222, %scan3A_186 : i32
          %swap3A_224 = arith.index_cast %add3A_223 : i32 to index
          %swap3A_225 = arith.constant 32 : index
          %swap3A_226 = tpu.vector_load %arg11[%swap3A_224, %swap3A_225] {strides = array<i32>} : memref<128x128xf32, #tpu.memory_space<vmem>>, vector<16xf32>,
          tpu.vector_store %arg11[%swap3A_224, %swap3A_225], %mul3A_221 {strides = array<i32>} : memref<128x128xf32, #tpu.memory_space<vmem>>, vector<16xf32>,
          %get3A_227 = arith.index_cast %scan3A_186 : i32 to index
          %get3A_228 = arith.constant 48 : index
          %get3A_229 = tpu.vector_load %arg12[%get3A_227, %get3A_228] {strides = array<i32>} : memref<64x128xf32, #tpu.memory_space<vmem>>, vector<16xf32>,
          %add3A_230 = arith.constant 0 : i32
          %add3A_231 = arith.addi %add3A_230, %scan3A_186 : i32
          %get3A_232 = arith.index_cast %add3A_231 : i32 to index
          %get3A_233 = arith.constant 48 : index
          %get3A_234 = tpu.vector_load %arg11[%get3A_232, %get3A_233] {strides = array<i32>} : memref<128x128xf32, #tpu.memory_space<vmem>>, vector<16xf32>,
          %mul3A_235 = arith.mulf %get3A_229, %get3A_234 : vector<16xf32>
          %add3A_236 = arith.constant 0 : i32
          %add3A_237 = arith.addi %add3A_236, %scan3A_186 : i32
          %swap3A_238 = arith.index_cast %add3A_237 : i32 to index
          %swap3A_239 = arith.constant 48 : index
          %swap3A_240 = tpu.vector_load %arg11[%swap3A_238, %swap3A_239] {strides = array<i32>} : memref<128x128xf32, #tpu.memory_space<vmem>>, vector<16xf32>,
          tpu.vector_store %arg11[%swap3A_238, %swap3A_239], %mul3A_235 {strides = array<i32>} : memref<128x128xf32, #tpu.memory_space<vmem>>, vector<16xf32>,
          %get3A_241 = arith.index_cast %scan3A_186 : i32 to index
          %get3A_242 = arith.constant 64 : index
          %get3A_243 = tpu.vector_load %arg12[%get3A_241, %get3A_242] {strides = array<i32>} : memref<64x128xf32, #tpu.memory_space<vmem>>, vector<16xf32>,
          %add3A_244 = arith.constant 0 : i32
          %add3A_245 = arith.addi %add3A_244, %scan3A_186 : i32
          %get3A_246 = arith.index_cast %add3A_245 : i32 to index
          %get3A_247 = arith.constant 64 : index
          %get3A_248 = tpu.vector_load %arg11[%get3A_246, %get3A_247] {strides = array<i32>} : memref<128x128xf32, #tpu.memory_space<vmem>>, vector<16xf32>,
          %mul3A_249 = arith.mulf %get3A_243, %get3A_248 : vector<16xf32>
          %add3A_250 = arith.constant 0 : i32
          %add3A_251 = arith.addi %add3A_250, %scan3A_186 : i32
          %swap3A_252 = arith.index_cast %add3A_251 : i32 to index
          %swap3A_253 = arith.constant 64 : index
          %swap3A_254 = tpu.vector_load %arg11[%swap3A_252, %swap3A_253] {strides = array<i32>} : memref<128x128xf32, #tpu.memory_space<vmem>>, vector<16xf32>,
          tpu.vector_store %arg11[%swap3A_252, %swap3A_253], %mul3A_249 {strides = array<i32>} : memref<128x128xf32, #tpu.memory_space<vmem>>, vector<16xf32>,
          %get3A_255 = arith.index_cast %scan3A_186 : i32 to index
          %get3A_256 = arith.constant 80 : index
          %get3A_257 = tpu.vector_load %arg12[%get3A_255, %get3A_256] {strides = array<i32>} : memref<64x128xf32, #tpu.memory_space<vmem>>, vector<16xf32>,
          %add3A_258 = arith.constant 0 : i32
          %add3A_259 = arith.addi %add3A_258, %scan3A_186 : i32
          %get3A_260 = arith.index_cast %add3A_259 : i32 to index
          %get3A_261 = arith.constant 80 : index
          %get3A_262 = tpu.vector_load %arg11[%get3A_260, %get3A_261] {strides = array<i32>} : memref<128x128xf32, #tpu.memory_space<vmem>>, vector<16xf32>,
          %mul3A_263 = arith.mulf %get3A_257, %get3A_262 : vector<16xf32>
          %add3A_264 = arith.constant 0 : i32
          %add3A_265 = arith.addi %add3A_264, %scan3A_186 : i32
          %swap3A_266 = arith.index_cast %add3A_265 : i32 to index
          %swap3A_267 = arith.constant 80 : index
          %swap3A_268 = tpu.vector_load %arg11[%swap3A_266, %swap3A_267] {strides = array<i32>} : memref<128x128xf32, #tpu.memory_space<vmem>>, vector<16xf32>,
          tpu.vector_store %arg11[%swap3A_266, %swap3A_267], %mul3A_263 {strides = array<i32>} : memref<128x128xf32, #tpu.memory_space<vmem>>, vector<16xf32>,
          %get3A_269 = arith.index_cast %scan3A_186 : i32 to index
          %get3A_270 = arith.constant 96 : index
          %get3A_271 = tpu.vector_load %arg12[%get3A_269, %get3A_270] {strides = array<i32>} : memref<64x128xf32, #tpu.memory_space<vmem>>, vector<16xf32>,
          %add3A_272 = arith.constant 0 : i32
          %add3A_273 = arith.addi %add3A_272, %scan3A_186 : i32
          %get3A_274 = arith.index_cast %add3A_273 : i32 to index
          %get3A_275 = arith.constant 96 : index
          %get3A_276 = tpu.vector_load %arg11[%get3A_274, %get3A_275] {strides = array<i32>} : memref<128x128xf32, #tpu.memory_space<vmem>>, vector<16xf32>,
          %mul3A_277 = arith.mulf %get3A_271, %get3A_276 : vector<16xf32>
          %add3A_278 = arith.constant 0 : i32
          %add3A_279 = arith.addi %add3A_278, %scan3A_186 : i32
          %swap3A_280 = arith.index_cast %add3A_279 : i32 to index
          %swap3A_281 = arith.constant 96 : index
          %swap3A_282 = tpu.vector_load %arg11[%swap3A_280, %swap3A_281] {strides = array<i32>} : memref<128x128xf32, #tpu.memory_space<vmem>>, vector<16xf32>,
          tpu.vector_store %arg11[%swap3A_280, %swap3A_281], %mul3A_277 {strides = array<i32>} : memref<128x128xf32, #tpu.memory_space<vmem>>, vector<16xf32>,
          %get3A_283 = arith.index_cast %scan3A_186 : i32 to index
          %get3A_284 = arith.constant 112 : index
          %get3A_285 = tpu.vector_load %arg12[%get3A_283, %get3A_284] {strides = array<i32>} : memref<64x128xf32, #tpu.memory_space<vmem>>, vector<16xf32>,
          %add3A_286 = arith.constant 0 : i32
          %add3A_287 = arith.addi %add3A_286, %scan3A_186 : i32
          %get3A_288 = arith.index_cast %add3A_287 : i32 to index
          %get3A_289 = arith.constant 112 : index
          %get3A_290 = tpu.vector_load %arg11[%get3A_288, %get3A_289] {strides = array<i32>} : memref<128x128xf32, #tpu.memory_space<vmem>>, vector<16xf32>,
          %mul3A_291 = arith.mulf %get3A_285, %get3A_290 : vector<16xf32>
          %add3A_292 = arith.constant 0 : i32
          %add3A_293 = arith.addi %add3A_292, %scan3A_186 : i32
          %swap3A_294 = arith.index_cast %add3A_293 : i32 to index
          %swap3A_295 = arith.constant 112 : index
          %swap3A_296 = tpu.vector_load %arg11[%swap3A_294, %swap3A_295] {strides = array<i32>} : memref<128x128xf32, #tpu.memory_space<vmem>>, vector<16xf32>,
          tpu.vector_store %arg11[%swap3A_294, %swap3A_295], %mul3A_291 {strides = array<i32>} : memref<128x128xf32, #tpu.memory_space<vmem>>, vector<16xf32>,
        }
        %scan3A_150 = arith.constant 64 : i32
        %add3A_151 = arith.constant 1 : i32
        %add3A_152 = arith.addi %add3A_101, %add3A_151 : i32
        %lt3A_153 = arith.cmpi slt, %add3A_152, %min3A_12 : i32
        %convert_element_type3A_154 = arith.extui %lt3A_153 : i1 to i32
        %cond3A_155 = arith.constant 0 : i32
        %cond3A_156 = arith.cmpi ne, %convert_element_type3A_154, %cond3A_155 : i32
        scf.if %cond3A_156 {
          %add3A_186 = arith.constant 1 : i32
          %add3A_187 = arith.addi %add3A_101, %add3A_186 : i32
          %add3A_188 = arith.addi %mul3A_10, %add3A_187 : i32
          %mul3A_189 = arith.constant 128 : i32
          %mul3A_190 = arith.muli %add3A_188, %mul3A_189 : i32
          %multiple_of3A_191 = tpu.assume_multiple %mul3A_190, 128 : i32
          %add3A_192 = arith.constant 0 : i32
          %add3A_193 = arith.addi %multiple_of3A_191, %add3A_192 : i32
          %multiple_of3A_194 = tpu.assume_multiple %add3A_193, 64 : i32
          %dma_start3A_195 = arith.constant 0 : i32
          %dma_start3A_196 = tpu.memref_slice %arg2[%multiple_of3A_194, %dma_start3A_195] : memref<160000x128xf32, #tpu.memory_space<hbm>> -> memref<64x128xf32, #tpu.memory_space<hbm>>
          %dma_start3A_197 = arith.constant 0 : i32
          %dma_start3A_198 = tpu.memref_slice %arg2[%multiple_of3A_194, %dma_start3A_197] : memref<160000x128xf32, #tpu.memory_space<hbm>> -> memref<64x128xf32, #tpu.memory_space<hbm>>
          tpu.enqueue_dma source(%dma_start3A_198 : memref<64x128xf32, #tpu.memory_space<hbm>>) target(%arg12 : memref<64x128xf32, #tpu.memory_space<vmem>>) target_semaphore(%arg17 : memref<!tpu.dma_semaphore, #tpu.memory_space<semaphore_mem>>)
        } else {
        }
        %dma_wait3A_157 = arith.constant 0 : i32
        %dma_wait3A_158 = arith.constant 0 : i32
        %dma_wait3A_159 = tpu.memref_slice %arg2[%dma_wait3A_157, %dma_wait3A_158] : memref<160000x128xf32, #tpu.memory_space<hbm>> -> memref<64x128xf32, #tpu.memory_space<hbm>>
        %dma_wait3A_160 = arith.constant 0 : i32
        %dma_wait3A_161 = arith.constant 0 : i32
        %dma_wait3A_162 = tpu.memref_slice %arg2[%dma_wait3A_160, %dma_wait3A_161] : memref<160000x128xf32, #tpu.memory_space<hbm>> -> memref<64x128xf32, #tpu.memory_space<hbm>>
        tpu.wait_dma2 semaphore(%arg18 : memref<!tpu.dma_semaphore, #tpu.memory_space<semaphore_mem>>) src(%dma_wait3A_162 : memref<64x128xf32, #tpu.memory_space<hbm>>) dst(%arg13 : memref<64x128xf32, #tpu.memory_space<vmem>>)
        %scan3A_163 = arith.constant 0 : i32
        %scan3A_164 = arith.constant 0 : i32
        %scan3A_165 = arith.constant 64 : i32
        %scan3A_166 = arith.addi %scan3A_164, %scan3A_165 : i32
        %scan3A_167 = arith.constant 1 : i32
        scf.for %scan3A_186 = %scan3A_164 to %scan3A_166 step %scan3A_167  : i32 {
          %get3A = arith.index_cast %scan3A_186 : i32 to index
          %get3A_187 = arith.constant 0 : index
          %get3A_188 = tpu.vector_load %arg13[%get3A, %get3A_187] {strides = array<i32>} : memref<64x128xf32, #tpu.memory_space<vmem>>, vector<16xf32>,
          %add3A_189 = arith.constant 64 : i32
          %add3A_190 = arith.addi %add3A_189, %scan3A_186 : i32
          %get3A_191 = arith.index_cast %add3A_190 : i32 to index
          %get3A_192 = arith.constant 0 : index
          %get3A_193 = tpu.vector_load %arg11[%get3A_191, %get3A_192] {strides = array<i32>} : memref<128x128xf32, #tpu.memory_space<vmem>>, vector<16xf32>,
          %mul3A_194 = arith.mulf %get3A_188, %get3A_193 : vector<16xf32>
          %add3A_195 = arith.constant 64 : i32
          %add3A_196 = arith.addi %add3A_195, %scan3A_186 : i32
          %swap3A = arith.index_cast %add3A_196 : i32 to index
          %swap3A_197 = arith.constant 0 : index
          %swap3A_198 = tpu.vector_load %arg11[%swap3A, %swap3A_197] {strides = array<i32>} : memref<128x128xf32, #tpu.memory_space<vmem>>, vector<16xf32>,
          tpu.vector_store %arg11[%swap3A, %swap3A_197], %mul3A_194 {strides = array<i32>} : memref<128x128xf32, #tpu.memory_space<vmem>>, vector<16xf32>,
          %get3A_199 = arith.index_cast %scan3A_186 : i32 to index
          %get3A_200 = arith.constant 16 : index
          %get3A_201 = tpu.vector_load %arg13[%get3A_199, %get3A_200] {strides = array<i32>} : memref<64x128xf32, #tpu.memory_space<vmem>>, vector<16xf32>,
          %add3A_202 = arith.constant 64 : i32
          %add3A_203 = arith.addi %add3A_202, %scan3A_186 : i32
          %get3A_204 = arith.index_cast %add3A_203 : i32 to index
          %get3A_205 = arith.constant 16 : index
          %get3A_206 = tpu.vector_load %arg11[%get3A_204, %get3A_205] {strides = array<i32>} : memref<128x128xf32, #tpu.memory_space<vmem>>, vector<16xf32>,
          %mul3A_207 = arith.mulf %get3A_201, %get3A_206 : vector<16xf32>
          %add3A_208 = arith.constant 64 : i32
          %add3A_209 = arith.addi %add3A_208, %scan3A_186 : i32
          %swap3A_210 = arith.index_cast %add3A_209 : i32 to index
          %swap3A_211 = arith.constant 16 : index
          %swap3A_212 = tpu.vector_load %arg11[%swap3A_210, %swap3A_211] {strides = array<i32>} : memref<128x128xf32, #tpu.memory_space<vmem>>, vector<16xf32>,
          tpu.vector_store %arg11[%swap3A_210, %swap3A_211], %mul3A_207 {strides = array<i32>} : memref<128x128xf32, #tpu.memory_space<vmem>>, vector<16xf32>,
          %get3A_213 = arith.index_cast %scan3A_186 : i32 to index
          %get3A_214 = arith.constant 32 : index
          %get3A_215 = tpu.vector_load %arg13[%get3A_213, %get3A_214] {strides = array<i32>} : memref<64x128xf32, #tpu.memory_space<vmem>>, vector<16xf32>,
          %add3A_216 = arith.constant 64 : i32
          %add3A_217 = arith.addi %add3A_216, %scan3A_186 : i32
          %get3A_218 = arith.index_cast %add3A_217 : i32 to index
          %get3A_219 = arith.constant 32 : index
          %get3A_220 = tpu.vector_load %arg11[%get3A_218, %get3A_219] {strides = array<i32>} : memref<128x128xf32, #tpu.memory_space<vmem>>, vector<16xf32>,
          %mul3A_221 = arith.mulf %get3A_215, %get3A_220 : vector<16xf32>
          %add3A_222 = arith.constant 64 : i32
          %add3A_223 = arith.addi %add3A_222, %scan3A_186 : i32
          %swap3A_224 = arith.index_cast %add3A_223 : i32 to index
          %swap3A_225 = arith.constant 32 : index
          %swap3A_226 = tpu.vector_load %arg11[%swap3A_224, %swap3A_225] {strides = array<i32>} : memref<128x128xf32, #tpu.memory_space<vmem>>, vector<16xf32>,
          tpu.vector_store %arg11[%swap3A_224, %swap3A_225], %mul3A_221 {strides = array<i32>} : memref<128x128xf32, #tpu.memory_space<vmem>>, vector<16xf32>,
          %get3A_227 = arith.index_cast %scan3A_186 : i32 to index
          %get3A_228 = arith.constant 48 : index
          %get3A_229 = tpu.vector_load %arg13[%get3A_227, %get3A_228] {strides = array<i32>} : memref<64x128xf32, #tpu.memory_space<vmem>>, vector<16xf32>,
          %add3A_230 = arith.constant 64 : i32
          %add3A_231 = arith.addi %add3A_230, %scan3A_186 : i32
          %get3A_232 = arith.index_cast %add3A_231 : i32 to index
          %get3A_233 = arith.constant 48 : index
          %get3A_234 = tpu.vector_load %arg11[%get3A_232, %get3A_233] {strides = array<i32>} : memref<128x128xf32, #tpu.memory_space<vmem>>, vector<16xf32>,
          %mul3A_235 = arith.mulf %get3A_229, %get3A_234 : vector<16xf32>
          %add3A_236 = arith.constant 64 : i32
          %add3A_237 = arith.addi %add3A_236, %scan3A_186 : i32
          %swap3A_238 = arith.index_cast %add3A_237 : i32 to index
          %swap3A_239 = arith.constant 48 : index
          %swap3A_240 = tpu.vector_load %arg11[%swap3A_238, %swap3A_239] {strides = array<i32>} : memref<128x128xf32, #tpu.memory_space<vmem>>, vector<16xf32>,
          tpu.vector_store %arg11[%swap3A_238, %swap3A_239], %mul3A_235 {strides = array<i32>} : memref<128x128xf32, #tpu.memory_space<vmem>>, vector<16xf32>,
          %get3A_241 = arith.index_cast %scan3A_186 : i32 to index
          %get3A_242 = arith.constant 64 : index
          %get3A_243 = tpu.vector_load %arg13[%get3A_241, %get3A_242] {strides = array<i32>} : memref<64x128xf32, #tpu.memory_space<vmem>>, vector<16xf32>,
          %add3A_244 = arith.constant 64 : i32
          %add3A_245 = arith.addi %add3A_244, %scan3A_186 : i32
          %get3A_246 = arith.index_cast %add3A_245 : i32 to index
          %get3A_247 = arith.constant 64 : index
          %get3A_248 = tpu.vector_load %arg11[%get3A_246, %get3A_247] {strides = array<i32>} : memref<128x128xf32, #tpu.memory_space<vmem>>, vector<16xf32>,
          %mul3A_249 = arith.mulf %get3A_243, %get3A_248 : vector<16xf32>
          %add3A_250 = arith.constant 64 : i32
          %add3A_251 = arith.addi %add3A_250, %scan3A_186 : i32
          %swap3A_252 = arith.index_cast %add3A_251 : i32 to index
          %swap3A_253 = arith.constant 64 : index
          %swap3A_254 = tpu.vector_load %arg11[%swap3A_252, %swap3A_253] {strides = array<i32>} : memref<128x128xf32, #tpu.memory_space<vmem>>, vector<16xf32>,
          tpu.vector_store %arg11[%swap3A_252, %swap3A_253], %mul3A_249 {strides = array<i32>} : memref<128x128xf32, #tpu.memory_space<vmem>>, vector<16xf32>,
          %get3A_255 = arith.index_cast %scan3A_186 : i32 to index
          %get3A_256 = arith.constant 80 : index
          %get3A_257 = tpu.vector_load %arg13[%get3A_255, %get3A_256] {strides = array<i32>} : memref<64x128xf32, #tpu.memory_space<vmem>>, vector<16xf32>,
          %add3A_258 = arith.constant 64 : i32
          %add3A_259 = arith.addi %add3A_258, %scan3A_186 : i32
          %get3A_260 = arith.index_cast %add3A_259 : i32 to index
          %get3A_261 = arith.constant 80 : index
          %get3A_262 = tpu.vector_load %arg11[%get3A_260, %get3A_261] {strides = array<i32>} : memref<128x128xf32, #tpu.memory_space<vmem>>, vector<16xf32>,
          %mul3A_263 = arith.mulf %get3A_257, %get3A_262 : vector<16xf32>
          %add3A_264 = arith.constant 64 : i32
          %add3A_265 = arith.addi %add3A_264, %scan3A_186 : i32
          %swap3A_266 = arith.index_cast %add3A_265 : i32 to index
          %swap3A_267 = arith.constant 80 : index
          %swap3A_268 = tpu.vector_load %arg11[%swap3A_266, %swap3A_267] {strides = array<i32>} : memref<128x128xf32, #tpu.memory_space<vmem>>, vector<16xf32>,
          tpu.vector_store %arg11[%swap3A_266, %swap3A_267], %mul3A_263 {strides = array<i32>} : memref<128x128xf32, #tpu.memory_space<vmem>>, vector<16xf32>,
          %get3A_269 = arith.index_cast %scan3A_186 : i32 to index
          %get3A_270 = arith.constant 96 : index
          %get3A_271 = tpu.vector_load %arg13[%get3A_269, %get3A_270] {strides = array<i32>} : memref<64x128xf32, #tpu.memory_space<vmem>>, vector<16xf32>,
          %add3A_272 = arith.constant 64 : i32
          %add3A_273 = arith.addi %add3A_272, %scan3A_186 : i32
          %get3A_274 = arith.index_cast %add3A_273 : i32 to index
          %get3A_275 = arith.constant 96 : index
          %get3A_276 = tpu.vector_load %arg11[%get3A_274, %get3A_275] {strides = array<i32>} : memref<128x128xf32, #tpu.memory_space<vmem>>, vector<16xf32>,
          %mul3A_277 = arith.mulf %get3A_271, %get3A_276 : vector<16xf32>
          %add3A_278 = arith.constant 64 : i32
          %add3A_279 = arith.addi %add3A_278, %scan3A_186 : i32
          %swap3A_280 = arith.index_cast %add3A_279 : i32 to index
          %swap3A_281 = arith.constant 96 : index
          %swap3A_282 = tpu.vector_load %arg11[%swap3A_280, %swap3A_281] {strides = array<i32>} : memref<128x128xf32, #tpu.memory_space<vmem>>, vector<16xf32>,
          tpu.vector_store %arg11[%swap3A_280, %swap3A_281], %mul3A_277 {strides = array<i32>} : memref<128x128xf32, #tpu.memory_space<vmem>>, vector<16xf32>,
          %get3A_283 = arith.index_cast %scan3A_186 : i32 to index
          %get3A_284 = arith.constant 112 : index
          %get3A_285 = tpu.vector_load %arg13[%get3A_283, %get3A_284] {strides = array<i32>} : memref<64x128xf32, #tpu.memory_space<vmem>>, vector<16xf32>,
          %add3A_286 = arith.constant 64 : i32
          %add3A_287 = arith.addi %add3A_286, %scan3A_186 : i32
          %get3A_288 = arith.index_cast %add3A_287 : i32 to index
          %get3A_289 = arith.constant 112 : index
          %get3A_290 = tpu.vector_load %arg11[%get3A_288, %get3A_289] {strides = array<i32>} : memref<128x128xf32, #tpu.memory_space<vmem>>, vector<16xf32>,
          %mul3A_291 = arith.mulf %get3A_285, %get3A_290 : vector<16xf32>
          %add3A_292 = arith.constant 64 : i32
          %add3A_293 = arith.addi %add3A_292, %scan3A_186 : i32
          %swap3A_294 = arith.index_cast %add3A_293 : i32 to index
          %swap3A_295 = arith.constant 112 : index
          %swap3A_296 = tpu.vector_load %arg11[%swap3A_294, %swap3A_295] {strides = array<i32>} : memref<128x128xf32, #tpu.memory_space<vmem>>, vector<16xf32>,
          tpu.vector_store %arg11[%swap3A_294, %swap3A_295], %mul3A_291 {strides = array<i32>} : memref<128x128xf32, #tpu.memory_space<vmem>>, vector<16xf32>,
        }
        %scan3A_168 = arith.constant 64 : i32
        %add3A_169 = arith.constant 1 : i32
        %add3A_170 = arith.addi %add3A_101, %add3A_169 : i32
        %lt3A_171 = arith.cmpi slt, %add3A_170, %min3A_12 : i32
        %convert_element_type3A_172 = arith.extui %lt3A_171 : i1 to i32
        %cond3A_173 = arith.constant 0 : i32
        %cond3A_174 = arith.cmpi ne, %convert_element_type3A_172, %cond3A_173 : i32
        scf.if %cond3A_174 {
          %add3A_186 = arith.constant 1 : i32
          %add3A_187 = arith.addi %add3A_101, %add3A_186 : i32
          %add3A_188 = arith.addi %mul3A_10, %add3A_187 : i32
          %mul3A_189 = arith.constant 128 : i32
          %mul3A_190 = arith.muli %add3A_188, %mul3A_189 : i32
          %multiple_of3A_191 = tpu.assume_multiple %mul3A_190, 128 : i32
          %add3A_192 = arith.constant 64 : i32
          %add3A_193 = arith.addi %multiple_of3A_191, %add3A_192 : i32
          %multiple_of3A_194 = tpu.assume_multiple %add3A_193, 64 : i32
          %dma_start3A_195 = arith.constant 0 : i32
          %dma_start3A_196 = tpu.memref_slice %arg2[%multiple_of3A_194, %dma_start3A_195] : memref<160000x128xf32, #tpu.memory_space<hbm>> -> memref<64x128xf32, #tpu.memory_space<hbm>>
          %dma_start3A_197 = arith.constant 0 : i32
          %dma_start3A_198 = tpu.memref_slice %arg2[%multiple_of3A_194, %dma_start3A_197] : memref<160000x128xf32, #tpu.memory_space<hbm>> -> memref<64x128xf32, #tpu.memory_space<hbm>>
          tpu.enqueue_dma source(%dma_start3A_198 : memref<64x128xf32, #tpu.memory_space<hbm>>) target(%arg13 : memref<64x128xf32, #tpu.memory_space<vmem>>) target_semaphore(%arg18 : memref<!tpu.dma_semaphore, #tpu.memory_space<semaphore_mem>>)
        } else {
        }
        %ge3A = arith.constant 1 : i32
        %ge3A_175 = arith.cmpi sge, %add3A_101, %ge3A : i32
        %convert_element_type3A_176 = arith.extui %ge3A_175 : i1 to i32
        %cond3A_177 = arith.constant 0 : i32
        %cond3A_178 = arith.cmpi ne, %convert_element_type3A_176, %cond3A_177 : i32
        scf.if %cond3A_178 {
          %dma_wait3A_186 = arith.constant 0 : i32
          %dma_wait3A_187 = arith.constant 0 : i32
          %dma_wait3A_188 = tpu.memref_slice %arg9[%dma_wait3A_186, %dma_wait3A_187] : memref<2x128xi32, #tpu.memory_space<vmem>> -> memref<1x128xi32, #tpu.memory_space<vmem>>
          %dma_wait3A_189 = tpu.memref_squeeze %dma_wait3A_188 : memref<1x128xi32, #tpu.memory_space<vmem>> -> memref<128xi32, #tpu.memory_space<vmem>>
          %dma_wait3A_190 = arith.constant 0 : i32
          %dma_wait3A_191 = tpu.memref_slice %arg5[%dma_wait3A_190] : memref<163840xi32, #tpu.memory_space<hbm>> -> memref<128xi32, #tpu.memory_space<hbm>>
          %dma_wait3A_192 = arith.constant 0 : i32
          %dma_wait3A_193 = tpu.memref_slice %arg9[%dma_wait3A_186, %dma_wait3A_192] : memref<2x128xi32, #tpu.memory_space<vmem>> -> memref<1x128xi32, #tpu.memory_space<vmem>>
          %dma_wait3A_194 = tpu.memref_squeeze %dma_wait3A_193 : memref<1x128xi32, #tpu.memory_space<vmem>> -> memref<128xi32, #tpu.memory_space<vmem>>
          %dma_wait3A_195 = arith.constant 0 : i32
          %dma_wait3A_196 = tpu.memref_slice %arg5[%dma_wait3A_195] : memref<163840xi32, #tpu.memory_space<hbm>> -> memref<128xi32, #tpu.memory_space<hbm>>
          tpu.wait_dma2 semaphore(%arg20 : memref<!tpu.dma_semaphore, #tpu.memory_space<semaphore_mem>>) src(%dma_wait3A_196 : memref<128xi32, #tpu.memory_space<hbm>>) dst(%dma_wait3A_194 : memref<128xi32, #tpu.memory_space<vmem>>)
        } else {
        }
        %run_scoped3A_179 = arith.constant 1 : i32
        "tpu.region"() ({
          %run_scoped3A_186 = tpu.sem_alloc : memref<!tpu.dma_semaphore, #tpu.memory_space<semaphore_mem>>
          %dma_start3A_187 = arith.constant 0 : i32
          %dma_start3A_188 = tpu.memref_slice %arg9[%run_scoped3A_179, %dma_start3A_187] : memref<2x128xi32, #tpu.memory_space<vmem>> -> memref<1x128xi32, #tpu.memory_space<vmem>>
          %dma_start3A_189 = tpu.memref_squeeze %dma_start3A_188 : memref<1x128xi32, #tpu.memory_space<vmem>> -> memref<128xi32, #tpu.memory_space<vmem>>
          %dma_start3A_190 = arith.constant 0 : i32
          %dma_start3A_191 = arith.constant 0 : i32
          %dma_start3A_192 = tpu.memref_slice %arg14[%dma_start3A_190, %dma_start3A_191] : memref<10000x128xf32, #tpu.memory_space<vmem_shared>> -> memref<10000x128xf32, #tpu.memory_space<vmem_shared>>
          tpu.enqueue_indirect_dma source(%arg11 : memref<128x128xf32, #tpu.memory_space<vmem>>) target(%dma_start3A_192 : memref<10000x128xf32, #tpu.memory_space<vmem_shared>>) offsets(%dma_start3A_189 : memref<128xi32, #tpu.memory_space<vmem>>) semaphore(%run_scoped3A_186 : memref<!tpu.dma_semaphore, #tpu.memory_space<semaphore_mem>>) {add = true}
          %dma_wait3A_193 = arith.constant 0 : i32
          %dma_wait3A_194 = tpu.memref_slice %arg9[%run_scoped3A_179, %dma_wait3A_193] : memref<2x128xi32, #tpu.memory_space<vmem>> -> memref<1x128xi32, #tpu.memory_space<vmem>>
          %dma_wait3A_195 = tpu.memref_squeeze %dma_wait3A_194 : memref<1x128xi32, #tpu.memory_space<vmem>> -> memref<128xi32, #tpu.memory_space<vmem>>
          %dma_wait3A_196 = arith.constant 0 : i32
          %dma_wait3A_197 = arith.constant 0 : i32
          %dma_wait3A_198 = tpu.memref_slice %arg14[%dma_wait3A_196, %dma_wait3A_197] : memref<10000x128xf32, #tpu.memory_space<vmem_shared>> -> memref<10000x128xf32, #tpu.memory_space<vmem_shared>>
          tpu.wait_indirect_dma semaphore(%run_scoped3A_186 : memref<!tpu.dma_semaphore, #tpu.memory_space<semaphore_mem>>) src(%arg11 : memref<128x128xf32, #tpu.memory_space<vmem>>) dst(%dma_wait3A_198 : memref<10000x128xf32, #tpu.memory_space<vmem_shared>>)
          tpu.yield
        }) : () -> ()
        %add3A_180 = arith.constant 2 : i32
        %add3A_181 = arith.addi %add3A_101, %add3A_180 : i32
        %lt3A_182 = arith.cmpi slt, %add3A_181, %min3A_12 : i32
        %convert_element_type3A_183 = arith.extui %lt3A_182 : i1 to i32
        %cond3A_184 = arith.constant 0 : i32
        %cond3A_185 = arith.cmpi ne, %convert_element_type3A_183, %cond3A_184 : i32
        scf.if %cond3A_185 {
          %ge3A_186 = arith.constant 1 : i32
          %ge3A_187 = arith.cmpi sge, %add3A_101, %ge3A_186 : i32
          %convert_element_type3A_188 = arith.extui %ge3A_187 : i1 to i32
          %cond3A_189 = arith.constant 0 : i32
          %cond3A_190 = arith.cmpi ne, %convert_element_type3A_188, %cond3A_189 : i32
          scf.if %cond3A_190 {
            %dma_wait3A_200 = arith.constant 0 : i32
            %dma_wait3A_201 = arith.constant 0 : i32
            %dma_wait3A_202 = tpu.memref_slice %arg8[%dma_wait3A_200, %dma_wait3A_201] : memref<4x128xi32, #tpu.memory_space<vmem>> -> memref<1x128xi32, #tpu.memory_space<vmem>>
            %dma_wait3A_203 = tpu.memref_squeeze %dma_wait3A_202 : memref<1x128xi32, #tpu.memory_space<vmem>> -> memref<128xi32, #tpu.memory_space<vmem>>
            %dma_wait3A_204 = arith.constant 0 : i32
            %dma_wait3A_205 = tpu.memref_slice %arg4[%dma_wait3A_204] : memref<163840xi32, #tpu.memory_space<hbm>> -> memref<128xi32, #tpu.memory_space<hbm>>
            %dma_wait3A_206 = arith.constant 0 : i32
            %dma_wait3A_207 = tpu.memref_slice %arg8[%dma_wait3A_200, %dma_wait3A_206] : memref<4x128xi32, #tpu.memory_space<vmem>> -> memref<1x128xi32, #tpu.memory_space<vmem>>
            %dma_wait3A_208 = tpu.memref_squeeze %dma_wait3A_207 : memref<1x128xi32, #tpu.memory_space<vmem>> -> memref<128xi32, #tpu.memory_space<vmem>>
            %dma_wait3A_209 = arith.constant 0 : i32
            %dma_wait3A_210 = tpu.memref_slice %arg4[%dma_wait3A_209] : memref<163840xi32, #tpu.memory_space<hbm>> -> memref<128xi32, #tpu.memory_space<hbm>>
            tpu.wait_dma2 semaphore(%arg19 : memref<!tpu.dma_semaphore, #tpu.memory_space<semaphore_mem>>) src(%dma_wait3A_210 : memref<128xi32, #tpu.memory_space<hbm>>) dst(%dma_wait3A_208 : memref<128xi32, #tpu.memory_space<vmem>>)
          } else {
          }
          %add3A_191 = arith.constant 2 : i32
          %add3A_192 = arith.addi %add3A_101, %add3A_191 : i32
          %dma_start3A_193 = arith.constant 3 : i32
          %dma_start3A_194 = arith.constant 0 : i32
          %dma_start3A_195 = tpu.memref_slice %arg8[%dma_start3A_193, %dma_start3A_194] : memref<4x128xi32, #tpu.memory_space<vmem>> -> memref<1x128xi32, #tpu.memory_space<vmem>>
          %dma_start3A_196 = tpu.memref_squeeze %dma_start3A_195 : memref<1x128xi32, #tpu.memory_space<vmem>> -> memref<128xi32, #tpu.memory_space<vmem>>
          %dma_start3A_197 = arith.constant 0 : i32
          %dma_start3A_198 = arith.constant 0 : i32
          %dma_start3A_199 = tpu.memref_slice %arg3[%dma_start3A_197, %dma_start3A_198] : memref<10000x128xf32, #tpu.memory_space<hbm>> -> memref<10000x128xf32, #tpu.memory_space<hbm>>
          tpu.enqueue_indirect_dma source(%dma_start3A_199 : memref<10000x128xf32, #tpu.memory_space<hbm>>) target(%arg11 : memref<128x128xf32, #tpu.memory_space<vmem>>) offsets(%dma_start3A_196 : memref<128xi32, #tpu.memory_space<vmem>>) semaphore(%arg16 : memref<!tpu.dma_semaphore, #tpu.memory_space<semaphore_mem>>)
        } else {
        }
      } else {
      }
      %mul3A_106 = arith.constant 4 : i32
      %mul3A_107 = arith.muli %mul3A_106, %scan3A_89 : i32
      %add3A_108 = arith.constant 2 : i32
      %add3A_109 = arith.addi %mul3A_107, %add3A_108 : i32
      %lt3A_110 = arith.cmpi slt, %add3A_109, %min3A_12 : i32
      %convert_element_type3A_111 = arith.extui %lt3A_110 : i1 to i32
      %cond3A_112 = arith.constant 0 : i32
      %cond3A_113 = arith.cmpi ne, %convert_element_type3A_111, %cond3A_112 : i32
      scf.if %cond3A_113 {
        %add3A_122 = arith.constant 3 : i32
        %add3A_123 = arith.addi %add3A_109, %add3A_122 : i32
        %lt3A_124 = arith.cmpi slt, %add3A_123, %min3A_12 : i32
        %convert_element_type3A_125 = arith.extui %lt3A_124 : i1 to i32
        %cond3A_126 = arith.constant 0 : i32
        %cond3A_127 = arith.cmpi ne, %convert_element_type3A_125, %cond3A_126 : i32
        scf.if %cond3A_127 {
          %add3A_186 = arith.constant 3 : i32
          %add3A_187 = arith.addi %add3A_109, %add3A_186 : i32
          %add3A_188 = arith.addi %mul3A_10, %add3A_187 : i32
          %mul3A_189 = arith.constant 128 : i32
          %mul3A_190 = arith.muli %add3A_188, %mul3A_189 : i32
          %multiple_of3A_191 = tpu.assume_multiple %mul3A_190, 128 : i32
          %dma_start3A_192 = arith.constant 1 : i32
          %dma_start3A_193 = arith.constant 0 : i32
          %dma_start3A_194 = tpu.memref_slice %arg8[%dma_start3A_192, %dma_start3A_193] : memref<4x128xi32, #tpu.memory_space<vmem>> -> memref<1x128xi32, #tpu.memory_space<vmem>>
          %dma_start3A_195 = tpu.memref_squeeze %dma_start3A_194 : memref<1x128xi32, #tpu.memory_space<vmem>> -> memref<128xi32, #tpu.memory_space<vmem>>
          %dma_start3A_196 = tpu.memref_slice %arg4[%multiple_of3A_191] : memref<163840xi32, #tpu.memory_space<hbm>> -> memref<128xi32, #tpu.memory_space<hbm>>
          %dma_start3A_197 = arith.constant 0 : i32
          %dma_start3A_198 = tpu.memref_slice %arg8[%dma_start3A_192, %dma_start3A_197] : memref<4x128xi32, #tpu.memory_space<vmem>> -> memref<1x128xi32, #tpu.memory_space<vmem>>
          %dma_start3A_199 = tpu.memref_squeeze %dma_start3A_198 : memref<1x128xi32, #tpu.memory_space<vmem>> -> memref<128xi32, #tpu.memory_space<vmem>>
          %dma_start3A_200 = tpu.memref_slice %arg4[%multiple_of3A_191] : memref<163840xi32, #tpu.memory_space<hbm>> -> memref<128xi32, #tpu.memory_space<hbm>>
          tpu.enqueue_dma source(%dma_start3A_200 : memref<128xi32, #tpu.memory_space<hbm>>) target(%dma_start3A_199 : memref<128xi32, #tpu.memory_space<vmem>>) target_semaphore(%arg19 : memref<!tpu.dma_semaphore, #tpu.memory_space<semaphore_mem>>)
        } else {
        }
        %add3A_128 = arith.constant 1 : i32
        %add3A_129 = arith.addi %add3A_109, %add3A_128 : i32
        %lt3A_130 = arith.cmpi slt, %add3A_129, %min3A_12 : i32
        %convert_element_type3A_131 = arith.extui %lt3A_130 : i1 to i32
        %cond3A_132 = arith.constant 0 : i32
        %cond3A_133 = arith.cmpi ne, %convert_element_type3A_131, %cond3A_132 : i32
        scf.if %cond3A_133 {
          %add3A_186 = arith.constant 1 : i32
          %add3A_187 = arith.addi %add3A_109, %add3A_186 : i32
          %add3A_188 = arith.addi %mul3A_10, %add3A_187 : i32
          %mul3A_189 = arith.constant 128 : i32
          %mul3A_190 = arith.muli %add3A_188, %mul3A_189 : i32
          %multiple_of3A_191 = tpu.assume_multiple %mul3A_190, 128 : i32
          %dma_start3A_192 = arith.constant 1 : i32
          %dma_start3A_193 = arith.constant 0 : i32
          %dma_start3A_194 = tpu.memref_slice %arg9[%dma_start3A_192, %dma_start3A_193] : memref<2x128xi32, #tpu.memory_space<vmem>> -> memref<1x128xi32, #tpu.memory_space<vmem>>
          %dma_start3A_195 = tpu.memref_squeeze %dma_start3A_194 : memref<1x128xi32, #tpu.memory_space<vmem>> -> memref<128xi32, #tpu.memory_space<vmem>>
          %dma_start3A_196 = tpu.memref_slice %arg5[%multiple_of3A_191] : memref<163840xi32, #tpu.memory_space<hbm>> -> memref<128xi32, #tpu.memory_space<hbm>>
          %dma_start3A_197 = arith.constant 0 : i32
          %dma_start3A_198 = tpu.memref_slice %arg9[%dma_start3A_192, %dma_start3A_197] : memref<2x128xi32, #tpu.memory_space<vmem>> -> memref<1x128xi32, #tpu.memory_space<vmem>>
          %dma_start3A_199 = tpu.memref_squeeze %dma_start3A_198 : memref<1x128xi32, #tpu.memory_space<vmem>> -> memref<128xi32, #tpu.memory_space<vmem>>
          %dma_start3A_200 = tpu.memref_slice %arg5[%multiple_of3A_191] : memref<163840xi32, #tpu.memory_space<hbm>> -> memref<128xi32, #tpu.memory_space<hbm>>
          tpu.enqueue_dma source(%dma_start3A_200 : memref<128xi32, #tpu.memory_space<hbm>>) target(%dma_start3A_199 : memref<128xi32, #tpu.memory_space<vmem>>) target_semaphore(%arg20 : memref<!tpu.dma_semaphore, #tpu.memory_space<semaphore_mem>>)
        } else {
        }
        %dma_wait3A = arith.constant 0 : i32
        %dma_wait3A_134 = arith.constant 0 : i32
        %dma_wait3A_135 = tpu.memref_slice %arg3[%dma_wait3A, %dma_wait3A_134] : memref<10000x128xf32, #tpu.memory_space<hbm>> -> memref<128x128xf32, #tpu.memory_space<hbm>>
        %dma_wait3A_136 = arith.constant 0 : i32
        %dma_wait3A_137 = arith.constant 0 : i32
        %dma_wait3A_138 = tpu.memref_slice %arg3[%dma_wait3A_136, %dma_wait3A_137] : memref<10000x128xf32, #tpu.memory_space<hbm>> -> memref<128x128xf32, #tpu.memory_space<hbm>>
        tpu.wait_dma2 semaphore(%arg15 : memref<!tpu.dma_semaphore, #tpu.memory_space<semaphore_mem>>) src(%dma_wait3A_138 : memref<128x128xf32, #tpu.memory_space<hbm>>) dst(%arg10 : memref<128x128xf32, #tpu.memory_space<vmem>>)
        %dma_wait3A_139 = arith.constant 0 : i32
        %dma_wait3A_140 = arith.constant 0 : i32
        %dma_wait3A_141 = tpu.memref_slice %arg2[%dma_wait3A_139, %dma_wait3A_140] : memref<160000x128xf32, #tpu.memory_space<hbm>> -> memref<64x128xf32, #tpu.memory_space<hbm>>
        %dma_wait3A_142 = arith.constant 0 : i32
        %dma_wait3A_143 = arith.constant 0 : i32
        %dma_wait3A_144 = tpu.memref_slice %arg2[%dma_wait3A_142, %dma_wait3A_143] : memref<160000x128xf32, #tpu.memory_space<hbm>> -> memref<64x128xf32, #tpu.memory_space<hbm>>
        tpu.wait_dma2 semaphore(%arg17 : memref<!tpu.dma_semaphore, #tpu.memory_space<semaphore_mem>>) src(%dma_wait3A_144 : memref<64x128xf32, #tpu.memory_space<hbm>>) dst(%arg12 : memref<64x128xf32, #tpu.memory_space<vmem>>)
        %scan3A_145 = arith.constant 0 : i32
        %scan3A_146 = arith.constant 0 : i32
        %scan3A_147 = arith.constant 64 : i32
        %scan3A_148 = arith.addi %scan3A_146, %scan3A_147 : i32
        %scan3A_149 = arith.constant 1 : i32
        scf.for %scan3A_186 = %scan3A_146 to %scan3A_148 step %scan3A_149  : i32 {
          %get3A = arith.index_cast %scan3A_186 : i32 to index
          %get3A_187 = arith.constant 0 : index
          %get3A_188 = tpu.vector_load %arg12[%get3A, %get3A_187] {strides = array<i32>} : memref<64x128xf32, #tpu.memory_space<vmem>>, vector<16xf32>,
          %add3A_189 = arith.constant 0 : i32
          %add3A_190 = arith.addi %add3A_189, %scan3A_186 : i32
          %get3A_191 = arith.index_cast %add3A_190 : i32 to index
          %get3A_192 = arith.constant 0 : index
          %get3A_193 = tpu.vector_load %arg10[%get3A_191, %get3A_192] {strides = array<i32>} : memref<128x128xf32, #tpu.memory_space<vmem>>, vector<16xf32>,
          %mul3A_194 = arith.mulf %get3A_188, %get3A_193 : vector<16xf32>
          %add3A_195 = arith.constant 0 : i32
          %add3A_196 = arith.addi %add3A_195, %scan3A_186 : i32
          %swap3A = arith.index_cast %add3A_196 : i32 to index
          %swap3A_197 = arith.constant 0 : index
          %swap3A_198 = tpu.vector_load %arg10[%swap3A, %swap3A_197] {strides = array<i32>} : memref<128x128xf32, #tpu.memory_space<vmem>>, vector<16xf32>,
          tpu.vector_store %arg10[%swap3A, %swap3A_197], %mul3A_194 {strides = array<i32>} : memref<128x128xf32, #tpu.memory_space<vmem>>, vector<16xf32>,
          %get3A_199 = arith.index_cast %scan3A_186 : i32 to index
          %get3A_200 = arith.constant 16 : index
          %get3A_201 = tpu.vector_load %arg12[%get3A_199, %get3A_200] {strides = array<i32>} : memref<64x128xf32, #tpu.memory_space<vmem>>, vector<16xf32>,
          %add3A_202 = arith.constant 0 : i32
          %add3A_203 = arith.addi %add3A_202, %scan3A_186 : i32
          %get3A_204 = arith.index_cast %add3A_203 : i32 to index
          %get3A_205 = arith.constant 16 : index
          %get3A_206 = tpu.vector_load %arg10[%get3A_204, %get3A_205] {strides = array<i32>} : memref<128x128xf32, #tpu.memory_space<vmem>>, vector<16xf32>,
          %mul3A_207 = arith.mulf %get3A_201, %get3A_206 : vector<16xf32>
          %add3A_208 = arith.constant 0 : i32
          %add3A_209 = arith.addi %add3A_208, %scan3A_186 : i32
          %swap3A_210 = arith.index_cast %add3A_209 : i32 to index
          %swap3A_211 = arith.constant 16 : index
          %swap3A_212 = tpu.vector_load %arg10[%swap3A_210, %swap3A_211] {strides = array<i32>} : memref<128x128xf32, #tpu.memory_space<vmem>>, vector<16xf32>,
          tpu.vector_store %arg10[%swap3A_210, %swap3A_211], %mul3A_207 {strides = array<i32>} : memref<128x128xf32, #tpu.memory_space<vmem>>, vector<16xf32>,
          %get3A_213 = arith.index_cast %scan3A_186 : i32 to index
          %get3A_214 = arith.constant 32 : index
          %get3A_215 = tpu.vector_load %arg12[%get3A_213, %get3A_214] {strides = array<i32>} : memref<64x128xf32, #tpu.memory_space<vmem>>, vector<16xf32>,
          %add3A_216 = arith.constant 0 : i32
          %add3A_217 = arith.addi %add3A_216, %scan3A_186 : i32
          %get3A_218 = arith.index_cast %add3A_217 : i32 to index
          %get3A_219 = arith.constant 32 : index
          %get3A_220 = tpu.vector_load %arg10[%get3A_218, %get3A_219] {strides = array<i32>} : memref<128x128xf32, #tpu.memory_space<vmem>>, vector<16xf32>,
          %mul3A_221 = arith.mulf %get3A_215, %get3A_220 : vector<16xf32>
          %add3A_222 = arith.constant 0 : i32
          %add3A_223 = arith.addi %add3A_222, %scan3A_186 : i32
          %swap3A_224 = arith.index_cast %add3A_223 : i32 to index
          %swap3A_225 = arith.constant 32 : index
          %swap3A_226 = tpu.vector_load %arg10[%swap3A_224, %swap3A_225] {strides = array<i32>} : memref<128x128xf32, #tpu.memory_space<vmem>>, vector<16xf32>,
          tpu.vector_store %arg10[%swap3A_224, %swap3A_225], %mul3A_221 {strides = array<i32>} : memref<128x128xf32, #tpu.memory_space<vmem>>, vector<16xf32>,
          %get3A_227 = arith.index_cast %scan3A_186 : i32 to index
          %get3A_228 = arith.constant 48 : index
          %get3A_229 = tpu.vector_load %arg12[%get3A_227, %get3A_228] {strides = array<i32>} : memref<64x128xf32, #tpu.memory_space<vmem>>, vector<16xf32>,
          %add3A_230 = arith.constant 0 : i32
          %add3A_231 = arith.addi %add3A_230, %scan3A_186 : i32
          %get3A_232 = arith.index_cast %add3A_231 : i32 to index
          %get3A_233 = arith.constant 48 : index
          %get3A_234 = tpu.vector_load %arg10[%get3A_232, %get3A_233] {strides = array<i32>} : memref<128x128xf32, #tpu.memory_space<vmem>>, vector<16xf32>,
          %mul3A_235 = arith.mulf %get3A_229, %get3A_234 : vector<16xf32>
          %add3A_236 = arith.constant 0 : i32
          %add3A_237 = arith.addi %add3A_236, %scan3A_186 : i32
          %swap3A_238 = arith.index_cast %add3A_237 : i32 to index
          %swap3A_239 = arith.constant 48 : index
          %swap3A_240 = tpu.vector_load %arg10[%swap3A_238, %swap3A_239] {strides = array<i32>} : memref<128x128xf32, #tpu.memory_space<vmem>>, vector<16xf32>,
          tpu.vector_store %arg10[%swap3A_238, %swap3A_239], %mul3A_235 {strides = array<i32>} : memref<128x128xf32, #tpu.memory_space<vmem>>, vector<16xf32>,
          %get3A_241 = arith.index_cast %scan3A_186 : i32 to index
          %get3A_242 = arith.constant 64 : index
          %get3A_243 = tpu.vector_load %arg12[%get3A_241, %get3A_242] {strides = array<i32>} : memref<64x128xf32, #tpu.memory_space<vmem>>, vector<16xf32>,
          %add3A_244 = arith.constant 0 : i32
          %add3A_245 = arith.addi %add3A_244, %scan3A_186 : i32
          %get3A_246 = arith.index_cast %add3A_245 : i32 to index
          %get3A_247 = arith.constant 64 : index
          %get3A_248 = tpu.vector_load %arg10[%get3A_246, %get3A_247] {strides = array<i32>} : memref<128x128xf32, #tpu.memory_space<vmem>>, vector<16xf32>,
          %mul3A_249 = arith.mulf %get3A_243, %get3A_248 : vector<16xf32>
          %add3A_250 = arith.constant 0 : i32
          %add3A_251 = arith.addi %add3A_250, %scan3A_186 : i32
          %swap3A_252 = arith.index_cast %add3A_251 : i32 to index
          %swap3A_253 = arith.constant 64 : index
          %swap3A_254 = tpu.vector_load %arg10[%swap3A_252, %swap3A_253] {strides = array<i32>} : memref<128x128xf32, #tpu.memory_space<vmem>>, vector<16xf32>,
          tpu.vector_store %arg10[%swap3A_252, %swap3A_253], %mul3A_249 {strides = array<i32>} : memref<128x128xf32, #tpu.memory_space<vmem>>, vector<16xf32>,
          %get3A_255 = arith.index_cast %scan3A_186 : i32 to index
          %get3A_256 = arith.constant 80 : index
          %get3A_257 = tpu.vector_load %arg12[%get3A_255, %get3A_256] {strides = array<i32>} : memref<64x128xf32, #tpu.memory_space<vmem>>, vector<16xf32>,
          %add3A_258 = arith.constant 0 : i32
          %add3A_259 = arith.addi %add3A_258, %scan3A_186 : i32
          %get3A_260 = arith.index_cast %add3A_259 : i32 to index
          %get3A_261 = arith.constant 80 : index
          %get3A_262 = tpu.vector_load %arg10[%get3A_260, %get3A_261] {strides = array<i32>} : memref<128x128xf32, #tpu.memory_space<vmem>>, vector<16xf32>,
          %mul3A_263 = arith.mulf %get3A_257, %get3A_262 : vector<16xf32>
          %add3A_264 = arith.constant 0 : i32
          %add3A_265 = arith.addi %add3A_264, %scan3A_186 : i32
          %swap3A_266 = arith.index_cast %add3A_265 : i32 to index
          %swap3A_267 = arith.constant 80 : index
          %swap3A_268 = tpu.vector_load %arg10[%swap3A_266, %swap3A_267] {strides = array<i32>} : memref<128x128xf32, #tpu.memory_space<vmem>>, vector<16xf32>,
          tpu.vector_store %arg10[%swap3A_266, %swap3A_267], %mul3A_263 {strides = array<i32>} : memref<128x128xf32, #tpu.memory_space<vmem>>, vector<16xf32>,
          %get3A_269 = arith.index_cast %scan3A_186 : i32 to index
          %get3A_270 = arith.constant 96 : index
          %get3A_271 = tpu.vector_load %arg12[%get3A_269, %get3A_270] {strides = array<i32>} : memref<64x128xf32, #tpu.memory_space<vmem>>, vector<16xf32>,
          %add3A_272 = arith.constant 0 : i32
          %add3A_273 = arith.addi %add3A_272, %scan3A_186 : i32
          %get3A_274 = arith.index_cast %add3A_273 : i32 to index
          %get3A_275 = arith.constant 96 : index
          %get3A_276 = tpu.vector_load %arg10[%get3A_274, %get3A_275] {strides = array<i32>} : memref<128x128xf32, #tpu.memory_space<vmem>>, vector<16xf32>,
          %mul3A_277 = arith.mulf %get3A_271, %get3A_276 : vector<16xf32>
          %add3A_278 = arith.constant 0 : i32
          %add3A_279 = arith.addi %add3A_278, %scan3A_186 : i32
          %swap3A_280 = arith.index_cast %add3A_279 : i32 to index
          %swap3A_281 = arith.constant 96 : index
          %swap3A_282 = tpu.vector_load %arg10[%swap3A_280, %swap3A_281] {strides = array<i32>} : memref<128x128xf32, #tpu.memory_space<vmem>>, vector<16xf32>,
          tpu.vector_store %arg10[%swap3A_280, %swap3A_281], %mul3A_277 {strides = array<i32>} : memref<128x128xf32, #tpu.memory_space<vmem>>, vector<16xf32>,
          %get3A_283 = arith.index_cast %scan3A_186 : i32 to index
          %get3A_284 = arith.constant 112 : index
          %get3A_285 = tpu.vector_load %arg12[%get3A_283, %get3A_284] {strides = array<i32>} : memref<64x128xf32, #tpu.memory_space<vmem>>, vector<16xf32>,
          %add3A_286 = arith.constant 0 : i32
          %add3A_287 = arith.addi %add3A_286, %scan3A_186 : i32
          %get3A_288 = arith.index_cast %add3A_287 : i32 to index
          %get3A_289 = arith.constant 112 : index
          %get3A_290 = tpu.vector_load %arg10[%get3A_288, %get3A_289] {strides = array<i32>} : memref<128x128xf32, #tpu.memory_space<vmem>>, vector<16xf32>,
          %mul3A_291 = arith.mulf %get3A_285, %get3A_290 : vector<16xf32>
          %add3A_292 = arith.constant 0 : i32
          %add3A_293 = arith.addi %add3A_292, %scan3A_186 : i32
          %swap3A_294 = arith.index_cast %add3A_293 : i32 to index
          %swap3A_295 = arith.constant 112 : index
          %swap3A_296 = tpu.vector_load %arg10[%swap3A_294, %swap3A_295] {strides = array<i32>} : memref<128x128xf32, #tpu.memory_space<vmem>>, vector<16xf32>,
          tpu.vector_store %arg10[%swap3A_294, %swap3A_295], %mul3A_291 {strides = array<i32>} : memref<128x128xf32, #tpu.memory_space<vmem>>, vector<16xf32>,
        }
        %scan3A_150 = arith.constant 64 : i32
        %add3A_151 = arith.constant 1 : i32
        %add3A_152 = arith.addi %add3A_109, %add3A_151 : i32
        %lt3A_153 = arith.cmpi slt, %add3A_152, %min3A_12 : i32
        %convert_element_type3A_154 = arith.extui %lt3A_153 : i1 to i32
        %cond3A_155 = arith.constant 0 : i32
        %cond3A_156 = arith.cmpi ne, %convert_element_type3A_154, %cond3A_155 : i32
        scf.if %cond3A_156 {
          %add3A_186 = arith.constant 1 : i32
          %add3A_187 = arith.addi %add3A_109, %add3A_186 : i32
          %add3A_188 = arith.addi %mul3A_10, %add3A_187 : i32
          %mul3A_189 = arith.constant 128 : i32
          %mul3A_190 = arith.muli %add3A_188, %mul3A_189 : i32
          %multiple_of3A_191 = tpu.assume_multiple %mul3A_190, 128 : i32
          %add3A_192 = arith.constant 0 : i32
          %add3A_193 = arith.addi %multiple_of3A_191, %add3A_192 : i32
          %multiple_of3A_194 = tpu.assume_multiple %add3A_193, 64 : i32
          %dma_start3A_195 = arith.constant 0 : i32
          %dma_start3A_196 = tpu.memref_slice %arg2[%multiple_of3A_194, %dma_start3A_195] : memref<160000x128xf32, #tpu.memory_space<hbm>> -> memref<64x128xf32, #tpu.memory_space<hbm>>
          %dma_start3A_197 = arith.constant 0 : i32
          %dma_start3A_198 = tpu.memref_slice %arg2[%multiple_of3A_194, %dma_start3A_197] : memref<160000x128xf32, #tpu.memory_space<hbm>> -> memref<64x128xf32, #tpu.memory_space<hbm>>
          tpu.enqueue_dma source(%dma_start3A_198 : memref<64x128xf32, #tpu.memory_space<hbm>>) target(%arg12 : memref<64x128xf32, #tpu.memory_space<vmem>>) target_semaphore(%arg17 : memref<!tpu.dma_semaphore, #tpu.memory_space<semaphore_mem>>)
        } else {
        }
        %dma_wait3A_157 = arith.constant 0 : i32
        %dma_wait3A_158 = arith.constant 0 : i32
        %dma_wait3A_159 = tpu.memref_slice %arg2[%dma_wait3A_157, %dma_wait3A_158] : memref<160000x128xf32, #tpu.memory_space<hbm>> -> memref<64x128xf32, #tpu.memory_space<hbm>>
        %dma_wait3A_160 = arith.constant 0 : i32
        %dma_wait3A_161 = arith.constant 0 : i32
        %dma_wait3A_162 = tpu.memref_slice %arg2[%dma_wait3A_160, %dma_wait3A_161] : memref<160000x128xf32, #tpu.memory_space<hbm>> -> memref<64x128xf32, #tpu.memory_space<hbm>>
        tpu.wait_dma2 semaphore(%arg18 : memref<!tpu.dma_semaphore, #tpu.memory_space<semaphore_mem>>) src(%dma_wait3A_162 : memref<64x128xf32, #tpu.memory_space<hbm>>) dst(%arg13 : memref<64x128xf32, #tpu.memory_space<vmem>>)
        %scan3A_163 = arith.constant 0 : i32
        %scan3A_164 = arith.constant 0 : i32
        %scan3A_165 = arith.constant 64 : i32
        %scan3A_166 = arith.addi %scan3A_164, %scan3A_165 : i32
        %scan3A_167 = arith.constant 1 : i32
        scf.for %scan3A_186 = %scan3A_164 to %scan3A_166 step %scan3A_167  : i32 {
          %get3A = arith.index_cast %scan3A_186 : i32 to index
          %get3A_187 = arith.constant 0 : index
          %get3A_188 = tpu.vector_load %arg13[%get3A, %get3A_187] {strides = array<i32>} : memref<64x128xf32, #tpu.memory_space<vmem>>, vector<16xf32>,
          %add3A_189 = arith.constant 64 : i32
          %add3A_190 = arith.addi %add3A_189, %scan3A_186 : i32
          %get3A_191 = arith.index_cast %add3A_190 : i32 to index
          %get3A_192 = arith.constant 0 : index
          %get3A_193 = tpu.vector_load %arg10[%get3A_191, %get3A_192] {strides = array<i32>} : memref<128x128xf32, #tpu.memory_space<vmem>>, vector<16xf32>,
          %mul3A_194 = arith.mulf %get3A_188, %get3A_193 : vector<16xf32>
          %add3A_195 = arith.constant 64 : i32
          %add3A_196 = arith.addi %add3A_195, %scan3A_186 : i32
          %swap3A = arith.index_cast %add3A_196 : i32 to index
          %swap3A_197 = arith.constant 0 : index
          %swap3A_198 = tpu.vector_load %arg10[%swap3A, %swap3A_197] {strides = array<i32>} : memref<128x128xf32, #tpu.memory_space<vmem>>, vector<16xf32>,
          tpu.vector_store %arg10[%swap3A, %swap3A_197], %mul3A_194 {strides = array<i32>} : memref<128x128xf32, #tpu.memory_space<vmem>>, vector<16xf32>,
          %get3A_199 = arith.index_cast %scan3A_186 : i32 to index
          %get3A_200 = arith.constant 16 : index
          %get3A_201 = tpu.vector_load %arg13[%get3A_199, %get3A_200] {strides = array<i32>} : memref<64x128xf32, #tpu.memory_space<vmem>>, vector<16xf32>,
          %add3A_202 = arith.constant 64 : i32
          %add3A_203 = arith.addi %add3A_202, %scan3A_186 : i32
          %get3A_204 = arith.index_cast %add3A_203 : i32 to index
          %get3A_205 = arith.constant 16 : index
          %get3A_206 = tpu.vector_load %arg10[%get3A_204, %get3A_205] {strides = array<i32>} : memref<128x128xf32, #tpu.memory_space<vmem>>, vector<16xf32>,
          %mul3A_207 = arith.mulf %get3A_201, %get3A_206 : vector<16xf32>
          %add3A_208 = arith.constant 64 : i32
          %add3A_209 = arith.addi %add3A_208, %scan3A_186 : i32
          %swap3A_210 = arith.index_cast %add3A_209 : i32 to index
          %swap3A_211 = arith.constant 16 : index
          %swap3A_212 = tpu.vector_load %arg10[%swap3A_210, %swap3A_211] {strides = array<i32>} : memref<128x128xf32, #tpu.memory_space<vmem>>, vector<16xf32>,
          tpu.vector_store %arg10[%swap3A_210, %swap3A_211], %mul3A_207 {strides = array<i32>} : memref<128x128xf32, #tpu.memory_space<vmem>>, vector<16xf32>,
          %get3A_213 = arith.index_cast %scan3A_186 : i32 to index
          %get3A_214 = arith.constant 32 : index
          %get3A_215 = tpu.vector_load %arg13[%get3A_213, %get3A_214] {strides = array<i32>} : memref<64x128xf32, #tpu.memory_space<vmem>>, vector<16xf32>,
          %add3A_216 = arith.constant 64 : i32
          %add3A_217 = arith.addi %add3A_216, %scan3A_186 : i32
          %get3A_218 = arith.index_cast %add3A_217 : i32 to index
          %get3A_219 = arith.constant 32 : index
          %get3A_220 = tpu.vector_load %arg10[%get3A_218, %get3A_219] {strides = array<i32>} : memref<128x128xf32, #tpu.memory_space<vmem>>, vector<16xf32>,
          %mul3A_221 = arith.mulf %get3A_215, %get3A_220 : vector<16xf32>
          %add3A_222 = arith.constant 64 : i32
          %add3A_223 = arith.addi %add3A_222, %scan3A_186 : i32
          %swap3A_224 = arith.index_cast %add3A_223 : i32 to index
          %swap3A_225 = arith.constant 32 : index
          %swap3A_226 = tpu.vector_load %arg10[%swap3A_224, %swap3A_225] {strides = array<i32>} : memref<128x128xf32, #tpu.memory_space<vmem>>, vector<16xf32>,
          tpu.vector_store %arg10[%swap3A_224, %swap3A_225], %mul3A_221 {strides = array<i32>} : memref<128x128xf32, #tpu.memory_space<vmem>>, vector<16xf32>,
          %get3A_227 = arith.index_cast %scan3A_186 : i32 to index
          %get3A_228 = arith.constant 48 : index
          %get3A_229 = tpu.vector_load %arg13[%get3A_227, %get3A_228] {strides = array<i32>} : memref<64x128xf32, #tpu.memory_space<vmem>>, vector<16xf32>,
          %add3A_230 = arith.constant 64 : i32
          %add3A_231 = arith.addi %add3A_230, %scan3A_186 : i32
          %get3A_232 = arith.index_cast %add3A_231 : i32 to index
          %get3A_233 = arith.constant 48 : index
          %get3A_234 = tpu.vector_load %arg10[%get3A_232, %get3A_233] {strides = array<i32>} : memref<128x128xf32, #tpu.memory_space<vmem>>, vector<16xf32>,
          %mul3A_235 = arith.mulf %get3A_229, %get3A_234 : vector<16xf32>
          %add3A_236 = arith.constant 64 : i32
          %add3A_237 = arith.addi %add3A_236, %scan3A_186 : i32
          %swap3A_238 = arith.index_cast %add3A_237 : i32 to index
          %swap3A_239 = arith.constant 48 : index
          %swap3A_240 = tpu.vector_load %arg10[%swap3A_238, %swap3A_239] {strides = array<i32>} : memref<128x128xf32, #tpu.memory_space<vmem>>, vector<16xf32>,
          tpu.vector_store %arg10[%swap3A_238, %swap3A_239], %mul3A_235 {strides = array<i32>} : memref<128x128xf32, #tpu.memory_space<vmem>>, vector<16xf32>,
          %get3A_241 = arith.index_cast %scan3A_186 : i32 to index
          %get3A_242 = arith.constant 64 : index
          %get3A_243 = tpu.vector_load %arg13[%get3A_241, %get3A_242] {strides = array<i32>} : memref<64x128xf32, #tpu.memory_space<vmem>>, vector<16xf32>,
          %add3A_244 = arith.constant 64 : i32
          %add3A_245 = arith.addi %add3A_244, %scan3A_186 : i32
          %get3A_246 = arith.index_cast %add3A_245 : i32 to index
          %get3A_247 = arith.constant 64 : index
          %get3A_248 = tpu.vector_load %arg10[%get3A_246, %get3A_247] {strides = array<i32>} : memref<128x128xf32, #tpu.memory_space<vmem>>, vector<16xf32>,
          %mul3A_249 = arith.mulf %get3A_243, %get3A_248 : vector<16xf32>
          %add3A_250 = arith.constant 64 : i32
          %add3A_251 = arith.addi %add3A_250, %scan3A_186 : i32
          %swap3A_252 = arith.index_cast %add3A_251 : i32 to index
          %swap3A_253 = arith.constant 64 : index
          %swap3A_254 = tpu.vector_load %arg10[%swap3A_252, %swap3A_253] {strides = array<i32>} : memref<128x128xf32, #tpu.memory_space<vmem>>, vector<16xf32>,
          tpu.vector_store %arg10[%swap3A_252, %swap3A_253], %mul3A_249 {strides = array<i32>} : memref<128x128xf32, #tpu.memory_space<vmem>>, vector<16xf32>,
          %get3A_255 = arith.index_cast %scan3A_186 : i32 to index
          %get3A_256 = arith.constant 80 : index
          %get3A_257 = tpu.vector_load %arg13[%get3A_255, %get3A_256] {strides = array<i32>} : memref<64x128xf32, #tpu.memory_space<vmem>>, vector<16xf32>,
          %add3A_258 = arith.constant 64 : i32
          %add3A_259 = arith.addi %add3A_258, %scan3A_186 : i32
          %get3A_260 = arith.index_cast %add3A_259 : i32 to index
          %get3A_261 = arith.constant 80 : index
          %get3A_262 = tpu.vector_load %arg10[%get3A_260, %get3A_261] {strides = array<i32>} : memref<128x128xf32, #tpu.memory_space<vmem>>, vector<16xf32>,
          %mul3A_263 = arith.mulf %get3A_257, %get3A_262 : vector<16xf32>
          %add3A_264 = arith.constant 64 : i32
          %add3A_265 = arith.addi %add3A_264, %scan3A_186 : i32
          %swap3A_266 = arith.index_cast %add3A_265 : i32 to index
          %swap3A_267 = arith.constant 80 : index
          %swap3A_268 = tpu.vector_load %arg10[%swap3A_266, %swap3A_267] {strides = array<i32>} : memref<128x128xf32, #tpu.memory_space<vmem>>, vector<16xf32>,
          tpu.vector_store %arg10[%swap3A_266, %swap3A_267], %mul3A_263 {strides = array<i32>} : memref<128x128xf32, #tpu.memory_space<vmem>>, vector<16xf32>,
          %get3A_269 = arith.index_cast %scan3A_186 : i32 to index
          %get3A_270 = arith.constant 96 : index
          %get3A_271 = tpu.vector_load %arg13[%get3A_269, %get3A_270] {strides = array<i32>} : memref<64x128xf32, #tpu.memory_space<vmem>>, vector<16xf32>,
          %add3A_272 = arith.constant 64 : i32
          %add3A_273 = arith.addi %add3A_272, %scan3A_186 : i32
          %get3A_274 = arith.index_cast %add3A_273 : i32 to index
          %get3A_275 = arith.constant 96 : index
          %get3A_276 = tpu.vector_load %arg10[%get3A_274, %get3A_275] {strides = array<i32>} : memref<128x128xf32, #tpu.memory_space<vmem>>, vector<16xf32>,
          %mul3A_277 = arith.mulf %get3A_271, %get3A_276 : vector<16xf32>
          %add3A_278 = arith.constant 64 : i32
          %add3A_279 = arith.addi %add3A_278, %scan3A_186 : i32
          %swap3A_280 = arith.index_cast %add3A_279 : i32 to index
          %swap3A_281 = arith.constant 96 : index
          %swap3A_282 = tpu.vector_load %arg10[%swap3A_280, %swap3A_281] {strides = array<i32>} : memref<128x128xf32, #tpu.memory_space<vmem>>, vector<16xf32>,
          tpu.vector_store %arg10[%swap3A_280, %swap3A_281], %mul3A_277 {strides = array<i32>} : memref<128x128xf32, #tpu.memory_space<vmem>>, vector<16xf32>,
          %get3A_283 = arith.index_cast %scan3A_186 : i32 to index
          %get3A_284 = arith.constant 112 : index
          %get3A_285 = tpu.vector_load %arg13[%get3A_283, %get3A_284] {strides = array<i32>} : memref<64x128xf32, #tpu.memory_space<vmem>>, vector<16xf32>,
          %add3A_286 = arith.constant 64 : i32
          %add3A_287 = arith.addi %add3A_286, %scan3A_186 : i32
          %get3A_288 = arith.index_cast %add3A_287 : i32 to index
          %get3A_289 = arith.constant 112 : index
          %get3A_290 = tpu.vector_load %arg10[%get3A_288, %get3A_289] {strides = array<i32>} : memref<128x128xf32, #tpu.memory_space<vmem>>, vector<16xf32>,
          %mul3A_291 = arith.mulf %get3A_285, %get3A_290 : vector<16xf32>
          %add3A_292 = arith.constant 64 : i32
          %add3A_293 = arith.addi %add3A_292, %scan3A_186 : i32
          %swap3A_294 = arith.index_cast %add3A_293 : i32 to index
          %swap3A_295 = arith.constant 112 : index
          %swap3A_296 = tpu.vector_load %arg10[%swap3A_294, %swap3A_295] {strides = array<i32>} : memref<128x128xf32, #tpu.memory_space<vmem>>, vector<16xf32>,
          tpu.vector_store %arg10[%swap3A_294, %swap3A_295], %mul3A_291 {strides = array<i32>} : memref<128x128xf32, #tpu.memory_space<vmem>>, vector<16xf32>,
        }
        %scan3A_168 = arith.constant 64 : i32
        %add3A_169 = arith.constant 1 : i32
        %add3A_170 = arith.addi %add3A_109, %add3A_169 : i32
        %lt3A_171 = arith.cmpi slt, %add3A_170, %min3A_12 : i32
        %convert_element_type3A_172 = arith.extui %lt3A_171 : i1 to i32
        %cond3A_173 = arith.constant 0 : i32
        %cond3A_174 = arith.cmpi ne, %convert_element_type3A_172, %cond3A_173 : i32
        scf.if %cond3A_174 {
          %add3A_186 = arith.constant 1 : i32
          %add3A_187 = arith.addi %add3A_109, %add3A_186 : i32
          %add3A_188 = arith.addi %mul3A_10, %add3A_187 : i32
          %mul3A_189 = arith.constant 128 : i32
          %mul3A_190 = arith.muli %add3A_188, %mul3A_189 : i32
          %multiple_of3A_191 = tpu.assume_multiple %mul3A_190, 128 : i32
          %add3A_192 = arith.constant 64 : i32
          %add3A_193 = arith.addi %multiple_of3A_191, %add3A_192 : i32
          %multiple_of3A_194 = tpu.assume_multiple %add3A_193, 64 : i32
          %dma_start3A_195 = arith.constant 0 : i32
          %dma_start3A_196 = tpu.memref_slice %arg2[%multiple_of3A_194, %dma_start3A_195] : memref<160000x128xf32, #tpu.memory_space<hbm>> -> memref<64x128xf32, #tpu.memory_space<hbm>>
          %dma_start3A_197 = arith.constant 0 : i32
          %dma_start3A_198 = tpu.memref_slice %arg2[%multiple_of3A_194, %dma_start3A_197] : memref<160000x128xf32, #tpu.memory_space<hbm>> -> memref<64x128xf32, #tpu.memory_space<hbm>>
          tpu.enqueue_dma source(%dma_start3A_198 : memref<64x128xf32, #tpu.memory_space<hbm>>) target(%arg13 : memref<64x128xf32, #tpu.memory_space<vmem>>) target_semaphore(%arg18 : memref<!tpu.dma_semaphore, #tpu.memory_space<semaphore_mem>>)
        } else {
        }
        %ge3A = arith.constant 1 : i32
        %ge3A_175 = arith.cmpi sge, %add3A_109, %ge3A : i32
        %convert_element_type3A_176 = arith.extui %ge3A_175 : i1 to i32
        %cond3A_177 = arith.constant 0 : i32
        %cond3A_178 = arith.cmpi ne, %convert_element_type3A_176, %cond3A_177 : i32
        scf.if %cond3A_178 {
          %dma_wait3A_186 = arith.constant 0 : i32
          %dma_wait3A_187 = arith.constant 0 : i32
          %dma_wait3A_188 = tpu.memref_slice %arg9[%dma_wait3A_186, %dma_wait3A_187] : memref<2x128xi32, #tpu.memory_space<vmem>> -> memref<1x128xi32, #tpu.memory_space<vmem>>
          %dma_wait3A_189 = tpu.memref_squeeze %dma_wait3A_188 : memref<1x128xi32, #tpu.memory_space<vmem>> -> memref<128xi32, #tpu.memory_space<vmem>>
          %dma_wait3A_190 = arith.constant 0 : i32
          %dma_wait3A_191 = tpu.memref_slice %arg5[%dma_wait3A_190] : memref<163840xi32, #tpu.memory_space<hbm>> -> memref<128xi32, #tpu.memory_space<hbm>>
          %dma_wait3A_192 = arith.constant 0 : i32
          %dma_wait3A_193 = tpu.memref_slice %arg9[%dma_wait3A_186, %dma_wait3A_192] : memref<2x128xi32, #tpu.memory_space<vmem>> -> memref<1x128xi32, #tpu.memory_space<vmem>>
          %dma_wait3A_194 = tpu.memref_squeeze %dma_wait3A_193 : memref<1x128xi32, #tpu.memory_space<vmem>> -> memref<128xi32, #tpu.memory_space<vmem>>
          %dma_wait3A_195 = arith.constant 0 : i32
          %dma_wait3A_196 = tpu.memref_slice %arg5[%dma_wait3A_195] : memref<163840xi32, #tpu.memory_space<hbm>> -> memref<128xi32, #tpu.memory_space<hbm>>
          tpu.wait_dma2 semaphore(%arg20 : memref<!tpu.dma_semaphore, #tpu.memory_space<semaphore_mem>>) src(%dma_wait3A_196 : memref<128xi32, #tpu.memory_space<hbm>>) dst(%dma_wait3A_194 : memref<128xi32, #tpu.memory_space<vmem>>)
        } else {
        }
        %run_scoped3A_179 = arith.constant 0 : i32
        "tpu.region"() ({
          %run_scoped3A_186 = tpu.sem_alloc : memref<!tpu.dma_semaphore, #tpu.memory_space<semaphore_mem>>
          %dma_start3A_187 = arith.constant 0 : i32
          %dma_start3A_188 = tpu.memref_slice %arg9[%run_scoped3A_179, %dma_start3A_187] : memref<2x128xi32, #tpu.memory_space<vmem>> -> memref<1x128xi32, #tpu.memory_space<vmem>>
          %dma_start3A_189 = tpu.memref_squeeze %dma_start3A_188 : memref<1x128xi32, #tpu.memory_space<vmem>> -> memref<128xi32, #tpu.memory_space<vmem>>
          %dma_start3A_190 = arith.constant 0 : i32
          %dma_start3A_191 = arith.constant 0 : i32
          %dma_start3A_192 = tpu.memref_slice %arg14[%dma_start3A_190, %dma_start3A_191] : memref<10000x128xf32, #tpu.memory_space<vmem_shared>> -> memref<10000x128xf32, #tpu.memory_space<vmem_shared>>
          tpu.enqueue_indirect_dma source(%arg10 : memref<128x128xf32, #tpu.memory_space<vmem>>) target(%dma_start3A_192 : memref<10000x128xf32, #tpu.memory_space<vmem_shared>>) offsets(%dma_start3A_189 : memref<128xi32, #tpu.memory_space<vmem>>) semaphore(%run_scoped3A_186 : memref<!tpu.dma_semaphore, #tpu.memory_space<semaphore_mem>>) {add = true}
          %dma_wait3A_193 = arith.constant 0 : i32
          %dma_wait3A_194 = tpu.memref_slice %arg9[%run_scoped3A_179, %dma_wait3A_193] : memref<2x128xi32, #tpu.memory_space<vmem>> -> memref<1x128xi32, #tpu.memory_space<vmem>>
          %dma_wait3A_195 = tpu.memref_squeeze %dma_wait3A_194 : memref<1x128xi32, #tpu.memory_space<vmem>> -> memref<128xi32, #tpu.memory_space<vmem>>
          %dma_wait3A_196 = arith.constant 0 : i32
          %dma_wait3A_197 = arith.constant 0 : i32
          %dma_wait3A_198 = tpu.memref_slice %arg14[%dma_wait3A_196, %dma_wait3A_197] : memref<10000x128xf32, #tpu.memory_space<vmem_shared>> -> memref<10000x128xf32, #tpu.memory_space<vmem_shared>>
          tpu.wait_indirect_dma semaphore(%run_scoped3A_186 : memref<!tpu.dma_semaphore, #tpu.memory_space<semaphore_mem>>) src(%arg10 : memref<128x128xf32, #tpu.memory_space<vmem>>) dst(%dma_wait3A_198 : memref<10000x128xf32, #tpu.memory_space<vmem_shared>>)
          tpu.yield
        }) : () -> ()
        %add3A_180 = arith.constant 2 : i32
        %add3A_181 = arith.addi %add3A_109, %add3A_180 : i32
        %lt3A_182 = arith.cmpi slt, %add3A_181, %min3A_12 : i32
        %convert_element_type3A_183 = arith.extui %lt3A_182 : i1 to i32
        %cond3A_184 = arith.constant 0 : i32
        %cond3A_185 = arith.cmpi ne, %convert_element_type3A_183, %cond3A_184 : i32
        scf.if %cond3A_185 {
          %ge3A_186 = arith.constant 1 : i32
          %ge3A_187 = arith.cmpi sge, %add3A_109, %ge3A_186 : i32
          %convert_element_type3A_188 = arith.extui %ge3A_187 : i1 to i32
          %cond3A_189 = arith.constant 0 : i32
          %cond3A_190 = arith.cmpi ne, %convert_element_type3A_188, %cond3A_189 : i32
          scf.if %cond3A_190 {
            %dma_wait3A_200 = arith.constant 0 : i32
            %dma_wait3A_201 = arith.constant 0 : i32
            %dma_wait3A_202 = tpu.memref_slice %arg8[%dma_wait3A_200, %dma_wait3A_201] : memref<4x128xi32, #tpu.memory_space<vmem>> -> memref<1x128xi32, #tpu.memory_space<vmem>>
            %dma_wait3A_203 = tpu.memref_squeeze %dma_wait3A_202 : memref<1x128xi32, #tpu.memory_space<vmem>> -> memref<128xi32, #tpu.memory_space<vmem>>
            %dma_wait3A_204 = arith.constant 0 : i32
            %dma_wait3A_205 = tpu.memref_slice %arg4[%dma_wait3A_204] : memref<163840xi32, #tpu.memory_space<hbm>> -> memref<128xi32, #tpu.memory_space<hbm>>
            %dma_wait3A_206 = arith.constant 0 : i32
            %dma_wait3A_207 = tpu.memref_slice %arg8[%dma_wait3A_200, %dma_wait3A_206] : memref<4x128xi32, #tpu.memory_space<vmem>> -> memref<1x128xi32, #tpu.memory_space<vmem>>
            %dma_wait3A_208 = tpu.memref_squeeze %dma_wait3A_207 : memref<1x128xi32, #tpu.memory_space<vmem>> -> memref<128xi32, #tpu.memory_space<vmem>>
            %dma_wait3A_209 = arith.constant 0 : i32
            %dma_wait3A_210 = tpu.memref_slice %arg4[%dma_wait3A_209] : memref<163840xi32, #tpu.memory_space<hbm>> -> memref<128xi32, #tpu.memory_space<hbm>>
            tpu.wait_dma2 semaphore(%arg19 : memref<!tpu.dma_semaphore, #tpu.memory_space<semaphore_mem>>) src(%dma_wait3A_210 : memref<128xi32, #tpu.memory_space<hbm>>) dst(%dma_wait3A_208 : memref<128xi32, #tpu.memory_space<vmem>>)
          } else {
          }
          %add3A_191 = arith.constant 2 : i32
          %add3A_192 = arith.addi %add3A_109, %add3A_191 : i32
          %dma_start3A_193 = arith.constant 0 : i32
          %dma_start3A_194 = arith.constant 0 : i32
          %dma_start3A_195 = tpu.memref_slice %arg8[%dma_start3A_193, %dma_start3A_194] : memref<4x128xi32, #tpu.memory_space<vmem>> -> memref<1x128xi32, #tpu.memory_space<vmem>>
          %dma_start3A_196 = tpu.memref_squeeze %dma_start3A_195 : memref<1x128xi32, #tpu.memory_space<vmem>> -> memref<128xi32, #tpu.memory_space<vmem>>
          %dma_start3A_197 = arith.constant 0 : i32
          %dma_start3A_198 = arith.constant 0 : i32
          %dma_start3A_199 = tpu.memref_slice %arg3[%dma_start3A_197, %dma_start3A_198] : memref<10000x128xf32, #tpu.memory_space<hbm>> -> memref<10000x128xf32, #tpu.memory_space<hbm>>
          tpu.enqueue_indirect_dma source(%dma_start3A_199 : memref<10000x128xf32, #tpu.memory_space<hbm>>) target(%arg10 : memref<128x128xf32, #tpu.memory_space<vmem>>) offsets(%dma_start3A_196 : memref<128xi32, #tpu.memory_space<vmem>>) semaphore(%arg15 : memref<!tpu.dma_semaphore, #tpu.memory_space<semaphore_mem>>)
        } else {
        }
      } else {
      }
      %mul3A_114 = arith.constant 4 : i32
      %mul3A_115 = arith.muli %mul3A_114, %scan3A_89 : i32
      %add3A_116 = arith.constant 3 : i32
      %add3A_117 = arith.addi %mul3A_115, %add3A_116 : i32
      %lt3A_118 = arith.cmpi slt, %add3A_117, %min3A_12 : i32
      %convert_element_type3A_119 = arith.extui %lt3A_118 : i1 to i32
      %cond3A_120 = arith.constant 0 : i32
      %cond3A_121 = arith.cmpi ne, %convert_element_type3A_119, %cond3A_120 : i32
      scf.if %cond3A_121 {
        %add3A_122 = arith.constant 3 : i32
        %add3A_123 = arith.addi %add3A_117, %add3A_122 : i32
        %lt3A_124 = arith.cmpi slt, %add3A_123, %min3A_12 : i32
        %convert_element_type3A_125 = arith.extui %lt3A_124 : i1 to i32
        %cond3A_126 = arith.constant 0 : i32
        %cond3A_127 = arith.cmpi ne, %convert_element_type3A_125, %cond3A_126 : i32
        scf.if %cond3A_127 {
          %add3A_186 = arith.constant 3 : i32
          %add3A_187 = arith.addi %add3A_117, %add3A_186 : i32
          %add3A_188 = arith.addi %mul3A_10, %add3A_187 : i32
          %mul3A_189 = arith.constant 128 : i32
          %mul3A_190 = arith.muli %add3A_188, %mul3A_189 : i32
          %multiple_of3A_191 = tpu.assume_multiple %mul3A_190, 128 : i32
          %dma_start3A_192 = arith.constant 2 : i32
          %dma_start3A_193 = arith.constant 0 : i32
          %dma_start3A_194 = tpu.memref_slice %arg8[%dma_start3A_192, %dma_start3A_193] : memref<4x128xi32, #tpu.memory_space<vmem>> -> memref<1x128xi32, #tpu.memory_space<vmem>>
          %dma_start3A_195 = tpu.memref_squeeze %dma_start3A_194 : memref<1x128xi32, #tpu.memory_space<vmem>> -> memref<128xi32, #tpu.memory_space<vmem>>
          %dma_start3A_196 = tpu.memref_slice %arg4[%multiple_of3A_191] : memref<163840xi32, #tpu.memory_space<hbm>> -> memref<128xi32, #tpu.memory_space<hbm>>
          %dma_start3A_197 = arith.constant 0 : i32
          %dma_start3A_198 = tpu.memref_slice %arg8[%dma_start3A_192, %dma_start3A_197] : memref<4x128xi32, #tpu.memory_space<vmem>> -> memref<1x128xi32, #tpu.memory_space<vmem>>
          %dma_start3A_199 = tpu.memref_squeeze %dma_start3A_198 : memref<1x128xi32, #tpu.memory_space<vmem>> -> memref<128xi32, #tpu.memory_space<vmem>>
          %dma_start3A_200 = tpu.memref_slice %arg4[%multiple_of3A_191] : memref<163840xi32, #tpu.memory_space<hbm>> -> memref<128xi32, #tpu.memory_space<hbm>>
          tpu.enqueue_dma source(%dma_start3A_200 : memref<128xi32, #tpu.memory_space<hbm>>) target(%dma_start3A_199 : memref<128xi32, #tpu.memory_space<vmem>>) target_semaphore(%arg19 : memref<!tpu.dma_semaphore, #tpu.memory_space<semaphore_mem>>)
        } else {
        }
        %add3A_128 = arith.constant 1 : i32
        %add3A_129 = arith.addi %add3A_117, %add3A_128 : i32
        %lt3A_130 = arith.cmpi slt, %add3A_129, %min3A_12 : i32
        %convert_element_type3A_131 = arith.extui %lt3A_130 : i1 to i32
        %cond3A_132 = arith.constant 0 : i32
        %cond3A_133 = arith.cmpi ne, %convert_element_type3A_131, %cond3A_132 : i32
        scf.if %cond3A_133 {
          %add3A_186 = arith.constant 1 : i32
          %add3A_187 = arith.addi %add3A_117, %add3A_186 : i32
          %add3A_188 = arith.addi %mul3A_10, %add3A_187 : i32
          %mul3A_189 = arith.constant 128 : i32
          %mul3A_190 = arith.muli %add3A_188, %mul3A_189 : i32
          %multiple_of3A_191 = tpu.assume_multiple %mul3A_190, 128 : i32
          %dma_start3A_192 = arith.constant 0 : i32
          %dma_start3A_193 = arith.constant 0 : i32
          %dma_start3A_194 = tpu.memref_slice %arg9[%dma_start3A_192, %dma_start3A_193] : memref<2x128xi32, #tpu.memory_space<vmem>> -> memref<1x128xi32, #tpu.memory_space<vmem>>
          %dma_start3A_195 = tpu.memref_squeeze %dma_start3A_194 : memref<1x128xi32, #tpu.memory_space<vmem>> -> memref<128xi32, #tpu.memory_space<vmem>>
          %dma_start3A_196 = tpu.memref_slice %arg5[%multiple_of3A_191] : memref<163840xi32, #tpu.memory_space<hbm>> -> memref<128xi32, #tpu.memory_space<hbm>>
          %dma_start3A_197 = arith.constant 0 : i32
          %dma_start3A_198 = tpu.memref_slice %arg9[%dma_start3A_192, %dma_start3A_197] : memref<2x128xi32, #tpu.memory_space<vmem>> -> memref<1x128xi32, #tpu.memory_space<vmem>>
          %dma_start3A_199 = tpu.memref_squeeze %dma_start3A_198 : memref<1x128xi32, #tpu.memory_space<vmem>> -> memref<128xi32, #tpu.memory_space<vmem>>
          %dma_start3A_200 = tpu.memref_slice %arg5[%multiple_of3A_191] : memref<163840xi32, #tpu.memory_space<hbm>> -> memref<128xi32, #tpu.memory_space<hbm>>
          tpu.enqueue_dma source(%dma_start3A_200 : memref<128xi32, #tpu.memory_space<hbm>>) target(%dma_start3A_199 : memref<128xi32, #tpu.memory_space<vmem>>) target_semaphore(%arg20 : memref<!tpu.dma_semaphore, #tpu.memory_space<semaphore_mem>>)
        } else {
        }
        %dma_wait3A = arith.constant 0 : i32
        %dma_wait3A_134 = arith.constant 0 : i32
        %dma_wait3A_135 = tpu.memref_slice %arg3[%dma_wait3A, %dma_wait3A_134] : memref<10000x128xf32, #tpu.memory_space<hbm>> -> memref<128x128xf32, #tpu.memory_space<hbm>>
        %dma_wait3A_136 = arith.constant 0 : i32
        %dma_wait3A_137 = arith.constant 0 : i32
        %dma_wait3A_138 = tpu.memref_slice %arg3[%dma_wait3A_136, %dma_wait3A_137] : memref<10000x128xf32, #tpu.memory_space<hbm>> -> memref<128x128xf32, #tpu.memory_space<hbm>>
        tpu.wait_dma2 semaphore(%arg16 : memref<!tpu.dma_semaphore, #tpu.memory_space<semaphore_mem>>) src(%dma_wait3A_138 : memref<128x128xf32, #tpu.memory_space<hbm>>) dst(%arg11 : memref<128x128xf32, #tpu.memory_space<vmem>>)
        %dma_wait3A_139 = arith.constant 0 : i32
        %dma_wait3A_140 = arith.constant 0 : i32
        %dma_wait3A_141 = tpu.memref_slice %arg2[%dma_wait3A_139, %dma_wait3A_140] : memref<160000x128xf32, #tpu.memory_space<hbm>> -> memref<64x128xf32, #tpu.memory_space<hbm>>
        %dma_wait3A_142 = arith.constant 0 : i32
        %dma_wait3A_143 = arith.constant 0 : i32
        %dma_wait3A_144 = tpu.memref_slice %arg2[%dma_wait3A_142, %dma_wait3A_143] : memref<160000x128xf32, #tpu.memory_space<hbm>> -> memref<64x128xf32, #tpu.memory_space<hbm>>
        tpu.wait_dma2 semaphore(%arg17 : memref<!tpu.dma_semaphore, #tpu.memory_space<semaphore_mem>>) src(%dma_wait3A_144 : memref<64x128xf32, #tpu.memory_space<hbm>>) dst(%arg12 : memref<64x128xf32, #tpu.memory_space<vmem>>)
        %scan3A_145 = arith.constant 0 : i32
        %scan3A_146 = arith.constant 0 : i32
        %scan3A_147 = arith.constant 64 : i32
        %scan3A_148 = arith.addi %scan3A_146, %scan3A_147 : i32
        %scan3A_149 = arith.constant 1 : i32
        scf.for %scan3A_186 = %scan3A_146 to %scan3A_148 step %scan3A_149  : i32 {
          %get3A = arith.index_cast %scan3A_186 : i32 to index
          %get3A_187 = arith.constant 0 : index
          %get3A_188 = tpu.vector_load %arg12[%get3A, %get3A_187] {strides = array<i32>} : memref<64x128xf32, #tpu.memory_space<vmem>>, vector<16xf32>,
          %add3A_189 = arith.constant 0 : i32
          %add3A_190 = arith.addi %add3A_189, %scan3A_186 : i32
          %get3A_191 = arith.index_cast %add3A_190 : i32 to index
          %get3A_192 = arith.constant 0 : index
          %get3A_193 = tpu.vector_load %arg11[%get3A_191, %get3A_192] {strides = array<i32>} : memref<128x128xf32, #tpu.memory_space<vmem>>, vector<16xf32>,
          %mul3A_194 = arith.mulf %get3A_188, %get3A_193 : vector<16xf32>
          %add3A_195 = arith.constant 0 : i32
          %add3A_196 = arith.addi %add3A_195, %scan3A_186 : i32
          %swap3A = arith.index_cast %add3A_196 : i32 to index
          %swap3A_197 = arith.constant 0 : index
          %swap3A_198 = tpu.vector_load %arg11[%swap3A, %swap3A_197] {strides = array<i32>} : memref<128x128xf32, #tpu.memory_space<vmem>>, vector<16xf32>,
          tpu.vector_store %arg11[%swap3A, %swap3A_197], %mul3A_194 {strides = array<i32>} : memref<128x128xf32, #tpu.memory_space<vmem>>, vector<16xf32>,
          %get3A_199 = arith.index_cast %scan3A_186 : i32 to index
          %get3A_200 = arith.constant 16 : index
          %get3A_201 = tpu.vector_load %arg12[%get3A_199, %get3A_200] {strides = array<i32>} : memref<64x128xf32, #tpu.memory_space<vmem>>, vector<16xf32>,
          %add3A_202 = arith.constant 0 : i32
          %add3A_203 = arith.addi %add3A_202, %scan3A_186 : i32
          %get3A_204 = arith.index_cast %add3A_203 : i32 to index
          %get3A_205 = arith.constant 16 : index
          %get3A_206 = tpu.vector_load %arg11[%get3A_204, %get3A_205] {strides = array<i32>} : memref<128x128xf32, #tpu.memory_space<vmem>>, vector<16xf32>,
          %mul3A_207 = arith.mulf %get3A_201, %get3A_206 : vector<16xf32>
          %add3A_208 = arith.constant 0 : i32
          %add3A_209 = arith.addi %add3A_208, %scan3A_186 : i32
          %swap3A_210 = arith.index_cast %add3A_209 : i32 to index
          %swap3A_211 = arith.constant 16 : index
          %swap3A_212 = tpu.vector_load %arg11[%swap3A_210, %swap3A_211] {strides = array<i32>} : memref<128x128xf32, #tpu.memory_space<vmem>>, vector<16xf32>,
          tpu.vector_store %arg11[%swap3A_210, %swap3A_211], %mul3A_207 {strides = array<i32>} : memref<128x128xf32, #tpu.memory_space<vmem>>, vector<16xf32>,
          %get3A_213 = arith.index_cast %scan3A_186 : i32 to index
          %get3A_214 = arith.constant 32 : index
          %get3A_215 = tpu.vector_load %arg12[%get3A_213, %get3A_214] {strides = array<i32>} : memref<64x128xf32, #tpu.memory_space<vmem>>, vector<16xf32>,
          %add3A_216 = arith.constant 0 : i32
          %add3A_217 = arith.addi %add3A_216, %scan3A_186 : i32
          %get3A_218 = arith.index_cast %add3A_217 : i32 to index
          %get3A_219 = arith.constant 32 : index
          %get3A_220 = tpu.vector_load %arg11[%get3A_218, %get3A_219] {strides = array<i32>} : memref<128x128xf32, #tpu.memory_space<vmem>>, vector<16xf32>,
          %mul3A_221 = arith.mulf %get3A_215, %get3A_220 : vector<16xf32>
          %add3A_222 = arith.constant 0 : i32
          %add3A_223 = arith.addi %add3A_222, %scan3A_186 : i32
          %swap3A_224 = arith.index_cast %add3A_223 : i32 to index
          %swap3A_225 = arith.constant 32 : index
          %swap3A_226 = tpu.vector_load %arg11[%swap3A_224, %swap3A_225] {strides = array<i32>} : memref<128x128xf32, #tpu.memory_space<vmem>>, vector<16xf32>,
          tpu.vector_store %arg11[%swap3A_224, %swap3A_225], %mul3A_221 {strides = array<i32>} : memref<128x128xf32, #tpu.memory_space<vmem>>, vector<16xf32>,
          %get3A_227 = arith.index_cast %scan3A_186 : i32 to index
          %get3A_228 = arith.constant 48 : index
          %get3A_229 = tpu.vector_load %arg12[%get3A_227, %get3A_228] {strides = array<i32>} : memref<64x128xf32, #tpu.memory_space<vmem>>, vector<16xf32>,
          %add3A_230 = arith.constant 0 : i32
          %add3A_231 = arith.addi %add3A_230, %scan3A_186 : i32
          %get3A_232 = arith.index_cast %add3A_231 : i32 to index
          %get3A_233 = arith.constant 48 : index
          %get3A_234 = tpu.vector_load %arg11[%get3A_232, %get3A_233] {strides = array<i32>} : memref<128x128xf32, #tpu.memory_space<vmem>>, vector<16xf32>,
          %mul3A_235 = arith.mulf %get3A_229, %get3A_234 : vector<16xf32>
          %add3A_236 = arith.constant 0 : i32
          %add3A_237 = arith.addi %add3A_236, %scan3A_186 : i32
          %swap3A_238 = arith.index_cast %add3A_237 : i32 to index
          %swap3A_239 = arith.constant 48 : index
          %swap3A_240 = tpu.vector_load %arg11[%swap3A_238, %swap3A_239] {strides = array<i32>} : memref<128x128xf32, #tpu.memory_space<vmem>>, vector<16xf32>,
          tpu.vector_store %arg11[%swap3A_238, %swap3A_239], %mul3A_235 {strides = array<i32>} : memref<128x128xf32, #tpu.memory_space<vmem>>, vector<16xf32>,
          %get3A_241 = arith.index_cast %scan3A_186 : i32 to index
          %get3A_242 = arith.constant 64 : index
          %get3A_243 = tpu.vector_load %arg12[%get3A_241, %get3A_242] {strides = array<i32>} : memref<64x128xf32, #tpu.memory_space<vmem>>, vector<16xf32>,
          %add3A_244 = arith.constant 0 : i32
          %add3A_245 = arith.addi %add3A_244, %scan3A_186 : i32
          %get3A_246 = arith.index_cast %add3A_245 : i32 to index
          %get3A_247 = arith.constant 64 : index
          %get3A_248 = tpu.vector_load %arg11[%get3A_246, %get3A_247] {strides = array<i32>} : memref<128x128xf32, #tpu.memory_space<vmem>>, vector<16xf32>,
          %mul3A_249 = arith.mulf %get3A_243, %get3A_248 : vector<16xf32>
          %add3A_250 = arith.constant 0 : i32
          %add3A_251 = arith.addi %add3A_250, %scan3A_186 : i32
          %swap3A_252 = arith.index_cast %add3A_251 : i32 to index
          %swap3A_253 = arith.constant 64 : index
          %swap3A_254 = tpu.vector_load %arg11[%swap3A_252, %swap3A_253] {strides = array<i32>} : memref<128x128xf32, #tpu.memory_space<vmem>>, vector<16xf32>,
          tpu.vector_store %arg11[%swap3A_252, %swap3A_253], %mul3A_249 {strides = array<i32>} : memref<128x128xf32, #tpu.memory_space<vmem>>, vector<16xf32>,
          %get3A_255 = arith.index_cast %scan3A_186 : i32 to index
          %get3A_256 = arith.constant 80 : index
          %get3A_257 = tpu.vector_load %arg12[%get3A_255, %get3A_256] {strides = array<i32>} : memref<64x128xf32, #tpu.memory_space<vmem>>, vector<16xf32>,
          %add3A_258 = arith.constant 0 : i32
          %add3A_259 = arith.addi %add3A_258, %scan3A_186 : i32
          %get3A_260 = arith.index_cast %add3A_259 : i32 to index
          %get3A_261 = arith.constant 80 : index
          %get3A_262 = tpu.vector_load %arg11[%get3A_260, %get3A_261] {strides = array<i32>} : memref<128x128xf32, #tpu.memory_space<vmem>>, vector<16xf32>,
          %mul3A_263 = arith.mulf %get3A_257, %get3A_262 : vector<16xf32>
          %add3A_264 = arith.constant 0 : i32
          %add3A_265 = arith.addi %add3A_264, %scan3A_186 : i32
          %swap3A_266 = arith.index_cast %add3A_265 : i32 to index
          %swap3A_267 = arith.constant 80 : index
          %swap3A_268 = tpu.vector_load %arg11[%swap3A_266, %swap3A_267] {strides = array<i32>} : memref<128x128xf32, #tpu.memory_space<vmem>>, vector<16xf32>,
          tpu.vector_store %arg11[%swap3A_266, %swap3A_267], %mul3A_263 {strides = array<i32>} : memref<128x128xf32, #tpu.memory_space<vmem>>, vector<16xf32>,
          %get3A_269 = arith.index_cast %scan3A_186 : i32 to index
          %get3A_270 = arith.constant 96 : index
          %get3A_271 = tpu.vector_load %arg12[%get3A_269, %get3A_270] {strides = array<i32>} : memref<64x128xf32, #tpu.memory_space<vmem>>, vector<16xf32>,
          %add3A_272 = arith.constant 0 : i32
          %add3A_273 = arith.addi %add3A_272, %scan3A_186 : i32
          %get3A_274 = arith.index_cast %add3A_273 : i32 to index
          %get3A_275 = arith.constant 96 : index
          %get3A_276 = tpu.vector_load %arg11[%get3A_274, %get3A_275] {strides = array<i32>} : memref<128x128xf32, #tpu.memory_space<vmem>>, vector<16xf32>,
          %mul3A_277 = arith.mulf %get3A_271, %get3A_276 : vector<16xf32>
          %add3A_278 = arith.constant 0 : i32
          %add3A_279 = arith.addi %add3A_278, %scan3A_186 : i32
          %swap3A_280 = arith.index_cast %add3A_279 : i32 to index
          %swap3A_281 = arith.constant 96 : index
          %swap3A_282 = tpu.vector_load %arg11[%swap3A_280, %swap3A_281] {strides = array<i32>} : memref<128x128xf32, #tpu.memory_space<vmem>>, vector<16xf32>,
          tpu.vector_store %arg11[%swap3A_280, %swap3A_281], %mul3A_277 {strides = array<i32>} : memref<128x128xf32, #tpu.memory_space<vmem>>, vector<16xf32>,
          %get3A_283 = arith.index_cast %scan3A_186 : i32 to index
          %get3A_284 = arith.constant 112 : index
          %get3A_285 = tpu.vector_load %arg12[%get3A_283, %get3A_284] {strides = array<i32>} : memref<64x128xf32, #tpu.memory_space<vmem>>, vector<16xf32>,
          %add3A_286 = arith.constant 0 : i32
          %add3A_287 = arith.addi %add3A_286, %scan3A_186 : i32
          %get3A_288 = arith.index_cast %add3A_287 : i32 to index
          %get3A_289 = arith.constant 112 : index
          %get3A_290 = tpu.vector_load %arg11[%get3A_288, %get3A_289] {strides = array<i32>} : memref<128x128xf32, #tpu.memory_space<vmem>>, vector<16xf32>,
          %mul3A_291 = arith.mulf %get3A_285, %get3A_290 : vector<16xf32>
          %add3A_292 = arith.constant 0 : i32
          %add3A_293 = arith.addi %add3A_292, %scan3A_186 : i32
          %swap3A_294 = arith.index_cast %add3A_293 : i32 to index
          %swap3A_295 = arith.constant 112 : index
          %swap3A_296 = tpu.vector_load %arg11[%swap3A_294, %swap3A_295] {strides = array<i32>} : memref<128x128xf32, #tpu.memory_space<vmem>>, vector<16xf32>,
          tpu.vector_store %arg11[%swap3A_294, %swap3A_295], %mul3A_291 {strides = array<i32>} : memref<128x128xf32, #tpu.memory_space<vmem>>, vector<16xf32>,
        }
        %scan3A_150 = arith.constant 64 : i32
        %add3A_151 = arith.constant 1 : i32
        %add3A_152 = arith.addi %add3A_117, %add3A_151 : i32
        %lt3A_153 = arith.cmpi slt, %add3A_152, %min3A_12 : i32
        %convert_element_type3A_154 = arith.extui %lt3A_153 : i1 to i32
        %cond3A_155 = arith.constant 0 : i32
        %cond3A_156 = arith.cmpi ne, %convert_element_type3A_154, %cond3A_155 : i32
        scf.if %cond3A_156 {
          %add3A_186 = arith.constant 1 : i32
          %add3A_187 = arith.addi %add3A_117, %add3A_186 : i32
          %add3A_188 = arith.addi %mul3A_10, %add3A_187 : i32
          %mul3A_189 = arith.constant 128 : i32
          %mul3A_190 = arith.muli %add3A_188, %mul3A_189 : i32
          %multiple_of3A_191 = tpu.assume_multiple %mul3A_190, 128 : i32
          %add3A_192 = arith.constant 0 : i32
          %add3A_193 = arith.addi %multiple_of3A_191, %add3A_192 : i32
          %multiple_of3A_194 = tpu.assume_multiple %add3A_193, 64 : i32
          %dma_start3A_195 = arith.constant 0 : i32
          %dma_start3A_196 = tpu.memref_slice %arg2[%multiple_of3A_194, %dma_start3A_195] : memref<160000x128xf32, #tpu.memory_space<hbm>> -> memref<64x128xf32, #tpu.memory_space<hbm>>
          %dma_start3A_197 = arith.constant 0 : i32
          %dma_start3A_198 = tpu.memref_slice %arg2[%multiple_of3A_194, %dma_start3A_197] : memref<160000x128xf32, #tpu.memory_space<hbm>> -> memref<64x128xf32, #tpu.memory_space<hbm>>
          tpu.enqueue_dma source(%dma_start3A_198 : memref<64x128xf32, #tpu.memory_space<hbm>>) target(%arg12 : memref<64x128xf32, #tpu.memory_space<vmem>>) target_semaphore(%arg17 : memref<!tpu.dma_semaphore, #tpu.memory_space<semaphore_mem>>)
        } else {
        }
        %dma_wait3A_157 = arith.constant 0 : i32
        %dma_wait3A_158 = arith.constant 0 : i32
        %dma_wait3A_159 = tpu.memref_slice %arg2[%dma_wait3A_157, %dma_wait3A_158] : memref<160000x128xf32, #tpu.memory_space<hbm>> -> memref<64x128xf32, #tpu.memory_space<hbm>>
        %dma_wait3A_160 = arith.constant 0 : i32
        %dma_wait3A_161 = arith.constant 0 : i32
        %dma_wait3A_162 = tpu.memref_slice %arg2[%dma_wait3A_160, %dma_wait3A_161] : memref<160000x128xf32, #tpu.memory_space<hbm>> -> memref<64x128xf32, #tpu.memory_space<hbm>>
        tpu.wait_dma2 semaphore(%arg18 : memref<!tpu.dma_semaphore, #tpu.memory_space<semaphore_mem>>) src(%dma_wait3A_162 : memref<64x128xf32, #tpu.memory_space<hbm>>) dst(%arg13 : memref<64x128xf32, #tpu.memory_space<vmem>>)
        %scan3A_163 = arith.constant 0 : i32
        %scan3A_164 = arith.constant 0 : i32
        %scan3A_165 = arith.constant 64 : i32
        %scan3A_166 = arith.addi %scan3A_164, %scan3A_165 : i32
        %scan3A_167 = arith.constant 1 : i32
        scf.for %scan3A_186 = %scan3A_164 to %scan3A_166 step %scan3A_167  : i32 {
          %get3A = arith.index_cast %scan3A_186 : i32 to index
          %get3A_187 = arith.constant 0 : index
          %get3A_188 = tpu.vector_load %arg13[%get3A, %get3A_187] {strides = array<i32>} : memref<64x128xf32, #tpu.memory_space<vmem>>, vector<16xf32>,
          %add3A_189 = arith.constant 64 : i32
          %add3A_190 = arith.addi %add3A_189, %scan3A_186 : i32
          %get3A_191 = arith.index_cast %add3A_190 : i32 to index
          %get3A_192 = arith.constant 0 : index
          %get3A_193 = tpu.vector_load %arg11[%get3A_191, %get3A_192] {strides = array<i32>} : memref<128x128xf32, #tpu.memory_space<vmem>>, vector<16xf32>,
          %mul3A_194 = arith.mulf %get3A_188, %get3A_193 : vector<16xf32>
          %add3A_195 = arith.constant 64 : i32
          %add3A_196 = arith.addi %add3A_195, %scan3A_186 : i32
          %swap3A = arith.index_cast %add3A_196 : i32 to index
          %swap3A_197 = arith.constant 0 : index
          %swap3A_198 = tpu.vector_load %arg11[%swap3A, %swap3A_197] {strides = array<i32>} : memref<128x128xf32, #tpu.memory_space<vmem>>, vector<16xf32>,
          tpu.vector_store %arg11[%swap3A, %swap3A_197], %mul3A_194 {strides = array<i32>} : memref<128x128xf32, #tpu.memory_space<vmem>>, vector<16xf32>,
          %get3A_199 = arith.index_cast %scan3A_186 : i32 to index
          %get3A_200 = arith.constant 16 : index
          %get3A_201 = tpu.vector_load %arg13[%get3A_199, %get3A_200] {strides = array<i32>} : memref<64x128xf32, #tpu.memory_space<vmem>>, vector<16xf32>,
          %add3A_202 = arith.constant 64 : i32
          %add3A_203 = arith.addi %add3A_202, %scan3A_186 : i32
          %get3A_204 = arith.index_cast %add3A_203 : i32 to index
          %get3A_205 = arith.constant 16 : index
          %get3A_206 = tpu.vector_load %arg11[%get3A_204, %get3A_205] {strides = array<i32>} : memref<128x128xf32, #tpu.memory_space<vmem>>, vector<16xf32>,
          %mul3A_207 = arith.mulf %get3A_201, %get3A_206 : vector<16xf32>
          %add3A_208 = arith.constant 64 : i32
          %add3A_209 = arith.addi %add3A_208, %scan3A_186 : i32
          %swap3A_210 = arith.index_cast %add3A_209 : i32 to index
          %swap3A_211 = arith.constant 16 : index
          %swap3A_212 = tpu.vector_load %arg11[%swap3A_210, %swap3A_211] {strides = array<i32>} : memref<128x128xf32, #tpu.memory_space<vmem>>, vector<16xf32>,
          tpu.vector_store %arg11[%swap3A_210, %swap3A_211], %mul3A_207 {strides = array<i32>} : memref<128x128xf32, #tpu.memory_space<vmem>>, vector<16xf32>,
          %get3A_213 = arith.index_cast %scan3A_186 : i32 to index
          %get3A_214 = arith.constant 32 : index
          %get3A_215 = tpu.vector_load %arg13[%get3A_213, %get3A_214] {strides = array<i32>} : memref<64x128xf32, #tpu.memory_space<vmem>>, vector<16xf32>,
          %add3A_216 = arith.constant 64 : i32
          %add3A_217 = arith.addi %add3A_216, %scan3A_186 : i32
          %get3A_218 = arith.index_cast %add3A_217 : i32 to index
          %get3A_219 = arith.constant 32 : index
          %get3A_220 = tpu.vector_load %arg11[%get3A_218, %get3A_219] {strides = array<i32>} : memref<128x128xf32, #tpu.memory_space<vmem>>, vector<16xf32>,
          %mul3A_221 = arith.mulf %get3A_215, %get3A_220 : vector<16xf32>
          %add3A_222 = arith.constant 64 : i32
          %add3A_223 = arith.addi %add3A_222, %scan3A_186 : i32
          %swap3A_224 = arith.index_cast %add3A_223 : i32 to index
          %swap3A_225 = arith.constant 32 : index
          %swap3A_226 = tpu.vector_load %arg11[%swap3A_224, %swap3A_225] {strides = array<i32>} : memref<128x128xf32, #tpu.memory_space<vmem>>, vector<16xf32>,
          tpu.vector_store %arg11[%swap3A_224, %swap3A_225], %mul3A_221 {strides = array<i32>} : memref<128x128xf32, #tpu.memory_space<vmem>>, vector<16xf32>,
          %get3A_227 = arith.index_cast %scan3A_186 : i32 to index
          %get3A_228 = arith.constant 48 : index
          %get3A_229 = tpu.vector_load %arg13[%get3A_227, %get3A_228] {strides = array<i32>} : memref<64x128xf32, #tpu.memory_space<vmem>>, vector<16xf32>,
          %add3A_230 = arith.constant 64 : i32
          %add3A_231 = arith.addi %add3A_230, %scan3A_186 : i32
          %get3A_232 = arith.index_cast %add3A_231 : i32 to index
          %get3A_233 = arith.constant 48 : index
          %get3A_234 = tpu.vector_load %arg11[%get3A_232, %get3A_233] {strides = array<i32>} : memref<128x128xf32, #tpu.memory_space<vmem>>, vector<16xf32>,
          %mul3A_235 = arith.mulf %get3A_229, %get3A_234 : vector<16xf32>
          %add3A_236 = arith.constant 64 : i32
          %add3A_237 = arith.addi %add3A_236, %scan3A_186 : i32
          %swap3A_238 = arith.index_cast %add3A_237 : i32 to index
          %swap3A_239 = arith.constant 48 : index
          %swap3A_240 = tpu.vector_load %arg11[%swap3A_238, %swap3A_239] {strides = array<i32>} : memref<128x128xf32, #tpu.memory_space<vmem>>, vector<16xf32>,
          tpu.vector_store %arg11[%swap3A_238, %swap3A_239], %mul3A_235 {strides = array<i32>} : memref<128x128xf32, #tpu.memory_space<vmem>>, vector<16xf32>,
          %get3A_241 = arith.index_cast %scan3A_186 : i32 to index
          %get3A_242 = arith.constant 64 : index
          %get3A_243 = tpu.vector_load %arg13[%get3A_241, %get3A_242] {strides = array<i32>} : memref<64x128xf32, #tpu.memory_space<vmem>>, vector<16xf32>,
          %add3A_244 = arith.constant 64 : i32
          %add3A_245 = arith.addi %add3A_244, %scan3A_186 : i32
          %get3A_246 = arith.index_cast %add3A_245 : i32 to index
          %get3A_247 = arith.constant 64 : index
          %get3A_248 = tpu.vector_load %arg11[%get3A_246, %get3A_247] {strides = array<i32>} : memref<128x128xf32, #tpu.memory_space<vmem>>, vector<16xf32>,
          %mul3A_249 = arith.mulf %get3A_243, %get3A_248 : vector<16xf32>
          %add3A_250 = arith.constant 64 : i32
          %add3A_251 = arith.addi %add3A_250, %scan3A_186 : i32
          %swap3A_252 = arith.index_cast %add3A_251 : i32 to index
          %swap3A_253 = arith.constant 64 : index
          %swap3A_254 = tpu.vector_load %arg11[%swap3A_252, %swap3A_253] {strides = array<i32>} : memref<128x128xf32, #tpu.memory_space<vmem>>, vector<16xf32>,
          tpu.vector_store %arg11[%swap3A_252, %swap3A_253], %mul3A_249 {strides = array<i32>} : memref<128x128xf32, #tpu.memory_space<vmem>>, vector<16xf32>,
          %get3A_255 = arith.index_cast %scan3A_186 : i32 to index
          %get3A_256 = arith.constant 80 : index
          %get3A_257 = tpu.vector_load %arg13[%get3A_255, %get3A_256] {strides = array<i32>} : memref<64x128xf32, #tpu.memory_space<vmem>>, vector<16xf32>,
          %add3A_258 = arith.constant 64 : i32
          %add3A_259 = arith.addi %add3A_258, %scan3A_186 : i32
          %get3A_260 = arith.index_cast %add3A_259 : i32 to index
          %get3A_261 = arith.constant 80 : index
          %get3A_262 = tpu.vector_load %arg11[%get3A_260, %get3A_261] {strides = array<i32>} : memref<128x128xf32, #tpu.memory_space<vmem>>, vector<16xf32>,
          %mul3A_263 = arith.mulf %get3A_257, %get3A_262 : vector<16xf32>
          %add3A_264 = arith.constant 64 : i32
          %add3A_265 = arith.addi %add3A_264, %scan3A_186 : i32
          %swap3A_266 = arith.index_cast %add3A_265 : i32 to index
          %swap3A_267 = arith.constant 80 : index
          %swap3A_268 = tpu.vector_load %arg11[%swap3A_266, %swap3A_267] {strides = array<i32>} : memref<128x128xf32, #tpu.memory_space<vmem>>, vector<16xf32>,
          tpu.vector_store %arg11[%swap3A_266, %swap3A_267], %mul3A_263 {strides = array<i32>} : memref<128x128xf32, #tpu.memory_space<vmem>>, vector<16xf32>,
          %get3A_269 = arith.index_cast %scan3A_186 : i32 to index
          %get3A_270 = arith.constant 96 : index
          %get3A_271 = tpu.vector_load %arg13[%get3A_269, %get3A_270] {strides = array<i32>} : memref<64x128xf32, #tpu.memory_space<vmem>>, vector<16xf32>,
          %add3A_272 = arith.constant 64 : i32
          %add3A_273 = arith.addi %add3A_272, %scan3A_186 : i32
          %get3A_274 = arith.index_cast %add3A_273 : i32 to index
          %get3A_275 = arith.constant 96 : index
          %get3A_276 = tpu.vector_load %arg11[%get3A_274, %get3A_275] {strides = array<i32>} : memref<128x128xf32, #tpu.memory_space<vmem>>, vector<16xf32>,
          %mul3A_277 = arith.mulf %get3A_271, %get3A_276 : vector<16xf32>
          %add3A_278 = arith.constant 64 : i32
          %add3A_279 = arith.addi %add3A_278, %scan3A_186 : i32
          %swap3A_280 = arith.index_cast %add3A_279 : i32 to index
          %swap3A_281 = arith.constant 96 : index
          %swap3A_282 = tpu.vector_load %arg11[%swap3A_280, %swap3A_281] {strides = array<i32>} : memref<128x128xf32, #tpu.memory_space<vmem>>, vector<16xf32>,
          tpu.vector_store %arg11[%swap3A_280, %swap3A_281], %mul3A_277 {strides = array<i32>} : memref<128x128xf32, #tpu.memory_space<vmem>>, vector<16xf32>,
          %get3A_283 = arith.index_cast %scan3A_186 : i32 to index
          %get3A_284 = arith.constant 112 : index
          %get3A_285 = tpu.vector_load %arg13[%get3A_283, %get3A_284] {strides = array<i32>} : memref<64x128xf32, #tpu.memory_space<vmem>>, vector<16xf32>,
          %add3A_286 = arith.constant 64 : i32
          %add3A_287 = arith.addi %add3A_286, %scan3A_186 : i32
          %get3A_288 = arith.index_cast %add3A_287 : i32 to index
          %get3A_289 = arith.constant 112 : index
          %get3A_290 = tpu.vector_load %arg11[%get3A_288, %get3A_289] {strides = array<i32>} : memref<128x128xf32, #tpu.memory_space<vmem>>, vector<16xf32>,
          %mul3A_291 = arith.mulf %get3A_285, %get3A_290 : vector<16xf32>
          %add3A_292 = arith.constant 64 : i32
          %add3A_293 = arith.addi %add3A_292, %scan3A_186 : i32
          %swap3A_294 = arith.index_cast %add3A_293 : i32 to index
          %swap3A_295 = arith.constant 112 : index
          %swap3A_296 = tpu.vector_load %arg11[%swap3A_294, %swap3A_295] {strides = array<i32>} : memref<128x128xf32, #tpu.memory_space<vmem>>, vector<16xf32>,
          tpu.vector_store %arg11[%swap3A_294, %swap3A_295], %mul3A_291 {strides = array<i32>} : memref<128x128xf32, #tpu.memory_space<vmem>>, vector<16xf32>,
        }
        %scan3A_168 = arith.constant 64 : i32
        %add3A_169 = arith.constant 1 : i32
        %add3A_170 = arith.addi %add3A_117, %add3A_169 : i32
        %lt3A_171 = arith.cmpi slt, %add3A_170, %min3A_12 : i32
        %convert_element_type3A_172 = arith.extui %lt3A_171 : i1 to i32
        %cond3A_173 = arith.constant 0 : i32
        %cond3A_174 = arith.cmpi ne, %convert_element_type3A_172, %cond3A_173 : i32
        scf.if %cond3A_174 {
          %add3A_186 = arith.constant 1 : i32
          %add3A_187 = arith.addi %add3A_117, %add3A_186 : i32
          %add3A_188 = arith.addi %mul3A_10, %add3A_187 : i32
          %mul3A_189 = arith.constant 128 : i32
          %mul3A_190 = arith.muli %add3A_188, %mul3A_189 : i32
          %multiple_of3A_191 = tpu.assume_multiple %mul3A_190, 128 : i32
          %add3A_192 = arith.constant 64 : i32
          %add3A_193 = arith.addi %multiple_of3A_191, %add3A_192 : i32
          %multiple_of3A_194 = tpu.assume_multiple %add3A_193, 64 : i32
          %dma_start3A_195 = arith.constant 0 : i32
          %dma_start3A_196 = tpu.memref_slice %arg2[%multiple_of3A_194, %dma_start3A_195] : memref<160000x128xf32, #tpu.memory_space<hbm>> -> memref<64x128xf32, #tpu.memory_space<hbm>>
          %dma_start3A_197 = arith.constant 0 : i32
          %dma_start3A_198 = tpu.memref_slice %arg2[%multiple_of3A_194, %dma_start3A_197] : memref<160000x128xf32, #tpu.memory_space<hbm>> -> memref<64x128xf32, #tpu.memory_space<hbm>>
          tpu.enqueue_dma source(%dma_start3A_198 : memref<64x128xf32, #tpu.memory_space<hbm>>) target(%arg13 : memref<64x128xf32, #tpu.memory_space<vmem>>) target_semaphore(%arg18 : memref<!tpu.dma_semaphore, #tpu.memory_space<semaphore_mem>>)
        } else {
        }
        %ge3A = arith.constant 1 : i32
        %ge3A_175 = arith.cmpi sge, %add3A_117, %ge3A : i32
        %convert_element_type3A_176 = arith.extui %ge3A_175 : i1 to i32
        %cond3A_177 = arith.constant 0 : i32
        %cond3A_178 = arith.cmpi ne, %convert_element_type3A_176, %cond3A_177 : i32
        scf.if %cond3A_178 {
          %dma_wait3A_186 = arith.constant 0 : i32
          %dma_wait3A_187 = arith.constant 0 : i32
          %dma_wait3A_188 = tpu.memref_slice %arg9[%dma_wait3A_186, %dma_wait3A_187] : memref<2x128xi32, #tpu.memory_space<vmem>> -> memref<1x128xi32, #tpu.memory_space<vmem>>
          %dma_wait3A_189 = tpu.memref_squeeze %dma_wait3A_188 : memref<1x128xi32, #tpu.memory_space<vmem>> -> memref<128xi32, #tpu.memory_space<vmem>>
          %dma_wait3A_190 = arith.constant 0 : i32
          %dma_wait3A_191 = tpu.memref_slice %arg5[%dma_wait3A_190] : memref<163840xi32, #tpu.memory_space<hbm>> -> memref<128xi32, #tpu.memory_space<hbm>>
          %dma_wait3A_192 = arith.constant 0 : i32
          %dma_wait3A_193 = tpu.memref_slice %arg9[%dma_wait3A_186, %dma_wait3A_192] : memref<2x128xi32, #tpu.memory_space<vmem>> -> memref<1x128xi32, #tpu.memory_space<vmem>>
          %dma_wait3A_194 = tpu.memref_squeeze %dma_wait3A_193 : memref<1x128xi32, #tpu.memory_space<vmem>> -> memref<128xi32, #tpu.memory_space<vmem>>
          %dma_wait3A_195 = arith.constant 0 : i32
          %dma_wait3A_196 = tpu.memref_slice %arg5[%dma_wait3A_195] : memref<163840xi32, #tpu.memory_space<hbm>> -> memref<128xi32, #tpu.memory_space<hbm>>
          tpu.wait_dma2 semaphore(%arg20 : memref<!tpu.dma_semaphore, #tpu.memory_space<semaphore_mem>>) src(%dma_wait3A_196 : memref<128xi32, #tpu.memory_space<hbm>>) dst(%dma_wait3A_194 : memref<128xi32, #tpu.memory_space<vmem>>)
        } else {
        }
        %run_scoped3A_179 = arith.constant 1 : i32
        "tpu.region"() ({
          %run_scoped3A_186 = tpu.sem_alloc : memref<!tpu.dma_semaphore, #tpu.memory_space<semaphore_mem>>
          %dma_start3A_187 = arith.constant 0 : i32
          %dma_start3A_188 = tpu.memref_slice %arg9[%run_scoped3A_179, %dma_start3A_187] : memref<2x128xi32, #tpu.memory_space<vmem>> -> memref<1x128xi32, #tpu.memory_space<vmem>>
          %dma_start3A_189 = tpu.memref_squeeze %dma_start3A_188 : memref<1x128xi32, #tpu.memory_space<vmem>> -> memref<128xi32, #tpu.memory_space<vmem>>
          %dma_start3A_190 = arith.constant 0 : i32
          %dma_start3A_191 = arith.constant 0 : i32
          %dma_start3A_192 = tpu.memref_slice %arg14[%dma_start3A_190, %dma_start3A_191] : memref<10000x128xf32, #tpu.memory_space<vmem_shared>> -> memref<10000x128xf32, #tpu.memory_space<vmem_shared>>
          tpu.enqueue_indirect_dma source(%arg11 : memref<128x128xf32, #tpu.memory_space<vmem>>) target(%dma_start3A_192 : memref<10000x128xf32, #tpu.memory_space<vmem_shared>>) offsets(%dma_start3A_189 : memref<128xi32, #tpu.memory_space<vmem>>) semaphore(%run_scoped3A_186 : memref<!tpu.dma_semaphore, #tpu.memory_space<semaphore_mem>>) {add = true}
          %dma_wait3A_193 = arith.constant 0 : i32
          %dma_wait3A_194 = tpu.memref_slice %arg9[%run_scoped3A_179, %dma_wait3A_193] : memref<2x128xi32, #tpu.memory_space<vmem>> -> memref<1x128xi32, #tpu.memory_space<vmem>>
          %dma_wait3A_195 = tpu.memref_squeeze %dma_wait3A_194 : memref<1x128xi32, #tpu.memory_space<vmem>> -> memref<128xi32, #tpu.memory_space<vmem>>
          %dma_wait3A_196 = arith.constant 0 : i32
          %dma_wait3A_197 = arith.constant 0 : i32
          %dma_wait3A_198 = tpu.memref_slice %arg14[%dma_wait3A_196, %dma_wait3A_197] : memref<10000x128xf32, #tpu.memory_space<vmem_shared>> -> memref<10000x128xf32, #tpu.memory_space<vmem_shared>>
          tpu.wait_indirect_dma semaphore(%run_scoped3A_186 : memref<!tpu.dma_semaphore, #tpu.memory_space<semaphore_mem>>) src(%arg11 : memref<128x128xf32, #tpu.memory_space<vmem>>) dst(%dma_wait3A_198 : memref<10000x128xf32, #tpu.memory_space<vmem_shared>>)
          tpu.yield
        }) : () -> ()
        %add3A_180 = arith.constant 2 : i32
        %add3A_181 = arith.addi %add3A_117, %add3A_180 : i32
        %lt3A_182 = arith.cmpi slt, %add3A_181, %min3A_12 : i32
        %convert_element_type3A_183 = arith.extui %lt3A_182 : i1 to i32
        %cond3A_184 = arith.constant 0 : i32
        %cond3A_185 = arith.cmpi ne, %convert_element_type3A_183, %cond3A_184 : i32
        scf.if %cond3A_185 {
          %ge3A_186 = arith.constant 1 : i32
          %ge3A_187 = arith.cmpi sge, %add3A_117, %ge3A_186 : i32
          %convert_element_type3A_188 = arith.extui %ge3A_187 : i1 to i32
          %cond3A_189 = arith.constant 0 : i32
          %cond3A_190 = arith.cmpi ne, %convert_element_type3A_188, %cond3A_189 : i32
          scf.if %cond3A_190 {
            %dma_wait3A_200 = arith.constant 0 : i32
            %dma_wait3A_201 = arith.constant 0 : i32
            %dma_wait3A_202 = tpu.memref_slice %arg8[%dma_wait3A_200, %dma_wait3A_201] : memref<4x128xi32, #tpu.memory_space<vmem>> -> memref<1x128xi32, #tpu.memory_space<vmem>>
            %dma_wait3A_203 = tpu.memref_squeeze %dma_wait3A_202 : memref<1x128xi32, #tpu.memory_space<vmem>> -> memref<128xi32, #tpu.memory_space<vmem>>
            %dma_wait3A_204 = arith.constant 0 : i32
            %dma_wait3A_205 = tpu.memref_slice %arg4[%dma_wait3A_204] : memref<163840xi32, #tpu.memory_space<hbm>> -> memref<128xi32, #tpu.memory_space<hbm>>
            %dma_wait3A_206 = arith.constant 0 : i32
            %dma_wait3A_207 = tpu.memref_slice %arg8[%dma_wait3A_200, %dma_wait3A_206] : memref<4x128xi32, #tpu.memory_space<vmem>> -> memref<1x128xi32, #tpu.memory_space<vmem>>
            %dma_wait3A_208 = tpu.memref_squeeze %dma_wait3A_207 : memref<1x128xi32, #tpu.memory_space<vmem>> -> memref<128xi32, #tpu.memory_space<vmem>>
            %dma_wait3A_209 = arith.constant 0 : i32
            %dma_wait3A_210 = tpu.memref_slice %arg4[%dma_wait3A_209] : memref<163840xi32, #tpu.memory_space<hbm>> -> memref<128xi32, #tpu.memory_space<hbm>>
            tpu.wait_dma2 semaphore(%arg19 : memref<!tpu.dma_semaphore, #tpu.memory_space<semaphore_mem>>) src(%dma_wait3A_210 : memref<128xi32, #tpu.memory_space<hbm>>) dst(%dma_wait3A_208 : memref<128xi32, #tpu.memory_space<vmem>>)
          } else {
          }
          %add3A_191 = arith.constant 2 : i32
          %add3A_192 = arith.addi %add3A_117, %add3A_191 : i32
          %dma_start3A_193 = arith.constant 1 : i32
          %dma_start3A_194 = arith.constant 0 : i32
          %dma_start3A_195 = tpu.memref_slice %arg8[%dma_start3A_193, %dma_start3A_194] : memref<4x128xi32, #tpu.memory_space<vmem>> -> memref<1x128xi32, #tpu.memory_space<vmem>>
          %dma_start3A_196 = tpu.memref_squeeze %dma_start3A_195 : memref<1x128xi32, #tpu.memory_space<vmem>> -> memref<128xi32, #tpu.memory_space<vmem>>
          %dma_start3A_197 = arith.constant 0 : i32
          %dma_start3A_198 = arith.constant 0 : i32
          %dma_start3A_199 = tpu.memref_slice %arg3[%dma_start3A_197, %dma_start3A_198] : memref<10000x128xf32, #tpu.memory_space<hbm>> -> memref<10000x128xf32, #tpu.memory_space<hbm>>
          tpu.enqueue_indirect_dma source(%dma_start3A_199 : memref<10000x128xf32, #tpu.memory_space<hbm>>) target(%arg11 : memref<128x128xf32, #tpu.memory_space<vmem>>) offsets(%dma_start3A_196 : memref<128xi32, #tpu.memory_space<vmem>>) semaphore(%arg16 : memref<!tpu.dma_semaphore, #tpu.memory_space<semaphore_mem>>)
        } else {
        }
      } else {
      }
    }
    %scan3A_77 = arith.constant 10 : i32
    %barrier3A_78 = arith.constant 0 : index
    tpu.barrier barrier_id(%barrier3A_78)
    %lt3A_79 = arith.constant 15 : i32
    %lt3A_80 = arith.cmpi slt, %arg1, %lt3A_79 : i32
    %convert_element_type3A_81 = arith.extui %lt3A_80 : i1 to i32
    %cond3A_82 = arith.constant 0 : i32
    %cond3A_83 = arith.cmpi ne, %convert_element_type3A_81, %cond3A_82 : i32
    scf.if %cond3A_83 {
      "tpu.region"() ({
        %run_scoped3A_89 = tpu.sem_alloc : memref<!tpu.dma_semaphore, #tpu.memory_space<semaphore_mem>>
        %dma_start3A_90 = arith.constant 0 : i32
        %dma_start3A_91 = arith.constant 0 : i32
        %dma_start3A_92 = tpu.memref_slice %arg7[%arg0, %dma_start3A_90, %dma_start3A_91] : memref<2x10000x128xf32, #tpu.memory_space<hbm>> -> memref<1x10000x128xf32, #tpu.memory_space<hbm>>
        %dma_start3A_93 = tpu.memref_squeeze %dma_start3A_92 : memref<1x10000x128xf32, #tpu.memory_space<hbm>> -> memref<10000x128xf32, #tpu.memory_space<hbm>>
        %dma_start3A_94 = arith.constant 0 : i32
        %dma_start3A_95 = tpu.memref_slice %dma_start3A_93[%multiple_of3A, %dma_start3A_94] : memref<10000x128xf32, #tpu.memory_space<hbm>> -> memref<632x128xf32, #tpu.memory_space<hbm>>
        %dma_start3A_96 = arith.constant 0 : i32
        %dma_start3A_97 = tpu.memref_slice %arg14[%multiple_of3A, %dma_start3A_96] : memref<10000x128xf32, #tpu.memory_space<vmem_shared>> -> memref<632x128xf32, #tpu.memory_space<vmem_shared>>
        tpu.enqueue_dma source(%dma_start3A_97 : memref<632x128xf32, #tpu.memory_space<vmem_shared>>) target(%dma_start3A_95 : memref<632x128xf32, #tpu.memory_space<hbm>>) target_semaphore(%run_scoped3A_89 : memref<!tpu.dma_semaphore, #tpu.memory_space<semaphore_mem>>)
        %dma_wait3A = arith.constant 0 : i32
        %dma_wait3A_98 = arith.constant 0 : i32
        %dma_wait3A_99 = tpu.memref_slice %arg7[%arg0, %dma_wait3A, %dma_wait3A_98] : memref<2x10000x128xf32, #tpu.memory_space<hbm>> -> memref<1x10000x128xf32, #tpu.memory_space<hbm>>
        %dma_wait3A_100 = tpu.memref_squeeze %dma_wait3A_99 : memref<1x10000x128xf32, #tpu.memory_space<hbm>> -> memref<10000x128xf32, #tpu.memory_space<hbm>>
        %dma_wait3A_101 = arith.constant 0 : i32
        %dma_wait3A_102 = tpu.memref_slice %dma_wait3A_100[%multiple_of3A, %dma_wait3A_101] : memref<10000x128xf32, #tpu.memory_space<hbm>> -> memref<632x128xf32, #tpu.memory_space<hbm>>
        %dma_wait3A_103 = arith.constant 0 : i32
        %dma_wait3A_104 = tpu.memref_slice %arg14[%multiple_of3A, %dma_wait3A_103] : memref<10000x128xf32, #tpu.memory_space<vmem_shared>> -> memref<632x128xf32, #tpu.memory_space<vmem_shared>>
        tpu.wait_dma2 semaphore(%run_scoped3A_89 : memref<!tpu.dma_semaphore, #tpu.memory_space<semaphore_mem>>) src(%dma_wait3A_104 : memref<632x128xf32, #tpu.memory_space<vmem_shared>>) dst(%dma_wait3A_102 : memref<632x128xf32, #tpu.memory_space<hbm>>)
        tpu.yield
      }) : () -> ()
    } else {
    }
    %eq3A_84 = arith.constant 15 : i32
    %eq3A_85 = arith.cmpi eq, %arg1, %eq3A_84 : i32
    %convert_element_type3A_86 = arith.extui %eq3A_85 : i1 to i32
    %cond3A_87 = arith.constant 0 : i32
    %cond3A_88 = arith.cmpi ne, %convert_element_type3A_86, %cond3A_87 : i32
    scf.if %cond3A_88 {
      "tpu.region"() ({
        %run_scoped3A_89 = tpu.sem_alloc : memref<!tpu.dma_semaphore, #tpu.memory_space<semaphore_mem>>
        %dma_start3A_90 = arith.constant 0 : i32
        %dma_start3A_91 = arith.constant 0 : i32
        %dma_start3A_92 = tpu.memref_slice %arg7[%arg0, %dma_start3A_90, %dma_start3A_91] : memref<2x10000x128xf32, #tpu.memory_space<hbm>> -> memref<1x10000x128xf32, #tpu.memory_space<hbm>>
        %dma_start3A_93 = tpu.memref_squeeze %dma_start3A_92 : memref<1x10000x128xf32, #tpu.memory_space<hbm>> -> memref<10000x128xf32, #tpu.memory_space<hbm>>
        %dma_start3A_94 = arith.constant 0 : i32
        %dma_start3A_95 = tpu.memref_slice %dma_start3A_93[%multiple_of3A, %dma_start3A_94] : memref<10000x128xf32, #tpu.memory_space<hbm>> -> memref<520x128xf32, #tpu.memory_space<hbm>>
        %dma_start3A_96 = arith.constant 0 : i32
        %dma_start3A_97 = tpu.memref_slice %arg14[%multiple_of3A, %dma_start3A_96] : memref<10000x128xf32, #tpu.memory_space<vmem_shared>> -> memref<520x128xf32, #tpu.memory_space<vmem_shared>>
        tpu.enqueue_dma source(%dma_start3A_97 : memref<520x128xf32, #tpu.memory_space<vmem_shared>>) target(%dma_start3A_95 : memref<520x128xf32, #tpu.memory_space<hbm>>) target_semaphore(%run_scoped3A_89 : memref<!tpu.dma_semaphore, #tpu.memory_space<semaphore_mem>>)
        %dma_wait3A = arith.constant 0 : i32
        %dma_wait3A_98 = arith.constant 0 : i32
        %dma_wait3A_99 = tpu.memref_slice %arg7[%arg0, %dma_wait3A, %dma_wait3A_98] : memref<2x10000x128xf32, #tpu.memory_space<hbm>> -> memref<1x10000x128xf32, #tpu.memory_space<hbm>>
        %dma_wait3A_100 = tpu.memref_squeeze %dma_wait3A_99 : memref<1x10000x128xf32, #tpu.memory_space<hbm>> -> memref<10000x128xf32, #tpu.memory_space<hbm>>
        %dma_wait3A_101 = arith.constant 0 : i32
        %dma_wait3A_102 = tpu.memref_slice %dma_wait3A_100[%multiple_of3A, %dma_wait3A_101] : memref<10000x128xf32, #tpu.memory_space<hbm>> -> memref<520x128xf32, #tpu.memory_space<hbm>>
        %dma_wait3A_103 = arith.constant 0 : i32
        %dma_wait3A_104 = tpu.memref_slice %arg14[%multiple_of3A, %dma_wait3A_103] : memref<10000x128xf32, #tpu.memory_space<vmem_shared>> -> memref<520x128xf32, #tpu.memory_space<vmem_shared>>
        tpu.wait_dma2 semaphore(%run_scoped3A_89 : memref<!tpu.dma_semaphore, #tpu.memory_space<semaphore_mem>>) src(%dma_wait3A_104 : memref<520x128xf32, #tpu.memory_space<vmem_shared>>) dst(%dma_wait3A_102 : memref<520x128xf32, #tpu.memory_space<hbm>>)
        tpu.yield
      }) : () -> ()
    } else {
    }
    return
  }
}

#map = affine_map<(d0, d1) -> (0)>
module attributes {stable_mosaic.version = 14 : i64} {
  func.func @k(%arg0: i32, %arg1: i32, %arg2: memref<10000xf32, #tpu.memory_space<hbm>>, %arg3: memref<10000xf32, #tpu.memory_space<hbm>>, %arg4: memref<320000xi32, #tpu.memory_space<hbm>>, %arg5: memref<320000xi32, #tpu.memory_space<hbm>>, %arg6: memref<320000xf32, #tpu.memory_space<hbm>>, %arg7: memref<10000xf32, #tpu.memory_space<vmem>>, %arg8: memref<10000xf32, #tpu.memory_space<vmem>>, %arg9: memref<10000xi32, #tpu.memory_space<vmem>>, %arg10: memref<10000xi32, #tpu.memory_space<vmem>>, %arg11: memref<10000xf32, #tpu.memory_space<vmem>>) attributes {dimension_semantics = [#tpu.dimension_semantics<core_parallel>, #tpu.dimension_semantics<subcore_parallel>], iteration_bounds = array<i64: 2, 16>, scalar_prefetch = 0 : i64, scratch_operands = 5 : i64, tpu.core_type = #tpu.core_type<sc_vector_subcore>, window_params = [{transform_indices = #map}, {transform_indices = #map}, {transform_indices = #map}, {transform_indices = #map}, {transform_indices = #map}]} {
    %mul3A = arith.constant 2 : i32
    %mul3A_0 = arith.muli %arg1, %mul3A : i32
    %add3A = arith.addi %mul3A_0, %arg0 : i32
    %mul3A_1 = arith.constant 10000 : i32
    %mul3A_2 = arith.muli %add3A, %mul3A_1 : i32
    "tpu.region"() ({
      %run_scoped3A = tpu.sem_alloc : memref<!tpu.dma_semaphore, #tpu.memory_space<semaphore_mem>>
      tpu.enqueue_dma source(%arg2 : memref<10000xf32, #tpu.memory_space<hbm>>) target(%arg7 : memref<10000xf32, #tpu.memory_space<vmem>>) target_semaphore(%run_scoped3A : memref<!tpu.dma_semaphore, #tpu.memory_space<semaphore_mem>>)
      tpu.wait_dma2 semaphore(%run_scoped3A : memref<!tpu.dma_semaphore, #tpu.memory_space<semaphore_mem>>) src(%arg2 : memref<10000xf32, #tpu.memory_space<hbm>>) dst(%arg7 : memref<10000xf32, #tpu.memory_space<vmem>>)
      tpu.yield
    }) : () -> ()
    "tpu.region"() ({
      %run_scoped3A = tpu.sem_alloc : memref<!tpu.dma_semaphore, #tpu.memory_space<semaphore_mem>>
      tpu.enqueue_dma source(%arg3 : memref<10000xf32, #tpu.memory_space<hbm>>) target(%arg8 : memref<10000xf32, #tpu.memory_space<vmem>>) target_semaphore(%run_scoped3A : memref<!tpu.dma_semaphore, #tpu.memory_space<semaphore_mem>>)
      tpu.wait_dma2 semaphore(%run_scoped3A : memref<!tpu.dma_semaphore, #tpu.memory_space<semaphore_mem>>) src(%arg3 : memref<10000xf32, #tpu.memory_space<hbm>>) dst(%arg8 : memref<10000xf32, #tpu.memory_space<vmem>>)
      tpu.yield
    }) : () -> ()
    "tpu.region"() ({
      %run_scoped3A = tpu.sem_alloc : memref<!tpu.dma_semaphore, #tpu.memory_space<semaphore_mem>>
      %dma_start3A = tpu.memref_slice %arg4[%mul3A_2] : memref<320000xi32, #tpu.memory_space<hbm>> -> memref<10000xi32, #tpu.memory_space<hbm>>
      %dma_start3A_8 = tpu.memref_slice %arg4[%mul3A_2] : memref<320000xi32, #tpu.memory_space<hbm>> -> memref<10000xi32, #tpu.memory_space<hbm>>
      tpu.enqueue_dma source(%dma_start3A_8 : memref<10000xi32, #tpu.memory_space<hbm>>) target(%arg9 : memref<10000xi32, #tpu.memory_space<vmem>>) target_semaphore(%run_scoped3A : memref<!tpu.dma_semaphore, #tpu.memory_space<semaphore_mem>>)
      %dma_wait3A = tpu.memref_slice %arg4[%mul3A_2] : memref<320000xi32, #tpu.memory_space<hbm>> -> memref<10000xi32, #tpu.memory_space<hbm>>
      %dma_wait3A_9 = tpu.memref_slice %arg4[%mul3A_2] : memref<320000xi32, #tpu.memory_space<hbm>> -> memref<10000xi32, #tpu.memory_space<hbm>>
      tpu.wait_dma2 semaphore(%run_scoped3A : memref<!tpu.dma_semaphore, #tpu.memory_space<semaphore_mem>>) src(%dma_wait3A_9 : memref<10000xi32, #tpu.memory_space<hbm>>) dst(%arg9 : memref<10000xi32, #tpu.memory_space<vmem>>)
      tpu.yield
    }) : () -> ()
    "tpu.region"() ({
      %run_scoped3A = tpu.sem_alloc : memref<!tpu.dma_semaphore, #tpu.memory_space<semaphore_mem>>
      %dma_start3A = tpu.memref_slice %arg5[%mul3A_2] : memref<320000xi32, #tpu.memory_space<hbm>> -> memref<10000xi32, #tpu.memory_space<hbm>>
      %dma_start3A_8 = tpu.memref_slice %arg5[%mul3A_2] : memref<320000xi32, #tpu.memory_space<hbm>> -> memref<10000xi32, #tpu.memory_space<hbm>>
      tpu.enqueue_dma source(%dma_start3A_8 : memref<10000xi32, #tpu.memory_space<hbm>>) target(%arg10 : memref<10000xi32, #tpu.memory_space<vmem>>) target_semaphore(%run_scoped3A : memref<!tpu.dma_semaphore, #tpu.memory_space<semaphore_mem>>)
      %dma_wait3A = tpu.memref_slice %arg5[%mul3A_2] : memref<320000xi32, #tpu.memory_space<hbm>> -> memref<10000xi32, #tpu.memory_space<hbm>>
      %dma_wait3A_9 = tpu.memref_slice %arg5[%mul3A_2] : memref<320000xi32, #tpu.memory_space<hbm>> -> memref<10000xi32, #tpu.memory_space<hbm>>
      tpu.wait_dma2 semaphore(%run_scoped3A : memref<!tpu.dma_semaphore, #tpu.memory_space<semaphore_mem>>) src(%dma_wait3A_9 : memref<10000xi32, #tpu.memory_space<hbm>>) dst(%arg10 : memref<10000xi32, #tpu.memory_space<vmem>>)
      tpu.yield
    }) : () -> ()
    %scan3A = arith.constant 0 : i32
    %scan3A_3 = arith.constant 0 : i32
    %scan3A_4 = arith.constant 625 : i32
    %scan3A_5 = arith.addi %scan3A_3, %scan3A_4 : i32
    %scan3A_6 = arith.constant 1 : i32
    scf.for %scan3A_8 = %scan3A_3 to %scan3A_5 step %scan3A_6  : i32 {
      %mul3A_9 = arith.constant 16 : i32
      %mul3A_10 = arith.muli %scan3A_8, %mul3A_9 : i32
      %get3A = arith.index_cast %mul3A_10 : i32 to index
      %get3A_11 = tpu.vector_load %arg10[%get3A] {strides = array<i32>} : memref<10000xi32, #tpu.memory_space<vmem>>, vector<16xi32>,
      %gather3A = tpu.vector_load_idx %arg7[%get3A_11] : memref<10000xf32, #tpu.memory_space<vmem>>[vector<16xi32>], vector<16xf32>,
      %get3A_12 = arith.index_cast %mul3A_10 : i32 to index
      %get3A_13 = tpu.vector_load %arg9[%get3A_12] {strides = array<i32>} : memref<10000xi32, #tpu.memory_space<vmem>>, vector<16xi32>,
      %gather3A_14 = tpu.vector_load_idx %arg8[%get3A_13] : memref<10000xf32, #tpu.memory_space<vmem>>[vector<16xi32>], vector<16xf32>,
      %add3A_15 = arith.addf %gather3A, %gather3A_14 : vector<16xf32>
      %swap3A = arith.index_cast %mul3A_10 : i32 to index
      %swap3A_16 = tpu.vector_load %arg11[%swap3A] {strides = array<i32>} : memref<10000xf32, #tpu.memory_space<vmem>>, vector<16xf32>,
      tpu.vector_store %arg11[%swap3A], %add3A_15 {strides = array<i32>} : memref<10000xf32, #tpu.memory_space<vmem>>, vector<16xf32>,
    }
    %scan3A_7 = arith.constant 625 : i32
    "tpu.region"() ({
      %run_scoped3A = tpu.sem_alloc : memref<!tpu.dma_semaphore, #tpu.memory_space<semaphore_mem>>
      %dma_start3A = tpu.memref_slice %arg6[%mul3A_2] : memref<320000xf32, #tpu.memory_space<hbm>> -> memref<10000xf32, #tpu.memory_space<hbm>>
      %dma_start3A_8 = tpu.memref_slice %arg6[%mul3A_2] : memref<320000xf32, #tpu.memory_space<hbm>> -> memref<10000xf32, #tpu.memory_space<hbm>>
      tpu.enqueue_dma source(%arg11 : memref<10000xf32, #tpu.memory_space<vmem>>) target(%dma_start3A_8 : memref<10000xf32, #tpu.memory_space<hbm>>) target_semaphore(%run_scoped3A : memref<!tpu.dma_semaphore, #tpu.memory_space<semaphore_mem>>)
      %dma_wait3A = tpu.memref_slice %arg6[%mul3A_2] : memref<320000xf32, #tpu.memory_space<hbm>> -> memref<10000xf32, #tpu.memory_space<hbm>>
      %dma_wait3A_9 = tpu.memref_slice %arg6[%mul3A_2] : memref<320000xf32, #tpu.memory_space<hbm>> -> memref<10000xf32, #tpu.memory_space<hbm>>
      tpu.wait_dma2 semaphore(%run_scoped3A : memref<!tpu.dma_semaphore, #tpu.memory_space<semaphore_mem>>) src(%arg11 : memref<10000xf32, #tpu.memory_space<vmem>>) dst(%dma_wait3A_9 : memref<10000xf32, #tpu.memory_space<hbm>>)
      tpu.yield
    }) : () -> ()
    return
  }
}

module attributes {stable_mosaic.version = 14 : i64} {
  func.func @_node_body(%arg0: i32, %arg1: memref<1000x128xf32, #tpu.memory_space<vmem>>, %arg2: memref<128x128xf32, #tpu.memory_space<vmem>>, %arg3: memref<1x128xf32, #tpu.memory_space<vmem>>, %arg4: memref<1x128xf32, #tpu.memory_space<vmem>>, %arg5: memref<1x128xf32, #tpu.memory_space<vmem>>, %arg6: memref<1x2x1000xf32, #tpu.memory_space<vmem>>) attributes {dimension_semantics = [#tpu.dimension_semantics<arbitrary>], iteration_bounds = array<i64: 10>, scalar_prefetch = 0 : i64, scratch_operands = 0 : i64, tpu.core_type = #tpu.core_type<tc>, window_params = [{transform_indices = @transform_0, window_bounds = array<i64: 1000, 128>}, {pipeline_mode = #tpu.pipeline_mode<synchronous>, transform_indices = @transform_1, window_bounds = array<i64: 128, 128>}, {pipeline_mode = #tpu.pipeline_mode<synchronous>, transform_indices = @transform_2, window_bounds = array<i64: 1, 128>}, {pipeline_mode = #tpu.pipeline_mode<synchronous>, transform_indices = @transform_3, window_bounds = array<i64: 1, 128>}, {pipeline_mode = #tpu.pipeline_mode<synchronous>, transform_indices = @transform_4, window_bounds = array<i64: 1, 128>}, {transform_indices = @transform_5, window_bounds = array<i64: 1, 2, 1000>}]} {
    %get3A = arith.constant 0 : index
    %get3A_0 = arith.constant 0 : index
    %get3A_1 = vector.load %arg1[%get3A, %get3A_0] : memref<1000x128xf32, #tpu.memory_space<vmem>>, vector<1000x128xf32>
    %get3A_2 = arith.constant 0 : index
    %get3A_3 = arith.constant 0 : index
    %get3A_4 = vector.load %arg2[%get3A_2, %get3A_3] : memref<128x128xf32, #tpu.memory_space<vmem>>, vector<128x128xf32>
    %dot_general3A = arith.constant dense<0.000000e+00> : vector<1000x128xf32>
    %dot_general3A_5 = tpu.matmul %get3A_1, %get3A_4, %dot_general3A {dimension_numbers = #tpu.dot_dimension_numbers<[1], [0], [0], [1], [0, 0, 1, 1], [], []>, transpose_lhs_hint = false} : vector<1000x128xf32>, vector<128x128xf32>, vector<1000x128xf32> -> vector<1000x128xf32>
    %get3A_6 = arith.constant 0 : index
    %get3A_7 = arith.constant 0 : index
    %get3A_8 = vector.load %arg3[%get3A_6, %get3A_7] : memref<1x128xf32, #tpu.memory_space<vmem>>, vector<1x128xf32>
    %add3A = vector.broadcast %get3A_8 : vector<1x128xf32> to vector<1000x128xf32>
    %add3A_9 = arith.addf %dot_general3A_5, %add3A : vector<1000x128xf32>
    %gt3A = arith.constant 0.000000e+00 : f32
    %gt3A_10 = vector.broadcast %gt3A : f32 to vector<1000x128xf32>
    %gt3A_11 = arith.cmpf ogt, %add3A_9, %gt3A_10 : vector<1000x128xf32>
    %mul3A = arith.constant 3.000000e-01 : f32
    %mul3A_12 = vector.broadcast %mul3A : f32 to vector<1000x128xf32>
    %mul3A_13 = arith.mulf %mul3A_12, %add3A_9 : vector<1000x128xf32>
    %select_n3A = arith.select %gt3A_11, %add3A_9, %mul3A_13 : vector<1000x128xi1>, vector<1000x128xf32>
    %get3A_14 = arith.constant 0 : index
    %get3A_15 = arith.constant 0 : index
    %get3A_16 = vector.load %arg4[%get3A_14, %get3A_15] : memref<1x128xf32, #tpu.memory_space<vmem>>, vector<1x128xf32>
    %mul3A_17 = vector.broadcast %get3A_16 : vector<1x128xf32> to vector<1000x128xf32>
    %mul3A_18 = arith.mulf %select_n3A, %mul3A_17 : vector<1000x128xf32>
    %reduce_sum3A = arith.constant dense<0.000000e+00> : vector<1000xf32>
    %reduce_sum3A_19 = vector.multi_reduction <add>, %mul3A_18, %reduce_sum3A [1] : vector<1000x128xf32> to vector<1000xf32>
    %get3A_20 = arith.constant 0 : index
    %get3A_21 = arith.constant 0 : index
    %get3A_22 = vector.load %arg5[%get3A_20, %get3A_21] : memref<1x128xf32, #tpu.memory_space<vmem>>, vector<1x128xf32>
    %mul3A_23 = vector.broadcast %get3A_22 : vector<1x128xf32> to vector<1000x128xf32>
    %mul3A_24 = arith.mulf %select_n3A, %mul3A_23 : vector<1000x128xf32>
    %reduce_sum3A_25 = arith.constant dense<0.000000e+00> : vector<1000xf32>
    %reduce_sum3A_26 = vector.multi_reduction <add>, %mul3A_24, %reduce_sum3A_25 [1] : vector<1000x128xf32> to vector<1000xf32>
    %stack3A = vector.shape_cast %reduce_sum3A_19 : vector<1000xf32> to vector<1x1000xf32>
    %stack3A_27 = vector.shape_cast %reduce_sum3A_26 : vector<1000xf32> to vector<1x1000xf32>
    %stack3A_28 = tpu.concatenate %stack3A, %stack3A_27 in 0 : vector<1x1000xf32>, vector<1x1000xf32> -> vector<2x1000xf32>
    %broadcast_in_dim3A = vector.shape_cast %stack3A_28 : vector<2x1000xf32> to vector<1x2x1000xf32>
    %swap3A = arith.constant 0 : index
    %swap3A_29 = arith.constant 0 : index
    %swap3A_30 = arith.constant 0 : index
    %swap3A_31 = vector.load %arg6[%swap3A, %swap3A_29, %swap3A_30] : memref<1x2x1000xf32, #tpu.memory_space<vmem>>, vector<1x2x1000xf32>
    tpu.vector_store %arg6[%swap3A, %swap3A_29, %swap3A_30], %broadcast_in_dim3A {strides = array<i32>} : memref<1x2x1000xf32, #tpu.memory_space<vmem>>, vector<1x2x1000xf32>,
    return
  }
  func.func @transform_0(%arg0: i32) -> (i32, i32) {
    %c0_i32 = arith.constant 0 : i32
    %c0_i32_0 = arith.constant 0 : i32
    return %arg0, %c0_i32 : i32, i32
  }
  func.func @transform_1(%arg0: i32) -> (i32, i32) {
    %c0_i32 = arith.constant 0 : i32
    %c0_i32_0 = arith.constant 0 : i32
    %c0_i32_1 = arith.constant 0 : i32
    return %c0_i32, %c0_i32_0 : i32, i32
  }
  func.func @transform_2(%arg0: i32) -> (i32, i32) {
    %c0_i32 = arith.constant 0 : i32
    %c0_i32_0 = arith.constant 0 : i32
    %c0_i32_1 = arith.constant 0 : i32
    return %c0_i32, %c0_i32_0 : i32, i32
  }
  func.func @transform_3(%arg0: i32) -> (i32, i32) {
    %c0_i32 = arith.constant 0 : i32
    %c0_i32_0 = arith.constant 0 : i32
    %c0_i32_1 = arith.constant 0 : i32
    return %c0_i32, %c0_i32_0 : i32, i32
  }
  func.func @transform_4(%arg0: i32) -> (i32, i32) {
    %c0_i32 = arith.constant 0 : i32
    %c0_i32_0 = arith.constant 0 : i32
    %c0_i32_1 = arith.constant 0 : i32
    return %c0_i32, %c0_i32_0 : i32, i32
  }
  func.func @transform_5(%arg0: i32) -> (i32, i32, i32) {
    %c0_i32 = arith.constant 0 : i32
    %c0_i32_0 = arith.constant 0 : i32
    %c0_i32_1 = arith.constant 0 : i32
    return %arg0, %c0_i32, %c0_i32_0 : i32, i32, i32
  }
}

module attributes {stable_mosaic.version = 14 : i64} {
  func.func @_edge_body(%arg0: i32, %arg1: memref<1x6400xf32, #tpu.memory_space<vmem>>, %arg2: memref<6400x16xf32, #tpu.memory_space<vmem>>, %arg3: memref<16x128xf32, #tpu.memory_space<vmem>>, %arg4: memref<1x128xf32, #tpu.memory_space<vmem>>, %arg5: memref<128x128xf32, #tpu.memory_space<vmem>>, %arg6: memref<128x8xf32, #tpu.memory_space<vmem>>, %arg7: memref<6400x128xf32, #tpu.memory_space<vmem>>) attributes {dimension_semantics = [#tpu.dimension_semantics<arbitrary>], iteration_bounds = array<i64: 25>, scalar_prefetch = 0 : i64, scratch_operands = 0 : i64, tpu.core_type = #tpu.core_type<tc>, window_params = [{transform_indices = @transform_0, window_bounds = array<i64: 1, 6400>}, {transform_indices = @transform_1, window_bounds = array<i64: 6400, 16>}, {pipeline_mode = #tpu.pipeline_mode<synchronous>, transform_indices = @transform_2, window_bounds = array<i64: 16, 128>}, {pipeline_mode = #tpu.pipeline_mode<synchronous>, transform_indices = @transform_3, window_bounds = array<i64: 1, 128>}, {pipeline_mode = #tpu.pipeline_mode<synchronous>, transform_indices = @transform_4, window_bounds = array<i64: 128, 128>}, {pipeline_mode = #tpu.pipeline_mode<synchronous>, transform_indices = @transform_5, window_bounds = array<i64: 128, 8>}, {transform_indices = @transform_6, window_bounds = array<i64: 6400, 128>}]} {
    %get3A = arith.constant 0 : index
    %get3A_0 = arith.constant 0 : index
    %get3A_1 = vector.load %arg2[%get3A, %get3A_0] : memref<6400x16xf32, #tpu.memory_space<vmem>>, vector<6400x16xf32>
    %get3A_2 = arith.constant 0 : index
    %get3A_3 = arith.constant 0 : index
    %get3A_4 = vector.load %arg3[%get3A_2, %get3A_3] : memref<16x128xf32, #tpu.memory_space<vmem>>, vector<16x128xf32>
    %dot_general3A = arith.constant dense<0.000000e+00> : vector<6400x128xf32>
    %dot_general3A_5 = tpu.matmul %get3A_1, %get3A_4, %dot_general3A {dimension_numbers = #tpu.dot_dimension_numbers<[1], [0], [0], [1], [0, 0, 1, 1], [], []>, transpose_lhs_hint = false} : vector<6400x16xf32>, vector<16x128xf32>, vector<6400x128xf32> -> vector<6400x128xf32>
    %get3A_6 = arith.constant 0 : index
    %get3A_7 = arith.constant 0 : index
    %get3A_8 = vector.load %arg4[%get3A_6, %get3A_7] : memref<1x128xf32, #tpu.memory_space<vmem>>, vector<1x128xf32>
    %add3A = vector.broadcast %get3A_8 : vector<1x128xf32> to vector<6400x128xf32>
    %add3A_9 = arith.addf %dot_general3A_5, %add3A : vector<6400x128xf32>
    %get3A_10 = arith.constant 0 : index
    %get3A_11 = arith.constant 0 : index
    %get3A_12 = vector.load %arg1[%get3A_10, %get3A_11] : memref<1x6400xf32, #tpu.memory_space<vmem>>, vector<1x6400xf32>
    %reshape3A = vector.shape_cast %get3A_12 : vector<1x6400xf32> to vector<6400x1xf32>
    %mul3A = vector.broadcast %reshape3A : vector<6400x1xf32> to vector<6400x128xf32>
    %mul3A_13 = arith.mulf %add3A_9, %mul3A : vector<6400x128xf32>
    %exp3A = math.exp %mul3A_13 : vector<6400x128xf32>
    %get3A_14 = arith.constant 0 : index
    %get3A_15 = arith.constant 0 : index
    %get3A_16 = vector.load %arg6[%get3A_14, %get3A_15] : memref<128x8xf32, #tpu.memory_space<vmem>>, vector<128x8xf32>
    %dot_general3A_17 = arith.constant dense<0.000000e+00> : vector<6400x8xf32>
    %dot_general3A_18 = tpu.matmul %exp3A, %get3A_16, %dot_general3A_17 {dimension_numbers = #tpu.dot_dimension_numbers<[1], [0], [0], [1], [0, 0, 1, 1], [], []>, transpose_lhs_hint = false} : vector<6400x128xf32>, vector<128x8xf32>, vector<6400x8xf32> -> vector<6400x8xf32>
    %get3A_19 = arith.constant 0 : index
    %get3A_20 = arith.constant 0 : index
    %get3A_21 = vector.load %arg5[%get3A_19, %get3A_20] : memref<128x128xf32, #tpu.memory_space<vmem>>, vector<128x128xf32>
    %dot_general3A_22 = arith.constant dense<0.000000e+00> : vector<6400x128xf32>
    %dot_general3A_23 = tpu.matmul %exp3A, %get3A_21, %dot_general3A_22 {dimension_numbers = #tpu.dot_dimension_numbers<[1], [0], [0], [1], [0, 0, 1, 1], [], []>, transpose_lhs_hint = false} : vector<6400x128xf32>, vector<128x128xf32>, vector<6400x128xf32> -> vector<6400x128xf32>
    %slice3A = vector.extract_strided_slice %dot_general3A_18 {offsets = [0, 0], sizes = [6400, 1], strides = [1, 1]} : vector<6400x8xf32> to vector<6400x1xf32>
    %div3A = vector.broadcast %slice3A : vector<6400x1xf32> to vector<6400x128xf32>
    %div3A_24 = arith.divf %dot_general3A_23, %div3A : vector<6400x128xf32>
    %exp3A_25 = math.exp %div3A_24 : vector<6400x128xf32>
    %get3A_26 = arith.constant 0 : index
    %get3A_27 = arith.constant 0 : index
    %get3A_28 = vector.load %arg6[%get3A_26, %get3A_27] : memref<128x8xf32, #tpu.memory_space<vmem>>, vector<128x8xf32>
    %dot_general3A_29 = arith.constant dense<0.000000e+00> : vector<6400x8xf32>
    %dot_general3A_30 = tpu.matmul %exp3A_25, %get3A_28, %dot_general3A_29 {dimension_numbers = #tpu.dot_dimension_numbers<[1], [0], [0], [1], [0, 0, 1, 1], [], []>, transpose_lhs_hint = false} : vector<6400x128xf32>, vector<128x8xf32>, vector<6400x8xf32> -> vector<6400x8xf32>
    %slice3A_31 = vector.extract_strided_slice %dot_general3A_30 {offsets = [0, 0], sizes = [6400, 1], strides = [1, 1]} : vector<6400x8xf32> to vector<6400x1xf32>
    %div3A_32 = vector.broadcast %slice3A_31 : vector<6400x1xf32> to vector<6400x128xf32>
    %div3A_33 = arith.divf %exp3A_25, %div3A_32 : vector<6400x128xf32>
    %swap3A = arith.constant 0 : index
    %swap3A_34 = arith.constant 0 : index
    %swap3A_35 = vector.load %arg7[%swap3A, %swap3A_34] : memref<6400x128xf32, #tpu.memory_space<vmem>>, vector<6400x128xf32>
    tpu.vector_store %arg7[%swap3A, %swap3A_34], %div3A_33 {strides = array<i32>} : memref<6400x128xf32, #tpu.memory_space<vmem>>, vector<6400x128xf32>,
    return
  }
  func.func @transform_0(%arg0: i32) -> (i32, i32) {
    %c0_i32 = arith.constant 0 : i32
    %c0_i32_0 = arith.constant 0 : i32
    return %c0_i32, %arg0 : i32, i32
  }
  func.func @transform_1(%arg0: i32) -> (i32, i32) {
    %c0_i32 = arith.constant 0 : i32
    %c0_i32_0 = arith.constant 0 : i32
    return %arg0, %c0_i32 : i32, i32
  }
  func.func @transform_2(%arg0: i32) -> (i32, i32) {
    %c0_i32 = arith.constant 0 : i32
    %c0_i32_0 = arith.constant 0 : i32
    %c0_i32_1 = arith.constant 0 : i32
    return %c0_i32, %c0_i32_0 : i32, i32
  }
  func.func @transform_3(%arg0: i32) -> (i32, i32) {
    %c0_i32 = arith.constant 0 : i32
    %c0_i32_0 = arith.constant 0 : i32
    %c0_i32_1 = arith.constant 0 : i32
    return %c0_i32, %c0_i32_0 : i32, i32
  }
  func.func @transform_4(%arg0: i32) -> (i32, i32) {
    %c0_i32 = arith.constant 0 : i32
    %c0_i32_0 = arith.constant 0 : i32
    %c0_i32_1 = arith.constant 0 : i32
    return %c0_i32, %c0_i32_0 : i32, i32
  }
  func.func @transform_5(%arg0: i32) -> (i32, i32) {
    %c0_i32 = arith.constant 0 : i32
    %c0_i32_0 = arith.constant 0 : i32
    %c0_i32_1 = arith.constant 0 : i32
    return %c0_i32, %c0_i32_0 : i32, i32
  }
  func.func @transform_6(%arg0: i32) -> (i32, i32) {
    %c0_i32 = arith.constant 0 : i32
    %c0_i32_0 = arith.constant 0 : i32
    return %arg0, %c0_i32 : i32, i32
  }
}

module attributes {stable_mosaic.version = 14 : i64} {
  func.func @_combine_body(%arg0: i32, %arg1: memref<1000x128xf32, #tpu.memory_space<vmem>>, %arg2: memref<1000x128xf32, #tpu.memory_space<vmem>>, %arg3: memref<1000x128xf32, #tpu.memory_space<vmem>>, %arg4: memref<1000x128xf32, #tpu.memory_space<vmem>>, %arg5: memref<1000x128xf32, #tpu.memory_space<vmem>>) attributes {dimension_semantics = [#tpu.dimension_semantics<arbitrary>], iteration_bounds = array<i64: 10>, scalar_prefetch = 0 : i64, scratch_operands = 0 : i64, tpu.core_type = #tpu.core_type<tc>, window_params = [{transform_indices = @transform_0, window_bounds = array<i64: 1000, 128>}, {transform_indices = @transform_1, window_bounds = array<i64: 1000, 128>}, {transform_indices = @transform_2, window_bounds = array<i64: 1000, 128>}, {transform_indices = @transform_3, window_bounds = array<i64: 1000, 128>}, {transform_indices = @transform_4, window_bounds = array<i64: 1000, 128>}]} {
    %get3A = arith.constant 0 : index
    %get3A_0 = arith.constant 0 : index
    %get3A_1 = vector.load %arg1[%get3A, %get3A_0] : memref<1000x128xf32, #tpu.memory_space<vmem>>, vector<1000x128xf32>
    %get3A_2 = arith.constant 0 : index
    %get3A_3 = arith.constant 0 : index
    %get3A_4 = vector.load %arg2[%get3A_2, %get3A_3] : memref<1000x128xf32, #tpu.memory_space<vmem>>, vector<1000x128xf32>
    %add3A = arith.addf %get3A_1, %get3A_4 : vector<1000x128xf32>
    %get3A_5 = arith.constant 0 : index
    %get3A_6 = arith.constant 0 : index
    %get3A_7 = vector.load %arg3[%get3A_5, %get3A_6] : memref<1000x128xf32, #tpu.memory_space<vmem>>, vector<1000x128xf32>
    %get3A_8 = arith.constant 0 : index
    %get3A_9 = arith.constant 0 : index
    %get3A_10 = vector.load %arg4[%get3A_8, %get3A_9] : memref<1000x128xf32, #tpu.memory_space<vmem>>, vector<1000x128xf32>
    %add3A_11 = arith.addf %get3A_7, %get3A_10 : vector<1000x128xf32>
    %add3A_12 = arith.addf %add3A, %add3A_11 : vector<1000x128xf32>
    %gt3A = arith.constant 0.000000e+00 : f32
    %gt3A_13 = vector.broadcast %gt3A : f32 to vector<1000x128xf32>
    %gt3A_14 = arith.cmpf ogt, %add3A_12, %gt3A_13 : vector<1000x128xf32>
    %mul3A = arith.constant 3.000000e-01 : f32
    %mul3A_15 = vector.broadcast %mul3A : f32 to vector<1000x128xf32>
    %mul3A_16 = arith.mulf %mul3A_15, %add3A_12 : vector<1000x128xf32>
    %select_n3A = arith.select %gt3A_14, %add3A_12, %mul3A_16 : vector<1000x128xi1>, vector<1000x128xf32>
    %swap3A = arith.constant 0 : index
    %swap3A_17 = arith.constant 0 : index
    %swap3A_18 = vector.load %arg5[%swap3A, %swap3A_17] : memref<1000x128xf32, #tpu.memory_space<vmem>>, vector<1000x128xf32>
    tpu.vector_store %arg5[%swap3A, %swap3A_17], %select_n3A {strides = array<i32>} : memref<1000x128xf32, #tpu.memory_space<vmem>>, vector<1000x128xf32>,
    return
  }
  func.func @transform_0(%arg0: i32) -> (i32, i32) {
    %c0_i32 = arith.constant 0 : i32
    %c0_i32_0 = arith.constant 0 : i32
    return %arg0, %c0_i32 : i32, i32
  }
  func.func @transform_1(%arg0: i32) -> (i32, i32) {
    %c0_i32 = arith.constant 0 : i32
    %c0_i32_0 = arith.constant 0 : i32
    return %arg0, %c0_i32 : i32, i32
  }
  func.func @transform_2(%arg0: i32) -> (i32, i32) {
    %c0_i32 = arith.constant 0 : i32
    %c0_i32_0 = arith.constant 0 : i32
    return %arg0, %c0_i32 : i32, i32
  }
  func.func @transform_3(%arg0: i32) -> (i32, i32) {
    %c0_i32 = arith.constant 0 : i32
    %c0_i32_0 = arith.constant 0 : i32
    return %arg0, %c0_i32 : i32, i32
  }
  func.func @transform_4(%arg0: i32) -> (i32, i32) {
    %c0_i32 = arith.constant 0 : i32
    %c0_i32_0 = arith.constant 0 : i32
    return %arg0, %c0_i32 : i32, i32
  }
}

</mosaic_0001>

<sc_bundles>
// kernel: kernel.12.cloned.1.call-start
scs
__scs_entry_jumppad:
0x0: {  	(pc) =	sbr.rel $0x88, $3  }
0x1: {  	(tag) =	ssettag $0x0;
	lr =	simm.s32 $0x1  }
0x2: {  	[smem:$0x3F98] =	sst lr;
	_ =	strace $0xD0000000  }
0x3: {  	_ = 	snop  }
0x4: {  	_ = 	snop  }
0x5: {  	_ = 	snop  }
0x6: {  	_ = 	snop  }
0x7: {  	_ = 	snop  }
__scs_overlays_trampoline_lowered:
0x8: {  	[smem:$0x3FA7] =	sst s0  }
0x9: {  	[smem:$0x3FA8] =	sst s1  }
0xa: {  	[smem:$0x3FA9] =	sst s2  }
0xb: {  	[smem:$0x3FAA] =	sst s3  }
0xc: {  	[smem:$0x3FAB] =	sst s4  }
0xd: {  	[smem:$0x3FAC] =	sst s5  }
0xe: {  	[smem:$0x3FAD] =	sst s6  }
0xf: {  	[smem:$0x3FAE] =	sst s7  }
0x10: {  	[smem:$0x3FAF] =	sst s8  }
0x11: {  	[smem:$0x3FB0] =	sst s9;
	s0 =	simm.s32 @!p0 $0x0  }
0x12: {  	s1 =	sld [smem:$0x3F96];
	s0 =	simm.s32 @p0 $0x1  }
0x13: {  	[smem:$0x3FB1] =	sst s0;
	s0 =	simm.s32 @!p1 $0x0  }
0x14: {  	s2 =	sld [smem:$0x3F95];
	s0 =	simm.s32 @p1 $0x1  }
0x15: {  	[smem:$0x3FB2] =	sst s0;
	s0 =	simm.s32 @!p2 $0x0  }
0x16: {  	s3 =	sld [smem:$0x3FDB];
	s0 =	simm.s32 @p2 $0x1  }
0x17: {  	s4 =	simm.s32 $0x1BF5;
	[smem:$0x3FB4] =	sst s0  }
0x18: {  	s0 =	sld [smem:$0x3F97];
	_ =	swait.ge [sflag:s4], $0x0  }
0x19: {  	s7 =	sld [smem:$0x3F98]  }
0x1a: {  	s8 =	sadd.s32 $0xFFFFE003, lr  }
0x1b: {  	s9 =	sadd.s32 $0xFFFFFEF7, lr;
	s5 =	simm.s32 $0xFFFFFFFF;
	p2 =	slt.u32 s8, $0xFFFFF086  }
0x1c: {  	p1 =	slt.u32 s9, $0xF7A;
	s5 =	simm.s32 @!p2 $0x0  }
0x1d: {  	s5 =	simm.s32 @p1 $0x1;
	p0 =	seq.s32 s7, s2  }
0x1e: {  	s7 =	smul.u32 @!p0 $0xF7A, s2;
	p2 =	seq.s32 @!p0 s5, $0x0  }
0x1f: {  	s9 =	smul.u32 $0xF7A, s1;
	s8 =	simm.s32 @!p0 $0x1BF5;
	p2 =	por !p2, p0  }
0x20: {  	[sflag:s8] =	ssyncset.s32 @!p0 $0xFFFFF086;
	s6 =	sadd.s32 @!p0 s3, s7;
	s7 =	simm.s32 @!p0 $0x108  }
0x21: {  	s3 =	sadd.s32 s3, s9;
	s6 =	sadd.s32 @!p0 $0x88, s6;
	s7 =	simm.s32 @p2 $0x1082  }
0x22: {  	[simem:s7], [sflag:s8] =	dma.local @!p0 [hbm:s6], $0xF7A  }
0x23: {  	s9 =	sor.u32 $0xD0000000, s2;
	s6 =	simm.s32 $0x108;
	_ =	swait.ge @!p0 [sflag:s8], $0x0  }
0x24: {  	s3 =	sadd.s32 $0x88, s3;
	s6 =	simm.s32 @!p1 $0x1082;
	[sflag:s4] =	ssyncset.s32 $0xFFFFF086  }
0x25: {  	[simem:s6], [sflag:s4] =	dma.local [hbm:s3], $0xF7A  }
0x26: {  	[smem:$0x3F98] =	sst s1;
	(tag) =	ssettag s2;
	_ =	strace s9  }
0x27: {  	s1 =	sld [smem:$0x3FA8]  }
0x28: {  	s2 =	sld [smem:$0x3FA9]  }
0x29: {  	s4 =	sld [smem:$0x3FAB]  }
0x2a: {  	p0 =	seq.s32 s5, $0x0;
	s5 =	sld [smem:$0x3FAC]  }
0x2b: {  	s6 =	sld [smem:$0x3FAD]  }
0x2c: {  	s7 =	sld [smem:$0x3FAE]  }
0x2d: {  	s3 =	simm.s32 $0x108;
	s8 =	sld [smem:$0x3FAF]  }
0x2e: {  	s3 =	simm.s32 @!p0 $0x1082;
	s9 =	sld [smem:$0x3FB0]  }
0x2f: {  	lr =	sadd.s32 s0, s3;
	s0 =	sld [smem:$0x3FA7]  }
0x30: {  	s3 =	sld [smem:$0x3FAA]  }
0x31: {  	[smem:$0x3FB3] =	sst s10  }
0x32: {  	s10 =	sld [smem:$0x3FB1];
	_ =	sdelay $0x3  }
0x33: {  	p0 =	seq.s32 s10, $0x1;
	s10 =	sld [smem:$0x3FB3];
	_ =	sdelay $0x3  }
0x34: {  	[smem:$0x3FB3] =	sst s10  }
0x35: {  	s10 =	sld [smem:$0x3FB2];
	_ =	sdelay $0x3  }
0x36: {  	p1 =	seq.s32 s10, $0x1;
	s10 =	sld [smem:$0x3FB3];
	_ =	sdelay $0x3  }
0x37: {  	[smem:$0x3FB3] =	sst s10  }
0x38: {  	s10 =	sld [smem:$0x3FB4]  }
0x39: {  	_ = 	snop;
	(pc) =	sbr.ind lr, $3  }
0x3a: {  	_ = 	snop  }
0x3b: {  	_ = 	snop  }
0x3c: {  	p2 =	seq.s32 s10, $0x1;
	s10 =	sld [smem:$0x3FB3]  }
0x3d: {  	_ =	shalt  }
0x3e: {  	_ =	shalt  }
0x3f: {  	_ =	shalt  }
0x40: {  	_ =	shalt  }
0x41: {  	_ =	shalt  }
0x42: {  	_ =	shalt  }
0x43: {  	_ =	shalt  }
0x44: {  	_ =	shalt  }
0x45: {  	_ =	shalt  }
0x46: {  	_ =	shalt  }
0x47: {  	_ =	shalt  }
0x48: {  	_ =	shalt  }
0x49: {  	_ =	shalt  }
0x4a: {  	_ =	shalt  }
0x4b: {  	_ =	shalt  }
0x4c: {  	_ =	shalt  }
0x4d: {  	_ =	shalt  }
0x4e: {  	_ =	shalt  }
0x4f: {  	_ =	shalt  }
0x50: {  	_ =	shalt  }
0x51: {  	_ =	shalt  }
0x52: {  	_ =	shalt  }
0x53: {  	_ =	shalt  }
0x54: {  	_ =	shalt  }
0x55: {  	_ =	shalt  }
0x56: {  	_ =	shalt  }
0x57: {  	_ =	shalt  }
0x58: {  	_ =	shalt  }
0x59: {  	_ =	shalt  }
0x5a: {  	_ =	shalt  }
0x5b: {  	_ =	shalt  }
0x5c: {  	_ =	shalt  }
0x5d: {  	_ =	shalt  }
0x5e: {  	_ =	shalt  }
0x5f: {  	_ =	shalt  }
0x60: {  	_ =	shalt  }
0x61: {  	_ =	shalt  }
0x62: {  	_ =	shalt  }
0x63: {  	_ =	shalt  }
0x64: {  	_ =	shalt  }
0x65: {  	_ =	shalt  }
0x66: {  	_ =	shalt  }
0x67: {  	_ =	shalt  }
0x68: {  	_ =	shalt  }
0x69: {  	_ =	shalt  }
0x6a: {  	_ =	shalt  }
0x6b: {  	_ =	shalt  }
0x6c: {  	_ =	shalt  }
0x6d: {  	_ =	shalt  }
0x6e: {  	_ =	shalt  }
0x6f: {  	_ =	shalt  }
0x70: {  	_ =	shalt  }
0x71: {  	_ =	shalt  }
0x72: {  	_ =	shalt  }
0x73: {  	_ =	shalt  }
0x74: {  	_ =	shalt  }
0x75: {  	_ =	shalt  }
0x76: {  	_ =	shalt  }
0x77: {  	_ =	shalt  }
0x78: {  	_ =	shalt  }
0x79: {  	_ =	shalt  }
0x7a: {  	_ =	shalt  }
0x7b: {  	_ =	shalt  }
0x7c: {  	_ =	shalt  }
0x7d: {  	_ =	shalt  }
0x7e: {  	_ =	shalt  }
0x7f: {  	_ =	shalt  }
0x80: {  	_ =	shalt  }
0x81: {  	_ =	shalt  }
0x82: {  	_ =	shalt  }
0x83: {  	_ =	shalt  }
0x84: {  	_ =	shalt  }
0x85: {  	_ =	shalt  }
0x86: {  	_ =	shalt  }
0x87: {  	_ =	shalt  }
.Lfunc_end0:
.L_simem_size_0:
called_computation.1_lowered:
.L_overlay_start_0:
0x88: {  	s2 =	sld [smem:$0x3FD9]  }
0x89: {  	s3 =	sld [smem:$0x3FFE];
	_ =	sdelay $0x1  }
0x8a: {  	s1 =	srdreg.scid  }
0x8b: {  	s0 =	sand.u32 $0x1, s1  }
0x8c: {  	s17 =	sshll.u32 s0, $0xA;
	s2 =	sadd.s32 s3, s2  }
0x8d: {  	s2 =	sadd.s32 s2, s17  }
0x8e: {  	[smem:$0x3FBF] =	sst s2  }
0x8f: {  	_ = 	snop  }
0x90: {  	s18 =	sld [smem:$0x3FC9]  }
0x91: {  	s4 =	sld [smem:$0x3FD0];
	(tm) =	ssettm $0x1  }
0x92: {  	s19 =	sld [smem:$0x3FFB];
	_ =	sdelay $0x3  }
0x93: {  	_ =	strace s19  }
0x94: {  	s2 =	sld [smem:$0x3FFC];
	_ =	sdelay $0x3  }
0x95: {  	_ =	strace s2  }
0x96: {  	s2 =	sld [smem:$0x3FFD];
	_ =	sdelay $0x3  }
0x97: {  	_ =	strace s2  }
0x98: {  	_ =	strace $0x8FFFFFFF  }
0x99: {  	s20 =	sld [smem:$0x3FDB];
	_ =	sdelay $0x1  }
0x9a: {  	s5 =	simm.s32 $_scs_section_size  }
0x9b: {  	s6 =	simm.s32 $_size__tile_overlayer_lowered;
	s7 =	simm.s32 $_tile_overlayer_lowered  }
0x9c: {  	s8 =	simm.s32 $0x1BFF;
	s21 =	sshll.u32 s7, $0x1;
	s5 =	sadd.s32 s5, s20  }
0x9d: {  	s22 =	simm.s32 $0x0;
	s6 =	sshll.u32 s6, $0x1;
	s7 =	sadd.s32 s21, s5  }
0x9e: {  	[timem:s22], [sflag:s8] =	dma.local [hbm:s7], s6  }
0x9f: {  	_ =	swait.ge [sflag:s8], s6  }
0xa0: {  	s6 =	ssub.s32 $0x0, s6;
	[sflag:s8] =	ssyncset.done $0x0  }
0xa1: {  	[sflag:s8] =	ssyncadd.s32 s6;
	_ =	sdelay $0x1  }
0xa2: {  	s23 =	simm.s32 $0x1B8B  }
0xa3: {  	_ =	swait.ge [sflag:s23], $0x1  }
0xa4: {  	[sflag:s23] =	ssyncset.done $0x0  }
0xa5: {  	[sflag:s23] =	ssyncadd.s32 $0xFFFFFFFF  }
0xa6: {  	s6 =	sld [smem:$0x0]  }
0xa7: {  	s7 =	sand.u32 $0xFFFFFFFE, s1  }
0xa8: {  	p0 =	sne.s32 s1, s7  }
0xa9: {  	s7 =	sshll.u32 @p0 s7, $0xE  }
0xaa: {  	s7 =	sadd.s32 @p0 $0x11B8D, s7;
	s8 =	sshll.u32 @p0 s6, $0x11  }
0xab: {  	s7 =	sor.u32 @p0 s8, s7  }
0xac: {  	[sflag:s7] =	ssyncadd.remote.s32 @p0 $0x1;
	_ =	sdelay $0x1  }
0xad: {  	s7 =	simm.s32 @p0 $0x1B8D  }
0xae: {  	_ =	swait.eq @p0 [sflag:s7], $0x1  }
0xaf: {  	[sflag:s7] =	ssyncadd.s32 @p0 $0xFFFFFFFF  }
0xb0: {  	s8 =	sshll.u32 @!p0 s1, $0xE  }
0xb1: {  	s8 =	sor.u32 @!p0 $0x4000, s8;
	s7 =	simm.s32 @!p0 $0x1B8D  }
0xb2: {  	s6 =	sshll.u32 @!p0 s6, $0x11;
	s8 =	sadd.s32 @!p0 $0x11B8D, s8;
	_ =	swait.eq @!p0 [sflag:s7], $0x1  }
0xb3: {  	s6 =	sor.u32 @!p0 s6, s8;
	[sflag:s7] =	ssyncadd.s32 @!p0 $0xFFFFFFFF  }
0xb4: {  	s25 =	simm.s32 $0x1B8E;
	s24 =	sld [smem:$0x3FFE];
	[sflag:s6] =	ssyncadd.remote.s32 @!p0 $0x1  }
0xb5: {  	s26 =	simm.s32 $execute0_lowered;
	[smem:$0x3FD2] =	sst s25  }
0xb6: {  	s7 =	sshll.u32 s26, $0x1;
	_ =	strace $0x8000004C;
	[dreg:$0x1] =	wrdreg $0xFFFFFFFF  }
0xb7: {  	s28 =	simm.s32 $_size_execute0_lowered;
	s5 =	sadd.s32 s5, s7;
	[dreg:$0x0] =	wrdreg $0x0  }
0xb8: {  	s7 =	sshll.u32 s28, $0x1;
	[dreg:$0x2] =	wrdreg s5  }
0xb9: {  	[dreg:$0x3] =	wrdreg s7  }
0xba: {  	[dreg:$0x4] =	wrdreg $0xC0  }
0xbb: {  	_ =	task [dreg:s22], $0x5FFFF  }
0xbc: {  	[dreg:$0x1] =	wrdreg $0xFFFFFFFF  }
0xbd: {  	[dreg:$0x0] =	wrdreg $0x60  }
0xbe: {  	[dreg:$0x2] =	wrdreg s24  }
0xbf: {  	[dreg:$0x3] =	wrdreg s18  }
0xc0: {  	[dreg:$0x4] =	wrdreg s4  }
0xc1: {  	[dreg:$0x5] =	wrdreg $0xC3000  }
0xc2: {  	[dreg:$0x6] =	wrdreg $0x9  }
0xc3: {  	_ =	task.clear_ibuf [dreg:s22], $0x7FFFF;
	_ =	strace $0x9000004C  }
0xc4: {  	s29 =	simm.s32 $0x9;
	_ =	strace $0x8000004E  }
0xc5: {  	_ =	swait.ge [sflag:s29], $0x1  }
0xc6: {  	[sflag:s29] =	ssyncadd.s32 $0xFFFFFFFF  }
0xc7: {  	_ =	strace $0x9000004E  }
0xc8: {  	_ =	sfence  }
0xc9: {  	s30 =	sld [smem:$0x0];
	_ =	sdelay $0x2  }
0xca: {  	s31 =	sshll.u32 s1, $0xD;
	s1 =	sshrl.u32 s1, $0x2  }
0xcb: {  	s4 =	sand.u32 $0x4000, s31;
	s1 =	sadd.s32 s1, s30  }
0xcc: {  	s0 =	sor.u32 s4, s0;
	s1 =	sshll.u32 s1, $0x11  }
0xcd: {  	s0 =	sor.u32 s1, s0  }
0xce: {  	s0 =	sadd.s32 $0x8F2B, s0  }
0xcf: {  	[sflag:s0] =	ssyncadd.remote.s32 $0x1  }
0xd0: {  	_ =	sfence.sel $0xFFFF  }
0xd1: {  	[dreg:$0x0] =	wrdreg $0xFFFFFFFF;
	(pc) =	sbr.abs _section_cstart, $3  }
0xd2: {  	[dreg:$0x1] =	wrdreg $0xFFFFFFFF  }
0xd3: {  	_ =	task.clear_ibuf [dreg:s22], $0x2FFFF;
	_ =	strace $0x9FFFFFFF  }
0xd4: {  	(tm) =	ssettm $0x7FFFFFFF  }
0xd5: {  	_ =	shalt  }
tec
execute0_lowered:
.L_overlay_start_1:
0x0: {  	(tag) =	ssettag $0x1  }
0x1: {  	s0 =	rddreg [dreg:$0x0]  }
0x2: {  	s1 =	rddreg [dreg:$0x1]  }
0x3: {  	s2 =	rddreg [dreg:$0x2]  }
0x4: {  	s3 =	rddreg [dreg:$0x3]  }
0x5: {  	s4 =	simm.s32 $0x0;
	s5 =	srdreg.scid;
	s14 =	stileid.u32  }
0x6: {  	s23 =	simm.s32 $0x7;
	s28 =	simm.s32 $0x200;
	s29 =	simm.s32 $0x300  }
0x7: {  	s30 =	simm.s32 $0x4300;
	s31 =	simm.s32 $0x4;
	[smem:$0x7FF] =	sst s4  }
0x8: {  	s6 =	sadd.s32 $0x7C1400, s0;
	s5 =	sand.u32 $0x1, s5;
	s7 =	sadd.s32 $0x9200, s0  }
0x9: {  	s9 =	sshll.u32 s14, $0x1;
	s10 =	sadd.s32 $0x6A00, s0;
	s11 =	smul.u32 $0x4F000, s14  }
0xa: {  	s17 =	sadd.s32 $0x7C1800, s0;
	s8 =	smul.u32 $0x27100, s5;
	s24 =	sor.u32 s5, s9  }
0xb: {  	p0 =	seq.s32 s14, $0xF;
	_ =	strace $0x8000004D;
	s9 =	smul.u32 $0x28, s24  }
0xc: {  	[dreg:$0x5] =	wrdreg s10;
	s5 =	ssub.s32 $0x2, s5;
	s13 =	smul.u32 $0x280, s24  }
0xd: {  	s12 =	sshrl.u32 s5, $0x1;
	s11 =	sshrl.u32 s11, $0x2;
	s10 =	smul.u32 $0x14000, s24  }
0xe: {  	s24 =	simm.s32 $0x80;
	s8 =	sadd.s32 s8, s0;
	s11 =	sadd.s32 s11, s3  }
0xf: {  	s5 =	ssub.s32 s5, s12;
	[dreg:$0x6] =	wrdreg s11;
	s15 =	sadd.s32 s2, s13  }
0x10: {  	s11 =	sadd.s32 $0x128400, s3;
	s13 =	sadd.s32 s7, s13;
	[dreg:$0x7] =	wrdreg s15  }
0x11: {  	s25 =	ssub.s32 $0x4E2, s9;
	s26 =	sadd.s32 s6, s10;
	[dreg:$0xa] =	wrdreg s13  }
0x12: {  	s0 =	sadd.s32 s10, s17;
	s8 =	sadd.s32 $0xE200, s8;
	[dreg:$0xb] =	wrdreg s26  }
0x13: {  	s5 =	smax.u32 s5, $0x1;
	s10 =	simm.s32 $0x6;
	[dreg:$0xc] =	wrdreg s0  }
0x14: {  	s12 =	smin.u32 s25, $0x28;
	s16 =	sadd.s32 $0x10, s15;
	[dreg:$0xe] =	wrdreg s5  }
0x15: {  	s15 =	sadd.s32 $0x20, s15;
	s0 =	smul.u32 $0x2780, s14;
	[dreg:$0xd] =	wrdreg s8  }
.Ltmp0:
0x16: {  	s5 =	sshll.u32 @!p0 s14, $0x6;
	[dreg:$0x8] =	wrdreg s16;
	(pc) =	sbr.rel .LBB2_1-.Ltmp0, $4  }
0x17: {  	s26 =	simm.s32 $0x3;
	[dreg:$0x9] =	wrdreg s15;
	s16 =	sshrl.u32 @p0 s11, $0x3  }
0x18: {  	s13 =	simm.s32 $0x280;
	s18 =	sor.u32 @!p0 $0x1C07, s5;
	[dreg:$0xf] =	wrdreg s16  }
0x19: {  	s14 =	simm.s32 $0x0;
	s0 =	sadd.s32 @!p0 s0, s8;
	[dreg:$0x10] =	wrdreg s18  }
0x1a: {  	s5 =	simm.s32 $0x1;
	[dreg:$0x11] =	wrdreg s0;
	s0 =	simm.s32 $0x2  }
.LBB2_29:
0x1b: {  	[bflag:$0x0] =	sbarrier.arrive $0xFFFF  }
0x1c: {  	s8 =	rddreg [dreg:$0xd]  }
0x1d: {  	s11 =	simm.s32 @p0 $0x1FC7;
	s16 =	rddreg [dreg:$0xf];
	s8 =	sadd.s32 @p0 $0x25080, s8  }
0x1e: {  	[hbm:s8], [sflag:s11] =	dma.local @p0 [spmem:s16], $0x2080  }
0x1f: {  	s8 =	simm.s32 @p0 $0x7  }
0x20: {  	_ =	swait.ge @p0 [sflag:s8], $0x2080  }
0x21: {  	[sflag:s8] =	ssyncset.done @p0 $0x0;
	s18 =	rddreg [dreg:$0x10]  }
0x22: {  	[sflag:s8] =	ssyncadd.s32 @p0 $0xFFFFDF80;
	s8 =	rddreg [dreg:$0x11]  }
0x23: {  	[hbm:s8], [sflag:s18] =	dma.local @!p0 [spmem:s15], $0x2780  }
0x24: {  	s8 =	simm.s32 @!p0 $0x7  }
0x25: {  	_ =	swait.ge @!p0 [sflag:s8], $0x2780  }
0x26: {  	s14 =	sadd.s32 $0x1, s14;
	s25 =	rddreg [dreg:$0xe]  }
0x27: {  	p1 =	sne.s32 s14, s25  }
.Ltmp1:
0x28: {  	_ = 	snop;
	(pc) =	sbr.rel @!p1 .LBB2_30-.Ltmp1, $3  }
0x29: {  	_ =	sdelay $0x1  }
0x2a: {  	[sflag:s8] =	ssyncset.done @!p0 $0x0  }
0x2b: {  	[sflag:s8] =	ssyncadd.s32 @!p0 $0xFFFFD880  }
.LBB2_1:
0x2c: {  	s8 =	simm.s32 @p0 $0x1FC7;
	s11 =	rddreg [dreg:$0x5]  }
0x2d: {  	[spmem:s16], [sflag:s8] =	dma.local @p0 [hbm:s11], $0x2080  }
0x2e: {  	s8 =	simm.s32 @p0 $0x7  }
0x2f: {  	_ =	swait.ge @p0 [sflag:s8], $0x2080  }
0x30: {  	[sflag:s8] =	ssyncset.done @p0 $0x0  }
0x31: {  	[sflag:s8] =	ssyncadd.s32 @p0 $0xFFFFDF80;
	s8 =	rddreg [dreg:$0x6]  }
0x32: {  	s15 =	sshrl.u32 @!p0 s8, $0x3;
	s8 =	simm.s32 @!p0 $0x7  }
0x33: {  	[spmem:s15], [sflag:s18] =	dma.local @!p0 [hbm:s11], $0x2780  }
0x34: {  	_ =	swait.ge @!p0 [sflag:s8], $0x2780  }
0x35: {  	[sflag:s8] =	ssyncset.done @!p0 $0x0  }
0x36: {  	[sflag:s8] =	ssyncadd.s32 @!p0 $0xFFFFD880  }
0x37: {  	[bflag:$0x0] =	sbarrier.arrive $0xFFFF  }
0x38: {  	s25 =	rddreg [dreg:$0x7]  }
0x39: {  	[tilespmem:s4], [sflag:$0x7] =	stream.linear.gather [hbm4b:s25+s4], $0x80, $0x38;
	[tilespmem:$0x1FB80] =	vst v63  }
0x3a: {  	_ =	swait.ge [sflag:s23], $0x80  }
0x3b: {  	[sflag:s23] =	ssyncset.done $0x0  }
0x3c: {  	s11 =	rddreg [dreg:$0x8];
	[sflag:s23] =	ssyncadd.s32 $0xFFFFFF80  }
0x3d: {  	[tilespmem:s24], [sflag:$0x7] =	stream.linear.gather [hbm4b:s11+s4], $0x80, $0x38;
	[tilespmem:$0x1FB80] =	vst v63  }
0x3e: {  	_ =	swait.ge [sflag:s23], $0x80  }
0x3f: {  	[sflag:s23] =	ssyncset.done $0x0  }
0x40: {  	s18 =	simm.s32 $0x100;
	s16 =	rddreg [dreg:$0x9];
	[sflag:s23] =	ssyncadd.s32 $0xFFFFFF80  }
0x41: {  	[tilespmem:s18], [sflag:$0x7] =	stream.linear.gather [hbm4b:s16+s4], $0x80, $0x38;
	[tilespmem:$0x1FB80] =	vst v63  }
0x42: {  	_ =	swait.ge [sflag:s23], $0x80  }
0x43: {  	[sflag:s23] =	ssyncset.done $0x0  }
0x44: {  	s19 =	rddreg [dreg:$0xa];
	[sflag:s23] =	ssyncadd.s32 $0xFFFFFF80  }
0x45: {  	[tilespmem:s28], [sflag:$0x7] =	stream.linear.gather [hbm4b:s19+s4], $0x80, $0x38;
	[tilespmem:$0x1FB80] =	vst v63  }
0x46: {  	_ =	swait.ge [sflag:s23], $0x80  }
0x47: {  	[sflag:s23] =	ssyncset.done $0x0  }
0x48: {  	[sflag:s23] =	ssyncadd.s32 $0xFFFFFF80  }
0x49: {  	[tilespmem:s29], [sflag:$0x1] =	stream.indirect.gather [hbm4b:s1+s24], $0x80, s4, s24, $0xb8;
	[tilespmem:$0x1FB80] =	vst v63  }
0x4a: {  	_ = 	snop  }
0x4b: {  	[tilespmem:s30], [sflag:$0x2] =	stream.indirect.gather [hbm4b:s1+s24], $0x80, s24, s24, $0xb8;
	[tilespmem:$0x1FB80] =	vst v63  }
.Ltmp2:
0x4c: {  	_ = 	snop;
	(pc) =	sbr.rel .LBB2_2-.Ltmp2, $4  }
0x4d: {  	s21 =	simm.s32 $0x8300;
	s20 =	rddreg [dreg:$0xb]  }
0x4e: {  	[tilespmem:s21], [sflag:$0x3] =	stream.linear.gather [hbm4b:s20+s4], $0x2000, $0x38;
	[tilespmem:$0x1FB80] =	vst v63  }
0x4f: {  	s25 =	simm.s32 $0xA300;
	s16 =	simm.s32 $0x0;
	s22 =	rddreg [dreg:$0xc]  }
0x50: {  	[tilespmem:s25], [sflag:$0x4] =	stream.linear.gather [hbm4b:s22+s4], $0x2000, $0x38;
	[tilespmem:$0x1FB80] =	vst v63  }
.LBB2_27:
0x51: {  	[tilespmem:s8+$0x6300] =	vst v12;
	v5 =	vmul.f32 v10, v5;
	v63 =	vld [tilespmem:s8+$0x6370]  }
0x52: {  	[tilespmem:s8+$0x6310] =	vst v11;
	v4 =	vmul.f32 v9, v4  }
0x53: {  	v3 =	vmul.f32 v8, v3;
	[tilespmem:s8+$0x6320] =	vst v5  }
0x54: {  	v2 =	vmul.f32 v6, v2;
	[tilespmem:s8+$0x6330] =	vst v4  }
0x55: {  	v1 =	vmul.f32 v7, v1;
	[tilespmem:s8+$0x6340] =	vst v3  }
0x56: {  	[tilespmem:s8+$0x6350] =	vst v2;
	v0 =	vmul.f32 v63, v0  }
0x57: {  	[tilespmem:s8+$0x6360] =	vst v1  }
0x58: {  	s18 =	simm.s32 @!p1 $0xA300;
	[tilespmem:s8+$0x6370] =	vst v0;
	s8 =	sadd.s32 @!p1 s11, s17;
	s11 =	simm.s32 @!p1 $0x0  }
0x59: {  	[tilespmem:s18], [sflag:$0x4] =	stream.linear.gather @!p1 [hbm4b:s8+s11], $0x2000, $0x38;
	[tilespmem:$0x1FB80] =	vst v63  }
0x5a: {  	_ =	swait.ge [sflag:s10], $0x80  }
0x5b: {  	[sflag:s10] =	ssyncset.done $0x0  }
0x5c: {  	[sflag:s10] =	ssyncadd.s32 $0xFFFFFF80  }
0x5d: {  	[spmem:s3] =	stream.indirect.scatter.add.f32 [tilespmem:s30], [sflag:$0x7], $0x80, s13, s24, $0xb8;
	[tilespmem:$0x1FB80] =	vst v63  }
0x5e: {  	_ =	swait.ge [sflag:s23], $0x4000  }
0x5f: {  	[sflag:s23] =	ssyncset.done $0x0  }
0x60: {  	s8 =	simm.s32 @!p2 $0x5;
	[sflag:s23] =	ssyncadd.s32 $0xFFFFC000  }
0x61: {  	_ =	swait.ge @!p2 [sflag:s8], $0x80  }
0x62: {  	[sflag:s8] =	ssyncset.done @!p2 $0x0  }
0x63: {  	s11 =	simm.s32 @!p2 $0x4300;
	[sflag:s8] =	ssyncadd.s32 @!p2 $0xFFFFFF80;
	s8 =	simm.s32 @!p2 $0x80  }
0x64: {  	[tilespmem:s11], [sflag:$0x2] =	stream.indirect.gather @!p2 [hbm4b:s1+s8], $0x80, s8, s8, $0xb8;
	[tilespmem:$0x1FB80] =	vst v63  }
.LBB2_28:
0x65: {  	s16 =	sadd.s32 $0x1, s16  }
0x66: {  	p1 =	sne.s32 s16, $0xA  }
.Ltmp3:
0x67: {  	_ = 	snop;
	(pc) =	sbr.rel @!p1 .LBB2_29-.Ltmp3, $1  }
0x68: {  	_ =	sdelay $0x3  }
.LBB2_2:
0x69: {  	s18 =	sshll.u32 s16, $0x2  }
0x6a: {  	p1 =	slt.u32 s18, s12  }
.Ltmp4:
0x6b: {  	_ = 	snop;
	(pc) =	sbr.rel @!p1 .LBB2_3-.Ltmp4, $2  }
0x6c: {  	_ =	sdelay $0x2  }
0x6d: {  	s20 =	sor.u32 $0x3, s18  }
0x6e: {  	s8 =	sor.u32 $0x3, s18  }
0x6f: {  	p1 =	sge.u32 s8, s12  }
0x70: {  	s8 =	sadd.s32 @!p1 s9, s8  }
0x71: {  	s8 =	sshll.u32 @!p1 s8, $0x4  }
0x72: {  	s25 =	sor.u32 $0x1, s18;
	s8 =	sand.u32 @!p1 $0x1FFFFFF0, s8  }
0x73: {  	s11 =	simm.s32 @!p1 $0x0;
	s19 =	simm.s32 @!p1 $0x180;
	s8 =	sadd.s32 @!p1 s2, s8  }
0x74: {  	[tilespmem:s19], [sflag:$0x5] =	stream.linear.gather @!p1 [hbm4b:s8+s11], $0x80, $0x38;
	[tilespmem:$0x1FB80] =	vst v63  }
0x75: {  	p1 =	sge.u32 s25, s12  }
0x76: {  	s19 =	sadd.s32 @!p1 s9, s25  }
0x77: {  	s8 =	sshll.u32 @!p1 s19, $0x4  }
0x78: {  	s8 =	sand.u32 @!p1 $0x1FFFFFD0, s8  }
0x79: {  	s11 =	simm.s32 @!p1 $0x0;
	s21 =	simm.s32 @!p1 $0x280;
	s8 =	sadd.s32 @!p1 s7, s8  }
0x7a: {  	[tilespmem:s21], [sflag:$0x6] =	stream.linear.gather @!p1 [hbm4b:s8+s11], $0x80, $0x38;
	[tilespmem:$0x1FB80] =	vst v63  }
0x7b: {  	_ =	swait.ge [sflag:s5], $0x4000  }
0x7c: {  	[sflag:s5] =	ssyncset.done $0x0  }
0x7d: {  	[sflag:s5] =	ssyncadd.s32 $0xFFFFC000  }
0x7e: {  	_ =	swait.ge [sflag:s26], $0x2000  }
0x7f: {  	[sflag:s26] =	ssyncset.done $0x0  }
0x80: {  	s8 =	simm.s32 $0x0;
	[sflag:s26] =	ssyncadd.s32 $0xFFFFE000  }
0x81: {  	v7 =	vld [tilespmem:s8+$0x8300]  }
0x82: {  	v11 =	vld [tilespmem:s8+$0x8310]  }
0x83: {  	v5 =	vld [tilespmem:s8+$0x8320]  }
0x84: {  	v4 =	vld [tilespmem:s8+$0x8330]  }
0x85: {  	v3 =	vld [tilespmem:s8+$0x8340]  }
0x86: {  	v2 =	vld [tilespmem:s8+$0x8350]  }
0x87: {  	v1 =	vld [tilespmem:s8+$0x8360]  }
0x88: {  	v0 =	vld [tilespmem:s8+$0x8370]  }
0x89: {  	v12 =	vld [tilespmem:s8+$0x300]  }
0x8a: {  	v13 =	vld [tilespmem:s8+$0x310]  }
0x8b: {  	v10 =	vld [tilespmem:s8+$0x320]  }
0x8c: {  	v9 =	vld [tilespmem:s8+$0x330]  }
0x8d: {  	v8 =	vld [tilespmem:s8+$0x340]  }
0x8e: {  	v6 =	vld [tilespmem:s8+$0x350];
	v12 =	vmul.f32 v12, v7  }
0x8f: {  	s11 =	simm.s32 $0x200;
	v11 =	vmul.f32 v13, v11;
	v7 =	vld [tilespmem:s8+$0x360]  }
.LBB2_5:
0x90: {  	s21 =	sshra.s32 s11, $0x2;
	p2 =	sne.s32 s11, $0x7E00;
	[tilespmem:s8+$0x300] =	vst v12;
	v5 =	vmul.f32 v10, v5;
	v10 =	vld [tilespmem:s8+$0x370]  }
0x91: {  	v12 =	vld [tilespmem:s21+$0x8300];
	[tilespmem:s8+$0x310] =	vst v11;
	v4 =	vmul.f32 v9, v4  }
0x92: {  	v11 =	vld [tilespmem:s21+$0x8310];
	[tilespmem:s8+$0x320] =	vst v5;
	v3 =	vmul.f32 v8, v3  }
0x93: {  	v5 =	vld [tilespmem:s21+$0x8320];
	[tilespmem:s8+$0x330] =	vst v4;
	v2 =	vmul.f32 v6, v2  }
0x94: {  	v4 =	vld [tilespmem:s21+$0x8330];
	[tilespmem:s8+$0x340] =	vst v3;
	v1 =	vmul.f32 v7, v1  }
0x95: {  	v3 =	vld [tilespmem:s21+$0x8340];
	[tilespmem:s8+$0x350] =	vst v2;
	v0 =	vmul.f32 v10, v0  }
0x96: {  	v2 =	vld [tilespmem:s21+$0x8350];
	[tilespmem:s8+$0x360] =	vst v1  }
0x97: {  	v1 =	vld [tilespmem:s21+$0x8360];
	[tilespmem:s8+$0x370] =	vst v0;
	s8 =	smov.u32 s21  }
0x98: {  	v0 =	vld [tilespmem:s8+$0x8370]  }
0x99: {  	v6 =	vld [tilespmem:s8+$0x300]  }
0x9a: {  	v7 =	vld [tilespmem:s8+$0x310]  }
.Ltmp5:
0x9b: {  	v10 =	vld [tilespmem:s8+$0x320];
	(pc) =	sbr.rel @p2 .LBB2_5-.Ltmp5, $4  }
0x9c: {  	v9 =	vld [tilespmem:s8+$0x330]  }
0x9d: {  	v8 =	vld [tilespmem:s8+$0x340]  }
0x9e: {  	v12 =	vmul.f32 v6, v12;
	v6 =	vld [tilespmem:s8+$0x350]  }
0x9f: {  	s11 =	sadd.s32 $0x200, s11;
	v11 =	vmul.f32 v7, v11;
	v7 =	vld [tilespmem:s8+$0x360]  }
0xa0: {  	[tilespmem:s8+$0x300] =	vst v12;
	v5 =	vmul.f32 v10, v5;
	v10 =	vld [tilespmem:s8+$0x370]  }
0xa1: {  	[tilespmem:s8+$0x310] =	vst v11;
	v4 =	vmul.f32 v9, v4  }
0xa2: {  	[tilespmem:s8+$0x320] =	vst v5;
	v3 =	vmul.f32 v8, v3  }
0xa3: {  	[tilespmem:s8+$0x330] =	vst v4;
	v2 =	vmul.f32 v6, v2  }
0xa4: {  	[tilespmem:s8+$0x340] =	vst v3;
	v1 =	vmul.f32 v7, v1  }
0xa5: {  	s11 =	sshll.u32 @!p1 s19, $0xB;
	[tilespmem:s8+$0x350] =	vst v2;
	v0 =	vmul.f32 v10, v0  }
0xa6: {  	s11 =	sand.u32 @!p1 $0x1FFFE800, s11;
	[tilespmem:s8+$0x360] =	vst v1  }
0xa7: {  	s19 =	simm.s32 @!p1 $0x0;
	s21 =	simm.s32 @!p1 $0x8300;
	[tilespmem:s8+$0x370] =	vst v0;
	s8 =	sadd.s32 @!p1 s6, s11  }
0xa8: {  	[tilespmem:s21], [sflag:$0x3] =	stream.linear.gather @!p1 [hbm4b:s8+s19], $0x2000, $0x38;
	[tilespmem:$0x1FB80] =	vst v63  }
0xa9: {  	_ =	swait.ge [sflag:s31], $0x2000  }
0xaa: {  	[sflag:s31] =	ssyncset.done $0x0  }
0xab: {  	s8 =	simm.s32 $0x0;
	[sflag:s31] =	ssyncadd.s32 $0xFFFFE000  }
0xac: {  	v7 =	vld [tilespmem:s8+$0xA300]  }
0xad: {  	v11 =	vld [tilespmem:s8+$0xA310]  }
0xae: {  	v5 =	vld [tilespmem:s8+$0xA320]  }
0xaf: {  	v4 =	vld [tilespmem:s8+$0xA330]  }
0xb0: {  	v3 =	vld [tilespmem:s8+$0xA340]  }
0xb1: {  	v2 =	vld [tilespmem:s8+$0xA350]  }
0xb2: {  	v1 =	vld [tilespmem:s8+$0xA360]  }
0xb3: {  	v0 =	vld [tilespmem:s8+$0xA370]  }
0xb4: {  	v12 =	vld [tilespmem:s8+$0x2300]  }
0xb5: {  	v13 =	vld [tilespmem:s8+$0x2310]  }
0xb6: {  	v10 =	vld [tilespmem:s8+$0x2320]  }
0xb7: {  	v9 =	vld [tilespmem:s8+$0x2330]  }
0xb8: {  	v8 =	vld [tilespmem:s8+$0x2340]  }
0xb9: {  	v6 =	vld [tilespmem:s8+$0x2350];
	v12 =	vmul.f32 v12, v7  }
0xba: {  	s19 =	simm.s32 $0x200;
	v11 =	vmul.f32 v13, v11;
	v7 =	vld [tilespmem:s8+$0x2360]  }
.LBB2_7:
0xbb: {  	s21 =	sshra.s32 s19, $0x2;
	p2 =	sne.s32 s19, $0x7E00;
	[tilespmem:s8+$0x2300] =	vst v12;
	v5 =	vmul.f32 v10, v5;
	v10 =	vld [tilespmem:s8+$0x2370]  }
0xbc: {  	v12 =	vld [tilespmem:s21+$0xA300];
	[tilespmem:s8+$0x2310] =	vst v11;
	v4 =	vmul.f32 v9, v4  }
0xbd: {  	v11 =	vld [tilespmem:s21+$0xA310];
	[tilespmem:s8+$0x2320] =	vst v5;
	v3 =	vmul.f32 v8, v3  }
0xbe: {  	v5 =	vld [tilespmem:s21+$0xA320];
	[tilespmem:s8+$0x2330] =	vst v4;
	v2 =	vmul.f32 v6, v2  }
0xbf: {  	v4 =	vld [tilespmem:s21+$0xA330];
	[tilespmem:s8+$0x2340] =	vst v3;
	v1 =	vmul.f32 v7, v1  }
0xc0: {  	v3 =	vld [tilespmem:s21+$0xA340];
	[tilespmem:s8+$0x2350] =	vst v2;
	v0 =	vmul.f32 v10, v0  }
0xc1: {  	v2 =	vld [tilespmem:s21+$0xA350];
	[tilespmem:s8+$0x2360] =	vst v1  }
0xc2: {  	v1 =	vld [tilespmem:s21+$0xA360];
	[tilespmem:s8+$0x2370] =	vst v0;
	s8 =	smov.u32 s21  }
0xc3: {  	v0 =	vld [tilespmem:s8+$0xA370]  }
0xc4: {  	v6 =	vld [tilespmem:s8+$0x2300]  }
0xc5: {  	v7 =	vld [tilespmem:s8+$0x2310]  }
.Ltmp6:
0xc6: {  	v10 =	vld [tilespmem:s8+$0x2320];
	(pc) =	sbr.rel @p2 .LBB2_7-.Ltmp6, $4  }
0xc7: {  	v9 =	vld [tilespmem:s8+$0x2330]  }
0xc8: {  	v8 =	vld [tilespmem:s8+$0x2340]  }
0xc9: {  	v12 =	vmul.f32 v6, v12;
	v6 =	vld [tilespmem:s8+$0x2350]  }
0xca: {  	s19 =	sadd.s32 $0x200, s19;
	v11 =	vmul.f32 v7, v11;
	v7 =	vld [tilespmem:s8+$0x2360]  }
0xcb: {  	[tilespmem:s8+$0x2300] =	vst v12;
	v5 =	vmul.f32 v10, v5;
	v63 =	vld [tilespmem:s8+$0x2370]  }
0xcc: {  	[tilespmem:s8+$0x2310] =	vst v11;
	v4 =	vmul.f32 v9, v4  }
0xcd: {  	[tilespmem:s8+$0x2320] =	vst v5;
	v3 =	vmul.f32 v8, v3  }
0xce: {  	[tilespmem:s8+$0x2330] =	vst v4;
	v2 =	vmul.f32 v6, v2  }
0xcf: {  	[tilespmem:s8+$0x2340] =	vst v3;
	v1 =	vmul.f32 v7, v1  }
0xd0: {  	[tilespmem:s8+$0x2350] =	vst v2;
	v0 =	vmul.f32 v63, v0  }
0xd1: {  	[tilespmem:s8+$0x2360] =	vst v1  }
0xd2: {  	s19 =	simm.s32 @!p1 $0xA300;
	[tilespmem:s8+$0x2370] =	vst v0;
	s8 =	sadd.s32 @!p1 s11, s17;
	s11 =	simm.s32 @!p1 $0x0  }
0xd3: {  	[tilespmem:s19], [sflag:$0x4] =	stream.linear.gather @!p1 [hbm4b:s8+s11], $0x2000, $0x38;
	[tilespmem:$0x1FB80] =	vst v63  }
0xd4: {  	p1 =	seq.s32 s16, $0x0  }
0xd5: {  	s8 =	simm.s32 @!p1 $0x6  }
0xd6: {  	_ =	swait.ge @!p1 [sflag:s8], $0x80  }
0xd7: {  	s22 =	sor.u32 $0x2, s18;
	[sflag:s8] =	ssyncset.done @!p1 $0x0  }
0xd8: {  	[sflag:s8] =	ssyncadd.s32 @!p1 $0xFFFFFF80;
	p1 =	sge.u32 s22, s12  }
0xd9: {  	[spmem:s3] =	stream.indirect.scatter.add.f32 [tilespmem:s29], [sflag:$0x7], $0x80, s28, s24, $0xb8;
	[tilespmem:$0x1FB80] =	vst v63  }
0xda: {  	p2 =	seq.s32 @!p1 s16, $0x0;
	_ =	swait.ge [sflag:s23], $0x4000  }
0xdb: {  	p2 =	por p2, p1;
	[sflag:s23] =	ssyncset.done $0x0  }
.Ltmp7:
0xdc: {  	s8 =	simm.s32 @!p2 $0x5;
	[sflag:s23] =	ssyncadd.s32 $0xFFFFC000;
	(pc) =	sbr.rel .LBB2_9-.Ltmp7, $4  }
0xdd: {  	_ =	swait.ge @!p2 [sflag:s8], $0x80  }
0xde: {  	s11 =	simm.s32 @!p1 $0x100;
	[sflag:s8] =	ssyncset.done @!p2 $0x0  }
0xdf: {  	s19 =	simm.s32 @!p1 $0x300;
	[sflag:s8] =	ssyncadd.s32 @!p2 $0xFFFFFF80;
	s8 =	simm.s32 @!p1 $0x80  }
0xe0: {  	[tilespmem:s19], [sflag:$0x1] =	stream.indirect.gather @!p1 [hbm4b:s1+s8], $0x80, s11, s8, $0xb8;
	[tilespmem:$0x1FB80] =	vst v63  }
.LBB2_3:
0xe1: {  	s25 =	sor.u32 $0x1, s18  }
.LBB2_9:
0xe2: {  	p2 =	slt.u32 s25, s12  }
.Ltmp8:
0xe3: {  	_ = 	snop;
	(pc) =	sbr.rel @!p2 .LBB2_10-.Ltmp8, $3  }
0xe4: {  	_ =	sdelay $0x1  }
0xe5: {  	s25 =	sadd.s32 $0x4, s18  }
0xe6: {  	p1 =	sge.u32 s25, s12  }
0xe7: {  	s8 =	sadd.s32 @!p1 s9, s25  }
0xe8: {  	s8 =	sshll.u32 @!p1 s8, $0x4  }
0xe9: {  	s19 =	sor.u32 $0x2, s18;
	s8 =	sand.u32 @!p1 $0x1FFFFFC0, s8  }
0xea: {  	s11 =	simm.s32 @!p1 $0x0;
	p2 =	sge.u32 s19, s12;
	s8 =	sadd.s32 @!p1 s2, s8  }
0xeb: {  	[tilespmem:s11], [sflag:$0x5] =	stream.linear.gather @!p1 [hbm4b:s8+s11], $0x80, $0x38;
	[tilespmem:$0x1FB80] =	vst v63  }
0xec: {  	s11 =	sadd.s32 @!p2 s9, s19  }
0xed: {  	s8 =	sshll.u32 @!p2 s11, $0x4  }
0xee: {  	s8 =	sand.u32 @!p2 $0x1FFFFFE0, s8  }
0xef: {  	s21 =	simm.s32 @!p2 $0x0;
	s22 =	simm.s32 @!p2 $0x200;
	s8 =	sadd.s32 @!p2 s7, s8  }
0xf0: {  	[tilespmem:s22], [sflag:$0x6] =	stream.linear.gather @!p2 [hbm4b:s8+s21], $0x80, $0x38;
	[tilespmem:$0x1FB80] =	vst v63  }
0xf1: {  	_ =	swait.ge [sflag:s0], $0x4000  }
0xf2: {  	[sflag:s0] =	ssyncset.done $0x0  }
0xf3: {  	[sflag:s0] =	ssyncadd.s32 $0xFFFFC000  }
0xf4: {  	_ =	swait.ge [sflag:s26], $0x2000  }
0xf5: {  	[sflag:s26] =	ssyncset.done $0x0  }
0xf6: {  	s8 =	simm.s32 $0x0;
	[sflag:s26] =	ssyncadd.s32 $0xFFFFE000  }
0xf7: {  	v7 =	vld [tilespmem:s8+$0x8300]  }
0xf8: {  	v11 =	vld [tilespmem:s8+$0x8310]  }
0xf9: {  	v5 =	vld [tilespmem:s8+$0x8320]  }
0xfa: {  	v4 =	vld [tilespmem:s8+$0x8330]  }
0xfb: {  	v3 =	vld [tilespmem:s8+$0x8340]  }
0xfc: {  	v2 =	vld [tilespmem:s8+$0x8350]  }
0xfd: {  	v1 =	vld [tilespmem:s8+$0x8360]  }
0xfe: {  	v0 =	vld [tilespmem:s8+$0x8370]  }
0xff: {  	v12 =	vld [tilespmem:s8+$0x4300]  }
0x100: {  	v13 =	vld [tilespmem:s8+$0x4310]  }
0x101: {  	v10 =	vld [tilespmem:s8+$0x4320]  }
0x102: {  	v9 =	vld [tilespmem:s8+$0x4330]  }
0x103: {  	v8 =	vld [tilespmem:s8+$0x4340]  }
0x104: {  	v6 =	vld [tilespmem:s8+$0x4350];
	v12 =	vmul.f32 v12, v7  }
0x105: {  	s21 =	simm.s32 $0x200;
	v11 =	vmul.f32 v13, v11;
	v7 =	vld [tilespmem:s8+$0x4360]  }
.LBB2_12:
0x106: {  	s22 =	sshra.s32 s21, $0x2;
	p3 =	sne.s32 s21, $0x7E00;
	[tilespmem:s8+$0x4300] =	vst v12;
	v5 =	vmul.f32 v10, v5;
	v10 =	vld [tilespmem:s8+$0x4370]  }
0x107: {  	v12 =	vld [tilespmem:s22+$0x8300];
	[tilespmem:s8+$0x4310] =	vst v11;
	v4 =	vmul.f32 v9, v4  }
0x108: {  	v11 =	vld [tilespmem:s22+$0x8310];
	[tilespmem:s8+$0x4320] =	vst v5;
	v3 =	vmul.f32 v8, v3  }
0x109: {  	v5 =	vld [tilespmem:s22+$0x8320];
	[tilespmem:s8+$0x4330] =	vst v4;
	v2 =	vmul.f32 v6, v2  }
0x10a: {  	v4 =	vld [tilespmem:s22+$0x8330];
	[tilespmem:s8+$0x4340] =	vst v3;
	v1 =	vmul.f32 v7, v1  }
0x10b: {  	v3 =	vld [tilespmem:s22+$0x8340];
	[tilespmem:s8+$0x4350] =	vst v2;
	v0 =	vmul.f32 v10, v0  }
0x10c: {  	v2 =	vld [tilespmem:s22+$0x8350];
	[tilespmem:s8+$0x4360] =	vst v1  }
0x10d: {  	v1 =	vld [tilespmem:s22+$0x8360];
	[tilespmem:s8+$0x4370] =	vst v0;
	s8 =	smov.u32 s22  }
0x10e: {  	v0 =	vld [tilespmem:s8+$0x8370]  }
0x10f: {  	v6 =	vld [tilespmem:s8+$0x4300]  }
0x110: {  	v7 =	vld [tilespmem:s8+$0x4310]  }
.Ltmp9:
0x111: {  	v10 =	vld [tilespmem:s8+$0x4320];
	(pc) =	sbr.rel @p3 .LBB2_12-.Ltmp9, $4  }
0x112: {  	v9 =	vld [tilespmem:s8+$0x4330]  }
0x113: {  	v8 =	vld [tilespmem:s8+$0x4340]  }
0x114: {  	v12 =	vmul.f32 v6, v12;
	v6 =	vld [tilespmem:s8+$0x4350]  }
0x115: {  	s21 =	sadd.s32 $0x200, s21;
	v11 =	vmul.f32 v7, v11;
	v7 =	vld [tilespmem:s8+$0x4360]  }
0x116: {  	[tilespmem:s8+$0x4300] =	vst v12;
	v5 =	vmul.f32 v10, v5;
	v10 =	vld [tilespmem:s8+$0x4370]  }
0x117: {  	[tilespmem:s8+$0x4310] =	vst v11;
	v4 =	vmul.f32 v9, v4  }
0x118: {  	[tilespmem:s8+$0x4320] =	vst v5;
	v3 =	vmul.f32 v8, v3  }
0x119: {  	[tilespmem:s8+$0x4330] =	vst v4;
	v2 =	vmul.f32 v6, v2  }
0x11a: {  	[tilespmem:s8+$0x4340] =	vst v3;
	v1 =	vmul.f32 v7, v1  }
0x11b: {  	s11 =	sshll.u32 @!p2 s11, $0xB;
	[tilespmem:s8+$0x4350] =	vst v2;
	v0 =	vmul.f32 v10, v0  }
0x11c: {  	s11 =	sand.u32 @!p2 $0x1FFFF000, s11;
	[tilespmem:s8+$0x4360] =	vst v1  }
0x11d: {  	s21 =	simm.s32 @!p2 $0x0;
	s22 =	simm.s32 @!p2 $0x8300;
	[tilespmem:s8+$0x4370] =	vst v0;
	s8 =	sadd.s32 @!p2 s6, s11  }
0x11e: {  	[tilespmem:s22], [sflag:$0x3] =	stream.linear.gather @!p2 [hbm4b:s8+s21], $0x2000, $0x38;
	[tilespmem:$0x1FB80] =	vst v63  }
0x11f: {  	_ =	swait.ge [sflag:s31], $0x2000  }
0x120: {  	[sflag:s31] =	ssyncset.done $0x0  }
0x121: {  	s8 =	simm.s32 $0x0;
	[sflag:s31] =	ssyncadd.s32 $0xFFFFE000  }
0x122: {  	v7 =	vld [tilespmem:s8+$0xA300]  }
0x123: {  	v11 =	vld [tilespmem:s8+$0xA310]  }
0x124: {  	v5 =	vld [tilespmem:s8+$0xA320]  }
0x125: {  	v4 =	vld [tilespmem:s8+$0xA330]  }
0x126: {  	v3 =	vld [tilespmem:s8+$0xA340]  }
0x127: {  	v2 =	vld [tilespmem:s8+$0xA350]  }
0x128: {  	v1 =	vld [tilespmem:s8+$0xA360]  }
0x129: {  	v0 =	vld [tilespmem:s8+$0xA370]  }
0x12a: {  	v12 =	vld [tilespmem:s8+$0x6300]  }
0x12b: {  	v13 =	vld [tilespmem:s8+$0x6310]  }
0x12c: {  	v10 =	vld [tilespmem:s8+$0x6320]  }
0x12d: {  	v9 =	vld [tilespmem:s8+$0x6330]  }
0x12e: {  	v8 =	vld [tilespmem:s8+$0x6340]  }
0x12f: {  	v6 =	vld [tilespmem:s8+$0x6350];
	v12 =	vmul.f32 v12, v7  }
0x130: {  	s21 =	simm.s32 $0x200;
	v11 =	vmul.f32 v13, v11;
	v7 =	vld [tilespmem:s8+$0x6360]  }
.LBB2_14:
0x131: {  	s22 =	sshra.s32 s21, $0x2;
	p3 =	sne.s32 s21, $0x7E00;
	[tilespmem:s8+$0x6300] =	vst v12;
	v5 =	vmul.f32 v10, v5;
	v10 =	vld [tilespmem:s8+$0x6370]  }
0x132: {  	v12 =	vld [tilespmem:s22+$0xA300];
	[tilespmem:s8+$0x6310] =	vst v11;
	v4 =	vmul.f32 v9, v4  }
0x133: {  	v11 =	vld [tilespmem:s22+$0xA310];
	[tilespmem:s8+$0x6320] =	vst v5;
	v3 =	vmul.f32 v8, v3  }
0x134: {  	v5 =	vld [tilespmem:s22+$0xA320];
	[tilespmem:s8+$0x6330] =	vst v4;
	v2 =	vmul.f32 v6, v2  }
0x135: {  	v4 =	vld [tilespmem:s22+$0xA330];
	[tilespmem:s8+$0x6340] =	vst v3;
	v1 =	vmul.f32 v7, v1  }
0x136: {  	v3 =	vld [tilespmem:s22+$0xA340];
	[tilespmem:s8+$0x6350] =	vst v2;
	v0 =	vmul.f32 v10, v0  }
0x137: {  	v2 =	vld [tilespmem:s22+$0xA350];
	[tilespmem:s8+$0x6360] =	vst v1  }
0x138: {  	v1 =	vld [tilespmem:s22+$0xA360];
	[tilespmem:s8+$0x6370] =	vst v0;
	s8 =	smov.u32 s22  }
0x139: {  	v0 =	vld [tilespmem:s8+$0xA370]  }
0x13a: {  	v6 =	vld [tilespmem:s8+$0x6300]  }
0x13b: {  	v7 =	vld [tilespmem:s8+$0x6310]  }
.Ltmp10:
0x13c: {  	v10 =	vld [tilespmem:s8+$0x6320];
	(pc) =	sbr.rel @p3 .LBB2_14-.Ltmp10, $4  }
0x13d: {  	v9 =	vld [tilespmem:s8+$0x6330]  }
0x13e: {  	v8 =	vld [tilespmem:s8+$0x6340]  }
0x13f: {  	v12 =	vmul.f32 v6, v12;
	v6 =	vld [tilespmem:s8+$0x6350]  }
0x140: {  	s21 =	sadd.s32 $0x200, s21;
	v11 =	vmul.f32 v7, v11;
	v7 =	vld [tilespmem:s8+$0x6360]  }
0x141: {  	[tilespmem:s8+$0x6300] =	vst v12;
	v5 =	vmul.f32 v10, v5;
	v63 =	vld [tilespmem:s8+$0x6370]  }
0x142: {  	[tilespmem:s8+$0x6310] =	vst v11;
	v4 =	vmul.f32 v9, v4  }
0x143: {  	[tilespmem:s8+$0x6320] =	vst v5;
	v3 =	vmul.f32 v8, v3  }
0x144: {  	[tilespmem:s8+$0x6330] =	vst v4;
	v2 =	vmul.f32 v6, v2  }
0x145: {  	[tilespmem:s8+$0x6340] =	vst v3;
	v1 =	vmul.f32 v7, v1  }
0x146: {  	[tilespmem:s8+$0x6350] =	vst v2;
	v0 =	vmul.f32 v63, v0  }
0x147: {  	[tilespmem:s8+$0x6360] =	vst v1  }
0x148: {  	s21 =	simm.s32 @!p2 $0xA300;
	[tilespmem:s8+$0x6370] =	vst v0;
	s8 =	sadd.s32 @!p2 s11, s17;
	s11 =	simm.s32 @!p2 $0x0  }
0x149: {  	[tilespmem:s21], [sflag:$0x4] =	stream.linear.gather @!p2 [hbm4b:s8+s11], $0x2000, $0x38;
	[tilespmem:$0x1FB80] =	vst v63  }
0x14a: {  	_ =	swait.ge [sflag:s10], $0x80  }
0x14b: {  	[sflag:s10] =	ssyncset.done $0x0  }
0x14c: {  	[sflag:s10] =	ssyncadd.s32 $0xFFFFFF80  }
0x14d: {  	[spmem:s3] =	stream.indirect.scatter.add.f32 [tilespmem:s30], [sflag:$0x7], $0x80, s13, s24, $0xb8;
	[tilespmem:$0x1FB80] =	vst v63  }
0x14e: {  	s22 =	sor.u32 $0x3, s18;
	_ =	swait.ge [sflag:s23], $0x4000  }
0x14f: {  	p2 =	sge.u32 s22, s12;
	[sflag:s23] =	ssyncset.done $0x0  }
.Ltmp11:
0x150: {  	s8 =	simm.s32 @!p2 $0x5;
	[sflag:s23] =	ssyncadd.s32 $0xFFFFC000;
	(pc) =	sbr.rel .LBB2_16-.Ltmp11, $4  }
0x151: {  	_ =	swait.ge @!p2 [sflag:s8], $0x80  }
0x152: {  	s11 =	simm.s32 @!p2 $0x180;
	[sflag:s8] =	ssyncset.done @!p2 $0x0  }
0x153: {  	s21 =	simm.s32 @!p2 $0x4300;
	[sflag:s8] =	ssyncadd.s32 @!p2 $0xFFFFFF80;
	s8 =	simm.s32 @!p2 $0x80  }
0x154: {  	[tilespmem:s21], [sflag:$0x2] =	stream.indirect.gather @!p2 [hbm4b:s1+s8], $0x80, s11, s8, $0xb8;
	[tilespmem:$0x1FB80] =	vst v63  }
.LBB2_10:
0x155: {  	s19 =	sor.u32 $0x2, s18  }
.LBB2_16:
0x156: {  	p3 =	slt.u32 s19, s12  }
.Ltmp12:
0x157: {  	_ = 	snop;
	(pc) =	sbr.rel @!p3 .LBB2_22-.Ltmp12, $3  }
0x158: {  	_ =	sdelay $0x1  }
0x159: {  	s8 =	sadd.s32 $0x5, s18  }
0x15a: {  	p2 =	sge.u32 s8, s12  }
0x15b: {  	s8 =	sadd.s32 @!p2 s9, s8  }
0x15c: {  	s8 =	sshll.u32 @!p2 s8, $0x4  }
0x15d: {  	s11 =	simm.s32 @!p2 $0x0;
	s20 =	sor.u32 $0x3, s18;
	s8 =	sand.u32 @!p2 $0x1FFFFFD0, s8  }
0x15e: {  	s19 =	simm.s32 @!p2 $0x80;
	p3 =	sge.u32 s20, s12;
	s8 =	sadd.s32 @!p2 s2, s8  }
0x15f: {  	[tilespmem:s19], [sflag:$0x5] =	stream.linear.gather @!p2 [hbm4b:s8+s11], $0x80, $0x38;
	[tilespmem:$0x1FB80] =	vst v63  }
0x160: {  	s11 =	sadd.s32 @!p3 s9, s20  }
0x161: {  	s8 =	sshll.u32 @!p3 s11, $0x4  }
0x162: {  	s8 =	sand.u32 @!p3 $0x1FFFFFF0, s8  }
0x163: {  	s21 =	simm.s32 @!p3 $0x280;
	s19 =	simm.s32 @!p3 $0x0;
	s8 =	sadd.s32 @!p3 s7, s8  }
0x164: {  	[tilespmem:s21], [sflag:$0x6] =	stream.linear.gather @!p3 [hbm4b:s8+s19], $0x80, $0x38;
	[tilespmem:$0x1FB80] =	vst v63  }
0x165: {  	_ =	swait.ge [sflag:s5], $0x4000  }
0x166: {  	[sflag:s5] =	ssyncset.done $0x0  }
0x167: {  	[sflag:s5] =	ssyncadd.s32 $0xFFFFC000  }
0x168: {  	_ =	swait.ge [sflag:s26], $0x2000  }
0x169: {  	[sflag:s26] =	ssyncset.done $0x0  }
0x16a: {  	s8 =	simm.s32 $0x0;
	[sflag:s26] =	ssyncadd.s32 $0xFFFFE000  }
0x16b: {  	v7 =	vld [tilespmem:s8+$0x8300]  }
0x16c: {  	v11 =	vld [tilespmem:s8+$0x8310]  }
0x16d: {  	v5 =	vld [tilespmem:s8+$0x8320]  }
0x16e: {  	v4 =	vld [tilespmem:s8+$0x8330]  }
0x16f: {  	v3 =	vld [tilespmem:s8+$0x8340]  }
0x170: {  	v2 =	vld [tilespmem:s8+$0x8350]  }
0x171: {  	v1 =	vld [tilespmem:s8+$0x8360]  }
0x172: {  	v0 =	vld [tilespmem:s8+$0x8370]  }
0x173: {  	v12 =	vld [tilespmem:s8+$0x300]  }
0x174: {  	v13 =	vld [tilespmem:s8+$0x310]  }
0x175: {  	v10 =	vld [tilespmem:s8+$0x320]  }
0x176: {  	v9 =	vld [tilespmem:s8+$0x330]  }
0x177: {  	v8 =	vld [tilespmem:s8+$0x340]  }
0x178: {  	v6 =	vld [tilespmem:s8+$0x350];
	v12 =	vmul.f32 v12, v7  }
0x179: {  	s19 =	simm.s32 $0x200;
	v11 =	vmul.f32 v13, v11;
	v7 =	vld [tilespmem:s8+$0x360]  }
.LBB2_18:
0x17a: {  	s21 =	sshra.s32 s19, $0x2;
	p4 =	sne.s32 s19, $0x7E00;
	[tilespmem:s8+$0x300] =	vst v12;
	v5 =	vmul.f32 v10, v5;
	v10 =	vld [tilespmem:s8+$0x370]  }
0x17b: {  	v12 =	vld [tilespmem:s21+$0x8300];
	[tilespmem:s8+$0x310] =	vst v11;
	v4 =	vmul.f32 v9, v4  }
0x17c: {  	v11 =	vld [tilespmem:s21+$0x8310];
	[tilespmem:s8+$0x320] =	vst v5;
	v3 =	vmul.f32 v8, v3  }
0x17d: {  	v5 =	vld [tilespmem:s21+$0x8320];
	[tilespmem:s8+$0x330] =	vst v4;
	v2 =	vmul.f32 v6, v2  }
0x17e: {  	v4 =	vld [tilespmem:s21+$0x8330];
	[tilespmem:s8+$0x340] =	vst v3;
	v1 =	vmul.f32 v7, v1  }
0x17f: {  	v3 =	vld [tilespmem:s21+$0x8340];
	[tilespmem:s8+$0x350] =	vst v2;
	v0 =	vmul.f32 v10, v0  }
0x180: {  	v2 =	vld [tilespmem:s21+$0x8350];
	[tilespmem:s8+$0x360] =	vst v1  }
0x181: {  	v1 =	vld [tilespmem:s21+$0x8360];
	[tilespmem:s8+$0x370] =	vst v0;
	s8 =	smov.u32 s21  }
0x182: {  	v0 =	vld [tilespmem:s8+$0x8370]  }
0x183: {  	v6 =	vld [tilespmem:s8+$0x300]  }
0x184: {  	v7 =	vld [tilespmem:s8+$0x310]  }
.Ltmp13:
0x185: {  	v10 =	vld [tilespmem:s8+$0x320];
	(pc) =	sbr.rel @p4 .LBB2_18-.Ltmp13, $4  }
0x186: {  	v9 =	vld [tilespmem:s8+$0x330]  }
0x187: {  	v8 =	vld [tilespmem:s8+$0x340]  }
0x188: {  	v12 =	vmul.f32 v6, v12;
	v6 =	vld [tilespmem:s8+$0x350]  }
0x189: {  	s19 =	sadd.s32 $0x200, s19;
	v11 =	vmul.f32 v7, v11;
	v7 =	vld [tilespmem:s8+$0x360]  }
0x18a: {  	[tilespmem:s8+$0x300] =	vst v12;
	v5 =	vmul.f32 v10, v5;
	v10 =	vld [tilespmem:s8+$0x370]  }
0x18b: {  	[tilespmem:s8+$0x310] =	vst v11;
	v4 =	vmul.f32 v9, v4  }
0x18c: {  	[tilespmem:s8+$0x320] =	vst v5;
	v3 =	vmul.f32 v8, v3  }
0x18d: {  	[tilespmem:s8+$0x330] =	vst v4;
	v2 =	vmul.f32 v6, v2  }
0x18e: {  	[tilespmem:s8+$0x340] =	vst v3;
	v1 =	vmul.f32 v7, v1  }
0x18f: {  	s11 =	sshll.u32 @!p3 s11, $0xB;
	[tilespmem:s8+$0x350] =	vst v2;
	v0 =	vmul.f32 v10, v0  }
0x190: {  	s11 =	sand.u32 @!p3 $0x1FFFF800, s11;
	[tilespmem:s8+$0x360] =	vst v1  }
0x191: {  	s19 =	simm.s32 @!p3 $0x0;
	s21 =	simm.s32 @!p3 $0x8300;
	[tilespmem:s8+$0x370] =	vst v0;
	s8 =	sadd.s32 @!p3 s6, s11  }
0x192: {  	[tilespmem:s21], [sflag:$0x3] =	stream.linear.gather @!p3 [hbm4b:s8+s19], $0x2000, $0x38;
	[tilespmem:$0x1FB80] =	vst v63  }
0x193: {  	_ =	swait.ge [sflag:s31], $0x2000  }
0x194: {  	[sflag:s31] =	ssyncset.done $0x0  }
0x195: {  	s8 =	simm.s32 $0x0;
	[sflag:s31] =	ssyncadd.s32 $0xFFFFE000  }
0x196: {  	v7 =	vld [tilespmem:s8+$0xA300]  }
0x197: {  	v11 =	vld [tilespmem:s8+$0xA310]  }
0x198: {  	v5 =	vld [tilespmem:s8+$0xA320]  }
0x199: {  	v4 =	vld [tilespmem:s8+$0xA330]  }
0x19a: {  	v3 =	vld [tilespmem:s8+$0xA340]  }
0x19b: {  	v2 =	vld [tilespmem:s8+$0xA350]  }
0x19c: {  	v1 =	vld [tilespmem:s8+$0xA360]  }
0x19d: {  	v0 =	vld [tilespmem:s8+$0xA370]  }
0x19e: {  	v12 =	vld [tilespmem:s8+$0x2300]  }
0x19f: {  	v13 =	vld [tilespmem:s8+$0x2310]  }
0x1a0: {  	v10 =	vld [tilespmem:s8+$0x2320]  }
0x1a1: {  	v9 =	vld [tilespmem:s8+$0x2330]  }
0x1a2: {  	v8 =	vld [tilespmem:s8+$0x2340]  }
0x1a3: {  	v6 =	vld [tilespmem:s8+$0x2350];
	v12 =	vmul.f32 v12, v7  }
0x1a4: {  	s19 =	simm.s32 $0x200;
	v11 =	vmul.f32 v13, v11;
	v7 =	vld [tilespmem:s8+$0x2360]  }
.LBB2_20:
0x1a5: {  	s21 =	sshra.s32 s19, $0x2;
	p4 =	sne.s32 s19, $0x7E00;
	[tilespmem:s8+$0x2300] =	vst v12;
	v5 =	vmul.f32 v10, v5;
	v10 =	vld [tilespmem:s8+$0x2370]  }
0x1a6: {  	v12 =	vld [tilespmem:s21+$0xA300];
	[tilespmem:s8+$0x2310] =	vst v11;
	v4 =	vmul.f32 v9, v4  }
0x1a7: {  	v11 =	vld [tilespmem:s21+$0xA310];
	[tilespmem:s8+$0x2320] =	vst v5;
	v3 =	vmul.f32 v8, v3  }
0x1a8: {  	v5 =	vld [tilespmem:s21+$0xA320];
	[tilespmem:s8+$0x2330] =	vst v4;
	v2 =	vmul.f32 v6, v2  }
0x1a9: {  	v4 =	vld [tilespmem:s21+$0xA330];
	[tilespmem:s8+$0x2340] =	vst v3;
	v1 =	vmul.f32 v7, v1  }
0x1aa: {  	v3 =	vld [tilespmem:s21+$0xA340];
	[tilespmem:s8+$0x2350] =	vst v2;
	v0 =	vmul.f32 v10, v0  }
0x1ab: {  	v2 =	vld [tilespmem:s21+$0xA350];
	[tilespmem:s8+$0x2360] =	vst v1  }
0x1ac: {  	v1 =	vld [tilespmem:s21+$0xA360];
	[tilespmem:s8+$0x2370] =	vst v0;
	s8 =	smov.u32 s21  }
0x1ad: {  	v0 =	vld [tilespmem:s8+$0xA370]  }
0x1ae: {  	v6 =	vld [tilespmem:s8+$0x2300]  }
0x1af: {  	v7 =	vld [tilespmem:s8+$0x2310]  }
.Ltmp14:
0x1b0: {  	v10 =	vld [tilespmem:s8+$0x2320];
	(pc) =	sbr.rel @p4 .LBB2_20-.Ltmp14, $4  }
0x1b1: {  	v9 =	vld [tilespmem:s8+$0x2330]  }
0x1b2: {  	v8 =	vld [tilespmem:s8+$0x2340]  }
0x1b3: {  	v12 =	vmul.f32 v6, v12;
	v6 =	vld [tilespmem:s8+$0x2350]  }
0x1b4: {  	s19 =	sadd.s32 $0x200, s19;
	v11 =	vmul.f32 v7, v11;
	v7 =	vld [tilespmem:s8+$0x2360]  }
0x1b5: {  	[tilespmem:s8+$0x2300] =	vst v12;
	v5 =	vmul.f32 v10, v5;
	v63 =	vld [tilespmem:s8+$0x2370]  }
0x1b6: {  	[tilespmem:s8+$0x2310] =	vst v11;
	v4 =	vmul.f32 v9, v4  }
0x1b7: {  	[tilespmem:s8+$0x2320] =	vst v5;
	v3 =	vmul.f32 v8, v3  }
0x1b8: {  	[tilespmem:s8+$0x2330] =	vst v4;
	v2 =	vmul.f32 v6, v2  }
0x1b9: {  	[tilespmem:s8+$0x2340] =	vst v3;
	v1 =	vmul.f32 v7, v1  }
0x1ba: {  	[tilespmem:s8+$0x2350] =	vst v2;
	v0 =	vmul.f32 v63, v0  }
0x1bb: {  	[tilespmem:s8+$0x2360] =	vst v1  }
0x1bc: {  	s19 =	simm.s32 @!p3 $0xA300;
	[tilespmem:s8+$0x2370] =	vst v0;
	s8 =	sadd.s32 @!p3 s11, s17;
	s11 =	simm.s32 @!p3 $0x0  }
0x1bd: {  	[tilespmem:s19], [sflag:$0x4] =	stream.linear.gather @!p3 [hbm4b:s8+s11], $0x2000, $0x38;
	[tilespmem:$0x1FB80] =	vst v63  }
0x1be: {  	_ =	swait.ge [sflag:s10], $0x80  }
0x1bf: {  	[sflag:s10] =	ssyncset.done $0x0  }
0x1c0: {  	[sflag:s10] =	ssyncadd.s32 $0xFFFFFF80  }
0x1c1: {  	[spmem:s3] =	stream.indirect.scatter.add.f32 [tilespmem:s29], [sflag:$0x7], $0x80, s28, s24, $0xb8;
	[tilespmem:$0x1FB80] =	vst v63  }
0x1c2: {  	_ =	swait.ge [sflag:s23], $0x4000  }
0x1c3: {  	[sflag:s23] =	ssyncset.done $0x0  }
0x1c4: {  	s8 =	simm.s32 @!p1 $0x5;
	[sflag:s23] =	ssyncadd.s32 $0xFFFFC000  }
0x1c5: {  	_ =	swait.ge @!p1 [sflag:s8], $0x80  }
0x1c6: {  	s11 =	simm.s32 @!p1 $0x0;
	[sflag:s8] =	ssyncset.done @!p1 $0x0  }
0x1c7: {  	s19 =	simm.s32 @!p1 $0x300;
	[sflag:s8] =	ssyncadd.s32 @!p1 $0xFFFFFF80;
	s8 =	simm.s32 @!p1 $0x80  }
0x1c8: {  	[tilespmem:s19], [sflag:$0x1] =	stream.indirect.gather @!p1 [hbm4b:s1+s8], $0x80, s11, s8, $0xb8;
	[tilespmem:$0x1FB80] =	vst v63  }
.LBB2_22:
0x1c9: {  	p3 =	sge.u32 s20, s12  }
.Ltmp15:
0x1ca: {  	_ = 	snop;
	(pc) =	sbr.rel @p3 .LBB2_28-.Ltmp15, $1  }
0x1cb: {  	_ =	sdelay $0x3  }
0x1cc: {  	s8 =	sadd.s32 $0x6, s18  }
0x1cd: {  	p3 =	sge.u32 s8, s12  }
0x1ce: {  	s8 =	sadd.s32 @!p3 s9, s8  }
0x1cf: {  	s8 =	sshll.u32 @!p3 s8, $0x4  }
0x1d0: {  	s8 =	sand.u32 @!p3 $0x1FFFFFE0, s8  }
0x1d1: {  	s11 =	simm.s32 @!p3 $0x0;
	s18 =	simm.s32 @!p3 $0x100;
	s8 =	sadd.s32 @!p3 s2, s8  }
0x1d2: {  	[tilespmem:s18], [sflag:$0x5] =	stream.linear.gather @!p3 [hbm4b:s8+s11], $0x80, $0x38;
	[tilespmem:$0x1FB80] =	vst v63  }
0x1d3: {  	s11 =	sadd.s32 @!p1 s9, s25  }
0x1d4: {  	s8 =	sshll.u32 @!p1 s11, $0x4  }
0x1d5: {  	s8 =	sand.u32 @!p1 $0x1FFFFFC0, s8  }
0x1d6: {  	s19 =	simm.s32 @!p1 $0x200;
	s18 =	simm.s32 @!p1 $0x0;
	s8 =	sadd.s32 @!p1 s7, s8  }
0x1d7: {  	[tilespmem:s19], [sflag:$0x6] =	stream.linear.gather @!p1 [hbm4b:s8+s18], $0x80, $0x38;
	[tilespmem:$0x1FB80] =	vst v63  }
0x1d8: {  	_ =	swait.ge [sflag:s0], $0x4000  }
0x1d9: {  	[sflag:s0] =	ssyncset.done $0x0  }
0x1da: {  	[sflag:s0] =	ssyncadd.s32 $0xFFFFC000  }
0x1db: {  	_ =	swait.ge [sflag:s26], $0x2000  }
0x1dc: {  	[sflag:s26] =	ssyncset.done $0x0  }
0x1dd: {  	s8 =	simm.s32 $0x0;
	[sflag:s26] =	ssyncadd.s32 $0xFFFFE000  }
0x1de: {  	v7 =	vld [tilespmem:s8+$0x8300]  }
0x1df: {  	v11 =	vld [tilespmem:s8+$0x8310]  }
0x1e0: {  	v5 =	vld [tilespmem:s8+$0x8320]  }
0x1e1: {  	v4 =	vld [tilespmem:s8+$0x8330]  }
0x1e2: {  	v3 =	vld [tilespmem:s8+$0x8340]  }
0x1e3: {  	v2 =	vld [tilespmem:s8+$0x8350]  }
0x1e4: {  	v1 =	vld [tilespmem:s8+$0x8360]  }
0x1e5: {  	v0 =	vld [tilespmem:s8+$0x8370]  }
0x1e6: {  	v12 =	vld [tilespmem:s8+$0x4300]  }
0x1e7: {  	v13 =	vld [tilespmem:s8+$0x4310]  }
0x1e8: {  	v10 =	vld [tilespmem:s8+$0x4320]  }
0x1e9: {  	v9 =	vld [tilespmem:s8+$0x4330]  }
0x1ea: {  	v8 =	vld [tilespmem:s8+$0x4340]  }
0x1eb: {  	v6 =	vld [tilespmem:s8+$0x4350];
	v12 =	vmul.f32 v12, v7  }
0x1ec: {  	s18 =	simm.s32 $0x200;
	v11 =	vmul.f32 v13, v11;
	v7 =	vld [tilespmem:s8+$0x4360]  }
.LBB2_24:
0x1ed: {  	s19 =	sshra.s32 s18, $0x2;
	p3 =	sne.s32 s18, $0x7E00;
	[tilespmem:s8+$0x4300] =	vst v12;
	v5 =	vmul.f32 v10, v5;
	v10 =	vld [tilespmem:s8+$0x4370]  }
0x1ee: {  	v12 =	vld [tilespmem:s19+$0x8300];
	[tilespmem:s8+$0x4310] =	vst v11;
	v4 =	vmul.f32 v9, v4  }
0x1ef: {  	v11 =	vld [tilespmem:s19+$0x8310];
	[tilespmem:s8+$0x4320] =	vst v5;
	v3 =	vmul.f32 v8, v3  }
0x1f0: {  	v5 =	vld [tilespmem:s19+$0x8320];
	[tilespmem:s8+$0x4330] =	vst v4;
	v2 =	vmul.f32 v6, v2  }
0x1f1: {  	v4 =	vld [tilespmem:s19+$0x8330];
	[tilespmem:s8+$0x4340] =	vst v3;
	v1 =	vmul.f32 v7, v1  }
0x1f2: {  	v3 =	vld [tilespmem:s19+$0x8340];
	[tilespmem:s8+$0x4350] =	vst v2;
	v0 =	vmul.f32 v10, v0  }
0x1f3: {  	v2 =	vld [tilespmem:s19+$0x8350];
	[tilespmem:s8+$0x4360] =	vst v1  }
0x1f4: {  	v1 =	vld [tilespmem:s19+$0x8360];
	[tilespmem:s8+$0x4370] =	vst v0;
	s8 =	smov.u32 s19  }
0x1f5: {  	v0 =	vld [tilespmem:s8+$0x8370]  }
0x1f6: {  	v6 =	vld [tilespmem:s8+$0x4300]  }
0x1f7: {  	v7 =	vld [tilespmem:s8+$0x4310]  }
.Ltmp16:
0x1f8: {  	v10 =	vld [tilespmem:s8+$0x4320];
	(pc) =	sbr.rel @p3 .LBB2_24-.Ltmp16, $4  }
0x1f9: {  	v9 =	vld [tilespmem:s8+$0x4330]  }
0x1fa: {  	v8 =	vld [tilespmem:s8+$0x4340]  }
0x1fb: {  	v12 =	vmul.f32 v6, v12;
	v6 =	vld [tilespmem:s8+$0x4350]  }
0x1fc: {  	s18 =	sadd.s32 $0x200, s18;
	v11 =	vmul.f32 v7, v11;
	v7 =	vld [tilespmem:s8+$0x4360]  }
0x1fd: {  	[tilespmem:s8+$0x4300] =	vst v12;
	v5 =	vmul.f32 v10, v5;
	v10 =	vld [tilespmem:s8+$0x4370]  }
0x1fe: {  	[tilespmem:s8+$0x4310] =	vst v11;
	v4 =	vmul.f32 v9, v4  }
0x1ff: {  	[tilespmem:s8+$0x4320] =	vst v5;
	v3 =	vmul.f32 v8, v3  }
0x200: {  	[tilespmem:s8+$0x4330] =	vst v4;
	v2 =	vmul.f32 v6, v2  }
0x201: {  	[tilespmem:s8+$0x4340] =	vst v3;
	v1 =	vmul.f32 v7, v1  }
0x202: {  	s11 =	sshll.u32 @!p1 s11, $0xB;
	[tilespmem:s8+$0x4350] =	vst v2;
	v0 =	vmul.f32 v10, v0  }
0x203: {  	s11 =	sand.u32 @!p1 $0x1FFFE000, s11;
	[tilespmem:s8+$0x4360] =	vst v1  }
0x204: {  	s18 =	simm.s32 @!p1 $0x0;
	s19 =	simm.s32 @!p1 $0x8300;
	[tilespmem:s8+$0x4370] =	vst v0;
	s8 =	sadd.s32 @!p1 s6, s11  }
0x205: {  	[tilespmem:s19], [sflag:$0x3] =	stream.linear.gather @!p1 [hbm4b:s8+s18], $0x2000, $0x38;
	[tilespmem:$0x1FB80] =	vst v63  }
0x206: {  	_ =	swait.ge [sflag:s31], $0x2000  }
0x207: {  	[sflag:s31] =	ssyncset.done $0x0  }
0x208: {  	s8 =	simm.s32 $0x0;
	[sflag:s31] =	ssyncadd.s32 $0xFFFFE000  }
0x209: {  	v7 =	vld [tilespmem:s8+$0xA300]  }
0x20a: {  	v11 =	vld [tilespmem:s8+$0xA310]  }
0x20b: {  	v5 =	vld [tilespmem:s8+$0xA320]  }
0x20c: {  	v4 =	vld [tilespmem:s8+$0xA330]  }
0x20d: {  	v3 =	vld [tilespmem:s8+$0xA340]  }
0x20e: {  	v2 =	vld [tilespmem:s8+$0xA350]  }
0x20f: {  	v1 =	vld [tilespmem:s8+$0xA360]  }
0x210: {  	v0 =	vld [tilespmem:s8+$0xA370]  }
0x211: {  	v12 =	vld [tilespmem:s8+$0x6300]  }
0x212: {  	v13 =	vld [tilespmem:s8+$0x6310]  }
0x213: {  	v10 =	vld [tilespmem:s8+$0x6320]  }
0x214: {  	v9 =	vld [tilespmem:s8+$0x6330]  }
0x215: {  	v8 =	vld [tilespmem:s8+$0x6340]  }
0x216: {  	v6 =	vld [tilespmem:s8+$0x6350];
	v12 =	vmul.f32 v12, v7  }
0x217: {  	s18 =	simm.s32 $0x200;
	v11 =	vmul.f32 v13, v11;
	v7 =	vld [tilespmem:s8+$0x6360]  }
.LBB2_26:
0x218: {  	s19 =	sshra.s32 s18, $0x2;
	p3 =	sne.s32 s18, $0x7E00;
	[tilespmem:s8+$0x6300] =	vst v12;
	v5 =	vmul.f32 v10, v5;
	v10 =	vld [tilespmem:s8+$0x6370]  }
0x219: {  	v4 =	vmul.f32 v9, v4;
	v12 =	vld [tilespmem:s19+$0xA300];
	[tilespmem:s8+$0x6310] =	vst v11  }
0x21a: {  	v3 =	vmul.f32 v8, v3;
	v11 =	vld [tilespmem:s19+$0xA310];
	[tilespmem:s8+$0x6320] =	vst v5  }
0x21b: {  	v2 =	vmul.f32 v6, v2;
	v5 =	vld [tilespmem:s19+$0xA320];
	[tilespmem:s8+$0x6330] =	vst v4  }
0x21c: {  	v1 =	vmul.f32 v7, v1;
	v4 =	vld [tilespmem:s19+$0xA330];
	[tilespmem:s8+$0x6340] =	vst v3  }
0x21d: {  	v3 =	vld [tilespmem:s19+$0xA340];
	[tilespmem:s8+$0x6350] =	vst v2;
	v0 =	vmul.f32 v10, v0  }
0x21e: {  	v2 =	vld [tilespmem:s19+$0xA350];
	[tilespmem:s8+$0x6360] =	vst v1  }
0x21f: {  	v1 =	vld [tilespmem:s19+$0xA360];
	[tilespmem:s8+$0x6370] =	vst v0;
	s8 =	smov.u32 s19  }
0x220: {  	v0 =	vld [tilespmem:s8+$0xA370]  }
0x221: {  	v6 =	vld [tilespmem:s8+$0x6300]  }
0x222: {  	v7 =	vld [tilespmem:s8+$0x6310]  }
.Ltmp17:
0x223: {  	v10 =	vld [tilespmem:s8+$0x6320];
	(pc) =	sbr.rel @p3 .LBB2_26-.Ltmp17, $4  }
0x224: {  	v9 =	vld [tilespmem:s8+$0x6330]  }
0x225: {  	v8 =	vld [tilespmem:s8+$0x6340]  }
0x226: {  	v12 =	vmul.f32 v6, v12;
	v6 =	vld [tilespmem:s8+$0x6350]  }
0x227: {  	s18 =	sadd.s32 $0x200, s18;
	v11 =	vmul.f32 v7, v11;
	v7 =	vld [tilespmem:s8+$0x6360]  }
.Ltmp18:
0x228: {  	_ = 	snop;
	(pc) =	sbr.rel .LBB2_27-.Ltmp18, $1  }
0x229: {  	_ =	sdelay $0x3  }
.LBB2_30:
0x22a: {  	_ =	sfence.sel $0x180000  }
0x22b: {  	[bflag:$0x0] =	sbarrier.arrive $0xFFFF  }
0x22c: {  	_ =	strace $0x9000004D  }
0x22d: {  	s0 =	stileid.u32;
	[bflag:$0x2] =	sbarrier.arrive $0xFFFF  }
0x22e: {  	p0 =	sne.s32 s0, $0x0;
	s0 =	rddreg [dreg:$0x4]  }
0x22f: {  	s0 =	sadd.s32 @!p0 $0x100000, s0  }
0x230: {  	[sflag:s0] =	ssyncadd.tile.s32 @!p0 $0x1;
	_ =	shalt  }
.Lfunc_end2:
_tile_overlayer_lowered:
.L_overlay_start_2:
0x231: {  	(tag) =	ssettag $0x2  }
0x232: {  	s0 =	rddreg [dreg:$0x0];
	s2 =	stileid.u32  }
0x233: {  	s1 =	rddreg [dreg:$0x1];
	p0 =	sne.s32 s2, $0x0  }
0x234: {  	s3 =	rddreg [dreg:$0x2];
	[bflag:$0x3] =	sbarrier.arrive $0xFFFF;
	s2 =	simm.s32 @!p0 $0x1C07  }
0x235: {  	[timem:s3], [sflag:s2] =	dma.local @!p0 [hbm:s0], s1  }
0x236: {  	s0 =	simm.s32 @!p0 $0x7  }
0x237: {  	_ =	swait.ge @!p0 [sflag:s0], s1  }
0x238: {  	s1 =	ssub.s32 @!p0 $0x0, s1;
	[sflag:s0] =	ssyncset.done @!p0 $0x0  }
0x239: {  	[sflag:s0] =	ssyncadd.s32 @!p0 s1  }
0x23a: {  	[bflag:$0x3] =	sbarrier.arrive $0xFFFF  }
0x23b: {  	_ =	shalt  }

// kernel: kernel.15.cloned.1.call-start
scs
__scs_entry_jumppad:
0x0: {  	(pc) =	sbr.rel $0x88, $3  }
0x1: {  	(tag) =	ssettag $0x0;
	lr =	simm.s32 $0x1  }
0x2: {  	[smem:$0x3F98] =	sst lr;
	_ =	strace $0xD0000000  }
0x3: {  	_ = 	snop  }
0x4: {  	_ = 	snop  }
0x5: {  	_ = 	snop  }
0x6: {  	_ = 	snop  }
0x7: {  	_ = 	snop  }
__scs_overlays_trampoline_lowered:
0x8: {  	[smem:$0x3FA7] =	sst s0  }
0x9: {  	[smem:$0x3FA8] =	sst s1  }
0xa: {  	[smem:$0x3FA9] =	sst s2  }
0xb: {  	[smem:$0x3FAA] =	sst s3  }
0xc: {  	[smem:$0x3FAB] =	sst s4  }
0xd: {  	[smem:$0x3FAC] =	sst s5  }
0xe: {  	[smem:$0x3FAD] =	sst s6  }
0xf: {  	[smem:$0x3FAE] =	sst s7  }
0x10: {  	[smem:$0x3FAF] =	sst s8  }
0x11: {  	[smem:$0x3FB0] =	sst s9;
	s0 =	simm.s32 @!p0 $0x0  }
0x12: {  	s1 =	sld [smem:$0x3F96];
	s0 =	simm.s32 @p0 $0x1  }
0x13: {  	[smem:$0x3FB1] =	sst s0;
	s0 =	simm.s32 @!p1 $0x0  }
0x14: {  	s2 =	sld [smem:$0x3F95];
	s0 =	simm.s32 @p1 $0x1  }
0x15: {  	[smem:$0x3FB2] =	sst s0;
	s0 =	simm.s32 @!p2 $0x0  }
0x16: {  	s3 =	sld [smem:$0x3FDB];
	s0 =	simm.s32 @p2 $0x1  }
0x17: {  	s4 =	simm.s32 $0x1BF5;
	[smem:$0x3FB4] =	sst s0  }
0x18: {  	s0 =	sld [smem:$0x3F97];
	_ =	swait.ge [sflag:s4], $0x0  }
0x19: {  	s7 =	sld [smem:$0x3F98]  }
0x1a: {  	s8 =	sadd.s32 $0xFFFFE003, lr  }
0x1b: {  	s9 =	sadd.s32 $0xFFFFFEF7, lr;
	s5 =	simm.s32 $0xFFFFFFFF;
	p2 =	slt.u32 s8, $0xFFFFF086  }
0x1c: {  	p1 =	slt.u32 s9, $0xF7A;
	s5 =	simm.s32 @!p2 $0x0  }
0x1d: {  	s5 =	simm.s32 @p1 $0x1;
	p0 =	seq.s32 s7, s2  }
0x1e: {  	s7 =	smul.u32 @!p0 $0xF7A, s2;
	p2 =	seq.s32 @!p0 s5, $0x0  }
0x1f: {  	s9 =	smul.u32 $0xF7A, s1;
	s8 =	simm.s32 @!p0 $0x1BF5;
	p2 =	por !p2, p0  }
0x20: {  	[sflag:s8] =	ssyncset.s32 @!p0 $0xFFFFF086;
	s6 =	sadd.s32 @!p0 s3, s7;
	s7 =	simm.s32 @!p0 $0x108  }
0x21: {  	s3 =	sadd.s32 s3, s9;
	s6 =	sadd.s32 @!p0 $0x88, s6;
	s7 =	simm.s32 @p2 $0x1082  }
0x22: {  	[simem:s7], [sflag:s8] =	dma.local @!p0 [hbm:s6], $0xF7A  }
0x23: {  	s9 =	sor.u32 $0xD0000000, s2;
	s6 =	simm.s32 $0x108;
	_ =	swait.ge @!p0 [sflag:s8], $0x0  }
0x24: {  	s3 =	sadd.s32 $0x88, s3;
	s6 =	simm.s32 @!p1 $0x1082;
	[sflag:s4] =	ssyncset.s32 $0xFFFFF086  }
0x25: {  	[simem:s6], [sflag:s4] =	dma.local [hbm:s3], $0xF7A  }
0x26: {  	[smem:$0x3F98] =	sst s1;
	(tag) =	ssettag s2;
	_ =	strace s9  }
0x27: {  	s1 =	sld [smem:$0x3FA8]  }
0x28: {  	s2 =	sld [smem:$0x3FA9]  }
0x29: {  	s4 =	sld [smem:$0x3FAB]  }
0x2a: {  	p0 =	seq.s32 s5, $0x0;
	s5 =	sld [smem:$0x3FAC]  }
0x2b: {  	s6 =	sld [smem:$0x3FAD]  }
0x2c: {  	s7 =	sld [smem:$0x3FAE]  }
0x2d: {  	s3 =	simm.s32 $0x108;
	s8 =	sld [smem:$0x3FAF]  }
0x2e: {  	s3 =	simm.s32 @!p0 $0x1082;
	s9 =	sld [smem:$0x3FB0]  }
0x2f: {  	lr =	sadd.s32 s0, s3;
	s0 =	sld [smem:$0x3FA7]  }
0x30: {  	s3 =	sld [smem:$0x3FAA]  }
0x31: {  	[smem:$0x3FB3] =	sst s10  }
0x32: {  	s10 =	sld [smem:$0x3FB1];
	_ =	sdelay $0x3  }
0x33: {  	p0 =	seq.s32 s10, $0x1;
	s10 =	sld [smem:$0x3FB3];
	_ =	sdelay $0x3  }
0x34: {  	[smem:$0x3FB3] =	sst s10  }
0x35: {  	s10 =	sld [smem:$0x3FB2];
	_ =	sdelay $0x3  }
0x36: {  	p1 =	seq.s32 s10, $0x1;
	s10 =	sld [smem:$0x3FB3];
	_ =	sdelay $0x3  }
0x37: {  	[smem:$0x3FB3] =	sst s10  }
0x38: {  	s10 =	sld [smem:$0x3FB4]  }
0x39: {  	_ = 	snop;
	(pc) =	sbr.ind lr, $3  }
0x3a: {  	_ = 	snop  }
0x3b: {  	_ = 	snop  }
0x3c: {  	p2 =	seq.s32 s10, $0x1;
	s10 =	sld [smem:$0x3FB3]  }
0x3d: {  	_ =	shalt  }
0x3e: {  	_ =	shalt  }
0x3f: {  	_ =	shalt  }
0x40: {  	_ =	shalt  }
0x41: {  	_ =	shalt  }
0x42: {  	_ =	shalt  }
0x43: {  	_ =	shalt  }
0x44: {  	_ =	shalt  }
0x45: {  	_ =	shalt  }
0x46: {  	_ =	shalt  }
0x47: {  	_ =	shalt  }
0x48: {  	_ =	shalt  }
0x49: {  	_ =	shalt  }
0x4a: {  	_ =	shalt  }
0x4b: {  	_ =	shalt  }
0x4c: {  	_ =	shalt  }
0x4d: {  	_ =	shalt  }
0x4e: {  	_ =	shalt  }
0x4f: {  	_ =	shalt  }
0x50: {  	_ =	shalt  }
0x51: {  	_ =	shalt  }
0x52: {  	_ =	shalt  }
0x53: {  	_ =	shalt  }
0x54: {  	_ =	shalt  }
0x55: {  	_ =	shalt  }
0x56: {  	_ =	shalt  }
0x57: {  	_ =	shalt  }
0x58: {  	_ =	shalt  }
0x59: {  	_ =	shalt  }
0x5a: {  	_ =	shalt  }
0x5b: {  	_ =	shalt  }
0x5c: {  	_ =	shalt  }
0x5d: {  	_ =	shalt  }
0x5e: {  	_ =	shalt  }
0x5f: {  	_ =	shalt  }
0x60: {  	_ =	shalt  }
0x61: {  	_ =	shalt  }
0x62: {  	_ =	shalt  }
0x63: {  	_ =	shalt  }
0x64: {  	_ =	shalt  }
0x65: {  	_ =	shalt  }
0x66: {  	_ =	shalt  }
0x67: {  	_ =	shalt  }
0x68: {  	_ =	shalt  }
0x69: {  	_ =	shalt  }
0x6a: {  	_ =	shalt  }
0x6b: {  	_ =	shalt  }
0x6c: {  	_ =	shalt  }
0x6d: {  	_ =	shalt  }
0x6e: {  	_ =	shalt  }
0x6f: {  	_ =	shalt  }
0x70: {  	_ =	shalt  }
0x71: {  	_ =	shalt  }
0x72: {  	_ =	shalt  }
0x73: {  	_ =	shalt  }
0x74: {  	_ =	shalt  }
0x75: {  	_ =	shalt  }
0x76: {  	_ =	shalt  }
0x77: {  	_ =	shalt  }
0x78: {  	_ =	shalt  }
0x79: {  	_ =	shalt  }
0x7a: {  	_ =	shalt  }
0x7b: {  	_ =	shalt  }
0x7c: {  	_ =	shalt  }
0x7d: {  	_ =	shalt  }
0x7e: {  	_ =	shalt  }
0x7f: {  	_ =	shalt  }
0x80: {  	_ =	shalt  }
0x81: {  	_ =	shalt  }
0x82: {  	_ =	shalt  }
0x83: {  	_ =	shalt  }
0x84: {  	_ =	shalt  }
0x85: {  	_ =	shalt  }
0x86: {  	_ =	shalt  }
0x87: {  	_ =	shalt  }
.Lfunc_end0:
.L_simem_size_0:
called_computation.2_lowered:
.L_overlay_start_0:
0x88: {  	s2 =	sld [smem:$0x3FD9]  }
0x89: {  	s3 =	sld [smem:$0x3FFE];
	_ =	sdelay $0x1  }
0x8a: {  	s1 =	srdreg.scid  }
0x8b: {  	s0 =	sand.u32 $0x1, s1  }
0x8c: {  	s17 =	sshll.u32 s0, $0xA;
	s2 =	sadd.s32 s3, s2  }
0x8d: {  	s2 =	sadd.s32 s2, s17  }
0x8e: {  	[smem:$0x3FBF] =	sst s2  }
0x8f: {  	_ = 	snop  }
0x90: {  	s2 =	sld [smem:$0x3FC9];
	(tm) =	ssettm $0x1  }
0x91: {  	s18 =	sld [smem:$0x3FFB];
	_ =	sdelay $0x3  }
0x92: {  	_ =	strace s18  }
0x93: {  	s3 =	sld [smem:$0x3FFC];
	_ =	sdelay $0x3  }
0x94: {  	_ =	strace s3  }
0x95: {  	s3 =	sld [smem:$0x3FFD];
	_ =	sdelay $0x3  }
0x96: {  	_ =	strace s3  }
0x97: {  	_ =	strace $0x8FFFFFFF  }
0x98: {  	s19 =	sld [smem:$0x3FDB];
	_ =	sdelay $0x1  }
0x99: {  	s4 =	simm.s32 $_scs_section_size  }
0x9a: {  	s5 =	simm.s32 $_size__tile_overlayer_lowered;
	s6 =	simm.s32 $_tile_overlayer_lowered  }
0x9b: {  	s22 =	simm.s32 $0x1BFF;
	s21 =	sshll.u32 s6, $0x1;
	s3 =	sadd.s32 s4, s19  }
0x9c: {  	s7 =	simm.s32 $0x0;
	s20 =	sshll.u32 s5, $0x1;
	s5 =	sadd.s32 s21, s3  }
0x9d: {  	[timem:s7], [sflag:s22] =	dma.local [hbm:s5], s20  }
0x9e: {  	_ =	swait.ge [sflag:s22], s20  }
0x9f: {  	s4 =	ssub.s32 $0x0, s20;
	[sflag:s22] =	ssyncset.done $0x0  }
0xa0: {  	[sflag:s22] =	ssyncadd.s32 s4;
	_ =	sdelay $0x1  }
0xa1: {  	s23 =	simm.s32 $0x1B8B  }
0xa2: {  	_ =	swait.ge [sflag:s23], $0x1  }
0xa3: {  	[sflag:s23] =	ssyncset.done $0x0  }
0xa4: {  	s25 =	simm.s32 $0x1B8E;
	s24 =	sld [smem:$0x3FFE];
	[sflag:s23] =	ssyncadd.s32 $0xFFFFFFFF  }
0xa5: {  	s26 =	simm.s32 $execute0_lowered;
	[smem:$0x3FD2] =	sst s25  }
0xa6: {  	s5 =	sshll.u32 s26, $0x1;
	_ =	strace $0x80000049;
	[dreg:$0x1] =	wrdreg $0xFFFFFFFF  }
0xa7: {  	s28 =	simm.s32 $_size_execute0_lowered;
	s3 =	sadd.s32 s3, s5;
	[dreg:$0x0] =	wrdreg $0x0  }
0xa8: {  	s5 =	sshll.u32 s28, $0x1;
	[dreg:$0x2] =	wrdreg s3  }
0xa9: {  	[dreg:$0x3] =	wrdreg s5  }
0xaa: {  	[dreg:$0x4] =	wrdreg $0xC0  }
0xab: {  	_ =	task [dreg:s7], $0x5FFFF  }
0xac: {  	[dreg:$0x1] =	wrdreg $0xFFFFFFFF  }
0xad: {  	[dreg:$0x0] =	wrdreg $0x60  }
0xae: {  	[dreg:$0x2] =	wrdreg s24  }
0xaf: {  	[dreg:$0x3] =	wrdreg s2  }
0xb0: {  	[dreg:$0x4] =	wrdreg $0xC3000  }
0xb1: {  	[dreg:$0x5] =	wrdreg $0xA  }
0xb2: {  	_ =	task.clear_ibuf [dreg:s7], $0x6FFFF;
	_ =	strace $0x90000049  }
0xb3: {  	s29 =	simm.s32 $0xA;
	_ =	strace $0x8000004B  }
0xb4: {  	_ =	swait.ge [sflag:s29], $0x1  }
0xb5: {  	[sflag:s29] =	ssyncadd.s32 $0xFFFFFFFF  }
0xb6: {  	_ =	strace $0x9000004B  }
0xb7: {  	_ =	sfence  }
0xb8: {  	s30 =	sld [smem:$0x0];
	_ =	sdelay $0x2  }
0xb9: {  	s31 =	sshll.u32 s1, $0xD;
	s1 =	sshrl.u32 s1, $0x2  }
0xba: {  	s3 =	sand.u32 $0x4000, s31;
	s1 =	sadd.s32 s1, s30  }
0xbb: {  	s0 =	sor.u32 s3, s0;
	s1 =	sshll.u32 s1, $0x11  }
0xbc: {  	s0 =	sor.u32 s1, s0  }
0xbd: {  	s0 =	sadd.s32 $0x8F2B, s0  }
0xbe: {  	[sflag:s0] =	ssyncadd.remote.s32 $0x1  }
0xbf: {  	_ =	sfence.sel $0xFFFF  }
0xc0: {  	[dreg:$0x0] =	wrdreg $0xFFFFFFFF;
	(pc) =	sbr.abs _section_cstart, $3  }
0xc1: {  	[dreg:$0x1] =	wrdreg $0xFFFFFFFF  }
0xc2: {  	_ =	task.clear_ibuf [dreg:s7], $0x2FFFF;
	_ =	strace $0x9FFFFFFF  }
0xc3: {  	(tm) =	ssettm $0x7FFFFFFF  }
tec
execute0_lowered:
.L_overlay_start_1:
0x0: {  	(tag) =	ssettag $0x1  }
0x1: {  	s0 =	rddreg [dreg:$0x0]  }
0x2: {  	s1 =	rddreg [dreg:$0x1]  }
0x3: {  	s2 =	rddreg [dreg:$0x2];
	s3 =	simm.s32 $0x0  }
0x4: {  	s4 =	srdreg.scid;
	s14 =	stileid.u32;
	s23 =	simm.s32 $0x7  }
0x5: {  	s28 =	simm.s32 $0x200;
	s29 =	simm.s32 $0x300;
	s30 =	simm.s32 $0x4300  }
0x6: {  	s31 =	simm.s32 $0x4;
	[smem:$0x7FF] =	sst s3;
	s5 =	sadd.s32 $0x2DF400, s0  }
0x7: {  	s6 =	sadd.s32 $0x2D5400, s0;
	s4 =	sand.u32 $0x1, s4;
	s7 =	sadd.s32 $0x2DA400, s0  }
0x8: {  	s9 =	sshll.u32 s14, $0x1;
	s10 =	sadd.s32 $0x6A00, s0;
	s11 =	smul.u32 $0x4F000, s14  }
0x9: {  	s17 =	sadd.s32 $0x2DF800, s0;
	s8 =	smul.u32 $0x27100, s4;
	s24 =	sor.u32 s4, s9  }
0xa: {  	p0 =	seq.s32 s14, $0xF;
	_ =	strace $0x8000004A;
	s9 =	smul.u32 $0x28, s24  }
0xb: {  	[dreg:$0x4] =	wrdreg s10;
	s4 =	ssub.s32 $0x2, s4;
	s13 =	smul.u32 $0x280, s24  }
0xc: {  	s12 =	sshrl.u32 s4, $0x1;
	s11 =	sshrl.u32 s11, $0x2;
	s10 =	smul.u32 $0x14000, s24  }
0xd: {  	s24 =	simm.s32 $0x80;
	s8 =	sadd.s32 s8, s0;
	s11 =	sadd.s32 s11, s2  }
0xe: {  	s4 =	ssub.s32 s4, s12;
	[dreg:$0x5] =	wrdreg s11;
	s15 =	sadd.s32 s6, s13  }
0xf: {  	s11 =	sadd.s32 $0x128400, s2;
	s13 =	sadd.s32 s7, s13;
	[dreg:$0x6] =	wrdreg s15  }
0x10: {  	s25 =	ssub.s32 $0x4E2, s9;
	s26 =	sadd.s32 s5, s10;
	[dreg:$0x9] =	wrdreg s13  }
0x11: {  	s0 =	sadd.s32 s10, s17;
	s8 =	sadd.s32 $0x64400, s8;
	[dreg:$0xa] =	wrdreg s26  }
0x12: {  	s4 =	smax.u32 s4, $0x1;
	s10 =	simm.s32 $0x6;
	[dreg:$0xb] =	wrdreg s0  }
0x13: {  	s12 =	smin.u32 s25, $0x28;
	s16 =	sadd.s32 $0x10, s15;
	[dreg:$0xd] =	wrdreg s4  }
0x14: {  	s15 =	sadd.s32 $0x20, s15;
	s0 =	smul.u32 $0x2780, s14;
	[dreg:$0xc] =	wrdreg s8  }
.Ltmp0:
0x15: {  	s4 =	sshll.u32 @!p0 s14, $0x6;
	[dreg:$0x7] =	wrdreg s16;
	(pc) =	sbr.rel .LBB2_1-.Ltmp0, $4  }
0x16: {  	s26 =	simm.s32 $0x3;
	[dreg:$0x8] =	wrdreg s15;
	s16 =	sshrl.u32 @p0 s11, $0x3  }
0x17: {  	s13 =	simm.s32 $0x280;
	s18 =	sor.u32 @!p0 $0x1C07, s4;
	[dreg:$0xe] =	wrdreg s16  }
0x18: {  	s14 =	simm.s32 $0x0;
	s0 =	sadd.s32 @!p0 s0, s8;
	[dreg:$0xf] =	wrdreg s18  }
0x19: {  	s4 =	simm.s32 $0x1;
	[dreg:$0x10] =	wrdreg s0;
	s0 =	simm.s32 $0x2  }
.LBB2_29:
0x1a: {  	[bflag:$0x0] =	sbarrier.arrive $0xFFFF  }
0x1b: {  	s8 =	rddreg [dreg:$0xc]  }
0x1c: {  	s11 =	simm.s32 @p0 $0x1FC7;
	s16 =	rddreg [dreg:$0xe];
	s8 =	sadd.s32 @p0 $0x25080, s8  }
0x1d: {  	[hbm:s8], [sflag:s11] =	dma.local @p0 [spmem:s16], $0x2080  }
0x1e: {  	s8 =	simm.s32 @p0 $0x7  }
0x1f: {  	_ =	swait.ge @p0 [sflag:s8], $0x2080  }
0x20: {  	[sflag:s8] =	ssyncset.done @p0 $0x0;
	s18 =	rddreg [dreg:$0xf]  }
0x21: {  	[sflag:s8] =	ssyncadd.s32 @p0 $0xFFFFDF80;
	s8 =	rddreg [dreg:$0x10]  }
0x22: {  	[hbm:s8], [sflag:s18] =	dma.local @!p0 [spmem:s15], $0x2780  }
0x23: {  	s8 =	simm.s32 @!p0 $0x7  }
0x24: {  	_ =	swait.ge @!p0 [sflag:s8], $0x2780  }
0x25: {  	s14 =	sadd.s32 $0x1, s14;
	s25 =	rddreg [dreg:$0xd]  }
0x26: {  	p1 =	sne.s32 s14, s25  }
.Ltmp1:
0x27: {  	_ = 	snop;
	(pc) =	sbr.rel @!p1 .LBB2_30-.Ltmp1, $3  }
0x28: {  	_ =	sdelay $0x1  }
0x29: {  	[sflag:s8] =	ssyncset.done @!p0 $0x0  }
0x2a: {  	[sflag:s8] =	ssyncadd.s32 @!p0 $0xFFFFD880  }
.LBB2_1:
0x2b: {  	s8 =	simm.s32 @p0 $0x1FC7;
	s11 =	rddreg [dreg:$0x4]  }
0x2c: {  	[spmem:s16], [sflag:s8] =	dma.local @p0 [hbm:s11], $0x2080  }
0x2d: {  	s8 =	simm.s32 @p0 $0x7  }
0x2e: {  	_ =	swait.ge @p0 [sflag:s8], $0x2080  }
0x2f: {  	[sflag:s8] =	ssyncset.done @p0 $0x0  }
0x30: {  	[sflag:s8] =	ssyncadd.s32 @p0 $0xFFFFDF80;
	s8 =	rddreg [dreg:$0x5]  }
0x31: {  	s15 =	sshrl.u32 @!p0 s8, $0x3;
	s8 =	simm.s32 @!p0 $0x7  }
0x32: {  	[spmem:s15], [sflag:s18] =	dma.local @!p0 [hbm:s11], $0x2780  }
0x33: {  	_ =	swait.ge @!p0 [sflag:s8], $0x2780  }
0x34: {  	[sflag:s8] =	ssyncset.done @!p0 $0x0  }
0x35: {  	[sflag:s8] =	ssyncadd.s32 @!p0 $0xFFFFD880  }
0x36: {  	[bflag:$0x0] =	sbarrier.arrive $0xFFFF  }
0x37: {  	s25 =	rddreg [dreg:$0x6]  }
0x38: {  	[tilespmem:s3], [sflag:$0x7] =	stream.linear.gather [hbm4b:s25+s3], $0x80, $0x38;
	[tilespmem:$0x1FB80] =	vst v63  }
0x39: {  	_ =	swait.ge [sflag:s23], $0x80  }
0x3a: {  	[sflag:s23] =	ssyncset.done $0x0  }
0x3b: {  	s11 =	rddreg [dreg:$0x7];
	[sflag:s23] =	ssyncadd.s32 $0xFFFFFF80  }
0x3c: {  	[tilespmem:s24], [sflag:$0x7] =	stream.linear.gather [hbm4b:s11+s3], $0x80, $0x38;
	[tilespmem:$0x1FB80] =	vst v63  }
0x3d: {  	_ =	swait.ge [sflag:s23], $0x80  }
0x3e: {  	[sflag:s23] =	ssyncset.done $0x0  }
0x3f: {  	s18 =	simm.s32 $0x100;
	s16 =	rddreg [dreg:$0x8];
	[sflag:s23] =	ssyncadd.s32 $0xFFFFFF80  }
0x40: {  	[tilespmem:s18], [sflag:$0x7] =	stream.linear.gather [hbm4b:s16+s3], $0x80, $0x38;
	[tilespmem:$0x1FB80] =	vst v63  }
0x41: {  	_ =	swait.ge [sflag:s23], $0x80  }
0x42: {  	[sflag:s23] =	ssyncset.done $0x0  }
0x43: {  	s19 =	rddreg [dreg:$0x9];
	[sflag:s23] =	ssyncadd.s32 $0xFFFFFF80  }
0x44: {  	[tilespmem:s28], [sflag:$0x7] =	stream.linear.gather [hbm4b:s19+s3], $0x80, $0x38;
	[tilespmem:$0x1FB80] =	vst v63  }
0x45: {  	_ =	swait.ge [sflag:s23], $0x80  }
0x46: {  	[sflag:s23] =	ssyncset.done $0x0  }
0x47: {  	[sflag:s23] =	ssyncadd.s32 $0xFFFFFF80  }
0x48: {  	[tilespmem:s29], [sflag:$0x1] =	stream.indirect.gather [hbm4b:s1+s24], $0x80, s3, s24, $0xb8;
	[tilespmem:$0x1FB80] =	vst v63  }
0x49: {  	_ = 	snop  }
0x4a: {  	[tilespmem:s30], [sflag:$0x2] =	stream.indirect.gather [hbm4b:s1+s24], $0x80, s24, s24, $0xb8;
	[tilespmem:$0x1FB80] =	vst v63  }
.Ltmp2:
0x4b: {  	_ = 	snop;
	(pc) =	sbr.rel .LBB2_2-.Ltmp2, $4  }
0x4c: {  	s21 =	simm.s32 $0x8300;
	s20 =	rddreg [dreg:$0xa]  }
0x4d: {  	[tilespmem:s21], [sflag:$0x3] =	stream.linear.gather [hbm4b:s20+s3], $0x2000, $0x38;
	[tilespmem:$0x1FB80] =	vst v63  }
0x4e: {  	s25 =	simm.s32 $0xA300;
	s16 =	simm.s32 $0x0;
	s22 =	rddreg [dreg:$0xb]  }
0x4f: {  	[tilespmem:s25], [sflag:$0x4] =	stream.linear.gather [hbm4b:s22+s3], $0x2000, $0x38;
	[tilespmem:$0x1FB80] =	vst v63  }
.LBB2_27:
0x50: {  	[tilespmem:s8+$0x6300] =	vst v12;
	v5 =	vmul.f32 v10, v5;
	v63 =	vld [tilespmem:s8+$0x6370]  }
0x51: {  	[tilespmem:s8+$0x6310] =	vst v11;
	v4 =	vmul.f32 v9, v4  }
0x52: {  	v3 =	vmul.f32 v8, v3;
	[tilespmem:s8+$0x6320] =	vst v5  }
0x53: {  	v2 =	vmul.f32 v6, v2;
	[tilespmem:s8+$0x6330] =	vst v4  }
0x54: {  	v1 =	vmul.f32 v7, v1;
	[tilespmem:s8+$0x6340] =	vst v3  }
0x55: {  	[tilespmem:s8+$0x6350] =	vst v2;
	v0 =	vmul.f32 v63, v0  }
0x56: {  	[tilespmem:s8+$0x6360] =	vst v1  }
0x57: {  	s18 =	simm.s32 @!p1 $0xA300;
	[tilespmem:s8+$0x6370] =	vst v0;
	s8 =	sadd.s32 @!p1 s11, s17;
	s11 =	simm.s32 @!p1 $0x0  }
0x58: {  	[tilespmem:s18], [sflag:$0x4] =	stream.linear.gather @!p1 [hbm4b:s8+s11], $0x2000, $0x38;
	[tilespmem:$0x1FB80] =	vst v63  }
0x59: {  	_ =	swait.ge [sflag:s10], $0x80  }
0x5a: {  	[sflag:s10] =	ssyncset.done $0x0  }
0x5b: {  	[sflag:s10] =	ssyncadd.s32 $0xFFFFFF80  }
0x5c: {  	[spmem:s2] =	stream.indirect.scatter.add.f32 [tilespmem:s30], [sflag:$0x7], $0x80, s13, s24, $0xb8;
	[tilespmem:$0x1FB80] =	vst v63  }
0x5d: {  	_ =	swait.ge [sflag:s23], $0x4000  }
0x5e: {  	[sflag:s23] =	ssyncset.done $0x0  }
0x5f: {  	s8 =	simm.s32 @!p2 $0x5;
	[sflag:s23] =	ssyncadd.s32 $0xFFFFC000  }
0x60: {  	_ =	swait.ge @!p2 [sflag:s8], $0x80  }
0x61: {  	[sflag:s8] =	ssyncset.done @!p2 $0x0  }
0x62: {  	s11 =	simm.s32 @!p2 $0x4300;
	[sflag:s8] =	ssyncadd.s32 @!p2 $0xFFFFFF80;
	s8 =	simm.s32 @!p2 $0x80  }
0x63: {  	[tilespmem:s11], [sflag:$0x2] =	stream.indirect.gather @!p2 [hbm4b:s1+s8], $0x80, s8, s8, $0xb8;
	[tilespmem:$0x1FB80] =	vst v63  }
.LBB2_28:
0x64: {  	s16 =	sadd.s32 $0x1, s16  }
0x65: {  	p1 =	sne.s32 s16, $0xA  }
.Ltmp3:
0x66: {  	_ = 	snop;
	(pc) =	sbr.rel @!p1 .LBB2_29-.Ltmp3, $1  }
0x67: {  	_ =	sdelay $0x3  }
.LBB2_2:
0x68: {  	s18 =	sshll.u32 s16, $0x2  }
0x69: {  	p1 =	slt.u32 s18, s12  }
.Ltmp4:
0x6a: {  	_ = 	snop;
	(pc) =	sbr.rel @!p1 .LBB2_3-.Ltmp4, $2  }
0x6b: {  	_ =	sdelay $0x2  }
0x6c: {  	s20 =	sor.u32 $0x3, s18  }
0x6d: {  	s8 =	sor.u32 $0x3, s18  }
0x6e: {  	p1 =	sge.u32 s8, s12  }
0x6f: {  	s8 =	sadd.s32 @!p1 s9, s8  }
0x70: {  	s8 =	sshll.u32 @!p1 s8, $0x4  }
0x71: {  	s25 =	sor.u32 $0x1, s18;
	s8 =	sand.u32 @!p1 $0x1FFFFFF0, s8  }
0x72: {  	s11 =	simm.s32 @!p1 $0x0;
	s19 =	simm.s32 @!p1 $0x180;
	s8 =	sadd.s32 @!p1 s6, s8  }
0x73: {  	[tilespmem:s19], [sflag:$0x5] =	stream.linear.gather @!p1 [hbm4b:s8+s11], $0x80, $0x38;
	[tilespmem:$0x1FB80] =	vst v63  }
0x74: {  	p1 =	sge.u32 s25, s12  }
0x75: {  	s19 =	sadd.s32 @!p1 s9, s25  }
0x76: {  	s8 =	sshll.u32 @!p1 s19, $0x4  }
0x77: {  	s8 =	sand.u32 @!p1 $0x1FFFFFD0, s8  }
0x78: {  	s11 =	simm.s32 @!p1 $0x0;
	s21 =	simm.s32 @!p1 $0x280;
	s8 =	sadd.s32 @!p1 s7, s8  }
0x79: {  	[tilespmem:s21], [sflag:$0x6] =	stream.linear.gather @!p1 [hbm4b:s8+s11], $0x80, $0x38;
	[tilespmem:$0x1FB80] =	vst v63  }
0x7a: {  	_ =	swait.ge [sflag:s4], $0x4000  }
0x7b: {  	[sflag:s4] =	ssyncset.done $0x0  }
0x7c: {  	[sflag:s4] =	ssyncadd.s32 $0xFFFFC000  }
0x7d: {  	_ =	swait.ge [sflag:s26], $0x2000  }
0x7e: {  	[sflag:s26] =	ssyncset.done $0x0  }
0x7f: {  	s8 =	simm.s32 $0x0;
	[sflag:s26] =	ssyncadd.s32 $0xFFFFE000  }
0x80: {  	v7 =	vld [tilespmem:s8+$0x8300]  }
0x81: {  	v11 =	vld [tilespmem:s8+$0x8310]  }
0x82: {  	v5 =	vld [tilespmem:s8+$0x8320]  }
0x83: {  	v4 =	vld [tilespmem:s8+$0x8330]  }
0x84: {  	v3 =	vld [tilespmem:s8+$0x8340]  }
0x85: {  	v2 =	vld [tilespmem:s8+$0x8350]  }
0x86: {  	v1 =	vld [tilespmem:s8+$0x8360]  }
0x87: {  	v0 =	vld [tilespmem:s8+$0x8370]  }
0x88: {  	v12 =	vld [tilespmem:s8+$0x300]  }
0x89: {  	v13 =	vld [tilespmem:s8+$0x310]  }
0x8a: {  	v10 =	vld [tilespmem:s8+$0x320]  }
0x8b: {  	v9 =	vld [tilespmem:s8+$0x330]  }
0x8c: {  	v8 =	vld [tilespmem:s8+$0x340]  }
0x8d: {  	v6 =	vld [tilespmem:s8+$0x350];
	v12 =	vmul.f32 v12, v7  }
0x8e: {  	s11 =	simm.s32 $0x200;
	v11 =	vmul.f32 v13, v11;
	v7 =	vld [tilespmem:s8+$0x360]  }
.LBB2_5:
0x8f: {  	s21 =	sshra.s32 s11, $0x2;
	p2 =	sne.s32 s11, $0x7E00;
	[tilespmem:s8+$0x300] =	vst v12;
	v5 =	vmul.f32 v10, v5;
	v10 =	vld [tilespmem:s8+$0x370]  }
0x90: {  	v12 =	vld [tilespmem:s21+$0x8300];
	[tilespmem:s8+$0x310] =	vst v11;
	v4 =	vmul.f32 v9, v4  }
0x91: {  	v11 =	vld [tilespmem:s21+$0x8310];
	[tilespmem:s8+$0x320] =	vst v5;
	v3 =	vmul.f32 v8, v3  }
0x92: {  	v5 =	vld [tilespmem:s21+$0x8320];
	[tilespmem:s8+$0x330] =	vst v4;
	v2 =	vmul.f32 v6, v2  }
0x93: {  	v4 =	vld [tilespmem:s21+$0x8330];
	[tilespmem:s8+$0x340] =	vst v3;
	v1 =	vmul.f32 v7, v1  }
0x94: {  	v3 =	vld [tilespmem:s21+$0x8340];
	[tilespmem:s8+$0x350] =	vst v2;
	v0 =	vmul.f32 v10, v0  }
0x95: {  	v2 =	vld [tilespmem:s21+$0x8350];
	[tilespmem:s8+$0x360] =	vst v1  }
0x96: {  	v1 =	vld [tilespmem:s21+$0x8360];
	[tilespmem:s8+$0x370] =	vst v0;
	s8 =	smov.u32 s21  }
0x97: {  	v0 =	vld [tilespmem:s8+$0x8370]  }
0x98: {  	v6 =	vld [tilespmem:s8+$0x300]  }
0x99: {  	v7 =	vld [tilespmem:s8+$0x310]  }
.Ltmp5:
0x9a: {  	v10 =	vld [tilespmem:s8+$0x320];
	(pc) =	sbr.rel @p2 .LBB2_5-.Ltmp5, $4  }
0x9b: {  	v9 =	vld [tilespmem:s8+$0x330]  }
0x9c: {  	v8 =	vld [tilespmem:s8+$0x340]  }
0x9d: {  	v12 =	vmul.f32 v6, v12;
	v6 =	vld [tilespmem:s8+$0x350]  }
0x9e: {  	s11 =	sadd.s32 $0x200, s11;
	v11 =	vmul.f32 v7, v11;
	v7 =	vld [tilespmem:s8+$0x360]  }
0x9f: {  	[tilespmem:s8+$0x300] =	vst v12;
	v5 =	vmul.f32 v10, v5;
	v10 =	vld [tilespmem:s8+$0x370]  }
0xa0: {  	[tilespmem:s8+$0x310] =	vst v11;
	v4 =	vmul.f32 v9, v4  }
0xa1: {  	[tilespmem:s8+$0x320] =	vst v5;
	v3 =	vmul.f32 v8, v3  }
0xa2: {  	[tilespmem:s8+$0x330] =	vst v4;
	v2 =	vmul.f32 v6, v2  }
0xa3: {  	[tilespmem:s8+$0x340] =	vst v3;
	v1 =	vmul.f32 v7, v1  }
0xa4: {  	s11 =	sshll.u32 @!p1 s19, $0xB;
	[tilespmem:s8+$0x350] =	vst v2;
	v0 =	vmul.f32 v10, v0  }
0xa5: {  	s11 =	sand.u32 @!p1 $0x1FFFE800, s11;
	[tilespmem:s8+$0x360] =	vst v1  }
0xa6: {  	s19 =	simm.s32 @!p1 $0x0;
	s21 =	simm.s32 @!p1 $0x8300;
	[tilespmem:s8+$0x370] =	vst v0;
	s8 =	sadd.s32 @!p1 s5, s11  }
0xa7: {  	[tilespmem:s21], [sflag:$0x3] =	stream.linear.gather @!p1 [hbm4b:s8+s19], $0x2000, $0x38;
	[tilespmem:$0x1FB80] =	vst v63  }
0xa8: {  	_ =	swait.ge [sflag:s31], $0x2000  }
0xa9: {  	[sflag:s31] =	ssyncset.done $0x0  }
0xaa: {  	s8 =	simm.s32 $0x0;
	[sflag:s31] =	ssyncadd.s32 $0xFFFFE000  }
0xab: {  	v7 =	vld [tilespmem:s8+$0xA300]  }
0xac: {  	v11 =	vld [tilespmem:s8+$0xA310]  }
0xad: {  	v5 =	vld [tilespmem:s8+$0xA320]  }
0xae: {  	v4 =	vld [tilespmem:s8+$0xA330]  }
0xaf: {  	v3 =	vld [tilespmem:s8+$0xA340]  }
0xb0: {  	v2 =	vld [tilespmem:s8+$0xA350]  }
0xb1: {  	v1 =	vld [tilespmem:s8+$0xA360]  }
0xb2: {  	v0 =	vld [tilespmem:s8+$0xA370]  }
0xb3: {  	v12 =	vld [tilespmem:s8+$0x2300]  }
0xb4: {  	v13 =	vld [tilespmem:s8+$0x2310]  }
0xb5: {  	v10 =	vld [tilespmem:s8+$0x2320]  }
0xb6: {  	v9 =	vld [tilespmem:s8+$0x2330]  }
0xb7: {  	v8 =	vld [tilespmem:s8+$0x2340]  }
0xb8: {  	v6 =	vld [tilespmem:s8+$0x2350];
	v12 =	vmul.f32 v12, v7  }
0xb9: {  	s19 =	simm.s32 $0x200;
	v11 =	vmul.f32 v13, v11;
	v7 =	vld [tilespmem:s8+$0x2360]  }
.LBB2_7:
0xba: {  	s21 =	sshra.s32 s19, $0x2;
	p2 =	sne.s32 s19, $0x7E00;
	[tilespmem:s8+$0x2300] =	vst v12;
	v5 =	vmul.f32 v10, v5;
	v10 =	vld [tilespmem:s8+$0x2370]  }
0xbb: {  	v12 =	vld [tilespmem:s21+$0xA300];
	[tilespmem:s8+$0x2310] =	vst v11;
	v4 =	vmul.f32 v9, v4  }
0xbc: {  	v11 =	vld [tilespmem:s21+$0xA310];
	[tilespmem:s8+$0x2320] =	vst v5;
	v3 =	vmul.f32 v8, v3  }
0xbd: {  	v5 =	vld [tilespmem:s21+$0xA320];
	[tilespmem:s8+$0x2330] =	vst v4;
	v2 =	vmul.f32 v6, v2  }
0xbe: {  	v4 =	vld [tilespmem:s21+$0xA330];
	[tilespmem:s8+$0x2340] =	vst v3;
	v1 =	vmul.f32 v7, v1  }
0xbf: {  	v3 =	vld [tilespmem:s21+$0xA340];
	[tilespmem:s8+$0x2350] =	vst v2;
	v0 =	vmul.f32 v10, v0  }
0xc0: {  	v2 =	vld [tilespmem:s21+$0xA350];
	[tilespmem:s8+$0x2360] =	vst v1  }
0xc1: {  	v1 =	vld [tilespmem:s21+$0xA360];
	[tilespmem:s8+$0x2370] =	vst v0;
	s8 =	smov.u32 s21  }
0xc2: {  	v0 =	vld [tilespmem:s8+$0xA370]  }
0xc3: {  	v6 =	vld [tilespmem:s8+$0x2300]  }
0xc4: {  	v7 =	vld [tilespmem:s8+$0x2310]  }
.Ltmp6:
0xc5: {  	v10 =	vld [tilespmem:s8+$0x2320];
	(pc) =	sbr.rel @p2 .LBB2_7-.Ltmp6, $4  }
0xc6: {  	v9 =	vld [tilespmem:s8+$0x2330]  }
0xc7: {  	v8 =	vld [tilespmem:s8+$0x2340]  }
0xc8: {  	v12 =	vmul.f32 v6, v12;
	v6 =	vld [tilespmem:s8+$0x2350]  }
0xc9: {  	s19 =	sadd.s32 $0x200, s19;
	v11 =	vmul.f32 v7, v11;
	v7 =	vld [tilespmem:s8+$0x2360]  }
0xca: {  	[tilespmem:s8+$0x2300] =	vst v12;
	v5 =	vmul.f32 v10, v5;
	v63 =	vld [tilespmem:s8+$0x2370]  }
0xcb: {  	[tilespmem:s8+$0x2310] =	vst v11;
	v4 =	vmul.f32 v9, v4  }
0xcc: {  	[tilespmem:s8+$0x2320] =	vst v5;
	v3 =	vmul.f32 v8, v3  }
0xcd: {  	[tilespmem:s8+$0x2330] =	vst v4;
	v2 =	vmul.f32 v6, v2  }
0xce: {  	[tilespmem:s8+$0x2340] =	vst v3;
	v1 =	vmul.f32 v7, v1  }
0xcf: {  	[tilespmem:s8+$0x2350] =	vst v2;
	v0 =	vmul.f32 v63, v0  }
0xd0: {  	[tilespmem:s8+$0x2360] =	vst v1  }
0xd1: {  	s19 =	simm.s32 @!p1 $0xA300;
	[tilespmem:s8+$0x2370] =	vst v0;
	s8 =	sadd.s32 @!p1 s11, s17;
	s11 =	simm.s32 @!p1 $0x0  }
0xd2: {  	[tilespmem:s19], [sflag:$0x4] =	stream.linear.gather @!p1 [hbm4b:s8+s11], $0x2000, $0x38;
	[tilespmem:$0x1FB80] =	vst v63  }
0xd3: {  	p1 =	seq.s32 s16, $0x0  }
0xd4: {  	s8 =	simm.s32 @!p1 $0x6  }
0xd5: {  	_ =	swait.ge @!p1 [sflag:s8], $0x80  }
0xd6: {  	s22 =	sor.u32 $0x2, s18;
	[sflag:s8] =	ssyncset.done @!p1 $0x0  }
0xd7: {  	[sflag:s8] =	ssyncadd.s32 @!p1 $0xFFFFFF80;
	p1 =	sge.u32 s22, s12  }
0xd8: {  	[spmem:s2] =	stream.indirect.scatter.add.f32 [tilespmem:s29], [sflag:$0x7], $0x80, s28, s24, $0xb8;
	[tilespmem:$0x1FB80] =	vst v63  }
0xd9: {  	p2 =	seq.s32 @!p1 s16, $0x0;
	_ =	swait.ge [sflag:s23], $0x4000  }
0xda: {  	p2 =	por p2, p1;
	[sflag:s23] =	ssyncset.done $0x0  }
.Ltmp7:
0xdb: {  	s8 =	simm.s32 @!p2 $0x5;
	[sflag:s23] =	ssyncadd.s32 $0xFFFFC000;
	(pc) =	sbr.rel .LBB2_9-.Ltmp7, $4  }
0xdc: {  	_ =	swait.ge @!p2 [sflag:s8], $0x80  }
0xdd: {  	s11 =	simm.s32 @!p1 $0x100;
	[sflag:s8] =	ssyncset.done @!p2 $0x0  }
0xde: {  	s19 =	simm.s32 @!p1 $0x300;
	[sflag:s8] =	ssyncadd.s32 @!p2 $0xFFFFFF80;
	s8 =	simm.s32 @!p1 $0x80  }
0xdf: {  	[tilespmem:s19], [sflag:$0x1] =	stream.indirect.gather @!p1 [hbm4b:s1+s8], $0x80, s11, s8, $0xb8;
	[tilespmem:$0x1FB80] =	vst v63  }
.LBB2_3:
0xe0: {  	s25 =	sor.u32 $0x1, s18  }
.LBB2_9:
0xe1: {  	p2 =	slt.u32 s25, s12  }
.Ltmp8:
0xe2: {  	_ = 	snop;
	(pc) =	sbr.rel @!p2 .LBB2_10-.Ltmp8, $3  }
0xe3: {  	_ =	sdelay $0x1  }
0xe4: {  	s25 =	sadd.s32 $0x4, s18  }
0xe5: {  	p1 =	sge.u32 s25, s12  }
0xe6: {  	s8 =	sadd.s32 @!p1 s9, s25  }
0xe7: {  	s8 =	sshll.u32 @!p1 s8, $0x4  }
0xe8: {  	s19 =	sor.u32 $0x2, s18;
	s8 =	sand.u32 @!p1 $0x1FFFFFC0, s8  }
0xe9: {  	s11 =	simm.s32 @!p1 $0x0;
	p2 =	sge.u32 s19, s12;
	s8 =	sadd.s32 @!p1 s6, s8  }
0xea: {  	[tilespmem:s11], [sflag:$0x5] =	stream.linear.gather @!p1 [hbm4b:s8+s11], $0x80, $0x38;
	[tilespmem:$0x1FB80] =	vst v63  }
0xeb: {  	s11 =	sadd.s32 @!p2 s9, s19  }
0xec: {  	s8 =	sshll.u32 @!p2 s11, $0x4  }
0xed: {  	s8 =	sand.u32 @!p2 $0x1FFFFFE0, s8  }
0xee: {  	s21 =	simm.s32 @!p2 $0x0;
	s22 =	simm.s32 @!p2 $0x200;
	s8 =	sadd.s32 @!p2 s7, s8  }
0xef: {  	[tilespmem:s22], [sflag:$0x6] =	stream.linear.gather @!p2 [hbm4b:s8+s21], $0x80, $0x38;
	[tilespmem:$0x1FB80] =	vst v63  }
0xf0: {  	_ =	swait.ge [sflag:s0], $0x4000  }
0xf1: {  	[sflag:s0] =	ssyncset.done $0x0  }
0xf2: {  	[sflag:s0] =	ssyncadd.s32 $0xFFFFC000  }
0xf3: {  	_ =	swait.ge [sflag:s26], $0x2000  }
0xf4: {  	[sflag:s26] =	ssyncset.done $0x0  }
0xf5: {  	s8 =	simm.s32 $0x0;
	[sflag:s26] =	ssyncadd.s32 $0xFFFFE000  }
0xf6: {  	v7 =	vld [tilespmem:s8+$0x8300]  }
0xf7: {  	v11 =	vld [tilespmem:s8+$0x8310]  }
0xf8: {  	v5 =	vld [tilespmem:s8+$0x8320]  }
0xf9: {  	v4 =	vld [tilespmem:s8+$0x8330]  }
0xfa: {  	v3 =	vld [tilespmem:s8+$0x8340]  }
0xfb: {  	v2 =	vld [tilespmem:s8+$0x8350]  }
0xfc: {  	v1 =	vld [tilespmem:s8+$0x8360]  }
0xfd: {  	v0 =	vld [tilespmem:s8+$0x8370]  }
0xfe: {  	v12 =	vld [tilespmem:s8+$0x4300]  }
0xff: {  	v13 =	vld [tilespmem:s8+$0x4310]  }
0x100: {  	v10 =	vld [tilespmem:s8+$0x4320]  }
0x101: {  	v9 =	vld [tilespmem:s8+$0x4330]  }
0x102: {  	v8 =	vld [tilespmem:s8+$0x4340]  }
0x103: {  	v6 =	vld [tilespmem:s8+$0x4350];
	v12 =	vmul.f32 v12, v7  }
0x104: {  	s21 =	simm.s32 $0x200;
	v11 =	vmul.f32 v13, v11;
	v7 =	vld [tilespmem:s8+$0x4360]  }
.LBB2_12:
0x105: {  	s22 =	sshra.s32 s21, $0x2;
	p3 =	sne.s32 s21, $0x7E00;
	[tilespmem:s8+$0x4300] =	vst v12;
	v5 =	vmul.f32 v10, v5;
	v10 =	vld [tilespmem:s8+$0x4370]  }
0x106: {  	v12 =	vld [tilespmem:s22+$0x8300];
	[tilespmem:s8+$0x4310] =	vst v11;
	v4 =	vmul.f32 v9, v4  }
0x107: {  	v11 =	vld [tilespmem:s22+$0x8310];
	[tilespmem:s8+$0x4320] =	vst v5;
	v3 =	vmul.f32 v8, v3  }
0x108: {  	v5 =	vld [tilespmem:s22+$0x8320];
	[tilespmem:s8+$0x4330] =	vst v4;
	v2 =	vmul.f32 v6, v2  }
0x109: {  	v4 =	vld [tilespmem:s22+$0x8330];
	[tilespmem:s8+$0x4340] =	vst v3;
	v1 =	vmul.f32 v7, v1  }
0x10a: {  	v3 =	vld [tilespmem:s22+$0x8340];
	[tilespmem:s8+$0x4350] =	vst v2;
	v0 =	vmul.f32 v10, v0  }
0x10b: {  	v2 =	vld [tilespmem:s22+$0x8350];
	[tilespmem:s8+$0x4360] =	vst v1  }
0x10c: {  	v1 =	vld [tilespmem:s22+$0x8360];
	[tilespmem:s8+$0x4370] =	vst v0;
	s8 =	smov.u32 s22  }
0x10d: {  	v0 =	vld [tilespmem:s8+$0x8370]  }
0x10e: {  	v6 =	vld [tilespmem:s8+$0x4300]  }
0x10f: {  	v7 =	vld [tilespmem:s8+$0x4310]  }
.Ltmp9:
0x110: {  	v10 =	vld [tilespmem:s8+$0x4320];
	(pc) =	sbr.rel @p3 .LBB2_12-.Ltmp9, $4  }
0x111: {  	v9 =	vld [tilespmem:s8+$0x4330]  }
0x112: {  	v8 =	vld [tilespmem:s8+$0x4340]  }
0x113: {  	v12 =	vmul.f32 v6, v12;
	v6 =	vld [tilespmem:s8+$0x4350]  }
0x114: {  	s21 =	sadd.s32 $0x200, s21;
	v11 =	vmul.f32 v7, v11;
	v7 =	vld [tilespmem:s8+$0x4360]  }
0x115: {  	[tilespmem:s8+$0x4300] =	vst v12;
	v5 =	vmul.f32 v10, v5;
	v10 =	vld [tilespmem:s8+$0x4370]  }
0x116: {  	[tilespmem:s8+$0x4310] =	vst v11;
	v4 =	vmul.f32 v9, v4  }
0x117: {  	[tilespmem:s8+$0x4320] =	vst v5;
	v3 =	vmul.f32 v8, v3  }
0x118: {  	[tilespmem:s8+$0x4330] =	vst v4;
	v2 =	vmul.f32 v6, v2  }
0x119: {  	[tilespmem:s8+$0x4340] =	vst v3;
	v1 =	vmul.f32 v7, v1  }
0x11a: {  	s11 =	sshll.u32 @!p2 s11, $0xB;
	[tilespmem:s8+$0x4350] =	vst v2;
	v0 =	vmul.f32 v10, v0  }
0x11b: {  	s11 =	sand.u32 @!p2 $0x1FFFF000, s11;
	[tilespmem:s8+$0x4360] =	vst v1  }
0x11c: {  	s21 =	simm.s32 @!p2 $0x0;
	s22 =	simm.s32 @!p2 $0x8300;
	[tilespmem:s8+$0x4370] =	vst v0;
	s8 =	sadd.s32 @!p2 s5, s11  }
0x11d: {  	[tilespmem:s22], [sflag:$0x3] =	stream.linear.gather @!p2 [hbm4b:s8+s21], $0x2000, $0x38;
	[tilespmem:$0x1FB80] =	vst v63  }
0x11e: {  	_ =	swait.ge [sflag:s31], $0x2000  }
0x11f: {  	[sflag:s31] =	ssyncset.done $0x0  }
0x120: {  	s8 =	simm.s32 $0x0;
	[sflag:s31] =	ssyncadd.s32 $0xFFFFE000  }
0x121: {  	v7 =	vld [tilespmem:s8+$0xA300]  }
0x122: {  	v11 =	vld [tilespmem:s8+$0xA310]  }
0x123: {  	v5 =	vld [tilespmem:s8+$0xA320]  }
0x124: {  	v4 =	vld [tilespmem:s8+$0xA330]  }
0x125: {  	v3 =	vld [tilespmem:s8+$0xA340]  }
0x126: {  	v2 =	vld [tilespmem:s8+$0xA350]  }
0x127: {  	v1 =	vld [tilespmem:s8+$0xA360]  }
0x128: {  	v0 =	vld [tilespmem:s8+$0xA370]  }
0x129: {  	v12 =	vld [tilespmem:s8+$0x6300]  }
0x12a: {  	v13 =	vld [tilespmem:s8+$0x6310]  }
0x12b: {  	v10 =	vld [tilespmem:s8+$0x6320]  }
0x12c: {  	v9 =	vld [tilespmem:s8+$0x6330]  }
0x12d: {  	v8 =	vld [tilespmem:s8+$0x6340]  }
0x12e: {  	v6 =	vld [tilespmem:s8+$0x6350];
	v12 =	vmul.f32 v12, v7  }
0x12f: {  	s21 =	simm.s32 $0x200;
	v11 =	vmul.f32 v13, v11;
	v7 =	vld [tilespmem:s8+$0x6360]  }
.LBB2_14:
0x130: {  	s22 =	sshra.s32 s21, $0x2;
	p3 =	sne.s32 s21, $0x7E00;
	[tilespmem:s8+$0x6300] =	vst v12;
	v5 =	vmul.f32 v10, v5;
	v10 =	vld [tilespmem:s8+$0x6370]  }
0x131: {  	v12 =	vld [tilespmem:s22+$0xA300];
	[tilespmem:s8+$0x6310] =	vst v11;
	v4 =	vmul.f32 v9, v4  }
0x132: {  	v11 =	vld [tilespmem:s22+$0xA310];
	[tilespmem:s8+$0x6320] =	vst v5;
	v3 =	vmul.f32 v8, v3  }
0x133: {  	v5 =	vld [tilespmem:s22+$0xA320];
	[tilespmem:s8+$0x6330] =	vst v4;
	v2 =	vmul.f32 v6, v2  }
0x134: {  	v4 =	vld [tilespmem:s22+$0xA330];
	[tilespmem:s8+$0x6340] =	vst v3;
	v1 =	vmul.f32 v7, v1  }
0x135: {  	v3 =	vld [tilespmem:s22+$0xA340];
	[tilespmem:s8+$0x6350] =	vst v2;
	v0 =	vmul.f32 v10, v0  }
0x136: {  	v2 =	vld [tilespmem:s22+$0xA350];
	[tilespmem:s8+$0x6360] =	vst v1  }
0x137: {  	v1 =	vld [tilespmem:s22+$0xA360];
	[tilespmem:s8+$0x6370] =	vst v0;
	s8 =	smov.u32 s22  }
0x138: {  	v0 =	vld [tilespmem:s8+$0xA370]  }
0x139: {  	v6 =	vld [tilespmem:s8+$0x6300]  }
0x13a: {  	v7 =	vld [tilespmem:s8+$0x6310]  }
.Ltmp10:
0x13b: {  	v10 =	vld [tilespmem:s8+$0x6320];
	(pc) =	sbr.rel @p3 .LBB2_14-.Ltmp10, $4  }
0x13c: {  	v9 =	vld [tilespmem:s8+$0x6330]  }
0x13d: {  	v8 =	vld [tilespmem:s8+$0x6340]  }
0x13e: {  	v12 =	vmul.f32 v6, v12;
	v6 =	vld [tilespmem:s8+$0x6350]  }
0x13f: {  	s21 =	sadd.s32 $0x200, s21;
	v11 =	vmul.f32 v7, v11;
	v7 =	vld [tilespmem:s8+$0x6360]  }
0x140: {  	[tilespmem:s8+$0x6300] =	vst v12;
	v5 =	vmul.f32 v10, v5;
	v63 =	vld [tilespmem:s8+$0x6370]  }
0x141: {  	[tilespmem:s8+$0x6310] =	vst v11;
	v4 =	vmul.f32 v9, v4  }
0x142: {  	[tilespmem:s8+$0x6320] =	vst v5;
	v3 =	vmul.f32 v8, v3  }
0x143: {  	[tilespmem:s8+$0x6330] =	vst v4;
	v2 =	vmul.f32 v6, v2  }
0x144: {  	[tilespmem:s8+$0x6340] =	vst v3;
	v1 =	vmul.f32 v7, v1  }
0x145: {  	[tilespmem:s8+$0x6350] =	vst v2;
	v0 =	vmul.f32 v63, v0  }
0x146: {  	[tilespmem:s8+$0x6360] =	vst v1  }
0x147: {  	s21 =	simm.s32 @!p2 $0xA300;
	[tilespmem:s8+$0x6370] =	vst v0;
	s8 =	sadd.s32 @!p2 s11, s17;
	s11 =	simm.s32 @!p2 $0x0  }
0x148: {  	[tilespmem:s21], [sflag:$0x4] =	stream.linear.gather @!p2 [hbm4b:s8+s11], $0x2000, $0x38;
	[tilespmem:$0x1FB80] =	vst v63  }
0x149: {  	_ =	swait.ge [sflag:s10], $0x80  }
0x14a: {  	[sflag:s10] =	ssyncset.done $0x0  }
0x14b: {  	[sflag:s10] =	ssyncadd.s32 $0xFFFFFF80  }
0x14c: {  	[spmem:s2] =	stream.indirect.scatter.add.f32 [tilespmem:s30], [sflag:$0x7], $0x80, s13, s24, $0xb8;
	[tilespmem:$0x1FB80] =	vst v63  }
0x14d: {  	s22 =	sor.u32 $0x3, s18;
	_ =	swait.ge [sflag:s23], $0x4000  }
0x14e: {  	p2 =	sge.u32 s22, s12;
	[sflag:s23] =	ssyncset.done $0x0  }
.Ltmp11:
0x14f: {  	s8 =	simm.s32 @!p2 $0x5;
	[sflag:s23] =	ssyncadd.s32 $0xFFFFC000;
	(pc) =	sbr.rel .LBB2_16-.Ltmp11, $4  }
0x150: {  	_ =	swait.ge @!p2 [sflag:s8], $0x80  }
0x151: {  	s11 =	simm.s32 @!p2 $0x180;
	[sflag:s8] =	ssyncset.done @!p2 $0x0  }
0x152: {  	s21 =	simm.s32 @!p2 $0x4300;
	[sflag:s8] =	ssyncadd.s32 @!p2 $0xFFFFFF80;
	s8 =	simm.s32 @!p2 $0x80  }
0x153: {  	[tilespmem:s21], [sflag:$0x2] =	stream.indirect.gather @!p2 [hbm4b:s1+s8], $0x80, s11, s8, $0xb8;
	[tilespmem:$0x1FB80] =	vst v63  }
.LBB2_10:
0x154: {  	s19 =	sor.u32 $0x2, s18  }
.LBB2_16:
0x155: {  	p3 =	slt.u32 s19, s12  }
.Ltmp12:
0x156: {  	_ = 	snop;
	(pc) =	sbr.rel @!p3 .LBB2_22-.Ltmp12, $3  }
0x157: {  	_ =	sdelay $0x1  }
0x158: {  	s8 =	sadd.s32 $0x5, s18  }
0x159: {  	p2 =	sge.u32 s8, s12  }
0x15a: {  	s8 =	sadd.s32 @!p2 s9, s8  }
0x15b: {  	s8 =	sshll.u32 @!p2 s8, $0x4  }
0x15c: {  	s11 =	simm.s32 @!p2 $0x0;
	s20 =	sor.u32 $0x3, s18;
	s8 =	sand.u32 @!p2 $0x1FFFFFD0, s8  }
0x15d: {  	s19 =	simm.s32 @!p2 $0x80;
	p3 =	sge.u32 s20, s12;
	s8 =	sadd.s32 @!p2 s6, s8  }
0x15e: {  	[tilespmem:s19], [sflag:$0x5] =	stream.linear.gather @!p2 [hbm4b:s8+s11], $0x80, $0x38;
	[tilespmem:$0x1FB80] =	vst v63  }
0x15f: {  	s11 =	sadd.s32 @!p3 s9, s20  }
0x160: {  	s8 =	sshll.u32 @!p3 s11, $0x4  }
0x161: {  	s8 =	sand.u32 @!p3 $0x1FFFFFF0, s8  }
0x162: {  	s21 =	simm.s32 @!p3 $0x280;
	s19 =	simm.s32 @!p3 $0x0;
	s8 =	sadd.s32 @!p3 s7, s8  }
0x163: {  	[tilespmem:s21], [sflag:$0x6] =	stream.linear.gather @!p3 [hbm4b:s8+s19], $0x80, $0x38;
	[tilespmem:$0x1FB80] =	vst v63  }
0x164: {  	_ =	swait.ge [sflag:s4], $0x4000  }
0x165: {  	[sflag:s4] =	ssyncset.done $0x0  }
0x166: {  	[sflag:s4] =	ssyncadd.s32 $0xFFFFC000  }
0x167: {  	_ =	swait.ge [sflag:s26], $0x2000  }
0x168: {  	[sflag:s26] =	ssyncset.done $0x0  }
0x169: {  	s8 =	simm.s32 $0x0;
	[sflag:s26] =	ssyncadd.s32 $0xFFFFE000  }
0x16a: {  	v7 =	vld [tilespmem:s8+$0x8300]  }
0x16b: {  	v11 =	vld [tilespmem:s8+$0x8310]  }
0x16c: {  	v5 =	vld [tilespmem:s8+$0x8320]  }
0x16d: {  	v4 =	vld [tilespmem:s8+$0x8330]  }
0x16e: {  	v3 =	vld [tilespmem:s8+$0x8340]  }
0x16f: {  	v2 =	vld [tilespmem:s8+$0x8350]  }
0x170: {  	v1 =	vld [tilespmem:s8+$0x8360]  }
0x171: {  	v0 =	vld [tilespmem:s8+$0x8370]  }
0x172: {  	v12 =	vld [tilespmem:s8+$0x300]  }
0x173: {  	v13 =	vld [tilespmem:s8+$0x310]  }
0x174: {  	v10 =	vld [tilespmem:s8+$0x320]  }
0x175: {  	v9 =	vld [tilespmem:s8+$0x330]  }
0x176: {  	v8 =	vld [tilespmem:s8+$0x340]  }
0x177: {  	v6 =	vld [tilespmem:s8+$0x350];
	v12 =	vmul.f32 v12, v7  }
0x178: {  	s19 =	simm.s32 $0x200;
	v11 =	vmul.f32 v13, v11;
	v7 =	vld [tilespmem:s8+$0x360]  }
.LBB2_18:
0x179: {  	s21 =	sshra.s32 s19, $0x2;
	p4 =	sne.s32 s19, $0x7E00;
	[tilespmem:s8+$0x300] =	vst v12;
	v5 =	vmul.f32 v10, v5;
	v10 =	vld [tilespmem:s8+$0x370]  }
0x17a: {  	v12 =	vld [tilespmem:s21+$0x8300];
	[tilespmem:s8+$0x310] =	vst v11;
	v4 =	vmul.f32 v9, v4  }
0x17b: {  	v11 =	vld [tilespmem:s21+$0x8310];
	[tilespmem:s8+$0x320] =	vst v5;
	v3 =	vmul.f32 v8, v3  }
0x17c: {  	v5 =	vld [tilespmem:s21+$0x8320];
	[tilespmem:s8+$0x330] =	vst v4;
	v2 =	vmul.f32 v6, v2  }
0x17d: {  	v4 =	vld [tilespmem:s21+$0x8330];
	[tilespmem:s8+$0x340] =	vst v3;
	v1 =	vmul.f32 v7, v1  }
0x17e: {  	v3 =	vld [tilespmem:s21+$0x8340];
	[tilespmem:s8+$0x350] =	vst v2;
	v0 =	vmul.f32 v10, v0  }
0x17f: {  	v2 =	vld [tilespmem:s21+$0x8350];
	[tilespmem:s8+$0x360] =	vst v1  }
0x180: {  	v1 =	vld [tilespmem:s21+$0x8360];
	[tilespmem:s8+$0x370] =	vst v0;
	s8 =	smov.u32 s21  }
0x181: {  	v0 =	vld [tilespmem:s8+$0x8370]  }
0x182: {  	v6 =	vld [tilespmem:s8+$0x300]  }
0x183: {  	v7 =	vld [tilespmem:s8+$0x310]  }
.Ltmp13:
0x184: {  	v10 =	vld [tilespmem:s8+$0x320];
	(pc) =	sbr.rel @p4 .LBB2_18-.Ltmp13, $4  }
0x185: {  	v9 =	vld [tilespmem:s8+$0x330]  }
0x186: {  	v8 =	vld [tilespmem:s8+$0x340]  }
0x187: {  	v12 =	vmul.f32 v6, v12;
	v6 =	vld [tilespmem:s8+$0x350]  }
0x188: {  	s19 =	sadd.s32 $0x200, s19;
	v11 =	vmul.f32 v7, v11;
	v7 =	vld [tilespmem:s8+$0x360]  }
0x189: {  	[tilespmem:s8+$0x300] =	vst v12;
	v5 =	vmul.f32 v10, v5;
	v10 =	vld [tilespmem:s8+$0x370]  }
0x18a: {  	[tilespmem:s8+$0x310] =	vst v11;
	v4 =	vmul.f32 v9, v4  }
0x18b: {  	[tilespmem:s8+$0x320] =	vst v5;
	v3 =	vmul.f32 v8, v3  }
0x18c: {  	[tilespmem:s8+$0x330] =	vst v4;
	v2 =	vmul.f32 v6, v2  }
0x18d: {  	[tilespmem:s8+$0x340] =	vst v3;
	v1 =	vmul.f32 v7, v1  }
0x18e: {  	s11 =	sshll.u32 @!p3 s11, $0xB;
	[tilespmem:s8+$0x350] =	vst v2;
	v0 =	vmul.f32 v10, v0  }
0x18f: {  	s11 =	sand.u32 @!p3 $0x1FFFF800, s11;
	[tilespmem:s8+$0x360] =	vst v1  }
0x190: {  	s19 =	simm.s32 @!p3 $0x0;
	s21 =	simm.s32 @!p3 $0x8300;
	[tilespmem:s8+$0x370] =	vst v0;
	s8 =	sadd.s32 @!p3 s5, s11  }
0x191: {  	[tilespmem:s21], [sflag:$0x3] =	stream.linear.gather @!p3 [hbm4b:s8+s19], $0x2000, $0x38;
	[tilespmem:$0x1FB80] =	vst v63  }
0x192: {  	_ =	swait.ge [sflag:s31], $0x2000  }
0x193: {  	[sflag:s31] =	ssyncset.done $0x0  }
0x194: {  	s8 =	simm.s32 $0x0;
	[sflag:s31] =	ssyncadd.s32 $0xFFFFE000  }
0x195: {  	v7 =	vld [tilespmem:s8+$0xA300]  }
0x196: {  	v11 =	vld [tilespmem:s8+$0xA310]  }
0x197: {  	v5 =	vld [tilespmem:s8+$0xA320]  }
0x198: {  	v4 =	vld [tilespmem:s8+$0xA330]  }
0x199: {  	v3 =	vld [tilespmem:s8+$0xA340]  }
0x19a: {  	v2 =	vld [tilespmem:s8+$0xA350]  }
0x19b: {  	v1 =	vld [tilespmem:s8+$0xA360]  }
0x19c: {  	v0 =	vld [tilespmem:s8+$0xA370]  }
0x19d: {  	v12 =	vld [tilespmem:s8+$0x2300]  }
0x19e: {  	v13 =	vld [tilespmem:s8+$0x2310]  }
0x19f: {  	v10 =	vld [tilespmem:s8+$0x2320]  }
0x1a0: {  	v9 =	vld [tilespmem:s8+$0x2330]  }
0x1a1: {  	v8 =	vld [tilespmem:s8+$0x2340]  }
0x1a2: {  	v6 =	vld [tilespmem:s8+$0x2350];
	v12 =	vmul.f32 v12, v7  }
0x1a3: {  	s19 =	simm.s32 $0x200;
	v11 =	vmul.f32 v13, v11;
	v7 =	vld [tilespmem:s8+$0x2360]  }
.LBB2_20:
0x1a4: {  	s21 =	sshra.s32 s19, $0x2;
	p4 =	sne.s32 s19, $0x7E00;
	[tilespmem:s8+$0x2300] =	vst v12;
	v5 =	vmul.f32 v10, v5;
	v10 =	vld [tilespmem:s8+$0x2370]  }
0x1a5: {  	v12 =	vld [tilespmem:s21+$0xA300];
	[tilespmem:s8+$0x2310] =	vst v11;
	v4 =	vmul.f32 v9, v4  }
0x1a6: {  	v11 =	vld [tilespmem:s21+$0xA310];
	[tilespmem:s8+$0x2320] =	vst v5;
	v3 =	vmul.f32 v8, v3  }
0x1a7: {  	v5 =	vld [tilespmem:s21+$0xA320];
	[tilespmem:s8+$0x2330] =	vst v4;
	v2 =	vmul.f32 v6, v2  }
0x1a8: {  	v4 =	vld [tilespmem:s21+$0xA330];
	[tilespmem:s8+$0x2340] =	vst v3;
	v1 =	vmul.f32 v7, v1  }
0x1a9: {  	v3 =	vld [tilespmem:s21+$0xA340];
	[tilespmem:s8+$0x2350] =	vst v2;
	v0 =	vmul.f32 v10, v0  }
0x1aa: {  	v2 =	vld [tilespmem:s21+$0xA350];
	[tilespmem:s8+$0x2360] =	vst v1  }
0x1ab: {  	v1 =	vld [tilespmem:s21+$0xA360];
	[tilespmem:s8+$0x2370] =	vst v0;
	s8 =	smov.u32 s21  }
0x1ac: {  	v0 =	vld [tilespmem:s8+$0xA370]  }
0x1ad: {  	v6 =	vld [tilespmem:s8+$0x2300]  }
0x1ae: {  	v7 =	vld [tilespmem:s8+$0x2310]  }
.Ltmp14:
0x1af: {  	v10 =	vld [tilespmem:s8+$0x2320];
	(pc) =	sbr.rel @p4 .LBB2_20-.Ltmp14, $4  }
0x1b0: {  	v9 =	vld [tilespmem:s8+$0x2330]  }
0x1b1: {  	v8 =	vld [tilespmem:s8+$0x2340]  }
0x1b2: {  	v12 =	vmul.f32 v6, v12;
	v6 =	vld [tilespmem:s8+$0x2350]  }
0x1b3: {  	s19 =	sadd.s32 $0x200, s19;
	v11 =	vmul.f32 v7, v11;
	v7 =	vld [tilespmem:s8+$0x2360]  }
0x1b4: {  	[tilespmem:s8+$0x2300] =	vst v12;
	v5 =	vmul.f32 v10, v5;
	v63 =	vld [tilespmem:s8+$0x2370]  }
0x1b5: {  	[tilespmem:s8+$0x2310] =	vst v11;
	v4 =	vmul.f32 v9, v4  }
0x1b6: {  	[tilespmem:s8+$0x2320] =	vst v5;
	v3 =	vmul.f32 v8, v3  }
0x1b7: {  	[tilespmem:s8+$0x2330] =	vst v4;
	v2 =	vmul.f32 v6, v2  }
0x1b8: {  	[tilespmem:s8+$0x2340] =	vst v3;
	v1 =	vmul.f32 v7, v1  }
0x1b9: {  	[tilespmem:s8+$0x2350] =	vst v2;
	v0 =	vmul.f32 v63, v0  }
0x1ba: {  	[tilespmem:s8+$0x2360] =	vst v1  }
0x1bb: {  	s19 =	simm.s32 @!p3 $0xA300;
	[tilespmem:s8+$0x2370] =	vst v0;
	s8 =	sadd.s32 @!p3 s11, s17;
	s11 =	simm.s32 @!p3 $0x0  }
0x1bc: {  	[tilespmem:s19], [sflag:$0x4] =	stream.linear.gather @!p3 [hbm4b:s8+s11], $0x2000, $0x38;
	[tilespmem:$0x1FB80] =	vst v63  }
0x1bd: {  	_ =	swait.ge [sflag:s10], $0x80  }
0x1be: {  	[sflag:s10] =	ssyncset.done $0x0  }
0x1bf: {  	[sflag:s10] =	ssyncadd.s32 $0xFFFFFF80  }
0x1c0: {  	[spmem:s2] =	stream.indirect.scatter.add.f32 [tilespmem:s29], [sflag:$0x7], $0x80, s28, s24, $0xb8;
	[tilespmem:$0x1FB80] =	vst v63  }
0x1c1: {  	_ =	swait.ge [sflag:s23], $0x4000  }
0x1c2: {  	[sflag:s23] =	ssyncset.done $0x0  }
0x1c3: {  	s8 =	simm.s32 @!p1 $0x5;
	[sflag:s23] =	ssyncadd.s32 $0xFFFFC000  }
0x1c4: {  	_ =	swait.ge @!p1 [sflag:s8], $0x80  }
0x1c5: {  	s11 =	simm.s32 @!p1 $0x0;
	[sflag:s8] =	ssyncset.done @!p1 $0x0  }
0x1c6: {  	s19 =	simm.s32 @!p1 $0x300;
	[sflag:s8] =	ssyncadd.s32 @!p1 $0xFFFFFF80;
	s8 =	simm.s32 @!p1 $0x80  }
0x1c7: {  	[tilespmem:s19], [sflag:$0x1] =	stream.indirect.gather @!p1 [hbm4b:s1+s8], $0x80, s11, s8, $0xb8;
	[tilespmem:$0x1FB80] =	vst v63  }
.LBB2_22:
0x1c8: {  	p3 =	sge.u32 s20, s12  }
.Ltmp15:
0x1c9: {  	_ = 	snop;
	(pc) =	sbr.rel @p3 .LBB2_28-.Ltmp15, $1  }
0x1ca: {  	_ =	sdelay $0x3  }
0x1cb: {  	s8 =	sadd.s32 $0x6, s18  }
0x1cc: {  	p3 =	sge.u32 s8, s12  }
0x1cd: {  	s8 =	sadd.s32 @!p3 s9, s8  }
0x1ce: {  	s8 =	sshll.u32 @!p3 s8, $0x4  }
0x1cf: {  	s8 =	sand.u32 @!p3 $0x1FFFFFE0, s8  }
0x1d0: {  	s11 =	simm.s32 @!p3 $0x0;
	s18 =	simm.s32 @!p3 $0x100;
	s8 =	sadd.s32 @!p3 s6, s8  }
0x1d1: {  	[tilespmem:s18], [sflag:$0x5] =	stream.linear.gather @!p3 [hbm4b:s8+s11], $0x80, $0x38;
	[tilespmem:$0x1FB80] =	vst v63  }
0x1d2: {  	s11 =	sadd.s32 @!p1 s9, s25  }
0x1d3: {  	s8 =	sshll.u32 @!p1 s11, $0x4  }
0x1d4: {  	s8 =	sand.u32 @!p1 $0x1FFFFFC0, s8  }
0x1d5: {  	s19 =	simm.s32 @!p1 $0x200;
	s18 =	simm.s32 @!p1 $0x0;
	s8 =	sadd.s32 @!p1 s7, s8  }
0x1d6: {  	[tilespmem:s19], [sflag:$0x6] =	stream.linear.gather @!p1 [hbm4b:s8+s18], $0x80, $0x38;
	[tilespmem:$0x1FB80] =	vst v63  }
0x1d7: {  	_ =	swait.ge [sflag:s0], $0x4000  }
0x1d8: {  	[sflag:s0] =	ssyncset.done $0x0  }
0x1d9: {  	[sflag:s0] =	ssyncadd.s32 $0xFFFFC000  }
0x1da: {  	_ =	swait.ge [sflag:s26], $0x2000  }
0x1db: {  	[sflag:s26] =	ssyncset.done $0x0  }
0x1dc: {  	s8 =	simm.s32 $0x0;
	[sflag:s26] =	ssyncadd.s32 $0xFFFFE000  }
0x1dd: {  	v7 =	vld [tilespmem:s8+$0x8300]  }
0x1de: {  	v11 =	vld [tilespmem:s8+$0x8310]  }
0x1df: {  	v5 =	vld [tilespmem:s8+$0x8320]  }
0x1e0: {  	v4 =	vld [tilespmem:s8+$0x8330]  }
0x1e1: {  	v3 =	vld [tilespmem:s8+$0x8340]  }
0x1e2: {  	v2 =	vld [tilespmem:s8+$0x8350]  }
0x1e3: {  	v1 =	vld [tilespmem:s8+$0x8360]  }
0x1e4: {  	v0 =	vld [tilespmem:s8+$0x8370]  }
0x1e5: {  	v12 =	vld [tilespmem:s8+$0x4300]  }
0x1e6: {  	v13 =	vld [tilespmem:s8+$0x4310]  }
0x1e7: {  	v10 =	vld [tilespmem:s8+$0x4320]  }
0x1e8: {  	v9 =	vld [tilespmem:s8+$0x4330]  }
0x1e9: {  	v8 =	vld [tilespmem:s8+$0x4340]  }
0x1ea: {  	v6 =	vld [tilespmem:s8+$0x4350];
	v12 =	vmul.f32 v12, v7  }
0x1eb: {  	s18 =	simm.s32 $0x200;
	v11 =	vmul.f32 v13, v11;
	v7 =	vld [tilespmem:s8+$0x4360]  }
.LBB2_24:
0x1ec: {  	s19 =	sshra.s32 s18, $0x2;
	p3 =	sne.s32 s18, $0x7E00;
	[tilespmem:s8+$0x4300] =	vst v12;
	v5 =	vmul.f32 v10, v5;
	v10 =	vld [tilespmem:s8+$0x4370]  }
0x1ed: {  	v12 =	vld [tilespmem:s19+$0x8300];
	[tilespmem:s8+$0x4310] =	vst v11;
	v4 =	vmul.f32 v9, v4  }
0x1ee: {  	v11 =	vld [tilespmem:s19+$0x8310];
	[tilespmem:s8+$0x4320] =	vst v5;
	v3 =	vmul.f32 v8, v3  }
0x1ef: {  	v5 =	vld [tilespmem:s19+$0x8320];
	[tilespmem:s8+$0x4330] =	vst v4;
	v2 =	vmul.f32 v6, v2  }
0x1f0: {  	v4 =	vld [tilespmem:s19+$0x8330];
	[tilespmem:s8+$0x4340] =	vst v3;
	v1 =	vmul.f32 v7, v1  }
0x1f1: {  	v3 =	vld [tilespmem:s19+$0x8340];
	[tilespmem:s8+$0x4350] =	vst v2;
	v0 =	vmul.f32 v10, v0  }
0x1f2: {  	v2 =	vld [tilespmem:s19+$0x8350];
	[tilespmem:s8+$0x4360] =	vst v1  }
0x1f3: {  	v1 =	vld [tilespmem:s19+$0x8360];
	[tilespmem:s8+$0x4370] =	vst v0;
	s8 =	smov.u32 s19  }
0x1f4: {  	v0 =	vld [tilespmem:s8+$0x8370]  }
0x1f5: {  	v6 =	vld [tilespmem:s8+$0x4300]  }
0x1f6: {  	v7 =	vld [tilespmem:s8+$0x4310]  }
.Ltmp16:
0x1f7: {  	v10 =	vld [tilespmem:s8+$0x4320];
	(pc) =	sbr.rel @p3 .LBB2_24-.Ltmp16, $4  }
0x1f8: {  	v9 =	vld [tilespmem:s8+$0x4330]  }
0x1f9: {  	v8 =	vld [tilespmem:s8+$0x4340]  }
0x1fa: {  	v12 =	vmul.f32 v6, v12;
	v6 =	vld [tilespmem:s8+$0x4350]  }
0x1fb: {  	s18 =	sadd.s32 $0x200, s18;
	v11 =	vmul.f32 v7, v11;
	v7 =	vld [tilespmem:s8+$0x4360]  }
0x1fc: {  	[tilespmem:s8+$0x4300] =	vst v12;
	v5 =	vmul.f32 v10, v5;
	v10 =	vld [tilespmem:s8+$0x4370]  }
0x1fd: {  	[tilespmem:s8+$0x4310] =	vst v11;
	v4 =	vmul.f32 v9, v4  }
0x1fe: {  	[tilespmem:s8+$0x4320] =	vst v5;
	v3 =	vmul.f32 v8, v3  }
0x1ff: {  	[tilespmem:s8+$0x4330] =	vst v4;
	v2 =	vmul.f32 v6, v2  }
0x200: {  	[tilespmem:s8+$0x4340] =	vst v3;
	v1 =	vmul.f32 v7, v1  }
0x201: {  	s11 =	sshll.u32 @!p1 s11, $0xB;
	[tilespmem:s8+$0x4350] =	vst v2;
	v0 =	vmul.f32 v10, v0  }
0x202: {  	s11 =	sand.u32 @!p1 $0x1FFFE000, s11;
	[tilespmem:s8+$0x4360] =	vst v1  }
0x203: {  	s18 =	simm.s32 @!p1 $0x0;
	s19 =	simm.s32 @!p1 $0x8300;
	[tilespmem:s8+$0x4370] =	vst v0;
	s8 =	sadd.s32 @!p1 s5, s11  }
0x204: {  	[tilespmem:s19], [sflag:$0x3] =	stream.linear.gather @!p1 [hbm4b:s8+s18], $0x2000, $0x38;
	[tilespmem:$0x1FB80] =	vst v63  }
0x205: {  	_ =	swait.ge [sflag:s31], $0x2000  }
0x206: {  	[sflag:s31] =	ssyncset.done $0x0  }
0x207: {  	s8 =	simm.s32 $0x0;
	[sflag:s31] =	ssyncadd.s32 $0xFFFFE000  }
0x208: {  	v7 =	vld [tilespmem:s8+$0xA300]  }
0x209: {  	v11 =	vld [tilespmem:s8+$0xA310]  }
0x20a: {  	v5 =	vld [tilespmem:s8+$0xA320]  }
0x20b: {  	v4 =	vld [tilespmem:s8+$0xA330]  }
0x20c: {  	v3 =	vld [tilespmem:s8+$0xA340]  }
0x20d: {  	v2 =	vld [tilespmem:s8+$0xA350]  }
0x20e: {  	v1 =	vld [tilespmem:s8+$0xA360]  }
0x20f: {  	v0 =	vld [tilespmem:s8+$0xA370]  }
0x210: {  	v12 =	vld [tilespmem:s8+$0x6300]  }
0x211: {  	v13 =	vld [tilespmem:s8+$0x6310]  }
0x212: {  	v10 =	vld [tilespmem:s8+$0x6320]  }
0x213: {  	v9 =	vld [tilespmem:s8+$0x6330]  }
0x214: {  	v8 =	vld [tilespmem:s8+$0x6340]  }
0x215: {  	v6 =	vld [tilespmem:s8+$0x6350];
	v12 =	vmul.f32 v12, v7  }
0x216: {  	s18 =	simm.s32 $0x200;
	v11 =	vmul.f32 v13, v11;
	v7 =	vld [tilespmem:s8+$0x6360]  }
.LBB2_26:
0x217: {  	s19 =	sshra.s32 s18, $0x2;
	p3 =	sne.s32 s18, $0x7E00;
	[tilespmem:s8+$0x6300] =	vst v12;
	v5 =	vmul.f32 v10, v5;
	v10 =	vld [tilespmem:s8+$0x6370]  }
0x218: {  	v4 =	vmul.f32 v9, v4;
	v12 =	vld [tilespmem:s19+$0xA300];
	[tilespmem:s8+$0x6310] =	vst v11  }
0x219: {  	v3 =	vmul.f32 v8, v3;
	v11 =	vld [tilespmem:s19+$0xA310];
	[tilespmem:s8+$0x6320] =	vst v5  }
0x21a: {  	v2 =	vmul.f32 v6, v2;
	v5 =	vld [tilespmem:s19+$0xA320];
	[tilespmem:s8+$0x6330] =	vst v4  }
0x21b: {  	v1 =	vmul.f32 v7, v1;
	v4 =	vld [tilespmem:s19+$0xA330];
	[tilespmem:s8+$0x6340] =	vst v3  }
0x21c: {  	v3 =	vld [tilespmem:s19+$0xA340];
	[tilespmem:s8+$0x6350] =	vst v2;
	v0 =	vmul.f32 v10, v0  }
0x21d: {  	v2 =	vld [tilespmem:s19+$0xA350];
	[tilespmem:s8+$0x6360] =	vst v1  }
0x21e: {  	v1 =	vld [tilespmem:s19+$0xA360];
	[tilespmem:s8+$0x6370] =	vst v0;
	s8 =	smov.u32 s19  }
0x21f: {  	v0 =	vld [tilespmem:s8+$0xA370]  }
0x220: {  	v6 =	vld [tilespmem:s8+$0x6300]  }
0x221: {  	v7 =	vld [tilespmem:s8+$0x6310]  }
.Ltmp17:
0x222: {  	v10 =	vld [tilespmem:s8+$0x6320];
	(pc) =	sbr.rel @p3 .LBB2_26-.Ltmp17, $4  }
0x223: {  	v9 =	vld [tilespmem:s8+$0x6330]  }
0x224: {  	v8 =	vld [tilespmem:s8+$0x6340]  }
0x225: {  	v12 =	vmul.f32 v6, v12;
	v6 =	vld [tilespmem:s8+$0x6350]  }
0x226: {  	s18 =	sadd.s32 $0x200, s18;
	v11 =	vmul.f32 v7, v11;
	v7 =	vld [tilespmem:s8+$0x6360]  }
.Ltmp18:
0x227: {  	_ = 	snop;
	(pc) =	sbr.rel .LBB2_27-.Ltmp18, $1  }
0x228: {  	_ =	sdelay $0x3  }
.LBB2_30:
0x229: {  	_ =	sfence.sel $0x180000  }
0x22a: {  	[bflag:$0x0] =	sbarrier.arrive $0xFFFF  }
0x22b: {  	_ =	strace $0x9000004A  }
0x22c: {  	s0 =	stileid.u32;
	[bflag:$0x2] =	sbarrier.arrive $0xFFFF  }
0x22d: {  	p0 =	sne.s32 s0, $0x0;
	s0 =	rddreg [dreg:$0x3]  }
0x22e: {  	s0 =	sadd.s32 @!p0 $0x100000, s0  }
0x22f: {  	[sflag:s0] =	ssyncadd.tile.s32 @!p0 $0x1;
	_ =	shalt  }
.Lfunc_end2:
_tile_overlayer_lowered:
.L_overlay_start_2:
0x230: {  	(tag) =	ssettag $0x2  }
0x231: {  	s0 =	rddreg [dreg:$0x0];
	s2 =	stileid.u32  }
0x232: {  	s1 =	rddreg [dreg:$0x1];
	p0 =	sne.s32 s2, $0x0  }
0x233: {  	s3 =	rddreg [dreg:$0x2];
	[bflag:$0x3] =	sbarrier.arrive $0xFFFF;
	s2 =	simm.s32 @!p0 $0x1C07  }
0x234: {  	[timem:s3], [sflag:s2] =	dma.local @!p0 [hbm:s0], s1  }
0x235: {  	s0 =	simm.s32 @!p0 $0x7  }
0x236: {  	_ =	swait.ge @!p0 [sflag:s0], s1  }
0x237: {  	s1 =	ssub.s32 @!p0 $0x0, s1;
	[sflag:s0] =	ssyncset.done @!p0 $0x0  }
0x238: {  	[sflag:s0] =	ssyncadd.s32 @!p0 s1  }
0x239: {  	[bflag:$0x3] =	sbarrier.arrive $0xFFFF  }
0x23a: {  	_ =	shalt  }

// kernel: kernel.9.cloned.1.call-start
scs
__scs_entry_jumppad:
0x0: {  	(pc) =	sbr.rel $0x88, $3  }
0x1: {  	(tag) =	ssettag $0x0;
	lr =	simm.s32 $0x1  }
0x2: {  	[smem:$0x3F98] =	sst lr;
	_ =	strace $0xD0000000  }
0x3: {  	_ = 	snop  }
0x4: {  	_ = 	snop  }
0x5: {  	_ = 	snop  }
0x6: {  	_ = 	snop  }
0x7: {  	_ = 	snop  }
__scs_overlays_trampoline_lowered:
0x8: {  	[smem:$0x3FA7] =	sst s0  }
0x9: {  	[smem:$0x3FA8] =	sst s1  }
0xa: {  	[smem:$0x3FA9] =	sst s2  }
0xb: {  	[smem:$0x3FAA] =	sst s3  }
0xc: {  	[smem:$0x3FAB] =	sst s4  }
0xd: {  	[smem:$0x3FAC] =	sst s5  }
0xe: {  	[smem:$0x3FAD] =	sst s6  }
0xf: {  	[smem:$0x3FAE] =	sst s7  }
0x10: {  	[smem:$0x3FAF] =	sst s8  }
0x11: {  	[smem:$0x3FB0] =	sst s9;
	s0 =	simm.s32 @!p0 $0x0  }
0x12: {  	s1 =	sld [smem:$0x3F96];
	s0 =	simm.s32 @p0 $0x1  }
0x13: {  	[smem:$0x3FB1] =	sst s0;
	s0 =	simm.s32 @!p1 $0x0  }
0x14: {  	s2 =	sld [smem:$0x3F95];
	s0 =	simm.s32 @p1 $0x1  }
0x15: {  	[smem:$0x3FB2] =	sst s0;
	s0 =	simm.s32 @!p2 $0x0  }
0x16: {  	s3 =	sld [smem:$0x3FDB];
	s0 =	simm.s32 @p2 $0x1  }
0x17: {  	s4 =	simm.s32 $0x1BF5;
	[smem:$0x3FB4] =	sst s0  }
0x18: {  	s0 =	sld [smem:$0x3F97];
	_ =	swait.ge [sflag:s4], $0x0  }
0x19: {  	s7 =	sld [smem:$0x3F98]  }
0x1a: {  	s8 =	sadd.s32 $0xFFFFE003, lr  }
0x1b: {  	s9 =	sadd.s32 $0xFFFFFEF7, lr;
	s5 =	simm.s32 $0xFFFFFFFF;
	p2 =	slt.u32 s8, $0xFFFFF086  }
0x1c: {  	p1 =	slt.u32 s9, $0xF7A;
	s5 =	simm.s32 @!p2 $0x0  }
0x1d: {  	s5 =	simm.s32 @p1 $0x1;
	p0 =	seq.s32 s7, s2  }
0x1e: {  	s7 =	smul.u32 @!p0 $0xF7A, s2;
	p2 =	seq.s32 @!p0 s5, $0x0  }
0x1f: {  	s9 =	smul.u32 $0xF7A, s1;
	s8 =	simm.s32 @!p0 $0x1BF5;
	p2 =	por !p2, p0  }
0x20: {  	[sflag:s8] =	ssyncset.s32 @!p0 $0xFFFFF086;
	s6 =	sadd.s32 @!p0 s3, s7;
	s7 =	simm.s32 @!p0 $0x108  }
0x21: {  	s3 =	sadd.s32 s3, s9;
	s6 =	sadd.s32 @!p0 $0x88, s6;
	s7 =	simm.s32 @p2 $0x1082  }
0x22: {  	[simem:s7], [sflag:s8] =	dma.local @!p0 [hbm:s6], $0xF7A  }
0x23: {  	s9 =	sor.u32 $0xD0000000, s2;
	s6 =	simm.s32 $0x108;
	_ =	swait.ge @!p0 [sflag:s8], $0x0  }
0x24: {  	s3 =	sadd.s32 $0x88, s3;
	s6 =	simm.s32 @!p1 $0x1082;
	[sflag:s4] =	ssyncset.s32 $0xFFFFF086  }
0x25: {  	[simem:s6], [sflag:s4] =	dma.local [hbm:s3], $0xF7A  }
0x26: {  	[smem:$0x3F98] =	sst s1;
	(tag) =	ssettag s2;
	_ =	strace s9  }
0x27: {  	s1 =	sld [smem:$0x3FA8]  }
0x28: {  	s2 =	sld [smem:$0x3FA9]  }
0x29: {  	s4 =	sld [smem:$0x3FAB]  }
0x2a: {  	p0 =	seq.s32 s5, $0x0;
	s5 =	sld [smem:$0x3FAC]  }
0x2b: {  	s6 =	sld [smem:$0x3FAD]  }
0x2c: {  	s7 =	sld [smem:$0x3FAE]  }
0x2d: {  	s3 =	simm.s32 $0x108;
	s8 =	sld [smem:$0x3FAF]  }
0x2e: {  	s3 =	simm.s32 @!p0 $0x1082;
	s9 =	sld [smem:$0x3FB0]  }
0x2f: {  	lr =	sadd.s32 s0, s3;
	s0 =	sld [smem:$0x3FA7]  }
0x30: {  	s3 =	sld [smem:$0x3FAA]  }
0x31: {  	[smem:$0x3FB3] =	sst s10  }
0x32: {  	s10 =	sld [smem:$0x3FB1];
	_ =	sdelay $0x3  }
0x33: {  	p0 =	seq.s32 s10, $0x1;
	s10 =	sld [smem:$0x3FB3];
	_ =	sdelay $0x3  }
0x34: {  	[smem:$0x3FB3] =	sst s10  }
0x35: {  	s10 =	sld [smem:$0x3FB2];
	_ =	sdelay $0x3  }
0x36: {  	p1 =	seq.s32 s10, $0x1;
	s10 =	sld [smem:$0x3FB3];
	_ =	sdelay $0x3  }
0x37: {  	[smem:$0x3FB3] =	sst s10  }
0x38: {  	s10 =	sld [smem:$0x3FB4]  }
0x39: {  	_ = 	snop;
	(pc) =	sbr.ind lr, $3  }
0x3a: {  	_ = 	snop  }
0x3b: {  	_ = 	snop  }
0x3c: {  	p2 =	seq.s32 s10, $0x1;
	s10 =	sld [smem:$0x3FB3]  }
0x3d: {  	_ =	shalt  }
0x3e: {  	_ =	shalt  }
0x3f: {  	_ =	shalt  }
0x40: {  	_ =	shalt  }
0x41: {  	_ =	shalt  }
0x42: {  	_ =	shalt  }
0x43: {  	_ =	shalt  }
0x44: {  	_ =	shalt  }
0x45: {  	_ =	shalt  }
0x46: {  	_ =	shalt  }
0x47: {  	_ =	shalt  }
0x48: {  	_ =	shalt  }
0x49: {  	_ =	shalt  }
0x4a: {  	_ =	shalt  }
0x4b: {  	_ =	shalt  }
0x4c: {  	_ =	shalt  }
0x4d: {  	_ =	shalt  }
0x4e: {  	_ =	shalt  }
0x4f: {  	_ =	shalt  }
0x50: {  	_ =	shalt  }
0x51: {  	_ =	shalt  }
0x52: {  	_ =	shalt  }
0x53: {  	_ =	shalt  }
0x54: {  	_ =	shalt  }
0x55: {  	_ =	shalt  }
0x56: {  	_ =	shalt  }
0x57: {  	_ =	shalt  }
0x58: {  	_ =	shalt  }
0x59: {  	_ =	shalt  }
0x5a: {  	_ =	shalt  }
0x5b: {  	_ =	shalt  }
0x5c: {  	_ =	shalt  }
0x5d: {  	_ =	shalt  }
0x5e: {  	_ =	shalt  }
0x5f: {  	_ =	shalt  }
0x60: {  	_ =	shalt  }
0x61: {  	_ =	shalt  }
0x62: {  	_ =	shalt  }
0x63: {  	_ =	shalt  }
0x64: {  	_ =	shalt  }
0x65: {  	_ =	shalt  }
0x66: {  	_ =	shalt  }
0x67: {  	_ =	shalt  }
0x68: {  	_ =	shalt  }
0x69: {  	_ =	shalt  }
0x6a: {  	_ =	shalt  }
0x6b: {  	_ =	shalt  }
0x6c: {  	_ =	shalt  }
0x6d: {  	_ =	shalt  }
0x6e: {  	_ =	shalt  }
0x6f: {  	_ =	shalt  }
0x70: {  	_ =	shalt  }
0x71: {  	_ =	shalt  }
0x72: {  	_ =	shalt  }
0x73: {  	_ =	shalt  }
0x74: {  	_ =	shalt  }
0x75: {  	_ =	shalt  }
0x76: {  	_ =	shalt  }
0x77: {  	_ =	shalt  }
0x78: {  	_ =	shalt  }
0x79: {  	_ =	shalt  }
0x7a: {  	_ =	shalt  }
0x7b: {  	_ =	shalt  }
0x7c: {  	_ =	shalt  }
0x7d: {  	_ =	shalt  }
0x7e: {  	_ =	shalt  }
0x7f: {  	_ =	shalt  }
0x80: {  	_ =	shalt  }
0x81: {  	_ =	shalt  }
0x82: {  	_ =	shalt  }
0x83: {  	_ =	shalt  }
0x84: {  	_ =	shalt  }
0x85: {  	_ =	shalt  }
0x86: {  	_ =	shalt  }
0x87: {  	_ =	shalt  }
.Lfunc_end0:
.L_simem_size_0:
called_computation_lowered:
.L_overlay_start_0:
0x88: {  	s2 =	sld [smem:$0x3FD9]  }
0x89: {  	s3 =	sld [smem:$0x3FFE];
	_ =	sdelay $0x1  }
0x8a: {  	s1 =	srdreg.scid  }
0x8b: {  	s0 =	sand.u32 $0x1, s1  }
0x8c: {  	s17 =	sshll.u32 s0, $0xA;
	s2 =	sadd.s32 s3, s2  }
0x8d: {  	s2 =	sadd.s32 s2, s17  }
0x8e: {  	[smem:$0x3FBF] =	sst s2  }
0x8f: {  	_ = 	snop  }
0x90: {  	s2 =	sld [smem:$0x3FD0];
	(tm) =	ssettm $0x1  }
0x91: {  	s18 =	sld [smem:$0x3FFB];
	_ =	sdelay $0x3  }
0x92: {  	_ =	strace s18  }
0x93: {  	s3 =	sld [smem:$0x3FFC];
	_ =	sdelay $0x3  }
0x94: {  	_ =	strace s3  }
0x95: {  	s3 =	sld [smem:$0x3FFD];
	_ =	sdelay $0x3  }
0x96: {  	_ =	strace s3  }
0x97: {  	_ =	strace $0x8FFFFFFF  }
0x98: {  	s19 =	sld [smem:$0x3FDB];
	_ =	sdelay $0x1  }
0x99: {  	s4 =	simm.s32 $_scs_section_size  }
0x9a: {  	s5 =	simm.s32 $_size__tile_overlayer_lowered;
	s6 =	simm.s32 $_tile_overlayer_lowered  }
0x9b: {  	s22 =	simm.s32 $0x1BFF;
	s21 =	sshll.u32 s6, $0x1;
	s3 =	sadd.s32 s4, s19  }
0x9c: {  	s7 =	simm.s32 $0x0;
	s20 =	sshll.u32 s5, $0x1;
	s5 =	sadd.s32 s21, s3  }
0x9d: {  	[timem:s7], [sflag:s22] =	dma.local [hbm:s5], s20  }
0x9e: {  	_ =	swait.ge [sflag:s22], s20  }
0x9f: {  	s4 =	ssub.s32 $0x0, s20;
	[sflag:s22] =	ssyncset.done $0x0  }
0xa0: {  	[sflag:s22] =	ssyncadd.s32 s4;
	_ =	sdelay $0x1  }
0xa1: {  	s23 =	simm.s32 $0x1B8B  }
0xa2: {  	_ =	swait.ge [sflag:s23], $0x1  }
0xa3: {  	[sflag:s23] =	ssyncset.done $0x0  }
0xa4: {  	s25 =	simm.s32 $0x1B8E;
	s24 =	sld [smem:$0x3FFE];
	[sflag:s23] =	ssyncadd.s32 $0xFFFFFFFF  }
0xa5: {  	s26 =	simm.s32 $execute0_lowered;
	[smem:$0x3FD2] =	sst s25  }
0xa6: {  	s5 =	sshll.u32 s26, $0x1;
	_ =	strace $0x80000046;
	[dreg:$0x1] =	wrdreg $0xFFFFFFFF  }
0xa7: {  	s28 =	simm.s32 $_size_execute0_lowered;
	s3 =	sadd.s32 s3, s5;
	[dreg:$0x0] =	wrdreg $0x0  }
0xa8: {  	s5 =	sshll.u32 s28, $0x1;
	[dreg:$0x2] =	wrdreg s3  }
0xa9: {  	[dreg:$0x3] =	wrdreg s5  }
0xaa: {  	[dreg:$0x4] =	wrdreg $0xC0  }
0xab: {  	_ =	task [dreg:s7], $0x5FFFF  }
0xac: {  	[dreg:$0x1] =	wrdreg $0xFFFFFFFF  }
0xad: {  	[dreg:$0x0] =	wrdreg $0x60  }
0xae: {  	[dreg:$0x2] =	wrdreg s24  }
0xaf: {  	[dreg:$0x3] =	wrdreg s2  }
0xb0: {  	[dreg:$0x4] =	wrdreg $0x9  }
0xb1: {  	_ =	task.clear_ibuf [dreg:s7], $0x5FFFF;
	_ =	strace $0x90000046  }
0xb2: {  	s29 =	simm.s32 $0x9;
	_ =	strace $0x80000048  }
0xb3: {  	_ =	swait.ge [sflag:s29], $0x1  }
0xb4: {  	[sflag:s29] =	ssyncadd.s32 $0xFFFFFFFF  }
0xb5: {  	_ =	strace $0x90000048  }
0xb6: {  	_ =	sfence  }
0xb7: {  	s30 =	sld [smem:$0x0];
	_ =	sdelay $0x2  }
0xb8: {  	s31 =	sshll.u32 s1, $0xD;
	s1 =	sshrl.u32 s1, $0x2  }
0xb9: {  	s3 =	sand.u32 $0x4000, s31;
	s1 =	sadd.s32 s1, s30  }
0xba: {  	s0 =	sor.u32 s3, s0;
	s1 =	sshll.u32 s1, $0x11  }
0xbb: {  	s0 =	sor.u32 s1, s0  }
0xbc: {  	s0 =	sadd.s32 $0x8F2B, s0  }
0xbd: {  	[sflag:s0] =	ssyncadd.remote.s32 $0x1  }
0xbe: {  	_ =	sfence.sel $0xFFFF  }
0xbf: {  	[dreg:$0x0] =	wrdreg $0xFFFFFFFF;
	(pc) =	sbr.abs _section_cstart, $3  }
0xc0: {  	[dreg:$0x1] =	wrdreg $0xFFFFFFFF  }
0xc1: {  	_ =	task.clear_ibuf [dreg:s7], $0x2FFFF;
	_ =	strace $0x9FFFFFFF  }
0xc2: {  	(tm) =	ssettm $0x7FFFFFFF  }
0xc3: {  	_ =	shalt  }
tec
execute0_lowered:
.L_overlay_start_1:
0x0: {  	(tag) =	ssettag $0x1  }
0x1: {  	s4 =	rddreg [dreg:$0x0];
	s1 =	srdreg.scid  }
0x2: {  	s0 =	stileid.u32;
	s6 =	rddreg [dreg:$0x1]  }
0x3: {  	s2 =	simm.s32 $0x0;
	s10 =	simm.s32 $0x2780;
	s11 =	simm.s32 $0x4F00  }
0x4: {  	s12 =	simm.s32 $0x7680;
	s3 =	sand.u32 $0x1, s1;
	s5 =	sshll.u32 s0, $0x1  }
0x5: {  	s13 =	simm.s32 $0x9E00;
	s14 =	simm.s32 $0x0;
	s5 =	sor.u32 s3, s5  }
0x6: {  	[smem:$0x7FF] =	sst s2;
	s31 =	ssub.s32 $0x2, s3;
	s7 =	smul.u32 $0x4E2, s5  }
0x7: {  	s1 =	rddreg [dreg:$0x2];
	_ =	strace $0x80000047;
	s9 =	sshrl.u32 s31, $0x1  }
0x8: {  	s3 =	sadd.s32 $0x1A00, s4;
	s9 =	ssub.s32 s31, s9;
	s8 =	sadd.s32 s7, s4  }
0x9: {  	s4 =	sadd.s32 $0x2000, s4;
	s6 =	sadd.s32 s6, s7;
	s5 =	sadd.s32 $0x2600, s8  }
0xa: {  	s7 =	sadd.s32 $0xC400, s8;
	s8 =	smax.u32 s9, $0x1;
	s9 =	simm.s32 $0x1  }
.LBB2_1:
0xb: {  	[tilespmem:s2], [sflag:$0x1] =	stream.linear.gather [hbm4b:s3+s2], $0x2780, $0x38;
	[tilespmem:$0xC580] =	vst v63  }
0xc: {  	_ =	swait.ge [sflag:s9], $0x2780  }
0xd: {  	[sflag:s9] =	ssyncset.done $0x0  }
0xe: {  	[sflag:s9] =	ssyncadd.s32 $0xFFFFD880  }
0xf: {  	[tilespmem:s10], [sflag:$0x1] =	stream.linear.gather [hbm4b:s4+s2], $0x2780, $0x38;
	[tilespmem:$0xC580] =	vst v63  }
0x10: {  	_ =	swait.ge [sflag:s9], $0x2780  }
0x11: {  	[sflag:s9] =	ssyncset.done $0x0  }
0x12: {  	[sflag:s9] =	ssyncadd.s32 $0xFFFFD880  }
0x13: {  	[tilespmem:s11], [sflag:$0x1] =	stream.linear.gather [hbm4b:s5+s2], $0x2710, $0x38;
	[tilespmem:$0xC580] =	vst v63  }
0x14: {  	_ =	swait.ge [sflag:s9], $0x2710  }
0x15: {  	[sflag:s9] =	ssyncset.done $0x0  }
0x16: {  	[sflag:s9] =	ssyncadd.s32 $0xFFFFD8F0  }
0x17: {  	[tilespmem:s12], [sflag:$0x1] =	stream.linear.gather [hbm4b:s6+s2], $0x2710, $0x38;
	[tilespmem:$0xC580] =	vst v63  }
0x18: {  	_ =	swait.ge [sflag:s9], $0x2710  }
0x19: {  	[sflag:s9] =	ssyncset.done $0x0  }
0x1a: {  	s15 =	simm.s32 $0x0;
	[sflag:s9] =	ssyncadd.s32 $0xFFFFD8F0  }
0x1b: {  	v0 =	vld [tilespmem:s15+$0x4F00]  }
0x1c: {  	v1 =	vld [tilespmem:s15+$0x7680];
	_ =	sdelay $0x6  }
0x1d: {  	v0 =	vld.idx.msk [tilespmem:v0+s10+$0x0], $0xffff  }
0x1e: {  	s16 =	simm.s32 $0x10;
	v2 =	vld.idx.msk [tilespmem:v1+s2+$0x0], $0xffff  }
0x1f: {  	s17 =	simm.s32 $0x80;
	v1 =	vld [tilespmem:s16+$0x4F00]  }
.LBB2_2:
0x20: {  	p0 =	sne.s32 s17, $0x9C00;
	v3 =	vld [tilespmem:s16+$0x7680];
	_ =	sdelay $0x3  }
0x21: {  	v0 =	vadd.f32 v0, v2  }
.Ltmp0:
0x22: {  	(pc) =	sbr.rel @p0 .LBB2_2-.Ltmp0, $4  }
0x23: {  	[tilespmem:s15+$0x9E00] =	vst v0;
	s15 =	smov.u32 s16  }
0x24: {  	v0 =	vld.idx.msk [tilespmem:v1+s10+$0x0], $0xffff  }
0x25: {  	s16 =	sshra.s32 s17, $0x2;
	v2 =	vld.idx.msk [tilespmem:v3+s2+$0x0], $0xffff  }
0x26: {  	s17 =	sadd.s32 $0x40, s17;
	v1 =	vld [tilespmem:s16+$0x4F00]  }
0x27: {  	_ = 	snop  }
0x28: {  	v3 =	vld [tilespmem:s16+$0x7680];
	_ =	sdelay $0x3  }
0x29: {  	v0 =	vadd.f32 v0, v2;
	_ =	sdelay $0x1  }
0x2a: {  	[tilespmem:s15+$0x9E00] =	vst v0  }
0x2b: {  	v0 =	vld.idx.msk [tilespmem:v1+s10+$0x0], $0xffff  }
0x2c: {  	v63 =	vld.idx.msk [tilespmem:v3+s2+$0x0], $0xffff;
	_ =	sdelay $0x4  }
0x2d: {  	s14 =	sadd.s32 $0x1, s14;
	v0 =	vadd.f32 v0, v63  }
0x2e: {  	p0 =	sne.s32 s14, s8  }
.Ltmp1:
0x2f: {  	[tilespmem:s16+$0x9E00] =	vst v0;
	(pc) =	sbr.rel @p0 .LBB2_1-.Ltmp1, $4  }
0x30: {  	[hbm4b:s7+s2] =	stream.linear.scatter [tilespmem:s13], [sflag:$0x1], $0x2710, $0x38;
	[tilespmem:$0xC580] =	vst v63  }
0x31: {  	_ =	swait.ge [sflag:s9], $0x2710  }
0x32: {  	[sflag:s9] =	ssyncset.done $0x0  }
0x33: {  	[sflag:s9] =	ssyncadd.s32 $0xFFFFD8F0  }
0x34: {  	_ =	sfence.sel $0x180000  }
0x35: {  	[bflag:$0x0] =	sbarrier.arrive $0xFFFF  }
0x36: {  	p0 =	sne.s32 s0, $0x0;
	_ =	strace $0x90000047  }
0x37: {  	s0 =	sadd.s32 @!p0 $0x100000, s1;
	[bflag:$0x2] =	sbarrier.arrive $0xFFFF  }
0x38: {  	[sflag:s0] =	ssyncadd.tile.s32 @!p0 $0x1;
	_ =	shalt  }
.Lfunc_end2:
_tile_overlayer_lowered:
.L_overlay_start_2:
0x39: {  	(tag) =	ssettag $0x2  }
0x3a: {  	s0 =	rddreg [dreg:$0x0];
	s2 =	stileid.u32  }
0x3b: {  	s1 =	rddreg [dreg:$0x1];
	p0 =	sne.s32 s2, $0x0  }
0x3c: {  	s3 =	rddreg [dreg:$0x2];
	[bflag:$0x3] =	sbarrier.arrive $0xFFFF;
	s2 =	simm.s32 @!p0 $0x1C01  }
0x3d: {  	[timem:s3], [sflag:s2] =	dma.local @!p0 [hbm:s0], s1  }
0x3e: {  	s0 =	simm.s32 @!p0 $0x1  }
0x3f: {  	_ =	swait.ge @!p0 [sflag:s0], s1  }
0x40: {  	s1 =	ssub.s32 @!p0 $0x0, s1;
	[sflag:s0] =	ssyncset.done @!p0 $0x0  }
0x41: {  	[sflag:s0] =	ssyncadd.s32 @!p0 s1  }
0x42: {  	[bflag:$0x3] =	sbarrier.arrive $0xFFFF  }
0x43: {  	_ =	shalt  }

</sc_bundles>
